<compile_context>
chip_gen: v7x
topology: tpu7x:2x2x1
jax: 0.10.2.dev20260603
libtpu: 0.0.44.dev20260713+nightly
codegen_flags: <defaults>
</compile_context>

<pallas_src>
import functools

import jax
import jax.numpy as jnp
from jax import lax
from jax.experimental import pallas as pl
from jax.experimental.pallas import tpu as pltpu
from jax.experimental.pallas import tpu_sc as plsc

D = 768
NJ = D // 16
CH = 32
NCH = 8
G = 8
NB = 4
S = 2048
F32 = jnp.float32


def _rsqrt16(x):
    i = plsc.bitcast(x, jnp.int32)
    i = jnp.int32(0x5F3759DF) - lax.shift_right_logical(i, 1)
    y = plsc.bitcast(i, F32)
    for _ in range(3):
        y = y * (1.5 - 0.5 * x * y * y)
    return y


def _sc_body(ids_hbm, sids_hbm, tok_hbm, pos_hbm, seg_hbm, gam_hbm, bet_hbm,
             out_hbm,
             tok_v, pp_v, seg_v, segd_v, gam_v, bet_v, ids_v, sids_v,
             sem_g, sem_s):
    c = lax.axis_index("c")
    s = lax.axis_index("s")
    wid = s * 2 + c
    pbase = wid * 64

    pltpu.async_copy(ids_hbm.at[0, pl.ds(pbase, 2 * CH)], ids_v.at[0], sem_s)
    pltpu.make_async_copy(
        ids_hbm.at[0, pl.ds(pbase, 2 * CH)], ids_v.at[0], sem_s).wait()
    pltpu.async_copy(
        tok_hbm.at[ids_v.at[0, pl.ds(0, CH)]], tok_v.at[pl.ds(0, CH)], sem_g
    )
    for bb in range(1, NB):
        pltpu.async_copy(ids_hbm.at[bb, pl.ds(pbase, 2 * CH)], ids_v.at[bb], sem_s)
    for bb in range(NB):
        pltpu.async_copy(
            sids_hbm.at[bb, pl.ds(pbase, 2 * CH)],
            sids_v.at[pl.ds(bb * 2 * CH, 2 * CH)], sem_s)
    pltpu.async_copy(seg_hbm, seg_v, sem_s)
    pltpu.async_copy(gam_hbm, gam_v, sem_s)
    pltpu.async_copy(bet_hbm, bet_v, sem_s)
    pltpu.async_copy(pos_hbm.at[pl.ds(pbase, 2 * CH)], pp_v, sem_s)
    for bb in range(1, NB):
        pltpu.make_async_copy(
            ids_hbm.at[bb, pl.ds(pbase, 2 * CH)], ids_v.at[bb], sem_s).wait()
    for bb in range(NB):
        pltpu.make_async_copy(
            sids_hbm.at[bb, pl.ds(pbase, 2 * CH)],
            sids_v.at[pl.ds(bb * 2 * CH, 2 * CH)], sem_s).wait()
    pltpu.make_async_copy(seg_hbm, seg_v, sem_s).wait()
    pltpu.make_async_copy(gam_hbm, gam_v, sem_s).wait()
    pltpu.make_async_copy(bet_hbm, bet_v, sem_s).wait()
    pltpu.make_async_copy(pos_hbm.at[pl.ds(pbase, 2 * CH)], pp_v, sem_s).wait()

    for j in range(NJ):
        sl = pl.ds(j * 16, 16)
        segd_v[sl] = seg_v[1, sl] - seg_v[0, sl]

    @plsc.parallel_loop(0, 2 * CH, unroll=4)
    def _(t):
        for j in range(NJ):
            sl = pl.ds(j * 16, 16)
            pp_v[t, sl] = pp_v[t, sl] + seg_v[0, sl]

    def chunk_body(k, carry):
        slot = lax.rem(k, 2)
        sl0 = slot * CH
        o0 = (1 - slot) * CH
        b = lax.rem(k, NB)
        h = lax.div(k, NB)
        tb = b * S + pbase + h * CH

        @pl.when(k >= 1)
        def _():
            km = k - 1
            pbm = pbase + lax.div(km, NB) * CH
            pltpu.make_async_copy(
                tok_v.at[pl.ds(o0, CH)],
                out_hbm.at[lax.rem(km, NB), pl.ds(pbm, CH)], sem_s
            ).wait()

        pltpu.make_async_copy(
            tok_hbm.at[ids_v.at[b, pl.ds(h * CH, CH)]],
            tok_v.at[pl.ds(sl0, CH)], sem_g
        ).wait()

        @pl.when(k <= NCH - 2)
        def _():
            bn = lax.rem(k + 1, NB)
            hn = lax.div(k + 1, NB)
            pltpu.async_copy(
                tok_hbm.at[ids_v.at[bn, pl.ds(hn * CH, CH)]],
                tok_v.at[pl.ds(o0, CH)], sem_g
            )

        def group_body(g, carry):
            t0 = sl0 + g * G
            p0 = h * CH + g * G
            so = b * 2 * CH + h * CH + g * G
            sidb = []
            for i in range(G):
                sv = sids_v[pl.ds(so + i, 16)]
                sidb.append(jnp.full((16,), sv[0], jnp.int32).astype(F32))
            zero = jnp.zeros((16,), F32)

            @plsc.parallel_loop(0, NJ, unroll=2, carry=(zero,) * (2 * G))
            def accs(j, c):
                sl = pl.ds(j * 16, 16)
                sd = segd_v[sl]
                out = []
                for i in range(G):
                    v = tok_v[t0 + i, sl] + pp_v[p0 + i, sl] + sidb[i] * sd
                    tok_v[t0 + i, sl] = v
                    out.append((c[2 * i] + v, c[2 * i + 1] + v * v))
                return tuple(x for pair in out for x in pair)

            mb, rs = [], []
            for i in range(G):
                mean = jnp.sum(accs[2 * i]) * (1.0 / D)
                var = jnp.sum(accs[2 * i + 1]) * (1.0 / D) - mean * mean
                rs.append(_rsqrt16(jnp.full((16,), var + 1e-5, F32)))
                mb.append(jnp.full((16,), mean, F32))

            @plsc.parallel_loop(0, NJ, unroll=2)
            def _(j):
                sl = pl.ds(j * 16, 16)
                gj = gam_v[sl]
                bj = bet_v[sl]
                for i in range(G):
                    v = tok_v[t0 + i, sl]
                    tok_v[t0 + i, sl] = (v - mb[i]) * rs[i] * gj + bj
            return carry

        lax.fori_loop(0, CH // G, group_body, 0)

        pltpu.async_copy(
            tok_v.at[pl.ds(sl0, CH)], out_hbm.at[b, pl.ds(pbase + h * CH, CH)],
            sem_s
        )
        return carry

    lax.fori_loop(0, NCH, chunk_body, 0)

    pltpu.make_async_copy(
        tok_v.at[pl.ds(CH, CH)],
        out_hbm.at[NB - 1, pl.ds(pbase + CH, CH)], sem_s
    ).wait()


@jax.jit
def _sc_call(ids, sids, token_table, pos_table, seg_table, ln_gamma, ln_beta):
    mesh = plsc.VectorSubcoreMesh(core_axis_name="c", subcore_axis_name="s")
    run = functools.partial(
        pl.kernel,
        mesh=mesh,
        compiler_params=pltpu.CompilerParams(needs_layout_passes=False),
        out_type=jax.ShapeDtypeStruct((NB, S, D), F32),
        scratch_types=[
            pltpu.VMEM((2 * CH, D), F32),
            pltpu.VMEM((2 * CH, D), F32),
            pltpu.VMEM((2, D), F32),
            pltpu.VMEM((D,), F32),
            pltpu.VMEM((D,), F32),
            pltpu.VMEM((D,), F32),
            pltpu.VMEM((NB, 2 * CH), jnp.int32),
            pltpu.VMEM((NB * 2 * CH + 16,), jnp.int32),
            pltpu.SemaphoreType.DMA,
            pltpu.SemaphoreType.DMA,
        ],
    )(_sc_body)
    return run(ids, sids, token_table, pos_table, seg_table, ln_gamma, ln_beta)


def kernel(input_ids, segment_ids, token_table, pos_table, seg_table, ln_gamma, ln_beta):
    return _sc_call(input_ids, segment_ids,
                    token_table, pos_table, seg_table, ln_gamma, ln_beta)

# --- scband reference (transcript-rebuilt; emitter-appended) ---
"""Pipeline reference for scband-bert-embedding-71605694759577 (READ-ONLY COPY).

The authoritative reference and input builder live on the scoring server;
editing this copy changes nothing except your own understanding.
"""

import jax, jax.numpy as jnp
import numpy as np

VOCAB = 100000
D_MODEL = 768
CTX = 2048
N_SEG = 2
BATCH = 4
SEQ = 2048


def setup_inputs(seed: int = 0) -> dict:
    key = jax.random.key(seed)
    k1, k2, k3, k4, k5 = jax.random.split(key, 5)
    input_ids = jax.random.randint(k1, (BATCH, SEQ), 0, VOCAB, dtype=jnp.int32)
    segment_ids = jax.random.randint(k2, (BATCH, SEQ), 0, N_SEG, dtype=jnp.int32)
    token_table = jax.random.normal(k3, (VOCAB, D_MODEL), dtype=jnp.float32) * 0.02
    pos_table = jax.random.normal(k4, (CTX, D_MODEL), dtype=jnp.float32) * 0.02
    seg_table = jax.random.normal(k5, (N_SEG, D_MODEL), dtype=jnp.float32) * 0.02
    ln_gamma = jnp.ones((D_MODEL,), dtype=jnp.float32)
    ln_beta = jnp.zeros((D_MODEL,), dtype=jnp.float32)
    return {
        "input_ids": input_ids,
        "segment_ids": segment_ids,
        "token_table": token_table,
        "pos_table": pos_table,
        "seg_table": seg_table,
        "ln_gamma": ln_gamma,
        "ln_beta": ln_beta,
    }


def reference(input_ids, segment_ids, token_table, pos_table, seg_table, ln_gamma, ln_beta):
    seq_len = input_ids.shape[1]
    # token embedding lookup (gather)
    token_embeddings = jnp.take(token_table, input_ids, axis=0)
    # learned positional embedding: positions arange(seq_len)
    positional_information = pos_table[:seq_len]
    x = token_embeddings + positional_information[None, :, :]
    # segment embedding lookup (with_next_sentence_prediction=True)
    segment_embeddings = jnp.take(seg_table, segment_ids, axis=0)
    x = x + segment_embeddings
    # LayerNorm (eps=1e-5)
    mean = jnp.mean(x, axis=-1, keepdims=True)
    var = jnp.var(x, axis=-1, keepdims=True)
    x_hat = (x - mean) / jnp.sqrt(var + 1e-5)
    out = x_hat * ln_gamma + ln_beta
    # dropout is identity in eval mode
    return out

if __name__ == "__main__":
    import jax
    _d = setup_inputs()
    print(jax.jit(kernel)(*tuple(_d.values())))

</pallas_src>

<mosaic_0001>
#map = affine_map<(d0, d1) -> (0, 0)>
#map1 = affine_map<(d0, d1) -> (0)>
#map2 = affine_map<(d0, d1) -> (0, 0, 0)>
module attributes {stable_mosaic.version = 14 : i64} {
  func.func @_sc_body(%arg0: i32, %arg1: i32, %arg2: memref<4x2048xi32, #tpu.memory_space<hbm>>, %arg3: memref<4x2048xi32, #tpu.memory_space<hbm>>, %arg4: memref<100000x768xf32, #tpu.memory_space<hbm>>, %arg5: memref<2048x768xf32, #tpu.memory_space<hbm>>, %arg6: memref<2x768xf32, #tpu.memory_space<hbm>>, %arg7: memref<768xf32, #tpu.memory_space<hbm>>, %arg8: memref<768xf32, #tpu.memory_space<hbm>>, %arg9: memref<4x2048x768xf32, #tpu.memory_space<hbm>>, %arg10: memref<64x768xf32, #tpu.memory_space<vmem>>, %arg11: memref<64x768xf32, #tpu.memory_space<vmem>>, %arg12: memref<2x768xf32, #tpu.memory_space<vmem>>, %arg13: memref<768xf32, #tpu.memory_space<vmem>>, %arg14: memref<768xf32, #tpu.memory_space<vmem>>, %arg15: memref<768xf32, #tpu.memory_space<vmem>>, %arg16: memref<4x64xi32, #tpu.memory_space<vmem>>, %arg17: memref<272xi32, #tpu.memory_space<vmem>>, %arg18: memref<!tpu.dma_semaphore, #tpu.memory_space<semaphore_mem>>, %arg19: memref<!tpu.dma_semaphore, #tpu.memory_space<semaphore_mem>>) attributes {dimension_semantics = [#tpu.dimension_semantics<core_parallel>, #tpu.dimension_semantics<subcore_parallel>], iteration_bounds = array<i64: 2, 16>, scalar_prefetch = 0 : i64, scratch_operands = 10 : i64, tpu.core_type = #tpu.core_type<sc_vector_subcore>, window_params = [{transform_indices = #map}, {transform_indices = #map}, {transform_indices = #map}, {transform_indices = #map}, {transform_indices = #map}, {transform_indices = #map1}, {transform_indices = #map1}, {transform_indices = #map2}]} {
    %mul3A = arith.constant 2 : i32
    %mul3A_0 = arith.muli %arg1, %mul3A : i32
    %add3A = arith.addi %mul3A_0, %arg0 : i32
    %mul3A_1 = arith.constant 64 : i32
    %mul3A_2 = arith.muli %add3A, %mul3A_1 : i32
    %dma_start3A = arith.constant 0 : i32
    %dma_start3A_3 = arith.constant 0 : i32
    %dma_start3A_4 = arith.constant 0 : i32
    %dma_start3A_5 = tpu.memref_slice %arg16[%dma_start3A_3, %dma_start3A_4] : memref<4x64xi32, #tpu.memory_space<vmem>> -> memref<1x64xi32, #tpu.memory_space<vmem>>
    %dma_start3A_6 = tpu.memref_squeeze %dma_start3A_5 : memref<1x64xi32, #tpu.memory_space<vmem>> -> memref<64xi32, #tpu.memory_space<vmem>>
    %dma_start3A_7 = tpu.memref_slice %arg2[%dma_start3A, %mul3A_2] : memref<4x2048xi32, #tpu.memory_space<hbm>> -> memref<1x64xi32, #tpu.memory_space<hbm>>
    %dma_start3A_8 = tpu.memref_squeeze %dma_start3A_7 : memref<1x64xi32, #tpu.memory_space<hbm>> -> memref<64xi32, #tpu.memory_space<hbm>>
    %dma_start3A_9 = arith.constant 0 : i32
    %dma_start3A_10 = tpu.memref_slice %arg16[%dma_start3A_3, %dma_start3A_9] : memref<4x64xi32, #tpu.memory_space<vmem>> -> memref<1x64xi32, #tpu.memory_space<vmem>>
    %dma_start3A_11 = tpu.memref_squeeze %dma_start3A_10 : memref<1x64xi32, #tpu.memory_space<vmem>> -> memref<64xi32, #tpu.memory_space<vmem>>
    %dma_start3A_12 = tpu.memref_slice %arg2[%dma_start3A, %mul3A_2] : memref<4x2048xi32, #tpu.memory_space<hbm>> -> memref<1x64xi32, #tpu.memory_space<hbm>>
    %dma_start3A_13 = tpu.memref_squeeze %dma_start3A_12 : memref<1x64xi32, #tpu.memory_space<hbm>> -> memref<64xi32, #tpu.memory_space<hbm>>
    tpu.enqueue_dma source(%dma_start3A_13 : memref<64xi32, #tpu.memory_space<hbm>>) target(%dma_start3A_11 : memref<64xi32, #tpu.memory_space<vmem>>) target_semaphore(%arg19 : memref<!tpu.dma_semaphore, #tpu.memory_space<semaphore_mem>>)
    %dma_wait3A = arith.constant 0 : i32
    %dma_wait3A_14 = arith.constant 0 : i32
    %dma_wait3A_15 = arith.constant 0 : i32
    %dma_wait3A_16 = tpu.memref_slice %arg16[%dma_wait3A_14, %dma_wait3A_15] : memref<4x64xi32, #tpu.memory_space<vmem>> -> memref<1x64xi32, #tpu.memory_space<vmem>>
    %dma_wait3A_17 = tpu.memref_squeeze %dma_wait3A_16 : memref<1x64xi32, #tpu.memory_space<vmem>> -> memref<64xi32, #tpu.memory_space<vmem>>
    %dma_wait3A_18 = tpu.memref_slice %arg2[%dma_wait3A, %mul3A_2] : memref<4x2048xi32, #tpu.memory_space<hbm>> -> memref<1x64xi32, #tpu.memory_space<hbm>>
    %dma_wait3A_19 = tpu.memref_squeeze %dma_wait3A_18 : memref<1x64xi32, #tpu.memory_space<hbm>> -> memref<64xi32, #tpu.memory_space<hbm>>
    %dma_wait3A_20 = arith.constant 0 : i32
    %dma_wait3A_21 = tpu.memref_slice %arg16[%dma_wait3A_14, %dma_wait3A_20] : memref<4x64xi32, #tpu.memory_space<vmem>> -> memref<1x64xi32, #tpu.memory_space<vmem>>
    %dma_wait3A_22 = tpu.memref_squeeze %dma_wait3A_21 : memref<1x64xi32, #tpu.memory_space<vmem>> -> memref<64xi32, #tpu.memory_space<vmem>>
    %dma_wait3A_23 = tpu.memref_slice %arg2[%dma_wait3A, %mul3A_2] : memref<4x2048xi32, #tpu.memory_space<hbm>> -> memref<1x64xi32, #tpu.memory_space<hbm>>
    %dma_wait3A_24 = tpu.memref_squeeze %dma_wait3A_23 : memref<1x64xi32, #tpu.memory_space<hbm>> -> memref<64xi32, #tpu.memory_space<hbm>>
    tpu.wait_dma2 semaphore(%arg19 : memref<!tpu.dma_semaphore, #tpu.memory_space<semaphore_mem>>) src(%dma_wait3A_24 : memref<64xi32, #tpu.memory_space<hbm>>) dst(%dma_wait3A_22 : memref<64xi32, #tpu.memory_space<vmem>>)
    %dma_start3A_25 = arith.constant 0 : i32
    %dma_start3A_26 = arith.constant 0 : i32
    %dma_start3A_27 = arith.constant 0 : i32
    %dma_start3A_28 = tpu.memref_slice %arg10[%dma_start3A_26, %dma_start3A_27] : memref<64x768xf32, #tpu.memory_space<vmem>> -> memref<32x768xf32, #tpu.memory_space<vmem>>
    %dma_start3A_29 = arith.constant 0 : i32
    %dma_start3A_30 = tpu.memref_slice %arg16[%dma_start3A_25, %dma_start3A_29] : memref<4x64xi32, #tpu.memory_space<vmem>> -> memref<1x32xi32, #tpu.memory_space<vmem>>
    %dma_start3A_31 = tpu.memref_squeeze %dma_start3A_30 : memref<1x32xi32, #tpu.memory_space<vmem>> -> memref<32xi32, #tpu.memory_space<vmem>>
    %dma_start3A_32 = arith.constant 0 : i32
    %dma_start3A_33 = arith.constant 0 : i32
    %dma_start3A_34 = tpu.memref_slice %arg4[%dma_start3A_32, %dma_start3A_33] : memref<100000x768xf32, #tpu.memory_space<hbm>> -> memref<100000x768xf32, #tpu.memory_space<hbm>>
    tpu.enqueue_indirect_dma source(%dma_start3A_34 : memref<100000x768xf32, #tpu.memory_space<hbm>>) target(%dma_start3A_28 : memref<32x768xf32, #tpu.memory_space<vmem>>) offsets(%dma_start3A_31 : memref<32xi32, #tpu.memory_space<vmem>>) semaphore(%arg18 : memref<!tpu.dma_semaphore, #tpu.memory_space<semaphore_mem>>)
    %dma_start3A_35 = arith.constant 1 : i32
    %dma_start3A_36 = arith.constant 1 : i32
    %dma_start3A_37 = arith.constant 0 : i32
    %dma_start3A_38 = tpu.memref_slice %arg16[%dma_start3A_36, %dma_start3A_37] : memref<4x64xi32, #tpu.memory_space<vmem>> -> memref<1x64xi32, #tpu.memory_space<vmem>>
    %dma_start3A_39 = tpu.memref_squeeze %dma_start3A_38 : memref<1x64xi32, #tpu.memory_space<vmem>> -> memref<64xi32, #tpu.memory_space<vmem>>
    %dma_start3A_40 = tpu.memref_slice %arg2[%dma_start3A_35, %mul3A_2] : memref<4x2048xi32, #tpu.memory_space<hbm>> -> memref<1x64xi32, #tpu.memory_space<hbm>>
    %dma_start3A_41 = tpu.memref_squeeze %dma_start3A_40 : memref<1x64xi32, #tpu.memory_space<hbm>> -> memref<64xi32, #tpu.memory_space<hbm>>
    %dma_start3A_42 = arith.constant 0 : i32
    %dma_start3A_43 = tpu.memref_slice %arg16[%dma_start3A_36, %dma_start3A_42] : memref<4x64xi32, #tpu.memory_space<vmem>> -> memref<1x64xi32, #tpu.memory_space<vmem>>
    %dma_start3A_44 = tpu.memref_squeeze %dma_start3A_43 : memref<1x64xi32, #tpu.memory_space<vmem>> -> memref<64xi32, #tpu.memory_space<vmem>>
    %dma_start3A_45 = tpu.memref_slice %arg2[%dma_start3A_35, %mul3A_2] : memref<4x2048xi32, #tpu.memory_space<hbm>> -> memref<1x64xi32, #tpu.memory_space<hbm>>
    %dma_start3A_46 = tpu.memref_squeeze %dma_start3A_45 : memref<1x64xi32, #tpu.memory_space<hbm>> -> memref<64xi32, #tpu.memory_space<hbm>>
    tpu.enqueue_dma source(%dma_start3A_46 : memref<64xi32, #tpu.memory_space<hbm>>) target(%dma_start3A_44 : memref<64xi32, #tpu.memory_space<vmem>>) target_semaphore(%arg19 : memref<!tpu.dma_semaphore, #tpu.memory_space<semaphore_mem>>)
    %dma_start3A_47 = arith.constant 2 : i32
    %dma_start3A_48 = arith.constant 2 : i32
    %dma_start3A_49 = arith.constant 0 : i32
    %dma_start3A_50 = tpu.memref_slice %arg16[%dma_start3A_48, %dma_start3A_49] : memref<4x64xi32, #tpu.memory_space<vmem>> -> memref<1x64xi32, #tpu.memory_space<vmem>>
    %dma_start3A_51 = tpu.memref_squeeze %dma_start3A_50 : memref<1x64xi32, #tpu.memory_space<vmem>> -> memref<64xi32, #tpu.memory_space<vmem>>
    %dma_start3A_52 = tpu.memref_slice %arg2[%dma_start3A_47, %mul3A_2] : memref<4x2048xi32, #tpu.memory_space<hbm>> -> memref<1x64xi32, #tpu.memory_space<hbm>>
    %dma_start3A_53 = tpu.memref_squeeze %dma_start3A_52 : memref<1x64xi32, #tpu.memory_space<hbm>> -> memref<64xi32, #tpu.memory_space<hbm>>
    %dma_start3A_54 = arith.constant 0 : i32
    %dma_start3A_55 = tpu.memref_slice %arg16[%dma_start3A_48, %dma_start3A_54] : memref<4x64xi32, #tpu.memory_space<vmem>> -> memref<1x64xi32, #tpu.memory_space<vmem>>
    %dma_start3A_56 = tpu.memref_squeeze %dma_start3A_55 : memref<1x64xi32, #tpu.memory_space<vmem>> -> memref<64xi32, #tpu.memory_space<vmem>>
    %dma_start3A_57 = tpu.memref_slice %arg2[%dma_start3A_47, %mul3A_2] : memref<4x2048xi32, #tpu.memory_space<hbm>> -> memref<1x64xi32, #tpu.memory_space<hbm>>
    %dma_start3A_58 = tpu.memref_squeeze %dma_start3A_57 : memref<1x64xi32, #tpu.memory_space<hbm>> -> memref<64xi32, #tpu.memory_space<hbm>>
    tpu.enqueue_dma source(%dma_start3A_58 : memref<64xi32, #tpu.memory_space<hbm>>) target(%dma_start3A_56 : memref<64xi32, #tpu.memory_space<vmem>>) target_semaphore(%arg19 : memref<!tpu.dma_semaphore, #tpu.memory_space<semaphore_mem>>)
    %dma_start3A_59 = arith.constant 3 : i32
    %dma_start3A_60 = arith.constant 3 : i32
    %dma_start3A_61 = arith.constant 0 : i32
    %dma_start3A_62 = tpu.memref_slice %arg16[%dma_start3A_60, %dma_start3A_61] : memref<4x64xi32, #tpu.memory_space<vmem>> -> memref<1x64xi32, #tpu.memory_space<vmem>>
    %dma_start3A_63 = tpu.memref_squeeze %dma_start3A_62 : memref<1x64xi32, #tpu.memory_space<vmem>> -> memref<64xi32, #tpu.memory_space<vmem>>
    %dma_start3A_64 = tpu.memref_slice %arg2[%dma_start3A_59, %mul3A_2] : memref<4x2048xi32, #tpu.memory_space<hbm>> -> memref<1x64xi32, #tpu.memory_space<hbm>>
    %dma_start3A_65 = tpu.memref_squeeze %dma_start3A_64 : memref<1x64xi32, #tpu.memory_space<hbm>> -> memref<64xi32, #tpu.memory_space<hbm>>
    %dma_start3A_66 = arith.constant 0 : i32
    %dma_start3A_67 = tpu.memref_slice %arg16[%dma_start3A_60, %dma_start3A_66] : memref<4x64xi32, #tpu.memory_space<vmem>> -> memref<1x64xi32, #tpu.memory_space<vmem>>
    %dma_start3A_68 = tpu.memref_squeeze %dma_start3A_67 : memref<1x64xi32, #tpu.memory_space<vmem>> -> memref<64xi32, #tpu.memory_space<vmem>>
    %dma_start3A_69 = tpu.memref_slice %arg2[%dma_start3A_59, %mul3A_2] : memref<4x2048xi32, #tpu.memory_space<hbm>> -> memref<1x64xi32, #tpu.memory_space<hbm>>
    %dma_start3A_70 = tpu.memref_squeeze %dma_start3A_69 : memref<1x64xi32, #tpu.memory_space<hbm>> -> memref<64xi32, #tpu.memory_space<hbm>>
    tpu.enqueue_dma source(%dma_start3A_70 : memref<64xi32, #tpu.memory_space<hbm>>) target(%dma_start3A_68 : memref<64xi32, #tpu.memory_space<vmem>>) target_semaphore(%arg19 : memref<!tpu.dma_semaphore, #tpu.memory_space<semaphore_mem>>)
    %dma_start3A_71 = arith.constant 0 : i32
    %dma_start3A_72 = arith.constant 0 : i32
    %dma_start3A_73 = tpu.memref_slice %arg17[%dma_start3A_72] : memref<272xi32, #tpu.memory_space<vmem>> -> memref<64xi32, #tpu.memory_space<vmem>>
    %dma_start3A_74 = tpu.memref_slice %arg3[%dma_start3A_71, %mul3A_2] : memref<4x2048xi32, #tpu.memory_space<hbm>> -> memref<1x64xi32, #tpu.memory_space<hbm>>
    %dma_start3A_75 = tpu.memref_squeeze %dma_start3A_74 : memref<1x64xi32, #tpu.memory_space<hbm>> -> memref<64xi32, #tpu.memory_space<hbm>>
    %dma_start3A_76 = arith.constant 0 : i32
    %dma_start3A_77 = tpu.memref_slice %arg17[%dma_start3A_76] : memref<272xi32, #tpu.memory_space<vmem>> -> memref<64xi32, #tpu.memory_space<vmem>>
    %dma_start3A_78 = tpu.memref_slice %arg3[%dma_start3A_71, %mul3A_2] : memref<4x2048xi32, #tpu.memory_space<hbm>> -> memref<1x64xi32, #tpu.memory_space<hbm>>
    %dma_start3A_79 = tpu.memref_squeeze %dma_start3A_78 : memref<1x64xi32, #tpu.memory_space<hbm>> -> memref<64xi32, #tpu.memory_space<hbm>>
    tpu.enqueue_dma source(%dma_start3A_79 : memref<64xi32, #tpu.memory_space<hbm>>) target(%dma_start3A_77 : memref<64xi32, #tpu.memory_space<vmem>>) target_semaphore(%arg19 : memref<!tpu.dma_semaphore, #tpu.memory_space<semaphore_mem>>)
    %dma_start3A_80 = arith.constant 1 : i32
    %dma_start3A_81 = arith.constant 64 : i32
    %dma_start3A_82 = tpu.memref_slice %arg17[%dma_start3A_81] : memref<272xi32, #tpu.memory_space<vmem>> -> memref<64xi32, #tpu.memory_space<vmem>>
    %dma_start3A_83 = tpu.memref_slice %arg3[%dma_start3A_80, %mul3A_2] : memref<4x2048xi32, #tpu.memory_space<hbm>> -> memref<1x64xi32, #tpu.memory_space<hbm>>
    %dma_start3A_84 = tpu.memref_squeeze %dma_start3A_83 : memref<1x64xi32, #tpu.memory_space<hbm>> -> memref<64xi32, #tpu.memory_space<hbm>>
    %dma_start3A_85 = arith.constant 64 : i32
    %dma_start3A_86 = tpu.memref_slice %arg17[%dma_start3A_85] : memref<272xi32, #tpu.memory_space<vmem>> -> memref<64xi32, #tpu.memory_space<vmem>>
    %dma_start3A_87 = tpu.memref_slice %arg3[%dma_start3A_80, %mul3A_2] : memref<4x2048xi32, #tpu.memory_space<hbm>> -> memref<1x64xi32, #tpu.memory_space<hbm>>
    %dma_start3A_88 = tpu.memref_squeeze %dma_start3A_87 : memref<1x64xi32, #tpu.memory_space<hbm>> -> memref<64xi32, #tpu.memory_space<hbm>>
    tpu.enqueue_dma source(%dma_start3A_88 : memref<64xi32, #tpu.memory_space<hbm>>) target(%dma_start3A_86 : memref<64xi32, #tpu.memory_space<vmem>>) target_semaphore(%arg19 : memref<!tpu.dma_semaphore, #tpu.memory_space<semaphore_mem>>)
    %dma_start3A_89 = arith.constant 2 : i32
    %dma_start3A_90 = arith.constant 128 : i32
    %dma_start3A_91 = tpu.memref_slice %arg17[%dma_start3A_90] : memref<272xi32, #tpu.memory_space<vmem>> -> memref<64xi32, #tpu.memory_space<vmem>>
    %dma_start3A_92 = tpu.memref_slice %arg3[%dma_start3A_89, %mul3A_2] : memref<4x2048xi32, #tpu.memory_space<hbm>> -> memref<1x64xi32, #tpu.memory_space<hbm>>
    %dma_start3A_93 = tpu.memref_squeeze %dma_start3A_92 : memref<1x64xi32, #tpu.memory_space<hbm>> -> memref<64xi32, #tpu.memory_space<hbm>>
    %dma_start3A_94 = arith.constant 128 : i32
    %dma_start3A_95 = tpu.memref_slice %arg17[%dma_start3A_94] : memref<272xi32, #tpu.memory_space<vmem>> -> memref<64xi32, #tpu.memory_space<vmem>>
    %dma_start3A_96 = tpu.memref_slice %arg3[%dma_start3A_89, %mul3A_2] : memref<4x2048xi32, #tpu.memory_space<hbm>> -> memref<1x64xi32, #tpu.memory_space<hbm>>
    %dma_start3A_97 = tpu.memref_squeeze %dma_start3A_96 : memref<1x64xi32, #tpu.memory_space<hbm>> -> memref<64xi32, #tpu.memory_space<hbm>>
    tpu.enqueue_dma source(%dma_start3A_97 : memref<64xi32, #tpu.memory_space<hbm>>) target(%dma_start3A_95 : memref<64xi32, #tpu.memory_space<vmem>>) target_semaphore(%arg19 : memref<!tpu.dma_semaphore, #tpu.memory_space<semaphore_mem>>)
    %dma_start3A_98 = arith.constant 3 : i32
    %dma_start3A_99 = arith.constant 192 : i32
    %dma_start3A_100 = tpu.memref_slice %arg17[%dma_start3A_99] : memref<272xi32, #tpu.memory_space<vmem>> -> memref<64xi32, #tpu.memory_space<vmem>>
    %dma_start3A_101 = tpu.memref_slice %arg3[%dma_start3A_98, %mul3A_2] : memref<4x2048xi32, #tpu.memory_space<hbm>> -> memref<1x64xi32, #tpu.memory_space<hbm>>
    %dma_start3A_102 = tpu.memref_squeeze %dma_start3A_101 : memref<1x64xi32, #tpu.memory_space<hbm>> -> memref<64xi32, #tpu.memory_space<hbm>>
    %dma_start3A_103 = arith.constant 192 : i32
    %dma_start3A_104 = tpu.memref_slice %arg17[%dma_start3A_103] : memref<272xi32, #tpu.memory_space<vmem>> -> memref<64xi32, #tpu.memory_space<vmem>>
    %dma_start3A_105 = tpu.memref_slice %arg3[%dma_start3A_98, %mul3A_2] : memref<4x2048xi32, #tpu.memory_space<hbm>> -> memref<1x64xi32, #tpu.memory_space<hbm>>
    %dma_start3A_106 = tpu.memref_squeeze %dma_start3A_105 : memref<1x64xi32, #tpu.memory_space<hbm>> -> memref<64xi32, #tpu.memory_space<hbm>>
    tpu.enqueue_dma source(%dma_start3A_106 : memref<64xi32, #tpu.memory_space<hbm>>) target(%dma_start3A_104 : memref<64xi32, #tpu.memory_space<vmem>>) target_semaphore(%arg19 : memref<!tpu.dma_semaphore, #tpu.memory_space<semaphore_mem>>)
    tpu.enqueue_dma source(%arg6 : memref<2x768xf32, #tpu.memory_space<hbm>>) target(%arg12 : memref<2x768xf32, #tpu.memory_space<vmem>>) target_semaphore(%arg19 : memref<!tpu.dma_semaphore, #tpu.memory_space<semaphore_mem>>)
    tpu.enqueue_dma source(%arg7 : memref<768xf32, #tpu.memory_space<hbm>>) target(%arg14 : memref<768xf32, #tpu.memory_space<vmem>>) target_semaphore(%arg19 : memref<!tpu.dma_semaphore, #tpu.memory_space<semaphore_mem>>)
    tpu.enqueue_dma source(%arg8 : memref<768xf32, #tpu.memory_space<hbm>>) target(%arg15 : memref<768xf32, #tpu.memory_space<vmem>>) target_semaphore(%arg19 : memref<!tpu.dma_semaphore, #tpu.memory_space<semaphore_mem>>)
    %dma_start3A_107 = arith.constant 0 : i32
    %dma_start3A_108 = tpu.memref_slice %arg5[%mul3A_2, %dma_start3A_107] : memref<2048x768xf32, #tpu.memory_space<hbm>> -> memref<64x768xf32, #tpu.memory_space<hbm>>
    %dma_start3A_109 = arith.constant 0 : i32
    %dma_start3A_110 = tpu.memref_slice %arg5[%mul3A_2, %dma_start3A_109] : memref<2048x768xf32, #tpu.memory_space<hbm>> -> memref<64x768xf32, #tpu.memory_space<hbm>>
    tpu.enqueue_dma source(%dma_start3A_110 : memref<64x768xf32, #tpu.memory_space<hbm>>) target(%arg11 : memref<64x768xf32, #tpu.memory_space<vmem>>) target_semaphore(%arg19 : memref<!tpu.dma_semaphore, #tpu.memory_space<semaphore_mem>>)
    %dma_wait3A_111 = arith.constant 1 : i32
    %dma_wait3A_112 = arith.constant 1 : i32
    %dma_wait3A_113 = arith.constant 0 : i32
    %dma_wait3A_114 = tpu.memref_slice %arg16[%dma_wait3A_112, %dma_wait3A_113] : memref<4x64xi32, #tpu.memory_space<vmem>> -> memref<1x64xi32, #tpu.memory_space<vmem>>
    %dma_wait3A_115 = tpu.memref_squeeze %dma_wait3A_114 : memref<1x64xi32, #tpu.memory_space<vmem>> -> memref<64xi32, #tpu.memory_space<vmem>>
    %dma_wait3A_116 = tpu.memref_slice %arg2[%dma_wait3A_111, %mul3A_2] : memref<4x2048xi32, #tpu.memory_space<hbm>> -> memref<1x64xi32, #tpu.memory_space<hbm>>
    %dma_wait3A_117 = tpu.memref_squeeze %dma_wait3A_116 : memref<1x64xi32, #tpu.memory_space<hbm>> -> memref<64xi32, #tpu.memory_space<hbm>>
    %dma_wait3A_118 = arith.constant 0 : i32
    %dma_wait3A_119 = tpu.memref_slice %arg16[%dma_wait3A_112, %dma_wait3A_118] : memref<4x64xi32, #tpu.memory_space<vmem>> -> memref<1x64xi32, #tpu.memory_space<vmem>>
    %dma_wait3A_120 = tpu.memref_squeeze %dma_wait3A_119 : memref<1x64xi32, #tpu.memory_space<vmem>> -> memref<64xi32, #tpu.memory_space<vmem>>
    %dma_wait3A_121 = tpu.memref_slice %arg2[%dma_wait3A_111, %mul3A_2] : memref<4x2048xi32, #tpu.memory_space<hbm>> -> memref<1x64xi32, #tpu.memory_space<hbm>>
    %dma_wait3A_122 = tpu.memref_squeeze %dma_wait3A_121 : memref<1x64xi32, #tpu.memory_space<hbm>> -> memref<64xi32, #tpu.memory_space<hbm>>
    tpu.wait_dma2 semaphore(%arg19 : memref<!tpu.dma_semaphore, #tpu.memory_space<semaphore_mem>>) src(%dma_wait3A_122 : memref<64xi32, #tpu.memory_space<hbm>>) dst(%dma_wait3A_120 : memref<64xi32, #tpu.memory_space<vmem>>)
    %dma_wait3A_123 = arith.constant 2 : i32
    %dma_wait3A_124 = arith.constant 2 : i32
    %dma_wait3A_125 = arith.constant 0 : i32
    %dma_wait3A_126 = tpu.memref_slice %arg16[%dma_wait3A_124, %dma_wait3A_125] : memref<4x64xi32, #tpu.memory_space<vmem>> -> memref<1x64xi32, #tpu.memory_space<vmem>>
    %dma_wait3A_127 = tpu.memref_squeeze %dma_wait3A_126 : memref<1x64xi32, #tpu.memory_space<vmem>> -> memref<64xi32, #tpu.memory_space<vmem>>
    %dma_wait3A_128 = tpu.memref_slice %arg2[%dma_wait3A_123, %mul3A_2] : memref<4x2048xi32, #tpu.memory_space<hbm>> -> memref<1x64xi32, #tpu.memory_space<hbm>>
    %dma_wait3A_129 = tpu.memref_squeeze %dma_wait3A_128 : memref<1x64xi32, #tpu.memory_space<hbm>> -> memref<64xi32, #tpu.memory_space<hbm>>
    %dma_wait3A_130 = arith.constant 0 : i32
    %dma_wait3A_131 = tpu.memref_slice %arg16[%dma_wait3A_124, %dma_wait3A_130] : memref<4x64xi32, #tpu.memory_space<vmem>> -> memref<1x64xi32, #tpu.memory_space<vmem>>
    %dma_wait3A_132 = tpu.memref_squeeze %dma_wait3A_131 : memref<1x64xi32, #tpu.memory_space<vmem>> -> memref<64xi32, #tpu.memory_space<vmem>>
    %dma_wait3A_133 = tpu.memref_slice %arg2[%dma_wait3A_123, %mul3A_2] : memref<4x2048xi32, #tpu.memory_space<hbm>> -> memref<1x64xi32, #tpu.memory_space<hbm>>
    %dma_wait3A_134 = tpu.memref_squeeze %dma_wait3A_133 : memref<1x64xi32, #tpu.memory_space<hbm>> -> memref<64xi32, #tpu.memory_space<hbm>>
    tpu.wait_dma2 semaphore(%arg19 : memref<!tpu.dma_semaphore, #tpu.memory_space<semaphore_mem>>) src(%dma_wait3A_134 : memref<64xi32, #tpu.memory_space<hbm>>) dst(%dma_wait3A_132 : memref<64xi32, #tpu.memory_space<vmem>>)
    %dma_wait3A_135 = arith.constant 3 : i32
    %dma_wait3A_136 = arith.constant 3 : i32
    %dma_wait3A_137 = arith.constant 0 : i32
    %dma_wait3A_138 = tpu.memref_slice %arg16[%dma_wait3A_136, %dma_wait3A_137] : memref<4x64xi32, #tpu.memory_space<vmem>> -> memref<1x64xi32, #tpu.memory_space<vmem>>
    %dma_wait3A_139 = tpu.memref_squeeze %dma_wait3A_138 : memref<1x64xi32, #tpu.memory_space<vmem>> -> memref<64xi32, #tpu.memory_space<vmem>>
    %dma_wait3A_140 = tpu.memref_slice %arg2[%dma_wait3A_135, %mul3A_2] : memref<4x2048xi32, #tpu.memory_space<hbm>> -> memref<1x64xi32, #tpu.memory_space<hbm>>
    %dma_wait3A_141 = tpu.memref_squeeze %dma_wait3A_140 : memref<1x64xi32, #tpu.memory_space<hbm>> -> memref<64xi32, #tpu.memory_space<hbm>>
    %dma_wait3A_142 = arith.constant 0 : i32
    %dma_wait3A_143 = tpu.memref_slice %arg16[%dma_wait3A_136, %dma_wait3A_142] : memref<4x64xi32, #tpu.memory_space<vmem>> -> memref<1x64xi32, #tpu.memory_space<vmem>>
    %dma_wait3A_144 = tpu.memref_squeeze %dma_wait3A_143 : memref<1x64xi32, #tpu.memory_space<vmem>> -> memref<64xi32, #tpu.memory_space<vmem>>
    %dma_wait3A_145 = tpu.memref_slice %arg2[%dma_wait3A_135, %mul3A_2] : memref<4x2048xi32, #tpu.memory_space<hbm>> -> memref<1x64xi32, #tpu.memory_space<hbm>>
    %dma_wait3A_146 = tpu.memref_squeeze %dma_wait3A_145 : memref<1x64xi32, #tpu.memory_space<hbm>> -> memref<64xi32, #tpu.memory_space<hbm>>
    tpu.wait_dma2 semaphore(%arg19 : memref<!tpu.dma_semaphore, #tpu.memory_space<semaphore_mem>>) src(%dma_wait3A_146 : memref<64xi32, #tpu.memory_space<hbm>>) dst(%dma_wait3A_144 : memref<64xi32, #tpu.memory_space<vmem>>)
    %dma_wait3A_147 = arith.constant 0 : i32
    %dma_wait3A_148 = arith.constant 0 : i32
    %dma_wait3A_149 = tpu.memref_slice %arg17[%dma_wait3A_148] : memref<272xi32, #tpu.memory_space<vmem>> -> memref<64xi32, #tpu.memory_space<vmem>>
    %dma_wait3A_150 = tpu.memref_slice %arg3[%dma_wait3A_147, %mul3A_2] : memref<4x2048xi32, #tpu.memory_space<hbm>> -> memref<1x64xi32, #tpu.memory_space<hbm>>
    %dma_wait3A_151 = tpu.memref_squeeze %dma_wait3A_150 : memref<1x64xi32, #tpu.memory_space<hbm>> -> memref<64xi32, #tpu.memory_space<hbm>>
    %dma_wait3A_152 = arith.constant 0 : i32
    %dma_wait3A_153 = tpu.memref_slice %arg17[%dma_wait3A_152] : memref<272xi32, #tpu.memory_space<vmem>> -> memref<64xi32, #tpu.memory_space<vmem>>
    %dma_wait3A_154 = tpu.memref_slice %arg3[%dma_wait3A_147, %mul3A_2] : memref<4x2048xi32, #tpu.memory_space<hbm>> -> memref<1x64xi32, #tpu.memory_space<hbm>>
    %dma_wait3A_155 = tpu.memref_squeeze %dma_wait3A_154 : memref<1x64xi32, #tpu.memory_space<hbm>> -> memref<64xi32, #tpu.memory_space<hbm>>
    tpu.wait_dma2 semaphore(%arg19 : memref<!tpu.dma_semaphore, #tpu.memory_space<semaphore_mem>>) src(%dma_wait3A_155 : memref<64xi32, #tpu.memory_space<hbm>>) dst(%dma_wait3A_153 : memref<64xi32, #tpu.memory_space<vmem>>)
    %dma_wait3A_156 = arith.constant 1 : i32
    %dma_wait3A_157 = arith.constant 64 : i32
    %dma_wait3A_158 = tpu.memref_slice %arg17[%dma_wait3A_157] : memref<272xi32, #tpu.memory_space<vmem>> -> memref<64xi32, #tpu.memory_space<vmem>>
    %dma_wait3A_159 = tpu.memref_slice %arg3[%dma_wait3A_156, %mul3A_2] : memref<4x2048xi32, #tpu.memory_space<hbm>> -> memref<1x64xi32, #tpu.memory_space<hbm>>
    %dma_wait3A_160 = tpu.memref_squeeze %dma_wait3A_159 : memref<1x64xi32, #tpu.memory_space<hbm>> -> memref<64xi32, #tpu.memory_space<hbm>>
    %dma_wait3A_161 = arith.constant 64 : i32
    %dma_wait3A_162 = tpu.memref_slice %arg17[%dma_wait3A_161] : memref<272xi32, #tpu.memory_space<vmem>> -> memref<64xi32, #tpu.memory_space<vmem>>
    %dma_wait3A_163 = tpu.memref_slice %arg3[%dma_wait3A_156, %mul3A_2] : memref<4x2048xi32, #tpu.memory_space<hbm>> -> memref<1x64xi32, #tpu.memory_space<hbm>>
    %dma_wait3A_164 = tpu.memref_squeeze %dma_wait3A_163 : memref<1x64xi32, #tpu.memory_space<hbm>> -> memref<64xi32, #tpu.memory_space<hbm>>
    tpu.wait_dma2 semaphore(%arg19 : memref<!tpu.dma_semaphore, #tpu.memory_space<semaphore_mem>>) src(%dma_wait3A_164 : memref<64xi32, #tpu.memory_space<hbm>>) dst(%dma_wait3A_162 : memref<64xi32, #tpu.memory_space<vmem>>)
    %dma_wait3A_165 = arith.constant 2 : i32
    %dma_wait3A_166 = arith.constant 128 : i32
    %dma_wait3A_167 = tpu.memref_slice %arg17[%dma_wait3A_166] : memref<272xi32, #tpu.memory_space<vmem>> -> memref<64xi32, #tpu.memory_space<vmem>>
    %dma_wait3A_168 = tpu.memref_slice %arg3[%dma_wait3A_165, %mul3A_2] : memref<4x2048xi32, #tpu.memory_space<hbm>> -> memref<1x64xi32, #tpu.memory_space<hbm>>
    %dma_wait3A_169 = tpu.memref_squeeze %dma_wait3A_168 : memref<1x64xi32, #tpu.memory_space<hbm>> -> memref<64xi32, #tpu.memory_space<hbm>>
    %dma_wait3A_170 = arith.constant 128 : i32
    %dma_wait3A_171 = tpu.memref_slice %arg17[%dma_wait3A_170] : memref<272xi32, #tpu.memory_space<vmem>> -> memref<64xi32, #tpu.memory_space<vmem>>
    %dma_wait3A_172 = tpu.memref_slice %arg3[%dma_wait3A_165, %mul3A_2] : memref<4x2048xi32, #tpu.memory_space<hbm>> -> memref<1x64xi32, #tpu.memory_space<hbm>>
    %dma_wait3A_173 = tpu.memref_squeeze %dma_wait3A_172 : memref<1x64xi32, #tpu.memory_space<hbm>> -> memref<64xi32, #tpu.memory_space<hbm>>
    tpu.wait_dma2 semaphore(%arg19 : memref<!tpu.dma_semaphore, #tpu.memory_space<semaphore_mem>>) src(%dma_wait3A_173 : memref<64xi32, #tpu.memory_space<hbm>>) dst(%dma_wait3A_171 : memref<64xi32, #tpu.memory_space<vmem>>)
    %dma_wait3A_174 = arith.constant 3 : i32
    %dma_wait3A_175 = arith.constant 192 : i32
    %dma_wait3A_176 = tpu.memref_slice %arg17[%dma_wait3A_175] : memref<272xi32, #tpu.memory_space<vmem>> -> memref<64xi32, #tpu.memory_space<vmem>>
    %dma_wait3A_177 = tpu.memref_slice %arg3[%dma_wait3A_174, %mul3A_2] : memref<4x2048xi32, #tpu.memory_space<hbm>> -> memref<1x64xi32, #tpu.memory_space<hbm>>
    %dma_wait3A_178 = tpu.memref_squeeze %dma_wait3A_177 : memref<1x64xi32, #tpu.memory_space<hbm>> -> memref<64xi32, #tpu.memory_space<hbm>>
    %dma_wait3A_179 = arith.constant 192 : i32
    %dma_wait3A_180 = tpu.memref_slice %arg17[%dma_wait3A_179] : memref<272xi32, #tpu.memory_space<vmem>> -> memref<64xi32, #tpu.memory_space<vmem>>
    %dma_wait3A_181 = tpu.memref_slice %arg3[%dma_wait3A_174, %mul3A_2] : memref<4x2048xi32, #tpu.memory_space<hbm>> -> memref<1x64xi32, #tpu.memory_space<hbm>>
    %dma_wait3A_182 = tpu.memref_squeeze %dma_wait3A_181 : memref<1x64xi32, #tpu.memory_space<hbm>> -> memref<64xi32, #tpu.memory_space<hbm>>
    tpu.wait_dma2 semaphore(%arg19 : memref<!tpu.dma_semaphore, #tpu.memory_space<semaphore_mem>>) src(%dma_wait3A_182 : memref<64xi32, #tpu.memory_space<hbm>>) dst(%dma_wait3A_180 : memref<64xi32, #tpu.memory_space<vmem>>)
    tpu.wait_dma2 semaphore(%arg19 : memref<!tpu.dma_semaphore, #tpu.memory_space<semaphore_mem>>) src(%arg6 : memref<2x768xf32, #tpu.memory_space<hbm>>) dst(%arg12 : memref<2x768xf32, #tpu.memory_space<vmem>>)
    tpu.wait_dma2 semaphore(%arg19 : memref<!tpu.dma_semaphore, #tpu.memory_space<semaphore_mem>>) src(%arg7 : memref<768xf32, #tpu.memory_space<hbm>>) dst(%arg14 : memref<768xf32, #tpu.memory_space<vmem>>)
    tpu.wait_dma2 semaphore(%arg19 : memref<!tpu.dma_semaphore, #tpu.memory_space<semaphore_mem>>) src(%arg8 : memref<768xf32, #tpu.memory_space<hbm>>) dst(%arg15 : memref<768xf32, #tpu.memory_space<vmem>>)
    %dma_wait3A_183 = arith.constant 0 : i32
    %dma_wait3A_184 = tpu.memref_slice %arg5[%mul3A_2, %dma_wait3A_183] : memref<2048x768xf32, #tpu.memory_space<hbm>> -> memref<64x768xf32, #tpu.memory_space<hbm>>
    %dma_wait3A_185 = arith.constant 0 : i32
    %dma_wait3A_186 = tpu.memref_slice %arg5[%mul3A_2, %dma_wait3A_185] : memref<2048x768xf32, #tpu.memory_space<hbm>> -> memref<64x768xf32, #tpu.memory_space<hbm>>
    tpu.wait_dma2 semaphore(%arg19 : memref<!tpu.dma_semaphore, #tpu.memory_space<semaphore_mem>>) src(%dma_wait3A_186 : memref<64x768xf32, #tpu.memory_space<hbm>>) dst(%arg11 : memref<64x768xf32, #tpu.memory_space<vmem>>)
    %get3A = arith.constant 1 : i32
    %get3A_187 = arith.index_cast %get3A : i32 to index
    %get3A_188 = arith.constant 0 : index
    %get3A_189 = tpu.vector_load %arg12[%get3A_187, %get3A_188] {strides = array<i32>} : memref<2x768xf32, #tpu.memory_space<vmem>>, vector<16xf32>,
    %get3A_190 = arith.constant 0 : i32
    %get3A_191 = arith.index_cast %get3A_190 : i32 to index
    %get3A_192 = arith.constant 0 : index
    %get3A_193 = tpu.vector_load %arg12[%get3A_191, %get3A_192] {strides = array<i32>} : memref<2x768xf32, #tpu.memory_space<vmem>>, vector<16xf32>,
    %sub3A = arith.subf %get3A_189, %get3A_193 : vector<16xf32>
    %swap3A = arith.constant 0 : index
    %swap3A_194 = tpu.vector_load %arg13[%swap3A] {strides = array<i32>} : memref<768xf32, #tpu.memory_space<vmem>>, vector<16xf32>,
    tpu.vector_store %arg13[%swap3A], %sub3A {strides = array<i32>} : memref<768xf32, #tpu.memory_space<vmem>>, vector<16xf32>,
    %get3A_195 = arith.constant 1 : i32
    %get3A_196 = arith.index_cast %get3A_195 : i32 to index
    %get3A_197 = arith.constant 16 : index
    %get3A_198 = tpu.vector_load %arg12[%get3A_196, %get3A_197] {strides = array<i32>} : memref<2x768xf32, #tpu.memory_space<vmem>>, vector<16xf32>,
    %get3A_199 = arith.constant 0 : i32
    %get3A_200 = arith.index_cast %get3A_199 : i32 to index
    %get3A_201 = arith.constant 16 : index
    %get3A_202 = tpu.vector_load %arg12[%get3A_200, %get3A_201] {strides = array<i32>} : memref<2x768xf32, #tpu.memory_space<vmem>>, vector<16xf32>,
    %sub3A_203 = arith.subf %get3A_198, %get3A_202 : vector<16xf32>
    %swap3A_204 = arith.constant 16 : index
    %swap3A_205 = tpu.vector_load %arg13[%swap3A_204] {strides = array<i32>} : memref<768xf32, #tpu.memory_space<vmem>>, vector<16xf32>,
    tpu.vector_store %arg13[%swap3A_204], %sub3A_203 {strides = array<i32>} : memref<768xf32, #tpu.memory_space<vmem>>, vector<16xf32>,
    %get3A_206 = arith.constant 1 : i32
    %get3A_207 = arith.index_cast %get3A_206 : i32 to index
    %get3A_208 = arith.constant 32 : index
    %get3A_209 = tpu.vector_load %arg12[%get3A_207, %get3A_208] {strides = array<i32>} : memref<2x768xf32, #tpu.memory_space<vmem>>, vector<16xf32>,
    %get3A_210 = arith.constant 0 : i32
    %get3A_211 = arith.index_cast %get3A_210 : i32 to index
    %get3A_212 = arith.constant 32 : index
    %get3A_213 = tpu.vector_load %arg12[%get3A_211, %get3A_212] {strides = array<i32>} : memref<2x768xf32, #tpu.memory_space<vmem>>, vector<16xf32>,
    %sub3A_214 = arith.subf %get3A_209, %get3A_213 : vector<16xf32>
    %swap3A_215 = arith.constant 32 : index
    %swap3A_216 = tpu.vector_load %arg13[%swap3A_215] {strides = array<i32>} : memref<768xf32, #tpu.memory_space<vmem>>, vector<16xf32>,
    tpu.vector_store %arg13[%swap3A_215], %sub3A_214 {strides = array<i32>} : memref<768xf32, #tpu.memory_space<vmem>>, vector<16xf32>,
    %get3A_217 = arith.constant 1 : i32
    %get3A_218 = arith.index_cast %get3A_217 : i32 to index
    %get3A_219 = arith.constant 48 : index
    %get3A_220 = tpu.vector_load %arg12[%get3A_218, %get3A_219] {strides = array<i32>} : memref<2x768xf32, #tpu.memory_space<vmem>>, vector<16xf32>,
    %get3A_221 = arith.constant 0 : i32
    %get3A_222 = arith.index_cast %get3A_221 : i32 to index
    %get3A_223 = arith.constant 48 : index
    %get3A_224 = tpu.vector_load %arg12[%get3A_222, %get3A_223] {strides = array<i32>} : memref<2x768xf32, #tpu.memory_space<vmem>>, vector<16xf32>,
    %sub3A_225 = arith.subf %get3A_220, %get3A_224 : vector<16xf32>
    %swap3A_226 = arith.constant 48 : index
    %swap3A_227 = tpu.vector_load %arg13[%swap3A_226] {strides = array<i32>} : memref<768xf32, #tpu.memory_space<vmem>>, vector<16xf32>,
    tpu.vector_store %arg13[%swap3A_226], %sub3A_225 {strides = array<i32>} : memref<768xf32, #tpu.memory_space<vmem>>, vector<16xf32>,
    %get3A_228 = arith.constant 1 : i32
    %get3A_229 = arith.index_cast %get3A_228 : i32 to index
    %get3A_230 = arith.constant 64 : index
    %get3A_231 = tpu.vector_load %arg12[%get3A_229, %get3A_230] {strides = array<i32>} : memref<2x768xf32, #tpu.memory_space<vmem>>, vector<16xf32>,
    %get3A_232 = arith.constant 0 : i32
    %get3A_233 = arith.index_cast %get3A_232 : i32 to index
    %get3A_234 = arith.constant 64 : index
    %get3A_235 = tpu.vector_load %arg12[%get3A_233, %get3A_234] {strides = array<i32>} : memref<2x768xf32, #tpu.memory_space<vmem>>, vector<16xf32>,
    %sub3A_236 = arith.subf %get3A_231, %get3A_235 : vector<16xf32>
    %swap3A_237 = arith.constant 64 : index
    %swap3A_238 = tpu.vector_load %arg13[%swap3A_237] {strides = array<i32>} : memref<768xf32, #tpu.memory_space<vmem>>, vector<16xf32>,
    tpu.vector_store %arg13[%swap3A_237], %sub3A_236 {strides = array<i32>} : memref<768xf32, #tpu.memory_space<vmem>>, vector<16xf32>,
    %get3A_239 = arith.constant 1 : i32
    %get3A_240 = arith.index_cast %get3A_239 : i32 to index
    %get3A_241 = arith.constant 80 : index
    %get3A_242 = tpu.vector_load %arg12[%get3A_240, %get3A_241] {strides = array<i32>} : memref<2x768xf32, #tpu.memory_space<vmem>>, vector<16xf32>,
    %get3A_243 = arith.constant 0 : i32
    %get3A_244 = arith.index_cast %get3A_243 : i32 to index
    %get3A_245 = arith.constant 80 : index
    %get3A_246 = tpu.vector_load %arg12[%get3A_244, %get3A_245] {strides = array<i32>} : memref<2x768xf32, #tpu.memory_space<vmem>>, vector<16xf32>,
    %sub3A_247 = arith.subf %get3A_242, %get3A_246 : vector<16xf32>
    %swap3A_248 = arith.constant 80 : index
    %swap3A_249 = tpu.vector_load %arg13[%swap3A_248] {strides = array<i32>} : memref<768xf32, #tpu.memory_space<vmem>>, vector<16xf32>,
    tpu.vector_store %arg13[%swap3A_248], %sub3A_247 {strides = array<i32>} : memref<768xf32, #tpu.memory_space<vmem>>, vector<16xf32>,
    %get3A_250 = arith.constant 1 : i32
    %get3A_251 = arith.index_cast %get3A_250 : i32 to index
    %get3A_252 = arith.constant 96 : index
    %get3A_253 = tpu.vector_load %arg12[%get3A_251, %get3A_252] {strides = array<i32>} : memref<2x768xf32, #tpu.memory_space<vmem>>, vector<16xf32>,
    %get3A_254 = arith.constant 0 : i32
    %get3A_255 = arith.index_cast %get3A_254 : i32 to index
    %get3A_256 = arith.constant 96 : index
    %get3A_257 = tpu.vector_load %arg12[%get3A_255, %get3A_256] {strides = array<i32>} : memref<2x768xf32, #tpu.memory_space<vmem>>, vector<16xf32>,
    %sub3A_258 = arith.subf %get3A_253, %get3A_257 : vector<16xf32>
    %swap3A_259 = arith.constant 96 : index
    %swap3A_260 = tpu.vector_load %arg13[%swap3A_259] {strides = array<i32>} : memref<768xf32, #tpu.memory_space<vmem>>, vector<16xf32>,
    tpu.vector_store %arg13[%swap3A_259], %sub3A_258 {strides = array<i32>} : memref<768xf32, #tpu.memory_space<vmem>>, vector<16xf32>,
    %get3A_261 = arith.constant 1 : i32
    %get3A_262 = arith.index_cast %get3A_261 : i32 to index
    %get3A_263 = arith.constant 112 : index
    %get3A_264 = tpu.vector_load %arg12[%get3A_262, %get3A_263] {strides = array<i32>} : memref<2x768xf32, #tpu.memory_space<vmem>>, vector<16xf32>,
    %get3A_265 = arith.constant 0 : i32
    %get3A_266 = arith.index_cast %get3A_265 : i32 to index
    %get3A_267 = arith.constant 112 : index
    %get3A_268 = tpu.vector_load %arg12[%get3A_266, %get3A_267] {strides = array<i32>} : memref<2x768xf32, #tpu.memory_space<vmem>>, vector<16xf32>,
    %sub3A_269 = arith.subf %get3A_264, %get3A_268 : vector<16xf32>
    %swap3A_270 = arith.constant 112 : index
    %swap3A_271 = tpu.vector_load %arg13[%swap3A_270] {strides = array<i32>} : memref<768xf32, #tpu.memory_space<vmem>>, vector<16xf32>,
    tpu.vector_store %arg13[%swap3A_270], %sub3A_269 {strides = array<i32>} : memref<768xf32, #tpu.memory_space<vmem>>, vector<16xf32>,
    %get3A_272 = arith.constant 1 : i32
    %get3A_273 = arith.index_cast %get3A_272 : i32 to index
    %get3A_274 = arith.constant 128 : index
    %get3A_275 = tpu.vector_load %arg12[%get3A_273, %get3A_274] {strides = array<i32>} : memref<2x768xf32, #tpu.memory_space<vmem>>, vector<16xf32>,
    %get3A_276 = arith.constant 0 : i32
    %get3A_277 = arith.index_cast %get3A_276 : i32 to index
    %get3A_278 = arith.constant 128 : index
    %get3A_279 = tpu.vector_load %arg12[%get3A_277, %get3A_278] {strides = array<i32>} : memref<2x768xf32, #tpu.memory_space<vmem>>, vector<16xf32>,
    %sub3A_280 = arith.subf %get3A_275, %get3A_279 : vector<16xf32>
    %swap3A_281 = arith.constant 128 : index
    %swap3A_282 = tpu.vector_load %arg13[%swap3A_281] {strides = array<i32>} : memref<768xf32, #tpu.memory_space<vmem>>, vector<16xf32>,
    tpu.vector_store %arg13[%swap3A_281], %sub3A_280 {strides = array<i32>} : memref<768xf32, #tpu.memory_space<vmem>>, vector<16xf32>,
    %get3A_283 = arith.constant 1 : i32
    %get3A_284 = arith.index_cast %get3A_283 : i32 to index
    %get3A_285 = arith.constant 144 : index
    %get3A_286 = tpu.vector_load %arg12[%get3A_284, %get3A_285] {strides = array<i32>} : memref<2x768xf32, #tpu.memory_space<vmem>>, vector<16xf32>,
    %get3A_287 = arith.constant 0 : i32
    %get3A_288 = arith.index_cast %get3A_287 : i32 to index
    %get3A_289 = arith.constant 144 : index
    %get3A_290 = tpu.vector_load %arg12[%get3A_288, %get3A_289] {strides = array<i32>} : memref<2x768xf32, #tpu.memory_space<vmem>>, vector<16xf32>,
    %sub3A_291 = arith.subf %get3A_286, %get3A_290 : vector<16xf32>
    %swap3A_292 = arith.constant 144 : index
    %swap3A_293 = tpu.vector_load %arg13[%swap3A_292] {strides = array<i32>} : memref<768xf32, #tpu.memory_space<vmem>>, vector<16xf32>,
    tpu.vector_store %arg13[%swap3A_292], %sub3A_291 {strides = array<i32>} : memref<768xf32, #tpu.memory_space<vmem>>, vector<16xf32>,
    %get3A_294 = arith.constant 1 : i32
    %get3A_295 = arith.index_cast %get3A_294 : i32 to index
    %get3A_296 = arith.constant 160 : index
    %get3A_297 = tpu.vector_load %arg12[%get3A_295, %get3A_296] {strides = array<i32>} : memref<2x768xf32, #tpu.memory_space<vmem>>, vector<16xf32>,
    %get3A_298 = arith.constant 0 : i32
    %get3A_299 = arith.index_cast %get3A_298 : i32 to index
    %get3A_300 = arith.constant 160 : index
    %get3A_301 = tpu.vector_load %arg12[%get3A_299, %get3A_300] {strides = array<i32>} : memref<2x768xf32, #tpu.memory_space<vmem>>, vector<16xf32>,
    %sub3A_302 = arith.subf %get3A_297, %get3A_301 : vector<16xf32>
    %swap3A_303 = arith.constant 160 : index
    %swap3A_304 = tpu.vector_load %arg13[%swap3A_303] {strides = array<i32>} : memref<768xf32, #tpu.memory_space<vmem>>, vector<16xf32>,
    tpu.vector_store %arg13[%swap3A_303], %sub3A_302 {strides = array<i32>} : memref<768xf32, #tpu.memory_space<vmem>>, vector<16xf32>,
    %get3A_305 = arith.constant 1 : i32
    %get3A_306 = arith.index_cast %get3A_305 : i32 to index
    %get3A_307 = arith.constant 176 : index
    %get3A_308 = tpu.vector_load %arg12[%get3A_306, %get3A_307] {strides = array<i32>} : memref<2x768xf32, #tpu.memory_space<vmem>>, vector<16xf32>,
    %get3A_309 = arith.constant 0 : i32
    %get3A_310 = arith.index_cast %get3A_309 : i32 to index
    %get3A_311 = arith.constant 176 : index
    %get3A_312 = tpu.vector_load %arg12[%get3A_310, %get3A_311] {strides = array<i32>} : memref<2x768xf32, #tpu.memory_space<vmem>>, vector<16xf32>,
    %sub3A_313 = arith.subf %get3A_308, %get3A_312 : vector<16xf32>
    %swap3A_314 = arith.constant 176 : index
    %swap3A_315 = tpu.vector_load %arg13[%swap3A_314] {strides = array<i32>} : memref<768xf32, #tpu.memory_space<vmem>>, vector<16xf32>,
    tpu.vector_store %arg13[%swap3A_314], %sub3A_313 {strides = array<i32>} : memref<768xf32, #tpu.memory_space<vmem>>, vector<16xf32>,
    %get3A_316 = arith.constant 1 : i32
    %get3A_317 = arith.index_cast %get3A_316 : i32 to index
    %get3A_318 = arith.constant 192 : index
    %get3A_319 = tpu.vector_load %arg12[%get3A_317, %get3A_318] {strides = array<i32>} : memref<2x768xf32, #tpu.memory_space<vmem>>, vector<16xf32>,
    %get3A_320 = arith.constant 0 : i32
    %get3A_321 = arith.index_cast %get3A_320 : i32 to index
    %get3A_322 = arith.constant 192 : index
    %get3A_323 = tpu.vector_load %arg12[%get3A_321, %get3A_322] {strides = array<i32>} : memref<2x768xf32, #tpu.memory_space<vmem>>, vector<16xf32>,
    %sub3A_324 = arith.subf %get3A_319, %get3A_323 : vector<16xf32>
    %swap3A_325 = arith.constant 192 : index
    %swap3A_326 = tpu.vector_load %arg13[%swap3A_325] {strides = array<i32>} : memref<768xf32, #tpu.memory_space<vmem>>, vector<16xf32>,
    tpu.vector_store %arg13[%swap3A_325], %sub3A_324 {strides = array<i32>} : memref<768xf32, #tpu.memory_space<vmem>>, vector<16xf32>,
    %get3A_327 = arith.constant 1 : i32
    %get3A_328 = arith.index_cast %get3A_327 : i32 to index
    %get3A_329 = arith.constant 208 : index
    %get3A_330 = tpu.vector_load %arg12[%get3A_328, %get3A_329] {strides = array<i32>} : memref<2x768xf32, #tpu.memory_space<vmem>>, vector<16xf32>,
    %get3A_331 = arith.constant 0 : i32
    %get3A_332 = arith.index_cast %get3A_331 : i32 to index
    %get3A_333 = arith.constant 208 : index
    %get3A_334 = tpu.vector_load %arg12[%get3A_332, %get3A_333] {strides = array<i32>} : memref<2x768xf32, #tpu.memory_space<vmem>>, vector<16xf32>,
    %sub3A_335 = arith.subf %get3A_330, %get3A_334 : vector<16xf32>
    %swap3A_336 = arith.constant 208 : index
    %swap3A_337 = tpu.vector_load %arg13[%swap3A_336] {strides = array<i32>} : memref<768xf32, #tpu.memory_space<vmem>>, vector<16xf32>,
    tpu.vector_store %arg13[%swap3A_336], %sub3A_335 {strides = array<i32>} : memref<768xf32, #tpu.memory_space<vmem>>, vector<16xf32>,
    %get3A_338 = arith.constant 1 : i32
    %get3A_339 = arith.index_cast %get3A_338 : i32 to index
    %get3A_340 = arith.constant 224 : index
    %get3A_341 = tpu.vector_load %arg12[%get3A_339, %get3A_340] {strides = array<i32>} : memref<2x768xf32, #tpu.memory_space<vmem>>, vector<16xf32>,
    %get3A_342 = arith.constant 0 : i32
    %get3A_343 = arith.index_cast %get3A_342 : i32 to index
    %get3A_344 = arith.constant 224 : index
    %get3A_345 = tpu.vector_load %arg12[%get3A_343, %get3A_344] {strides = array<i32>} : memref<2x768xf32, #tpu.memory_space<vmem>>, vector<16xf32>,
    %sub3A_346 = arith.subf %get3A_341, %get3A_345 : vector<16xf32>
    %swap3A_347 = arith.constant 224 : index
    %swap3A_348 = tpu.vector_load %arg13[%swap3A_347] {strides = array<i32>} : memref<768xf32, #tpu.memory_space<vmem>>, vector<16xf32>,
    tpu.vector_store %arg13[%swap3A_347], %sub3A_346 {strides = array<i32>} : memref<768xf32, #tpu.memory_space<vmem>>, vector<16xf32>,
    %get3A_349 = arith.constant 1 : i32
    %get3A_350 = arith.index_cast %get3A_349 : i32 to index
    %get3A_351 = arith.constant 240 : index
    %get3A_352 = tpu.vector_load %arg12[%get3A_350, %get3A_351] {strides = array<i32>} : memref<2x768xf32, #tpu.memory_space<vmem>>, vector<16xf32>,
    %get3A_353 = arith.constant 0 : i32
    %get3A_354 = arith.index_cast %get3A_353 : i32 to index
    %get3A_355 = arith.constant 240 : index
    %get3A_356 = tpu.vector_load %arg12[%get3A_354, %get3A_355] {strides = array<i32>} : memref<2x768xf32, #tpu.memory_space<vmem>>, vector<16xf32>,
    %sub3A_357 = arith.subf %get3A_352, %get3A_356 : vector<16xf32>
    %swap3A_358 = arith.constant 240 : index
    %swap3A_359 = tpu.vector_load %arg13[%swap3A_358] {strides = array<i32>} : memref<768xf32, #tpu.memory_space<vmem>>, vector<16xf32>,
    tpu.vector_store %arg13[%swap3A_358], %sub3A_357 {strides = array<i32>} : memref<768xf32, #tpu.memory_space<vmem>>, vector<16xf32>,
    %get3A_360 = arith.constant 1 : i32
    %get3A_361 = arith.index_cast %get3A_360 : i32 to index
    %get3A_362 = arith.constant 256 : index
    %get3A_363 = tpu.vector_load %arg12[%get3A_361, %get3A_362] {strides = array<i32>} : memref<2x768xf32, #tpu.memory_space<vmem>>, vector<16xf32>,
    %get3A_364 = arith.constant 0 : i32
    %get3A_365 = arith.index_cast %get3A_364 : i32 to index
    %get3A_366 = arith.constant 256 : index
    %get3A_367 = tpu.vector_load %arg12[%get3A_365, %get3A_366] {strides = array<i32>} : memref<2x768xf32, #tpu.memory_space<vmem>>, vector<16xf32>,
    %sub3A_368 = arith.subf %get3A_363, %get3A_367 : vector<16xf32>
    %swap3A_369 = arith.constant 256 : index
    %swap3A_370 = tpu.vector_load %arg13[%swap3A_369] {strides = array<i32>} : memref<768xf32, #tpu.memory_space<vmem>>, vector<16xf32>,
    tpu.vector_store %arg13[%swap3A_369], %sub3A_368 {strides = array<i32>} : memref<768xf32, #tpu.memory_space<vmem>>, vector<16xf32>,
    %get3A_371 = arith.constant 1 : i32
    %get3A_372 = arith.index_cast %get3A_371 : i32 to index
    %get3A_373 = arith.constant 272 : index
    %get3A_374 = tpu.vector_load %arg12[%get3A_372, %get3A_373] {strides = array<i32>} : memref<2x768xf32, #tpu.memory_space<vmem>>, vector<16xf32>,
    %get3A_375 = arith.constant 0 : i32
    %get3A_376 = arith.index_cast %get3A_375 : i32 to index
    %get3A_377 = arith.constant 272 : index
    %get3A_378 = tpu.vector_load %arg12[%get3A_376, %get3A_377] {strides = array<i32>} : memref<2x768xf32, #tpu.memory_space<vmem>>, vector<16xf32>,
    %sub3A_379 = arith.subf %get3A_374, %get3A_378 : vector<16xf32>
    %swap3A_380 = arith.constant 272 : index
    %swap3A_381 = tpu.vector_load %arg13[%swap3A_380] {strides = array<i32>} : memref<768xf32, #tpu.memory_space<vmem>>, vector<16xf32>,
    tpu.vector_store %arg13[%swap3A_380], %sub3A_379 {strides = array<i32>} : memref<768xf32, #tpu.memory_space<vmem>>, vector<16xf32>,
    %get3A_382 = arith.constant 1 : i32
    %get3A_383 = arith.index_cast %get3A_382 : i32 to index
    %get3A_384 = arith.constant 288 : index
    %get3A_385 = tpu.vector_load %arg12[%get3A_383, %get3A_384] {strides = array<i32>} : memref<2x768xf32, #tpu.memory_space<vmem>>, vector<16xf32>,
    %get3A_386 = arith.constant 0 : i32
    %get3A_387 = arith.index_cast %get3A_386 : i32 to index
    %get3A_388 = arith.constant 288 : index
    %get3A_389 = tpu.vector_load %arg12[%get3A_387, %get3A_388] {strides = array<i32>} : memref<2x768xf32, #tpu.memory_space<vmem>>, vector<16xf32>,
    %sub3A_390 = arith.subf %get3A_385, %get3A_389 : vector<16xf32>
    %swap3A_391 = arith.constant 288 : index
    %swap3A_392 = tpu.vector_load %arg13[%swap3A_391] {strides = array<i32>} : memref<768xf32, #tpu.memory_space<vmem>>, vector<16xf32>,
    tpu.vector_store %arg13[%swap3A_391], %sub3A_390 {strides = array<i32>} : memref<768xf32, #tpu.memory_space<vmem>>, vector<16xf32>,
    %get3A_393 = arith.constant 1 : i32
    %get3A_394 = arith.index_cast %get3A_393 : i32 to index
    %get3A_395 = arith.constant 304 : index
    %get3A_396 = tpu.vector_load %arg12[%get3A_394, %get3A_395] {strides = array<i32>} : memref<2x768xf32, #tpu.memory_space<vmem>>, vector<16xf32>,
    %get3A_397 = arith.constant 0 : i32
    %get3A_398 = arith.index_cast %get3A_397 : i32 to index
    %get3A_399 = arith.constant 304 : index
    %get3A_400 = tpu.vector_load %arg12[%get3A_398, %get3A_399] {strides = array<i32>} : memref<2x768xf32, #tpu.memory_space<vmem>>, vector<16xf32>,
    %sub3A_401 = arith.subf %get3A_396, %get3A_400 : vector<16xf32>
    %swap3A_402 = arith.constant 304 : index
    %swap3A_403 = tpu.vector_load %arg13[%swap3A_402] {strides = array<i32>} : memref<768xf32, #tpu.memory_space<vmem>>, vector<16xf32>,
    tpu.vector_store %arg13[%swap3A_402], %sub3A_401 {strides = array<i32>} : memref<768xf32, #tpu.memory_space<vmem>>, vector<16xf32>,
    %get3A_404 = arith.constant 1 : i32
    %get3A_405 = arith.index_cast %get3A_404 : i32 to index
    %get3A_406 = arith.constant 320 : index
    %get3A_407 = tpu.vector_load %arg12[%get3A_405, %get3A_406] {strides = array<i32>} : memref<2x768xf32, #tpu.memory_space<vmem>>, vector<16xf32>,
    %get3A_408 = arith.constant 0 : i32
    %get3A_409 = arith.index_cast %get3A_408 : i32 to index
    %get3A_410 = arith.constant 320 : index
    %get3A_411 = tpu.vector_load %arg12[%get3A_409, %get3A_410] {strides = array<i32>} : memref<2x768xf32, #tpu.memory_space<vmem>>, vector<16xf32>,
    %sub3A_412 = arith.subf %get3A_407, %get3A_411 : vector<16xf32>
    %swap3A_413 = arith.constant 320 : index
    %swap3A_414 = tpu.vector_load %arg13[%swap3A_413] {strides = array<i32>} : memref<768xf32, #tpu.memory_space<vmem>>, vector<16xf32>,
    tpu.vector_store %arg13[%swap3A_413], %sub3A_412 {strides = array<i32>} : memref<768xf32, #tpu.memory_space<vmem>>, vector<16xf32>,
    %get3A_415 = arith.constant 1 : i32
    %get3A_416 = arith.index_cast %get3A_415 : i32 to index
    %get3A_417 = arith.constant 336 : index
    %get3A_418 = tpu.vector_load %arg12[%get3A_416, %get3A_417] {strides = array<i32>} : memref<2x768xf32, #tpu.memory_space<vmem>>, vector<16xf32>,
    %get3A_419 = arith.constant 0 : i32
    %get3A_420 = arith.index_cast %get3A_419 : i32 to index
    %get3A_421 = arith.constant 336 : index
    %get3A_422 = tpu.vector_load %arg12[%get3A_420, %get3A_421] {strides = array<i32>} : memref<2x768xf32, #tpu.memory_space<vmem>>, vector<16xf32>,
    %sub3A_423 = arith.subf %get3A_418, %get3A_422 : vector<16xf32>
    %swap3A_424 = arith.constant 336 : index
    %swap3A_425 = tpu.vector_load %arg13[%swap3A_424] {strides = array<i32>} : memref<768xf32, #tpu.memory_space<vmem>>, vector<16xf32>,
    tpu.vector_store %arg13[%swap3A_424], %sub3A_423 {strides = array<i32>} : memref<768xf32, #tpu.memory_space<vmem>>, vector<16xf32>,
    %get3A_426 = arith.constant 1 : i32
    %get3A_427 = arith.index_cast %get3A_426 : i32 to index
    %get3A_428 = arith.constant 352 : index
    %get3A_429 = tpu.vector_load %arg12[%get3A_427, %get3A_428] {strides = array<i32>} : memref<2x768xf32, #tpu.memory_space<vmem>>, vector<16xf32>,
    %get3A_430 = arith.constant 0 : i32
    %get3A_431 = arith.index_cast %get3A_430 : i32 to index
    %get3A_432 = arith.constant 352 : index
    %get3A_433 = tpu.vector_load %arg12[%get3A_431, %get3A_432] {strides = array<i32>} : memref<2x768xf32, #tpu.memory_space<vmem>>, vector<16xf32>,
    %sub3A_434 = arith.subf %get3A_429, %get3A_433 : vector<16xf32>
    %swap3A_435 = arith.constant 352 : index
    %swap3A_436 = tpu.vector_load %arg13[%swap3A_435] {strides = array<i32>} : memref<768xf32, #tpu.memory_space<vmem>>, vector<16xf32>,
    tpu.vector_store %arg13[%swap3A_435], %sub3A_434 {strides = array<i32>} : memref<768xf32, #tpu.memory_space<vmem>>, vector<16xf32>,
    %get3A_437 = arith.constant 1 : i32
    %get3A_438 = arith.index_cast %get3A_437 : i32 to index
    %get3A_439 = arith.constant 368 : index
    %get3A_440 = tpu.vector_load %arg12[%get3A_438, %get3A_439] {strides = array<i32>} : memref<2x768xf32, #tpu.memory_space<vmem>>, vector<16xf32>,
    %get3A_441 = arith.constant 0 : i32
    %get3A_442 = arith.index_cast %get3A_441 : i32 to index
    %get3A_443 = arith.constant 368 : index
    %get3A_444 = tpu.vector_load %arg12[%get3A_442, %get3A_443] {strides = array<i32>} : memref<2x768xf32, #tpu.memory_space<vmem>>, vector<16xf32>,
    %sub3A_445 = arith.subf %get3A_440, %get3A_444 : vector<16xf32>
    %swap3A_446 = arith.constant 368 : index
    %swap3A_447 = tpu.vector_load %arg13[%swap3A_446] {strides = array<i32>} : memref<768xf32, #tpu.memory_space<vmem>>, vector<16xf32>,
    tpu.vector_store %arg13[%swap3A_446], %sub3A_445 {strides = array<i32>} : memref<768xf32, #tpu.memory_space<vmem>>, vector<16xf32>,
    %get3A_448 = arith.constant 1 : i32
    %get3A_449 = arith.index_cast %get3A_448 : i32 to index
    %get3A_450 = arith.constant 384 : index
    %get3A_451 = tpu.vector_load %arg12[%get3A_449, %get3A_450] {strides = array<i32>} : memref<2x768xf32, #tpu.memory_space<vmem>>, vector<16xf32>,
    %get3A_452 = arith.constant 0 : i32
    %get3A_453 = arith.index_cast %get3A_452 : i32 to index
    %get3A_454 = arith.constant 384 : index
    %get3A_455 = tpu.vector_load %arg12[%get3A_453, %get3A_454] {strides = array<i32>} : memref<2x768xf32, #tpu.memory_space<vmem>>, vector<16xf32>,
    %sub3A_456 = arith.subf %get3A_451, %get3A_455 : vector<16xf32>
    %swap3A_457 = arith.constant 384 : index
    %swap3A_458 = tpu.vector_load %arg13[%swap3A_457] {strides = array<i32>} : memref<768xf32, #tpu.memory_space<vmem>>, vector<16xf32>,
    tpu.vector_store %arg13[%swap3A_457], %sub3A_456 {strides = array<i32>} : memref<768xf32, #tpu.memory_space<vmem>>, vector<16xf32>,
    %get3A_459 = arith.constant 1 : i32
    %get3A_460 = arith.index_cast %get3A_459 : i32 to index
    %get3A_461 = arith.constant 400 : index
    %get3A_462 = tpu.vector_load %arg12[%get3A_460, %get3A_461] {strides = array<i32>} : memref<2x768xf32, #tpu.memory_space<vmem>>, vector<16xf32>,
    %get3A_463 = arith.constant 0 : i32
    %get3A_464 = arith.index_cast %get3A_463 : i32 to index
    %get3A_465 = arith.constant 400 : index
    %get3A_466 = tpu.vector_load %arg12[%get3A_464, %get3A_465] {strides = array<i32>} : memref<2x768xf32, #tpu.memory_space<vmem>>, vector<16xf32>,
    %sub3A_467 = arith.subf %get3A_462, %get3A_466 : vector<16xf32>
    %swap3A_468 = arith.constant 400 : index
    %swap3A_469 = tpu.vector_load %arg13[%swap3A_468] {strides = array<i32>} : memref<768xf32, #tpu.memory_space<vmem>>, vector<16xf32>,
    tpu.vector_store %arg13[%swap3A_468], %sub3A_467 {strides = array<i32>} : memref<768xf32, #tpu.memory_space<vmem>>, vector<16xf32>,
    %get3A_470 = arith.constant 1 : i32
    %get3A_471 = arith.index_cast %get3A_470 : i32 to index
    %get3A_472 = arith.constant 416 : index
    %get3A_473 = tpu.vector_load %arg12[%get3A_471, %get3A_472] {strides = array<i32>} : memref<2x768xf32, #tpu.memory_space<vmem>>, vector<16xf32>,
    %get3A_474 = arith.constant 0 : i32
    %get3A_475 = arith.index_cast %get3A_474 : i32 to index
    %get3A_476 = arith.constant 416 : index
    %get3A_477 = tpu.vector_load %arg12[%get3A_475, %get3A_476] {strides = array<i32>} : memref<2x768xf32, #tpu.memory_space<vmem>>, vector<16xf32>,
    %sub3A_478 = arith.subf %get3A_473, %get3A_477 : vector<16xf32>
    %swap3A_479 = arith.constant 416 : index
    %swap3A_480 = tpu.vector_load %arg13[%swap3A_479] {strides = array<i32>} : memref<768xf32, #tpu.memory_space<vmem>>, vector<16xf32>,
    tpu.vector_store %arg13[%swap3A_479], %sub3A_478 {strides = array<i32>} : memref<768xf32, #tpu.memory_space<vmem>>, vector<16xf32>,
    %get3A_481 = arith.constant 1 : i32
    %get3A_482 = arith.index_cast %get3A_481 : i32 to index
    %get3A_483 = arith.constant 432 : index
    %get3A_484 = tpu.vector_load %arg12[%get3A_482, %get3A_483] {strides = array<i32>} : memref<2x768xf32, #tpu.memory_space<vmem>>, vector<16xf32>,
    %get3A_485 = arith.constant 0 : i32
    %get3A_486 = arith.index_cast %get3A_485 : i32 to index
    %get3A_487 = arith.constant 432 : index
    %get3A_488 = tpu.vector_load %arg12[%get3A_486, %get3A_487] {strides = array<i32>} : memref<2x768xf32, #tpu.memory_space<vmem>>, vector<16xf32>,
    %sub3A_489 = arith.subf %get3A_484, %get3A_488 : vector<16xf32>
    %swap3A_490 = arith.constant 432 : index
    %swap3A_491 = tpu.vector_load %arg13[%swap3A_490] {strides = array<i32>} : memref<768xf32, #tpu.memory_space<vmem>>, vector<16xf32>,
    tpu.vector_store %arg13[%swap3A_490], %sub3A_489 {strides = array<i32>} : memref<768xf32, #tpu.memory_space<vmem>>, vector<16xf32>,
    %get3A_492 = arith.constant 1 : i32
    %get3A_493 = arith.index_cast %get3A_492 : i32 to index
    %get3A_494 = arith.constant 448 : index
    %get3A_495 = tpu.vector_load %arg12[%get3A_493, %get3A_494] {strides = array<i32>} : memref<2x768xf32, #tpu.memory_space<vmem>>, vector<16xf32>,
    %get3A_496 = arith.constant 0 : i32
    %get3A_497 = arith.index_cast %get3A_496 : i32 to index
    %get3A_498 = arith.constant 448 : index
    %get3A_499 = tpu.vector_load %arg12[%get3A_497, %get3A_498] {strides = array<i32>} : memref<2x768xf32, #tpu.memory_space<vmem>>, vector<16xf32>,
    %sub3A_500 = arith.subf %get3A_495, %get3A_499 : vector<16xf32>
    %swap3A_501 = arith.constant 448 : index
    %swap3A_502 = tpu.vector_load %arg13[%swap3A_501] {strides = array<i32>} : memref<768xf32, #tpu.memory_space<vmem>>, vector<16xf32>,
    tpu.vector_store %arg13[%swap3A_501], %sub3A_500 {strides = array<i32>} : memref<768xf32, #tpu.memory_space<vmem>>, vector<16xf32>,
    %get3A_503 = arith.constant 1 : i32
    %get3A_504 = arith.index_cast %get3A_503 : i32 to index
    %get3A_505 = arith.constant 464 : index
    %get3A_506 = tpu.vector_load %arg12[%get3A_504, %get3A_505] {strides = array<i32>} : memref<2x768xf32, #tpu.memory_space<vmem>>, vector<16xf32>,
    %get3A_507 = arith.constant 0 : i32
    %get3A_508 = arith.index_cast %get3A_507 : i32 to index
    %get3A_509 = arith.constant 464 : index
    %get3A_510 = tpu.vector_load %arg12[%get3A_508, %get3A_509] {strides = array<i32>} : memref<2x768xf32, #tpu.memory_space<vmem>>, vector<16xf32>,
    %sub3A_511 = arith.subf %get3A_506, %get3A_510 : vector<16xf32>
    %swap3A_512 = arith.constant 464 : index
    %swap3A_513 = tpu.vector_load %arg13[%swap3A_512] {strides = array<i32>} : memref<768xf32, #tpu.memory_space<vmem>>, vector<16xf32>,
    tpu.vector_store %arg13[%swap3A_512], %sub3A_511 {strides = array<i32>} : memref<768xf32, #tpu.memory_space<vmem>>, vector<16xf32>,
    %get3A_514 = arith.constant 1 : i32
    %get3A_515 = arith.index_cast %get3A_514 : i32 to index
    %get3A_516 = arith.constant 480 : index
    %get3A_517 = tpu.vector_load %arg12[%get3A_515, %get3A_516] {strides = array<i32>} : memref<2x768xf32, #tpu.memory_space<vmem>>, vector<16xf32>,
    %get3A_518 = arith.constant 0 : i32
    %get3A_519 = arith.index_cast %get3A_518 : i32 to index
    %get3A_520 = arith.constant 480 : index
    %get3A_521 = tpu.vector_load %arg12[%get3A_519, %get3A_520] {strides = array<i32>} : memref<2x768xf32, #tpu.memory_space<vmem>>, vector<16xf32>,
    %sub3A_522 = arith.subf %get3A_517, %get3A_521 : vector<16xf32>
    %swap3A_523 = arith.constant 480 : index
    %swap3A_524 = tpu.vector_load %arg13[%swap3A_523] {strides = array<i32>} : memref<768xf32, #tpu.memory_space<vmem>>, vector<16xf32>,
    tpu.vector_store %arg13[%swap3A_523], %sub3A_522 {strides = array<i32>} : memref<768xf32, #tpu.memory_space<vmem>>, vector<16xf32>,
    %get3A_525 = arith.constant 1 : i32
    %get3A_526 = arith.index_cast %get3A_525 : i32 to index
    %get3A_527 = arith.constant 496 : index
    %get3A_528 = tpu.vector_load %arg12[%get3A_526, %get3A_527] {strides = array<i32>} : memref<2x768xf32, #tpu.memory_space<vmem>>, vector<16xf32>,
    %get3A_529 = arith.constant 0 : i32
    %get3A_530 = arith.index_cast %get3A_529 : i32 to index
    %get3A_531 = arith.constant 496 : index
    %get3A_532 = tpu.vector_load %arg12[%get3A_530, %get3A_531] {strides = array<i32>} : memref<2x768xf32, #tpu.memory_space<vmem>>, vector<16xf32>,
    %sub3A_533 = arith.subf %get3A_528, %get3A_532 : vector<16xf32>
    %swap3A_534 = arith.constant 496 : index
    %swap3A_535 = tpu.vector_load %arg13[%swap3A_534] {strides = array<i32>} : memref<768xf32, #tpu.memory_space<vmem>>, vector<16xf32>,
    tpu.vector_store %arg13[%swap3A_534], %sub3A_533 {strides = array<i32>} : memref<768xf32, #tpu.memory_space<vmem>>, vector<16xf32>,
    %get3A_536 = arith.constant 1 : i32
    %get3A_537 = arith.index_cast %get3A_536 : i32 to index
    %get3A_538 = arith.constant 512 : index
    %get3A_539 = tpu.vector_load %arg12[%get3A_537, %get3A_538] {strides = array<i32>} : memref<2x768xf32, #tpu.memory_space<vmem>>, vector<16xf32>,
    %get3A_540 = arith.constant 0 : i32
    %get3A_541 = arith.index_cast %get3A_540 : i32 to index
    %get3A_542 = arith.constant 512 : index
    %get3A_543 = tpu.vector_load %arg12[%get3A_541, %get3A_542] {strides = array<i32>} : memref<2x768xf32, #tpu.memory_space<vmem>>, vector<16xf32>,
    %sub3A_544 = arith.subf %get3A_539, %get3A_543 : vector<16xf32>
    %swap3A_545 = arith.constant 512 : index
    %swap3A_546 = tpu.vector_load %arg13[%swap3A_545] {strides = array<i32>} : memref<768xf32, #tpu.memory_space<vmem>>, vector<16xf32>,
    tpu.vector_store %arg13[%swap3A_545], %sub3A_544 {strides = array<i32>} : memref<768xf32, #tpu.memory_space<vmem>>, vector<16xf32>,
    %get3A_547 = arith.constant 1 : i32
    %get3A_548 = arith.index_cast %get3A_547 : i32 to index
    %get3A_549 = arith.constant 528 : index
    %get3A_550 = tpu.vector_load %arg12[%get3A_548, %get3A_549] {strides = array<i32>} : memref<2x768xf32, #tpu.memory_space<vmem>>, vector<16xf32>,
    %get3A_551 = arith.constant 0 : i32
    %get3A_552 = arith.index_cast %get3A_551 : i32 to index
    %get3A_553 = arith.constant 528 : index
    %get3A_554 = tpu.vector_load %arg12[%get3A_552, %get3A_553] {strides = array<i32>} : memref<2x768xf32, #tpu.memory_space<vmem>>, vector<16xf32>,
    %sub3A_555 = arith.subf %get3A_550, %get3A_554 : vector<16xf32>
    %swap3A_556 = arith.constant 528 : index
    %swap3A_557 = tpu.vector_load %arg13[%swap3A_556] {strides = array<i32>} : memref<768xf32, #tpu.memory_space<vmem>>, vector<16xf32>,
    tpu.vector_store %arg13[%swap3A_556], %sub3A_555 {strides = array<i32>} : memref<768xf32, #tpu.memory_space<vmem>>, vector<16xf32>,
    %get3A_558 = arith.constant 1 : i32
    %get3A_559 = arith.index_cast %get3A_558 : i32 to index
    %get3A_560 = arith.constant 544 : index
    %get3A_561 = tpu.vector_load %arg12[%get3A_559, %get3A_560] {strides = array<i32>} : memref<2x768xf32, #tpu.memory_space<vmem>>, vector<16xf32>,
    %get3A_562 = arith.constant 0 : i32
    %get3A_563 = arith.index_cast %get3A_562 : i32 to index
    %get3A_564 = arith.constant 544 : index
    %get3A_565 = tpu.vector_load %arg12[%get3A_563, %get3A_564] {strides = array<i32>} : memref<2x768xf32, #tpu.memory_space<vmem>>, vector<16xf32>,
    %sub3A_566 = arith.subf %get3A_561, %get3A_565 : vector<16xf32>
    %swap3A_567 = arith.constant 544 : index
    %swap3A_568 = tpu.vector_load %arg13[%swap3A_567] {strides = array<i32>} : memref<768xf32, #tpu.memory_space<vmem>>, vector<16xf32>,
    tpu.vector_store %arg13[%swap3A_567], %sub3A_566 {strides = array<i32>} : memref<768xf32, #tpu.memory_space<vmem>>, vector<16xf32>,
    %get3A_569 = arith.constant 1 : i32
    %get3A_570 = arith.index_cast %get3A_569 : i32 to index
    %get3A_571 = arith.constant 560 : index
    %get3A_572 = tpu.vector_load %arg12[%get3A_570, %get3A_571] {strides = array<i32>} : memref<2x768xf32, #tpu.memory_space<vmem>>, vector<16xf32>,
    %get3A_573 = arith.constant 0 : i32
    %get3A_574 = arith.index_cast %get3A_573 : i32 to index
    %get3A_575 = arith.constant 560 : index
    %get3A_576 = tpu.vector_load %arg12[%get3A_574, %get3A_575] {strides = array<i32>} : memref<2x768xf32, #tpu.memory_space<vmem>>, vector<16xf32>,
    %sub3A_577 = arith.subf %get3A_572, %get3A_576 : vector<16xf32>
    %swap3A_578 = arith.constant 560 : index
    %swap3A_579 = tpu.vector_load %arg13[%swap3A_578] {strides = array<i32>} : memref<768xf32, #tpu.memory_space<vmem>>, vector<16xf32>,
    tpu.vector_store %arg13[%swap3A_578], %sub3A_577 {strides = array<i32>} : memref<768xf32, #tpu.memory_space<vmem>>, vector<16xf32>,
    %get3A_580 = arith.constant 1 : i32
    %get3A_581 = arith.index_cast %get3A_580 : i32 to index
    %get3A_582 = arith.constant 576 : index
    %get3A_583 = tpu.vector_load %arg12[%get3A_581, %get3A_582] {strides = array<i32>} : memref<2x768xf32, #tpu.memory_space<vmem>>, vector<16xf32>,
    %get3A_584 = arith.constant 0 : i32
    %get3A_585 = arith.index_cast %get3A_584 : i32 to index
    %get3A_586 = arith.constant 576 : index
    %get3A_587 = tpu.vector_load %arg12[%get3A_585, %get3A_586] {strides = array<i32>} : memref<2x768xf32, #tpu.memory_space<vmem>>, vector<16xf32>,
    %sub3A_588 = arith.subf %get3A_583, %get3A_587 : vector<16xf32>
    %swap3A_589 = arith.constant 576 : index
    %swap3A_590 = tpu.vector_load %arg13[%swap3A_589] {strides = array<i32>} : memref<768xf32, #tpu.memory_space<vmem>>, vector<16xf32>,
    tpu.vector_store %arg13[%swap3A_589], %sub3A_588 {strides = array<i32>} : memref<768xf32, #tpu.memory_space<vmem>>, vector<16xf32>,
    %get3A_591 = arith.constant 1 : i32
    %get3A_592 = arith.index_cast %get3A_591 : i32 to index
    %get3A_593 = arith.constant 592 : index
    %get3A_594 = tpu.vector_load %arg12[%get3A_592, %get3A_593] {strides = array<i32>} : memref<2x768xf32, #tpu.memory_space<vmem>>, vector<16xf32>,
    %get3A_595 = arith.constant 0 : i32
    %get3A_596 = arith.index_cast %get3A_595 : i32 to index
    %get3A_597 = arith.constant 592 : index
    %get3A_598 = tpu.vector_load %arg12[%get3A_596, %get3A_597] {strides = array<i32>} : memref<2x768xf32, #tpu.memory_space<vmem>>, vector<16xf32>,
    %sub3A_599 = arith.subf %get3A_594, %get3A_598 : vector<16xf32>
    %swap3A_600 = arith.constant 592 : index
    %swap3A_601 = tpu.vector_load %arg13[%swap3A_600] {strides = array<i32>} : memref<768xf32, #tpu.memory_space<vmem>>, vector<16xf32>,
    tpu.vector_store %arg13[%swap3A_600], %sub3A_599 {strides = array<i32>} : memref<768xf32, #tpu.memory_space<vmem>>, vector<16xf32>,
    %get3A_602 = arith.constant 1 : i32
    %get3A_603 = arith.index_cast %get3A_602 : i32 to index
    %get3A_604 = arith.constant 608 : index
    %get3A_605 = tpu.vector_load %arg12[%get3A_603, %get3A_604] {strides = array<i32>} : memref<2x768xf32, #tpu.memory_space<vmem>>, vector<16xf32>,
    %get3A_606 = arith.constant 0 : i32
    %get3A_607 = arith.index_cast %get3A_606 : i32 to index
    %get3A_608 = arith.constant 608 : index
    %get3A_609 = tpu.vector_load %arg12[%get3A_607, %get3A_608] {strides = array<i32>} : memref<2x768xf32, #tpu.memory_space<vmem>>, vector<16xf32>,
    %sub3A_610 = arith.subf %get3A_605, %get3A_609 : vector<16xf32>
    %swap3A_611 = arith.constant 608 : index
    %swap3A_612 = tpu.vector_load %arg13[%swap3A_611] {strides = array<i32>} : memref<768xf32, #tpu.memory_space<vmem>>, vector<16xf32>,
    tpu.vector_store %arg13[%swap3A_611], %sub3A_610 {strides = array<i32>} : memref<768xf32, #tpu.memory_space<vmem>>, vector<16xf32>,
    %get3A_613 = arith.constant 1 : i32
    %get3A_614 = arith.index_cast %get3A_613 : i32 to index
    %get3A_615 = arith.constant 624 : index
    %get3A_616 = tpu.vector_load %arg12[%get3A_614, %get3A_615] {strides = array<i32>} : memref<2x768xf32, #tpu.memory_space<vmem>>, vector<16xf32>,
    %get3A_617 = arith.constant 0 : i32
    %get3A_618 = arith.index_cast %get3A_617 : i32 to index
    %get3A_619 = arith.constant 624 : index
    %get3A_620 = tpu.vector_load %arg12[%get3A_618, %get3A_619] {strides = array<i32>} : memref<2x768xf32, #tpu.memory_space<vmem>>, vector<16xf32>,
    %sub3A_621 = arith.subf %get3A_616, %get3A_620 : vector<16xf32>
    %swap3A_622 = arith.constant 624 : index
    %swap3A_623 = tpu.vector_load %arg13[%swap3A_622] {strides = array<i32>} : memref<768xf32, #tpu.memory_space<vmem>>, vector<16xf32>,
    tpu.vector_store %arg13[%swap3A_622], %sub3A_621 {strides = array<i32>} : memref<768xf32, #tpu.memory_space<vmem>>, vector<16xf32>,
    %get3A_624 = arith.constant 1 : i32
    %get3A_625 = arith.index_cast %get3A_624 : i32 to index
    %get3A_626 = arith.constant 640 : index
    %get3A_627 = tpu.vector_load %arg12[%get3A_625, %get3A_626] {strides = array<i32>} : memref<2x768xf32, #tpu.memory_space<vmem>>, vector<16xf32>,
    %get3A_628 = arith.constant 0 : i32
    %get3A_629 = arith.index_cast %get3A_628 : i32 to index
    %get3A_630 = arith.constant 640 : index
    %get3A_631 = tpu.vector_load %arg12[%get3A_629, %get3A_630] {strides = array<i32>} : memref<2x768xf32, #tpu.memory_space<vmem>>, vector<16xf32>,
    %sub3A_632 = arith.subf %get3A_627, %get3A_631 : vector<16xf32>
    %swap3A_633 = arith.constant 640 : index
    %swap3A_634 = tpu.vector_load %arg13[%swap3A_633] {strides = array<i32>} : memref<768xf32, #tpu.memory_space<vmem>>, vector<16xf32>,
    tpu.vector_store %arg13[%swap3A_633], %sub3A_632 {strides = array<i32>} : memref<768xf32, #tpu.memory_space<vmem>>, vector<16xf32>,
    %get3A_635 = arith.constant 1 : i32
    %get3A_636 = arith.index_cast %get3A_635 : i32 to index
    %get3A_637 = arith.constant 656 : index
    %get3A_638 = tpu.vector_load %arg12[%get3A_636, %get3A_637] {strides = array<i32>} : memref<2x768xf32, #tpu.memory_space<vmem>>, vector<16xf32>,
    %get3A_639 = arith.constant 0 : i32
    %get3A_640 = arith.index_cast %get3A_639 : i32 to index
    %get3A_641 = arith.constant 656 : index
    %get3A_642 = tpu.vector_load %arg12[%get3A_640, %get3A_641] {strides = array<i32>} : memref<2x768xf32, #tpu.memory_space<vmem>>, vector<16xf32>,
    %sub3A_643 = arith.subf %get3A_638, %get3A_642 : vector<16xf32>
    %swap3A_644 = arith.constant 656 : index
    %swap3A_645 = tpu.vector_load %arg13[%swap3A_644] {strides = array<i32>} : memref<768xf32, #tpu.memory_space<vmem>>, vector<16xf32>,
    tpu.vector_store %arg13[%swap3A_644], %sub3A_643 {strides = array<i32>} : memref<768xf32, #tpu.memory_space<vmem>>, vector<16xf32>,
    %get3A_646 = arith.constant 1 : i32
    %get3A_647 = arith.index_cast %get3A_646 : i32 to index
    %get3A_648 = arith.constant 672 : index
    %get3A_649 = tpu.vector_load %arg12[%get3A_647, %get3A_648] {strides = array<i32>} : memref<2x768xf32, #tpu.memory_space<vmem>>, vector<16xf32>,
    %get3A_650 = arith.constant 0 : i32
    %get3A_651 = arith.index_cast %get3A_650 : i32 to index
    %get3A_652 = arith.constant 672 : index
    %get3A_653 = tpu.vector_load %arg12[%get3A_651, %get3A_652] {strides = array<i32>} : memref<2x768xf32, #tpu.memory_space<vmem>>, vector<16xf32>,
    %sub3A_654 = arith.subf %get3A_649, %get3A_653 : vector<16xf32>
    %swap3A_655 = arith.constant 672 : index
    %swap3A_656 = tpu.vector_load %arg13[%swap3A_655] {strides = array<i32>} : memref<768xf32, #tpu.memory_space<vmem>>, vector<16xf32>,
    tpu.vector_store %arg13[%swap3A_655], %sub3A_654 {strides = array<i32>} : memref<768xf32, #tpu.memory_space<vmem>>, vector<16xf32>,
    %get3A_657 = arith.constant 1 : i32
    %get3A_658 = arith.index_cast %get3A_657 : i32 to index
    %get3A_659 = arith.constant 688 : index
    %get3A_660 = tpu.vector_load %arg12[%get3A_658, %get3A_659] {strides = array<i32>} : memref<2x768xf32, #tpu.memory_space<vmem>>, vector<16xf32>,
    %get3A_661 = arith.constant 0 : i32
    %get3A_662 = arith.index_cast %get3A_661 : i32 to index
    %get3A_663 = arith.constant 688 : index
    %get3A_664 = tpu.vector_load %arg12[%get3A_662, %get3A_663] {strides = array<i32>} : memref<2x768xf32, #tpu.memory_space<vmem>>, vector<16xf32>,
    %sub3A_665 = arith.subf %get3A_660, %get3A_664 : vector<16xf32>
    %swap3A_666 = arith.constant 688 : index
    %swap3A_667 = tpu.vector_load %arg13[%swap3A_666] {strides = array<i32>} : memref<768xf32, #tpu.memory_space<vmem>>, vector<16xf32>,
    tpu.vector_store %arg13[%swap3A_666], %sub3A_665 {strides = array<i32>} : memref<768xf32, #tpu.memory_space<vmem>>, vector<16xf32>,
    %get3A_668 = arith.constant 1 : i32
    %get3A_669 = arith.index_cast %get3A_668 : i32 to index
    %get3A_670 = arith.constant 704 : index
    %get3A_671 = tpu.vector_load %arg12[%get3A_669, %get3A_670] {strides = array<i32>} : memref<2x768xf32, #tpu.memory_space<vmem>>, vector<16xf32>,
    %get3A_672 = arith.constant 0 : i32
    %get3A_673 = arith.index_cast %get3A_672 : i32 to index
    %get3A_674 = arith.constant 704 : index
    %get3A_675 = tpu.vector_load %arg12[%get3A_673, %get3A_674] {strides = array<i32>} : memref<2x768xf32, #tpu.memory_space<vmem>>, vector<16xf32>,
    %sub3A_676 = arith.subf %get3A_671, %get3A_675 : vector<16xf32>
    %swap3A_677 = arith.constant 704 : index
    %swap3A_678 = tpu.vector_load %arg13[%swap3A_677] {strides = array<i32>} : memref<768xf32, #tpu.memory_space<vmem>>, vector<16xf32>,
    tpu.vector_store %arg13[%swap3A_677], %sub3A_676 {strides = array<i32>} : memref<768xf32, #tpu.memory_space<vmem>>, vector<16xf32>,
    %get3A_679 = arith.constant 1 : i32
    %get3A_680 = arith.index_cast %get3A_679 : i32 to index
    %get3A_681 = arith.constant 720 : index
    %get3A_682 = tpu.vector_load %arg12[%get3A_680, %get3A_681] {strides = array<i32>} : memref<2x768xf32, #tpu.memory_space<vmem>>, vector<16xf32>,
    %get3A_683 = arith.constant 0 : i32
    %get3A_684 = arith.index_cast %get3A_683 : i32 to index
    %get3A_685 = arith.constant 720 : index
    %get3A_686 = tpu.vector_load %arg12[%get3A_684, %get3A_685] {strides = array<i32>} : memref<2x768xf32, #tpu.memory_space<vmem>>, vector<16xf32>,
    %sub3A_687 = arith.subf %get3A_682, %get3A_686 : vector<16xf32>
    %swap3A_688 = arith.constant 720 : index
    %swap3A_689 = tpu.vector_load %arg13[%swap3A_688] {strides = array<i32>} : memref<768xf32, #tpu.memory_space<vmem>>, vector<16xf32>,
    tpu.vector_store %arg13[%swap3A_688], %sub3A_687 {strides = array<i32>} : memref<768xf32, #tpu.memory_space<vmem>>, vector<16xf32>,
    %get3A_690 = arith.constant 1 : i32
    %get3A_691 = arith.index_cast %get3A_690 : i32 to index
    %get3A_692 = arith.constant 736 : index
    %get3A_693 = tpu.vector_load %arg12[%get3A_691, %get3A_692] {strides = array<i32>} : memref<2x768xf32, #tpu.memory_space<vmem>>, vector<16xf32>,
    %get3A_694 = arith.constant 0 : i32
    %get3A_695 = arith.index_cast %get3A_694 : i32 to index
    %get3A_696 = arith.constant 736 : index
    %get3A_697 = tpu.vector_load %arg12[%get3A_695, %get3A_696] {strides = array<i32>} : memref<2x768xf32, #tpu.memory_space<vmem>>, vector<16xf32>,
    %sub3A_698 = arith.subf %get3A_693, %get3A_697 : vector<16xf32>
    %swap3A_699 = arith.constant 736 : index
    %swap3A_700 = tpu.vector_load %arg13[%swap3A_699] {strides = array<i32>} : memref<768xf32, #tpu.memory_space<vmem>>, vector<16xf32>,
    tpu.vector_store %arg13[%swap3A_699], %sub3A_698 {strides = array<i32>} : memref<768xf32, #tpu.memory_space<vmem>>, vector<16xf32>,
    %get3A_701 = arith.constant 1 : i32
    %get3A_702 = arith.index_cast %get3A_701 : i32 to index
    %get3A_703 = arith.constant 752 : index
    %get3A_704 = tpu.vector_load %arg12[%get3A_702, %get3A_703] {strides = array<i32>} : memref<2x768xf32, #tpu.memory_space<vmem>>, vector<16xf32>,
    %get3A_705 = arith.constant 0 : i32
    %get3A_706 = arith.index_cast %get3A_705 : i32 to index
    %get3A_707 = arith.constant 752 : index
    %get3A_708 = tpu.vector_load %arg12[%get3A_706, %get3A_707] {strides = array<i32>} : memref<2x768xf32, #tpu.memory_space<vmem>>, vector<16xf32>,
    %sub3A_709 = arith.subf %get3A_704, %get3A_708 : vector<16xf32>
    %swap3A_710 = arith.constant 752 : index
    %swap3A_711 = tpu.vector_load %arg13[%swap3A_710] {strides = array<i32>} : memref<768xf32, #tpu.memory_space<vmem>>, vector<16xf32>,
    tpu.vector_store %arg13[%swap3A_710], %sub3A_709 {strides = array<i32>} : memref<768xf32, #tpu.memory_space<vmem>>, vector<16xf32>,
    %parallel_loop3A = arith.constant 0 : i32
    %parallel_loop3A_712 = arith.constant 64 : i32
    %parallel_loop3A_713 = arith.constant 1 : i32
    scf.for %parallel_loop3A_734 = %parallel_loop3A to %parallel_loop3A_712 step %parallel_loop3A_713  : i32 {
      %parallel_loop3A_735 = arith.index_cast %parallel_loop3A_734 : i32 to index
      %parallel_loop3A_736 = arith.constant 0 : index
      %parallel_loop3A_737 = tpu.vector_load %arg11[%parallel_loop3A_735, %parallel_loop3A_736] {strides = array<i32>} : memref<64x768xf32, #tpu.memory_space<vmem>>, vector<16xf32>,
      %parallel_loop3A_738 = arith.constant 0 : i32
      %parallel_loop3A_739 = arith.index_cast %parallel_loop3A_738 : i32 to index
      %parallel_loop3A_740 = arith.constant 0 : index
      %parallel_loop3A_741 = tpu.vector_load %arg12[%parallel_loop3A_739, %parallel_loop3A_740] {strides = array<i32>} : memref<2x768xf32, #tpu.memory_space<vmem>>, vector<16xf32>,
      %parallel_loop3A_742 = arith.addf %parallel_loop3A_737, %parallel_loop3A_741 : vector<16xf32>
      %parallel_loop3A_743 = arith.index_cast %parallel_loop3A_734 : i32 to index
      %parallel_loop3A_744 = arith.constant 0 : index
      %parallel_loop3A_745 = tpu.vector_load %arg11[%parallel_loop3A_743, %parallel_loop3A_744] {strides = array<i32>} : memref<64x768xf32, #tpu.memory_space<vmem>>, vector<16xf32>,
      tpu.vector_store %arg11[%parallel_loop3A_743, %parallel_loop3A_744], %parallel_loop3A_742 {strides = array<i32>} : memref<64x768xf32, #tpu.memory_space<vmem>>, vector<16xf32>,
      %parallel_loop3A_746 = arith.index_cast %parallel_loop3A_734 : i32 to index
      %parallel_loop3A_747 = arith.constant 16 : index
      %parallel_loop3A_748 = tpu.vector_load %arg11[%parallel_loop3A_746, %parallel_loop3A_747] {strides = array<i32>} : memref<64x768xf32, #tpu.memory_space<vmem>>, vector<16xf32>,
      %parallel_loop3A_749 = arith.constant 0 : i32
      %parallel_loop3A_750 = arith.index_cast %parallel_loop3A_749 : i32 to index
      %parallel_loop3A_751 = arith.constant 16 : index
      %parallel_loop3A_752 = tpu.vector_load %arg12[%parallel_loop3A_750, %parallel_loop3A_751] {strides = array<i32>} : memref<2x768xf32, #tpu.memory_space<vmem>>, vector<16xf32>,
      %parallel_loop3A_753 = arith.addf %parallel_loop3A_748, %parallel_loop3A_752 : vector<16xf32>
      %parallel_loop3A_754 = arith.index_cast %parallel_loop3A_734 : i32 to index
      %parallel_loop3A_755 = arith.constant 16 : index
      %parallel_loop3A_756 = tpu.vector_load %arg11[%parallel_loop3A_754, %parallel_loop3A_755] {strides = array<i32>} : memref<64x768xf32, #tpu.memory_space<vmem>>, vector<16xf32>,
      tpu.vector_store %arg11[%parallel_loop3A_754, %parallel_loop3A_755], %parallel_loop3A_753 {strides = array<i32>} : memref<64x768xf32, #tpu.memory_space<vmem>>, vector<16xf32>,
      %parallel_loop3A_757 = arith.index_cast %parallel_loop3A_734 : i32 to index
      %parallel_loop3A_758 = arith.constant 32 : index
      %parallel_loop3A_759 = tpu.vector_load %arg11[%parallel_loop3A_757, %parallel_loop3A_758] {strides = array<i32>} : memref<64x768xf32, #tpu.memory_space<vmem>>, vector<16xf32>,
      %parallel_loop3A_760 = arith.constant 0 : i32
      %parallel_loop3A_761 = arith.index_cast %parallel_loop3A_760 : i32 to index
      %parallel_loop3A_762 = arith.constant 32 : index
      %parallel_loop3A_763 = tpu.vector_load %arg12[%parallel_loop3A_761, %parallel_loop3A_762] {strides = array<i32>} : memref<2x768xf32, #tpu.memory_space<vmem>>, vector<16xf32>,
      %parallel_loop3A_764 = arith.addf %parallel_loop3A_759, %parallel_loop3A_763 : vector<16xf32>
      %parallel_loop3A_765 = arith.index_cast %parallel_loop3A_734 : i32 to index
      %parallel_loop3A_766 = arith.constant 32 : index
      %parallel_loop3A_767 = tpu.vector_load %arg11[%parallel_loop3A_765, %parallel_loop3A_766] {strides = array<i32>} : memref<64x768xf32, #tpu.memory_space<vmem>>, vector<16xf32>,
      tpu.vector_store %arg11[%parallel_loop3A_765, %parallel_loop3A_766], %parallel_loop3A_764 {strides = array<i32>} : memref<64x768xf32, #tpu.memory_space<vmem>>, vector<16xf32>,
      %parallel_loop3A_768 = arith.index_cast %parallel_loop3A_734 : i32 to index
      %parallel_loop3A_769 = arith.constant 48 : index
      %parallel_loop3A_770 = tpu.vector_load %arg11[%parallel_loop3A_768, %parallel_loop3A_769] {strides = array<i32>} : memref<64x768xf32, #tpu.memory_space<vmem>>, vector<16xf32>,
      %parallel_loop3A_771 = arith.constant 0 : i32
      %parallel_loop3A_772 = arith.index_cast %parallel_loop3A_771 : i32 to index
      %parallel_loop3A_773 = arith.constant 48 : index
      %parallel_loop3A_774 = tpu.vector_load %arg12[%parallel_loop3A_772, %parallel_loop3A_773] {strides = array<i32>} : memref<2x768xf32, #tpu.memory_space<vmem>>, vector<16xf32>,
      %parallel_loop3A_775 = arith.addf %parallel_loop3A_770, %parallel_loop3A_774 : vector<16xf32>
      %parallel_loop3A_776 = arith.index_cast %parallel_loop3A_734 : i32 to index
      %parallel_loop3A_777 = arith.constant 48 : index
      %parallel_loop3A_778 = tpu.vector_load %arg11[%parallel_loop3A_776, %parallel_loop3A_777] {strides = array<i32>} : memref<64x768xf32, #tpu.memory_space<vmem>>, vector<16xf32>,
      tpu.vector_store %arg11[%parallel_loop3A_776, %parallel_loop3A_777], %parallel_loop3A_775 {strides = array<i32>} : memref<64x768xf32, #tpu.memory_space<vmem>>, vector<16xf32>,
      %parallel_loop3A_779 = arith.index_cast %parallel_loop3A_734 : i32 to index
      %parallel_loop3A_780 = arith.constant 64 : index
      %parallel_loop3A_781 = tpu.vector_load %arg11[%parallel_loop3A_779, %parallel_loop3A_780] {strides = array<i32>} : memref<64x768xf32, #tpu.memory_space<vmem>>, vector<16xf32>,
      %parallel_loop3A_782 = arith.constant 0 : i32
      %parallel_loop3A_783 = arith.index_cast %parallel_loop3A_782 : i32 to index
      %parallel_loop3A_784 = arith.constant 64 : index
      %parallel_loop3A_785 = tpu.vector_load %arg12[%parallel_loop3A_783, %parallel_loop3A_784] {strides = array<i32>} : memref<2x768xf32, #tpu.memory_space<vmem>>, vector<16xf32>,
      %parallel_loop3A_786 = arith.addf %parallel_loop3A_781, %parallel_loop3A_785 : vector<16xf32>
      %parallel_loop3A_787 = arith.index_cast %parallel_loop3A_734 : i32 to index
      %parallel_loop3A_788 = arith.constant 64 : index
      %parallel_loop3A_789 = tpu.vector_load %arg11[%parallel_loop3A_787, %parallel_loop3A_788] {strides = array<i32>} : memref<64x768xf32, #tpu.memory_space<vmem>>, vector<16xf32>,
      tpu.vector_store %arg11[%parallel_loop3A_787, %parallel_loop3A_788], %parallel_loop3A_786 {strides = array<i32>} : memref<64x768xf32, #tpu.memory_space<vmem>>, vector<16xf32>,
      %parallel_loop3A_790 = arith.index_cast %parallel_loop3A_734 : i32 to index
      %parallel_loop3A_791 = arith.constant 80 : index
      %parallel_loop3A_792 = tpu.vector_load %arg11[%parallel_loop3A_790, %parallel_loop3A_791] {strides = array<i32>} : memref<64x768xf32, #tpu.memory_space<vmem>>, vector<16xf32>,
      %parallel_loop3A_793 = arith.constant 0 : i32
      %parallel_loop3A_794 = arith.index_cast %parallel_loop3A_793 : i32 to index
      %parallel_loop3A_795 = arith.constant 80 : index
      %parallel_loop3A_796 = tpu.vector_load %arg12[%parallel_loop3A_794, %parallel_loop3A_795] {strides = array<i32>} : memref<2x768xf32, #tpu.memory_space<vmem>>, vector<16xf32>,
      %parallel_loop3A_797 = arith.addf %parallel_loop3A_792, %parallel_loop3A_796 : vector<16xf32>
      %parallel_loop3A_798 = arith.index_cast %parallel_loop3A_734 : i32 to index
      %parallel_loop3A_799 = arith.constant 80 : index
      %parallel_loop3A_800 = tpu.vector_load %arg11[%parallel_loop3A_798, %parallel_loop3A_799] {strides = array<i32>} : memref<64x768xf32, #tpu.memory_space<vmem>>, vector<16xf32>,
      tpu.vector_store %arg11[%parallel_loop3A_798, %parallel_loop3A_799], %parallel_loop3A_797 {strides = array<i32>} : memref<64x768xf32, #tpu.memory_space<vmem>>, vector<16xf32>,
      %parallel_loop3A_801 = arith.index_cast %parallel_loop3A_734 : i32 to index
      %parallel_loop3A_802 = arith.constant 96 : index
      %parallel_loop3A_803 = tpu.vector_load %arg11[%parallel_loop3A_801, %parallel_loop3A_802] {strides = array<i32>} : memref<64x768xf32, #tpu.memory_space<vmem>>, vector<16xf32>,
      %parallel_loop3A_804 = arith.constant 0 : i32
      %parallel_loop3A_805 = arith.index_cast %parallel_loop3A_804 : i32 to index
      %parallel_loop3A_806 = arith.constant 96 : index
      %parallel_loop3A_807 = tpu.vector_load %arg12[%parallel_loop3A_805, %parallel_loop3A_806] {strides = array<i32>} : memref<2x768xf32, #tpu.memory_space<vmem>>, vector<16xf32>,
      %parallel_loop3A_808 = arith.addf %parallel_loop3A_803, %parallel_loop3A_807 : vector<16xf32>
      %parallel_loop3A_809 = arith.index_cast %parallel_loop3A_734 : i32 to index
      %parallel_loop3A_810 = arith.constant 96 : index
      %parallel_loop3A_811 = tpu.vector_load %arg11[%parallel_loop3A_809, %parallel_loop3A_810] {strides = array<i32>} : memref<64x768xf32, #tpu.memory_space<vmem>>, vector<16xf32>,
      tpu.vector_store %arg11[%parallel_loop3A_809, %parallel_loop3A_810], %parallel_loop3A_808 {strides = array<i32>} : memref<64x768xf32, #tpu.memory_space<vmem>>, vector<16xf32>,
      %parallel_loop3A_812 = arith.index_cast %parallel_loop3A_734 : i32 to index
      %parallel_loop3A_813 = arith.constant 112 : index
      %parallel_loop3A_814 = tpu.vector_load %arg11[%parallel_loop3A_812, %parallel_loop3A_813] {strides = array<i32>} : memref<64x768xf32, #tpu.memory_space<vmem>>, vector<16xf32>,
      %parallel_loop3A_815 = arith.constant 0 : i32
      %parallel_loop3A_816 = arith.index_cast %parallel_loop3A_815 : i32 to index
      %parallel_loop3A_817 = arith.constant 112 : index
      %parallel_loop3A_818 = tpu.vector_load %arg12[%parallel_loop3A_816, %parallel_loop3A_817] {strides = array<i32>} : memref<2x768xf32, #tpu.memory_space<vmem>>, vector<16xf32>,
      %parallel_loop3A_819 = arith.addf %parallel_loop3A_814, %parallel_loop3A_818 : vector<16xf32>
      %parallel_loop3A_820 = arith.index_cast %parallel_loop3A_734 : i32 to index
      %parallel_loop3A_821 = arith.constant 112 : index
      %parallel_loop3A_822 = tpu.vector_load %arg11[%parallel_loop3A_820, %parallel_loop3A_821] {strides = array<i32>} : memref<64x768xf32, #tpu.memory_space<vmem>>, vector<16xf32>,
      tpu.vector_store %arg11[%parallel_loop3A_820, %parallel_loop3A_821], %parallel_loop3A_819 {strides = array<i32>} : memref<64x768xf32, #tpu.memory_space<vmem>>, vector<16xf32>,
      %parallel_loop3A_823 = arith.index_cast %parallel_loop3A_734 : i32 to index
      %parallel_loop3A_824 = arith.constant 128 : index
      %parallel_loop3A_825 = tpu.vector_load %arg11[%parallel_loop3A_823, %parallel_loop3A_824] {strides = array<i32>} : memref<64x768xf32, #tpu.memory_space<vmem>>, vector<16xf32>,
      %parallel_loop3A_826 = arith.constant 0 : i32
      %parallel_loop3A_827 = arith.index_cast %parallel_loop3A_826 : i32 to index
      %parallel_loop3A_828 = arith.constant 128 : index
      %parallel_loop3A_829 = tpu.vector_load %arg12[%parallel_loop3A_827, %parallel_loop3A_828] {strides = array<i32>} : memref<2x768xf32, #tpu.memory_space<vmem>>, vector<16xf32>,
      %parallel_loop3A_830 = arith.addf %parallel_loop3A_825, %parallel_loop3A_829 : vector<16xf32>
      %parallel_loop3A_831 = arith.index_cast %parallel_loop3A_734 : i32 to index
      %parallel_loop3A_832 = arith.constant 128 : index
      %parallel_loop3A_833 = tpu.vector_load %arg11[%parallel_loop3A_831, %parallel_loop3A_832] {strides = array<i32>} : memref<64x768xf32, #tpu.memory_space<vmem>>, vector<16xf32>,
      tpu.vector_store %arg11[%parallel_loop3A_831, %parallel_loop3A_832], %parallel_loop3A_830 {strides = array<i32>} : memref<64x768xf32, #tpu.memory_space<vmem>>, vector<16xf32>,
      %parallel_loop3A_834 = arith.index_cast %parallel_loop3A_734 : i32 to index
      %parallel_loop3A_835 = arith.constant 144 : index
      %parallel_loop3A_836 = tpu.vector_load %arg11[%parallel_loop3A_834, %parallel_loop3A_835] {strides = array<i32>} : memref<64x768xf32, #tpu.memory_space<vmem>>, vector<16xf32>,
      %parallel_loop3A_837 = arith.constant 0 : i32
      %parallel_loop3A_838 = arith.index_cast %parallel_loop3A_837 : i32 to index
      %parallel_loop3A_839 = arith.constant 144 : index
      %parallel_loop3A_840 = tpu.vector_load %arg12[%parallel_loop3A_838, %parallel_loop3A_839] {strides = array<i32>} : memref<2x768xf32, #tpu.memory_space<vmem>>, vector<16xf32>,
      %parallel_loop3A_841 = arith.addf %parallel_loop3A_836, %parallel_loop3A_840 : vector<16xf32>
      %parallel_loop3A_842 = arith.index_cast %parallel_loop3A_734 : i32 to index
      %parallel_loop3A_843 = arith.constant 144 : index
      %parallel_loop3A_844 = tpu.vector_load %arg11[%parallel_loop3A_842, %parallel_loop3A_843] {strides = array<i32>} : memref<64x768xf32, #tpu.memory_space<vmem>>, vector<16xf32>,
      tpu.vector_store %arg11[%parallel_loop3A_842, %parallel_loop3A_843], %parallel_loop3A_841 {strides = array<i32>} : memref<64x768xf32, #tpu.memory_space<vmem>>, vector<16xf32>,
      %parallel_loop3A_845 = arith.index_cast %parallel_loop3A_734 : i32 to index
      %parallel_loop3A_846 = arith.constant 160 : index
      %parallel_loop3A_847 = tpu.vector_load %arg11[%parallel_loop3A_845, %parallel_loop3A_846] {strides = array<i32>} : memref<64x768xf32, #tpu.memory_space<vmem>>, vector<16xf32>,
      %parallel_loop3A_848 = arith.constant 0 : i32
      %parallel_loop3A_849 = arith.index_cast %parallel_loop3A_848 : i32 to index
      %parallel_loop3A_850 = arith.constant 160 : index
      %parallel_loop3A_851 = tpu.vector_load %arg12[%parallel_loop3A_849, %parallel_loop3A_850] {strides = array<i32>} : memref<2x768xf32, #tpu.memory_space<vmem>>, vector<16xf32>,
      %parallel_loop3A_852 = arith.addf %parallel_loop3A_847, %parallel_loop3A_851 : vector<16xf32>
      %parallel_loop3A_853 = arith.index_cast %parallel_loop3A_734 : i32 to index
      %parallel_loop3A_854 = arith.constant 160 : index
      %parallel_loop3A_855 = tpu.vector_load %arg11[%parallel_loop3A_853, %parallel_loop3A_854] {strides = array<i32>} : memref<64x768xf32, #tpu.memory_space<vmem>>, vector<16xf32>,
      tpu.vector_store %arg11[%parallel_loop3A_853, %parallel_loop3A_854], %parallel_loop3A_852 {strides = array<i32>} : memref<64x768xf32, #tpu.memory_space<vmem>>, vector<16xf32>,
      %parallel_loop3A_856 = arith.index_cast %parallel_loop3A_734 : i32 to index
      %parallel_loop3A_857 = arith.constant 176 : index
      %parallel_loop3A_858 = tpu.vector_load %arg11[%parallel_loop3A_856, %parallel_loop3A_857] {strides = array<i32>} : memref<64x768xf32, #tpu.memory_space<vmem>>, vector<16xf32>,
      %parallel_loop3A_859 = arith.constant 0 : i32
      %parallel_loop3A_860 = arith.index_cast %parallel_loop3A_859 : i32 to index
      %parallel_loop3A_861 = arith.constant 176 : index
      %parallel_loop3A_862 = tpu.vector_load %arg12[%parallel_loop3A_860, %parallel_loop3A_861] {strides = array<i32>} : memref<2x768xf32, #tpu.memory_space<vmem>>, vector<16xf32>,
      %parallel_loop3A_863 = arith.addf %parallel_loop3A_858, %parallel_loop3A_862 : vector<16xf32>
      %parallel_loop3A_864 = arith.index_cast %parallel_loop3A_734 : i32 to index
      %parallel_loop3A_865 = arith.constant 176 : index
      %parallel_loop3A_866 = tpu.vector_load %arg11[%parallel_loop3A_864, %parallel_loop3A_865] {strides = array<i32>} : memref<64x768xf32, #tpu.memory_space<vmem>>, vector<16xf32>,
      tpu.vector_store %arg11[%parallel_loop3A_864, %parallel_loop3A_865], %parallel_loop3A_863 {strides = array<i32>} : memref<64x768xf32, #tpu.memory_space<vmem>>, vector<16xf32>,
      %parallel_loop3A_867 = arith.index_cast %parallel_loop3A_734 : i32 to index
      %parallel_loop3A_868 = arith.constant 192 : index
      %parallel_loop3A_869 = tpu.vector_load %arg11[%parallel_loop3A_867, %parallel_loop3A_868] {strides = array<i32>} : memref<64x768xf32, #tpu.memory_space<vmem>>, vector<16xf32>,
      %parallel_loop3A_870 = arith.constant 0 : i32
      %parallel_loop3A_871 = arith.index_cast %parallel_loop3A_870 : i32 to index
      %parallel_loop3A_872 = arith.constant 192 : index
      %parallel_loop3A_873 = tpu.vector_load %arg12[%parallel_loop3A_871, %parallel_loop3A_872] {strides = array<i32>} : memref<2x768xf32, #tpu.memory_space<vmem>>, vector<16xf32>,
      %parallel_loop3A_874 = arith.addf %parallel_loop3A_869, %parallel_loop3A_873 : vector<16xf32>
      %parallel_loop3A_875 = arith.index_cast %parallel_loop3A_734 : i32 to index
      %parallel_loop3A_876 = arith.constant 192 : index
      %parallel_loop3A_877 = tpu.vector_load %arg11[%parallel_loop3A_875, %parallel_loop3A_876] {strides = array<i32>} : memref<64x768xf32, #tpu.memory_space<vmem>>, vector<16xf32>,
      tpu.vector_store %arg11[%parallel_loop3A_875, %parallel_loop3A_876], %parallel_loop3A_874 {strides = array<i32>} : memref<64x768xf32, #tpu.memory_space<vmem>>, vector<16xf32>,
      %parallel_loop3A_878 = arith.index_cast %parallel_loop3A_734 : i32 to index
      %parallel_loop3A_879 = arith.constant 208 : index
      %parallel_loop3A_880 = tpu.vector_load %arg11[%parallel_loop3A_878, %parallel_loop3A_879] {strides = array<i32>} : memref<64x768xf32, #tpu.memory_space<vmem>>, vector<16xf32>,
      %parallel_loop3A_881 = arith.constant 0 : i32
      %parallel_loop3A_882 = arith.index_cast %parallel_loop3A_881 : i32 to index
      %parallel_loop3A_883 = arith.constant 208 : index
      %parallel_loop3A_884 = tpu.vector_load %arg12[%parallel_loop3A_882, %parallel_loop3A_883] {strides = array<i32>} : memref<2x768xf32, #tpu.memory_space<vmem>>, vector<16xf32>,
      %parallel_loop3A_885 = arith.addf %parallel_loop3A_880, %parallel_loop3A_884 : vector<16xf32>
      %parallel_loop3A_886 = arith.index_cast %parallel_loop3A_734 : i32 to index
      %parallel_loop3A_887 = arith.constant 208 : index
      %parallel_loop3A_888 = tpu.vector_load %arg11[%parallel_loop3A_886, %parallel_loop3A_887] {strides = array<i32>} : memref<64x768xf32, #tpu.memory_space<vmem>>, vector<16xf32>,
      tpu.vector_store %arg11[%parallel_loop3A_886, %parallel_loop3A_887], %parallel_loop3A_885 {strides = array<i32>} : memref<64x768xf32, #tpu.memory_space<vmem>>, vector<16xf32>,
      %parallel_loop3A_889 = arith.index_cast %parallel_loop3A_734 : i32 to index
      %parallel_loop3A_890 = arith.constant 224 : index
      %parallel_loop3A_891 = tpu.vector_load %arg11[%parallel_loop3A_889, %parallel_loop3A_890] {strides = array<i32>} : memref<64x768xf32, #tpu.memory_space<vmem>>, vector<16xf32>,
      %parallel_loop3A_892 = arith.constant 0 : i32
      %parallel_loop3A_893 = arith.index_cast %parallel_loop3A_892 : i32 to index
      %parallel_loop3A_894 = arith.constant 224 : index
      %parallel_loop3A_895 = tpu.vector_load %arg12[%parallel_loop3A_893, %parallel_loop3A_894] {strides = array<i32>} : memref<2x768xf32, #tpu.memory_space<vmem>>, vector<16xf32>,
      %parallel_loop3A_896 = arith.addf %parallel_loop3A_891, %parallel_loop3A_895 : vector<16xf32>
      %parallel_loop3A_897 = arith.index_cast %parallel_loop3A_734 : i32 to index
      %parallel_loop3A_898 = arith.constant 224 : index
      %parallel_loop3A_899 = tpu.vector_load %arg11[%parallel_loop3A_897, %parallel_loop3A_898] {strides = array<i32>} : memref<64x768xf32, #tpu.memory_space<vmem>>, vector<16xf32>,
      tpu.vector_store %arg11[%parallel_loop3A_897, %parallel_loop3A_898], %parallel_loop3A_896 {strides = array<i32>} : memref<64x768xf32, #tpu.memory_space<vmem>>, vector<16xf32>,
      %parallel_loop3A_900 = arith.index_cast %parallel_loop3A_734 : i32 to index
      %parallel_loop3A_901 = arith.constant 240 : index
      %parallel_loop3A_902 = tpu.vector_load %arg11[%parallel_loop3A_900, %parallel_loop3A_901] {strides = array<i32>} : memref<64x768xf32, #tpu.memory_space<vmem>>, vector<16xf32>,
      %parallel_loop3A_903 = arith.constant 0 : i32
      %parallel_loop3A_904 = arith.index_cast %parallel_loop3A_903 : i32 to index
      %parallel_loop3A_905 = arith.constant 240 : index
      %parallel_loop3A_906 = tpu.vector_load %arg12[%parallel_loop3A_904, %parallel_loop3A_905] {strides = array<i32>} : memref<2x768xf32, #tpu.memory_space<vmem>>, vector<16xf32>,
      %parallel_loop3A_907 = arith.addf %parallel_loop3A_902, %parallel_loop3A_906 : vector<16xf32>
      %parallel_loop3A_908 = arith.index_cast %parallel_loop3A_734 : i32 to index
      %parallel_loop3A_909 = arith.constant 240 : index
      %parallel_loop3A_910 = tpu.vector_load %arg11[%parallel_loop3A_908, %parallel_loop3A_909] {strides = array<i32>} : memref<64x768xf32, #tpu.memory_space<vmem>>, vector<16xf32>,
      tpu.vector_store %arg11[%parallel_loop3A_908, %parallel_loop3A_909], %parallel_loop3A_907 {strides = array<i32>} : memref<64x768xf32, #tpu.memory_space<vmem>>, vector<16xf32>,
      %parallel_loop3A_911 = arith.index_cast %parallel_loop3A_734 : i32 to index
      %parallel_loop3A_912 = arith.constant 256 : index
      %parallel_loop3A_913 = tpu.vector_load %arg11[%parallel_loop3A_911, %parallel_loop3A_912] {strides = array<i32>} : memref<64x768xf32, #tpu.memory_space<vmem>>, vector<16xf32>,
      %parallel_loop3A_914 = arith.constant 0 : i32
      %parallel_loop3A_915 = arith.index_cast %parallel_loop3A_914 : i32 to index
      %parallel_loop3A_916 = arith.constant 256 : index
      %parallel_loop3A_917 = tpu.vector_load %arg12[%parallel_loop3A_915, %parallel_loop3A_916] {strides = array<i32>} : memref<2x768xf32, #tpu.memory_space<vmem>>, vector<16xf32>,
      %parallel_loop3A_918 = arith.addf %parallel_loop3A_913, %parallel_loop3A_917 : vector<16xf32>
      %parallel_loop3A_919 = arith.index_cast %parallel_loop3A_734 : i32 to index
      %parallel_loop3A_920 = arith.constant 256 : index
      %parallel_loop3A_921 = tpu.vector_load %arg11[%parallel_loop3A_919, %parallel_loop3A_920] {strides = array<i32>} : memref<64x768xf32, #tpu.memory_space<vmem>>, vector<16xf32>,
      tpu.vector_store %arg11[%parallel_loop3A_919, %parallel_loop3A_920], %parallel_loop3A_918 {strides = array<i32>} : memref<64x768xf32, #tpu.memory_space<vmem>>, vector<16xf32>,
      %parallel_loop3A_922 = arith.index_cast %parallel_loop3A_734 : i32 to index
      %parallel_loop3A_923 = arith.constant 272 : index
      %parallel_loop3A_924 = tpu.vector_load %arg11[%parallel_loop3A_922, %parallel_loop3A_923] {strides = array<i32>} : memref<64x768xf32, #tpu.memory_space<vmem>>, vector<16xf32>,
      %parallel_loop3A_925 = arith.constant 0 : i32
      %parallel_loop3A_926 = arith.index_cast %parallel_loop3A_925 : i32 to index
      %parallel_loop3A_927 = arith.constant 272 : index
      %parallel_loop3A_928 = tpu.vector_load %arg12[%parallel_loop3A_926, %parallel_loop3A_927] {strides = array<i32>} : memref<2x768xf32, #tpu.memory_space<vmem>>, vector<16xf32>,
      %parallel_loop3A_929 = arith.addf %parallel_loop3A_924, %parallel_loop3A_928 : vector<16xf32>
      %parallel_loop3A_930 = arith.index_cast %parallel_loop3A_734 : i32 to index
      %parallel_loop3A_931 = arith.constant 272 : index
      %parallel_loop3A_932 = tpu.vector_load %arg11[%parallel_loop3A_930, %parallel_loop3A_931] {strides = array<i32>} : memref<64x768xf32, #tpu.memory_space<vmem>>, vector<16xf32>,
      tpu.vector_store %arg11[%parallel_loop3A_930, %parallel_loop3A_931], %parallel_loop3A_929 {strides = array<i32>} : memref<64x768xf32, #tpu.memory_space<vmem>>, vector<16xf32>,
      %parallel_loop3A_933 = arith.index_cast %parallel_loop3A_734 : i32 to index
      %parallel_loop3A_934 = arith.constant 288 : index
      %parallel_loop3A_935 = tpu.vector_load %arg11[%parallel_loop3A_933, %parallel_loop3A_934] {strides = array<i32>} : memref<64x768xf32, #tpu.memory_space<vmem>>, vector<16xf32>,
      %parallel_loop3A_936 = arith.constant 0 : i32
      %parallel_loop3A_937 = arith.index_cast %parallel_loop3A_936 : i32 to index
      %parallel_loop3A_938 = arith.constant 288 : index
      %parallel_loop3A_939 = tpu.vector_load %arg12[%parallel_loop3A_937, %parallel_loop3A_938] {strides = array<i32>} : memref<2x768xf32, #tpu.memory_space<vmem>>, vector<16xf32>,
      %parallel_loop3A_940 = arith.addf %parallel_loop3A_935, %parallel_loop3A_939 : vector<16xf32>
      %parallel_loop3A_941 = arith.index_cast %parallel_loop3A_734 : i32 to index
      %parallel_loop3A_942 = arith.constant 288 : index
      %parallel_loop3A_943 = tpu.vector_load %arg11[%parallel_loop3A_941, %parallel_loop3A_942] {strides = array<i32>} : memref<64x768xf32, #tpu.memory_space<vmem>>, vector<16xf32>,
      tpu.vector_store %arg11[%parallel_loop3A_941, %parallel_loop3A_942], %parallel_loop3A_940 {strides = array<i32>} : memref<64x768xf32, #tpu.memory_space<vmem>>, vector<16xf32>,
      %parallel_loop3A_944 = arith.index_cast %parallel_loop3A_734 : i32 to index
      %parallel_loop3A_945 = arith.constant 304 : index
      %parallel_loop3A_946 = tpu.vector_load %arg11[%parallel_loop3A_944, %parallel_loop3A_945] {strides = array<i32>} : memref<64x768xf32, #tpu.memory_space<vmem>>, vector<16xf32>,
      %parallel_loop3A_947 = arith.constant 0 : i32
      %parallel_loop3A_948 = arith.index_cast %parallel_loop3A_947 : i32 to index
      %parallel_loop3A_949 = arith.constant 304 : index
      %parallel_loop3A_950 = tpu.vector_load %arg12[%parallel_loop3A_948, %parallel_loop3A_949] {strides = array<i32>} : memref<2x768xf32, #tpu.memory_space<vmem>>, vector<16xf32>,
      %parallel_loop3A_951 = arith.addf %parallel_loop3A_946, %parallel_loop3A_950 : vector<16xf32>
      %parallel_loop3A_952 = arith.index_cast %parallel_loop3A_734 : i32 to index
      %parallel_loop3A_953 = arith.constant 304 : index
      %parallel_loop3A_954 = tpu.vector_load %arg11[%parallel_loop3A_952, %parallel_loop3A_953] {strides = array<i32>} : memref<64x768xf32, #tpu.memory_space<vmem>>, vector<16xf32>,
      tpu.vector_store %arg11[%parallel_loop3A_952, %parallel_loop3A_953], %parallel_loop3A_951 {strides = array<i32>} : memref<64x768xf32, #tpu.memory_space<vmem>>, vector<16xf32>,
      %parallel_loop3A_955 = arith.index_cast %parallel_loop3A_734 : i32 to index
      %parallel_loop3A_956 = arith.constant 320 : index
      %parallel_loop3A_957 = tpu.vector_load %arg11[%parallel_loop3A_955, %parallel_loop3A_956] {strides = array<i32>} : memref<64x768xf32, #tpu.memory_space<vmem>>, vector<16xf32>,
      %parallel_loop3A_958 = arith.constant 0 : i32
      %parallel_loop3A_959 = arith.index_cast %parallel_loop3A_958 : i32 to index
      %parallel_loop3A_960 = arith.constant 320 : index
      %parallel_loop3A_961 = tpu.vector_load %arg12[%parallel_loop3A_959, %parallel_loop3A_960] {strides = array<i32>} : memref<2x768xf32, #tpu.memory_space<vmem>>, vector<16xf32>,
      %parallel_loop3A_962 = arith.addf %parallel_loop3A_957, %parallel_loop3A_961 : vector<16xf32>
      %parallel_loop3A_963 = arith.index_cast %parallel_loop3A_734 : i32 to index
      %parallel_loop3A_964 = arith.constant 320 : index
      %parallel_loop3A_965 = tpu.vector_load %arg11[%parallel_loop3A_963, %parallel_loop3A_964] {strides = array<i32>} : memref<64x768xf32, #tpu.memory_space<vmem>>, vector<16xf32>,
      tpu.vector_store %arg11[%parallel_loop3A_963, %parallel_loop3A_964], %parallel_loop3A_962 {strides = array<i32>} : memref<64x768xf32, #tpu.memory_space<vmem>>, vector<16xf32>,
      %parallel_loop3A_966 = arith.index_cast %parallel_loop3A_734 : i32 to index
      %parallel_loop3A_967 = arith.constant 336 : index
      %parallel_loop3A_968 = tpu.vector_load %arg11[%parallel_loop3A_966, %parallel_loop3A_967] {strides = array<i32>} : memref<64x768xf32, #tpu.memory_space<vmem>>, vector<16xf32>,
      %parallel_loop3A_969 = arith.constant 0 : i32
      %parallel_loop3A_970 = arith.index_cast %parallel_loop3A_969 : i32 to index
      %parallel_loop3A_971 = arith.constant 336 : index
      %parallel_loop3A_972 = tpu.vector_load %arg12[%parallel_loop3A_970, %parallel_loop3A_971] {strides = array<i32>} : memref<2x768xf32, #tpu.memory_space<vmem>>, vector<16xf32>,
      %parallel_loop3A_973 = arith.addf %parallel_loop3A_968, %parallel_loop3A_972 : vector<16xf32>
      %parallel_loop3A_974 = arith.index_cast %parallel_loop3A_734 : i32 to index
      %parallel_loop3A_975 = arith.constant 336 : index
      %parallel_loop3A_976 = tpu.vector_load %arg11[%parallel_loop3A_974, %parallel_loop3A_975] {strides = array<i32>} : memref<64x768xf32, #tpu.memory_space<vmem>>, vector<16xf32>,
      tpu.vector_store %arg11[%parallel_loop3A_974, %parallel_loop3A_975], %parallel_loop3A_973 {strides = array<i32>} : memref<64x768xf32, #tpu.memory_space<vmem>>, vector<16xf32>,
      %parallel_loop3A_977 = arith.index_cast %parallel_loop3A_734 : i32 to index
      %parallel_loop3A_978 = arith.constant 352 : index
      %parallel_loop3A_979 = tpu.vector_load %arg11[%parallel_loop3A_977, %parallel_loop3A_978] {strides = array<i32>} : memref<64x768xf32, #tpu.memory_space<vmem>>, vector<16xf32>,
      %parallel_loop3A_980 = arith.constant 0 : i32
      %parallel_loop3A_981 = arith.index_cast %parallel_loop3A_980 : i32 to index
      %parallel_loop3A_982 = arith.constant 352 : index
      %parallel_loop3A_983 = tpu.vector_load %arg12[%parallel_loop3A_981, %parallel_loop3A_982] {strides = array<i32>} : memref<2x768xf32, #tpu.memory_space<vmem>>, vector<16xf32>,
      %parallel_loop3A_984 = arith.addf %parallel_loop3A_979, %parallel_loop3A_983 : vector<16xf32>
      %parallel_loop3A_985 = arith.index_cast %parallel_loop3A_734 : i32 to index
      %parallel_loop3A_986 = arith.constant 352 : index
      %parallel_loop3A_987 = tpu.vector_load %arg11[%parallel_loop3A_985, %parallel_loop3A_986] {strides = array<i32>} : memref<64x768xf32, #tpu.memory_space<vmem>>, vector<16xf32>,
      tpu.vector_store %arg11[%parallel_loop3A_985, %parallel_loop3A_986], %parallel_loop3A_984 {strides = array<i32>} : memref<64x768xf32, #tpu.memory_space<vmem>>, vector<16xf32>,
      %parallel_loop3A_988 = arith.index_cast %parallel_loop3A_734 : i32 to index
      %parallel_loop3A_989 = arith.constant 368 : index
      %parallel_loop3A_990 = tpu.vector_load %arg11[%parallel_loop3A_988, %parallel_loop3A_989] {strides = array<i32>} : memref<64x768xf32, #tpu.memory_space<vmem>>, vector<16xf32>,
      %parallel_loop3A_991 = arith.constant 0 : i32
      %parallel_loop3A_992 = arith.index_cast %parallel_loop3A_991 : i32 to index
      %parallel_loop3A_993 = arith.constant 368 : index
      %parallel_loop3A_994 = tpu.vector_load %arg12[%parallel_loop3A_992, %parallel_loop3A_993] {strides = array<i32>} : memref<2x768xf32, #tpu.memory_space<vmem>>, vector<16xf32>,
      %parallel_loop3A_995 = arith.addf %parallel_loop3A_990, %parallel_loop3A_994 : vector<16xf32>
      %parallel_loop3A_996 = arith.index_cast %parallel_loop3A_734 : i32 to index
      %parallel_loop3A_997 = arith.constant 368 : index
      %parallel_loop3A_998 = tpu.vector_load %arg11[%parallel_loop3A_996, %parallel_loop3A_997] {strides = array<i32>} : memref<64x768xf32, #tpu.memory_space<vmem>>, vector<16xf32>,
      tpu.vector_store %arg11[%parallel_loop3A_996, %parallel_loop3A_997], %parallel_loop3A_995 {strides = array<i32>} : memref<64x768xf32, #tpu.memory_space<vmem>>, vector<16xf32>,
      %parallel_loop3A_999 = arith.index_cast %parallel_loop3A_734 : i32 to index
      %parallel_loop3A_1000 = arith.constant 384 : index
      %parallel_loop3A_1001 = tpu.vector_load %arg11[%parallel_loop3A_999, %parallel_loop3A_1000] {strides = array<i32>} : memref<64x768xf32, #tpu.memory_space<vmem>>, vector<16xf32>,
      %parallel_loop3A_1002 = arith.constant 0 : i32
      %parallel_loop3A_1003 = arith.index_cast %parallel_loop3A_1002 : i32 to index
      %parallel_loop3A_1004 = arith.constant 384 : index
      %parallel_loop3A_1005 = tpu.vector_load %arg12[%parallel_loop3A_1003, %parallel_loop3A_1004] {strides = array<i32>} : memref<2x768xf32, #tpu.memory_space<vmem>>, vector<16xf32>,
      %parallel_loop3A_1006 = arith.addf %parallel_loop3A_1001, %parallel_loop3A_1005 : vector<16xf32>
      %parallel_loop3A_1007 = arith.index_cast %parallel_loop3A_734 : i32 to index
      %parallel_loop3A_1008 = arith.constant 384 : index
      %parallel_loop3A_1009 = tpu.vector_load %arg11[%parallel_loop3A_1007, %parallel_loop3A_1008] {strides = array<i32>} : memref<64x768xf32, #tpu.memory_space<vmem>>, vector<16xf32>,
      tpu.vector_store %arg11[%parallel_loop3A_1007, %parallel_loop3A_1008], %parallel_loop3A_1006 {strides = array<i32>} : memref<64x768xf32, #tpu.memory_space<vmem>>, vector<16xf32>,
      %parallel_loop3A_1010 = arith.index_cast %parallel_loop3A_734 : i32 to index
      %parallel_loop3A_1011 = arith.constant 400 : index
      %parallel_loop3A_1012 = tpu.vector_load %arg11[%parallel_loop3A_1010, %parallel_loop3A_1011] {strides = array<i32>} : memref<64x768xf32, #tpu.memory_space<vmem>>, vector<16xf32>,
      %parallel_loop3A_1013 = arith.constant 0 : i32
      %parallel_loop3A_1014 = arith.index_cast %parallel_loop3A_1013 : i32 to index
      %parallel_loop3A_1015 = arith.constant 400 : index
      %parallel_loop3A_1016 = tpu.vector_load %arg12[%parallel_loop3A_1014, %parallel_loop3A_1015] {strides = array<i32>} : memref<2x768xf32, #tpu.memory_space<vmem>>, vector<16xf32>,
      %parallel_loop3A_1017 = arith.addf %parallel_loop3A_1012, %parallel_loop3A_1016 : vector<16xf32>
      %parallel_loop3A_1018 = arith.index_cast %parallel_loop3A_734 : i32 to index
      %parallel_loop3A_1019 = arith.constant 400 : index
      %parallel_loop3A_1020 = tpu.vector_load %arg11[%parallel_loop3A_1018, %parallel_loop3A_1019] {strides = array<i32>} : memref<64x768xf32, #tpu.memory_space<vmem>>, vector<16xf32>,
      tpu.vector_store %arg11[%parallel_loop3A_1018, %parallel_loop3A_1019], %parallel_loop3A_1017 {strides = array<i32>} : memref<64x768xf32, #tpu.memory_space<vmem>>, vector<16xf32>,
      %parallel_loop3A_1021 = arith.index_cast %parallel_loop3A_734 : i32 to index
      %parallel_loop3A_1022 = arith.constant 416 : index
      %parallel_loop3A_1023 = tpu.vector_load %arg11[%parallel_loop3A_1021, %parallel_loop3A_1022] {strides = array<i32>} : memref<64x768xf32, #tpu.memory_space<vmem>>, vector<16xf32>,
      %parallel_loop3A_1024 = arith.constant 0 : i32
      %parallel_loop3A_1025 = arith.index_cast %parallel_loop3A_1024 : i32 to index
      %parallel_loop3A_1026 = arith.constant 416 : index
      %parallel_loop3A_1027 = tpu.vector_load %arg12[%parallel_loop3A_1025, %parallel_loop3A_1026] {strides = array<i32>} : memref<2x768xf32, #tpu.memory_space<vmem>>, vector<16xf32>,
      %parallel_loop3A_1028 = arith.addf %parallel_loop3A_1023, %parallel_loop3A_1027 : vector<16xf32>
      %parallel_loop3A_1029 = arith.index_cast %parallel_loop3A_734 : i32 to index
      %parallel_loop3A_1030 = arith.constant 416 : index
      %parallel_loop3A_1031 = tpu.vector_load %arg11[%parallel_loop3A_1029, %parallel_loop3A_1030] {strides = array<i32>} : memref<64x768xf32, #tpu.memory_space<vmem>>, vector<16xf32>,
      tpu.vector_store %arg11[%parallel_loop3A_1029, %parallel_loop3A_1030], %parallel_loop3A_1028 {strides = array<i32>} : memref<64x768xf32, #tpu.memory_space<vmem>>, vector<16xf32>,
      %parallel_loop3A_1032 = arith.index_cast %parallel_loop3A_734 : i32 to index
      %parallel_loop3A_1033 = arith.constant 432 : index
      %parallel_loop3A_1034 = tpu.vector_load %arg11[%parallel_loop3A_1032, %parallel_loop3A_1033] {strides = array<i32>} : memref<64x768xf32, #tpu.memory_space<vmem>>, vector<16xf32>,
      %parallel_loop3A_1035 = arith.constant 0 : i32
      %parallel_loop3A_1036 = arith.index_cast %parallel_loop3A_1035 : i32 to index
      %parallel_loop3A_1037 = arith.constant 432 : index
      %parallel_loop3A_1038 = tpu.vector_load %arg12[%parallel_loop3A_1036, %parallel_loop3A_1037] {strides = array<i32>} : memref<2x768xf32, #tpu.memory_space<vmem>>, vector<16xf32>,
      %parallel_loop3A_1039 = arith.addf %parallel_loop3A_1034, %parallel_loop3A_1038 : vector<16xf32>
      %parallel_loop3A_1040 = arith.index_cast %parallel_loop3A_734 : i32 to index
      %parallel_loop3A_1041 = arith.constant 432 : index
      %parallel_loop3A_1042 = tpu.vector_load %arg11[%parallel_loop3A_1040, %parallel_loop3A_1041] {strides = array<i32>} : memref<64x768xf32, #tpu.memory_space<vmem>>, vector<16xf32>,
      tpu.vector_store %arg11[%parallel_loop3A_1040, %parallel_loop3A_1041], %parallel_loop3A_1039 {strides = array<i32>} : memref<64x768xf32, #tpu.memory_space<vmem>>, vector<16xf32>,
      %parallel_loop3A_1043 = arith.index_cast %parallel_loop3A_734 : i32 to index
      %parallel_loop3A_1044 = arith.constant 448 : index
      %parallel_loop3A_1045 = tpu.vector_load %arg11[%parallel_loop3A_1043, %parallel_loop3A_1044] {strides = array<i32>} : memref<64x768xf32, #tpu.memory_space<vmem>>, vector<16xf32>,
      %parallel_loop3A_1046 = arith.constant 0 : i32
      %parallel_loop3A_1047 = arith.index_cast %parallel_loop3A_1046 : i32 to index
      %parallel_loop3A_1048 = arith.constant 448 : index
      %parallel_loop3A_1049 = tpu.vector_load %arg12[%parallel_loop3A_1047, %parallel_loop3A_1048] {strides = array<i32>} : memref<2x768xf32, #tpu.memory_space<vmem>>, vector<16xf32>,
      %parallel_loop3A_1050 = arith.addf %parallel_loop3A_1045, %parallel_loop3A_1049 : vector<16xf32>
      %parallel_loop3A_1051 = arith.index_cast %parallel_loop3A_734 : i32 to index
      %parallel_loop3A_1052 = arith.constant 448 : index
      %parallel_loop3A_1053 = tpu.vector_load %arg11[%parallel_loop3A_1051, %parallel_loop3A_1052] {strides = array<i32>} : memref<64x768xf32, #tpu.memory_space<vmem>>, vector<16xf32>,
      tpu.vector_store %arg11[%parallel_loop3A_1051, %parallel_loop3A_1052], %parallel_loop3A_1050 {strides = array<i32>} : memref<64x768xf32, #tpu.memory_space<vmem>>, vector<16xf32>,
      %parallel_loop3A_1054 = arith.index_cast %parallel_loop3A_734 : i32 to index
      %parallel_loop3A_1055 = arith.constant 464 : index
      %parallel_loop3A_1056 = tpu.vector_load %arg11[%parallel_loop3A_1054, %parallel_loop3A_1055] {strides = array<i32>} : memref<64x768xf32, #tpu.memory_space<vmem>>, vector<16xf32>,
      %parallel_loop3A_1057 = arith.constant 0 : i32
      %parallel_loop3A_1058 = arith.index_cast %parallel_loop3A_1057 : i32 to index
      %parallel_loop3A_1059 = arith.constant 464 : index
      %parallel_loop3A_1060 = tpu.vector_load %arg12[%parallel_loop3A_1058, %parallel_loop3A_1059] {strides = array<i32>} : memref<2x768xf32, #tpu.memory_space<vmem>>, vector<16xf32>,
      %parallel_loop3A_1061 = arith.addf %parallel_loop3A_1056, %parallel_loop3A_1060 : vector<16xf32>
      %parallel_loop3A_1062 = arith.index_cast %parallel_loop3A_734 : i32 to index
      %parallel_loop3A_1063 = arith.constant 464 : index
      %parallel_loop3A_1064 = tpu.vector_load %arg11[%parallel_loop3A_1062, %parallel_loop3A_1063] {strides = array<i32>} : memref<64x768xf32, #tpu.memory_space<vmem>>, vector<16xf32>,
      tpu.vector_store %arg11[%parallel_loop3A_1062, %parallel_loop3A_1063], %parallel_loop3A_1061 {strides = array<i32>} : memref<64x768xf32, #tpu.memory_space<vmem>>, vector<16xf32>,
      %parallel_loop3A_1065 = arith.index_cast %parallel_loop3A_734 : i32 to index
      %parallel_loop3A_1066 = arith.constant 480 : index
      %parallel_loop3A_1067 = tpu.vector_load %arg11[%parallel_loop3A_1065, %parallel_loop3A_1066] {strides = array<i32>} : memref<64x768xf32, #tpu.memory_space<vmem>>, vector<16xf32>,
      %parallel_loop3A_1068 = arith.constant 0 : i32
      %parallel_loop3A_1069 = arith.index_cast %parallel_loop3A_1068 : i32 to index
      %parallel_loop3A_1070 = arith.constant 480 : index
      %parallel_loop3A_1071 = tpu.vector_load %arg12[%parallel_loop3A_1069, %parallel_loop3A_1070] {strides = array<i32>} : memref<2x768xf32, #tpu.memory_space<vmem>>, vector<16xf32>,
      %parallel_loop3A_1072 = arith.addf %parallel_loop3A_1067, %parallel_loop3A_1071 : vector<16xf32>
      %parallel_loop3A_1073 = arith.index_cast %parallel_loop3A_734 : i32 to index
      %parallel_loop3A_1074 = arith.constant 480 : index
      %parallel_loop3A_1075 = tpu.vector_load %arg11[%parallel_loop3A_1073, %parallel_loop3A_1074] {strides = array<i32>} : memref<64x768xf32, #tpu.memory_space<vmem>>, vector<16xf32>,
      tpu.vector_store %arg11[%parallel_loop3A_1073, %parallel_loop3A_1074], %parallel_loop3A_1072 {strides = array<i32>} : memref<64x768xf32, #tpu.memory_space<vmem>>, vector<16xf32>,
      %parallel_loop3A_1076 = arith.index_cast %parallel_loop3A_734 : i32 to index
      %parallel_loop3A_1077 = arith.constant 496 : index
      %parallel_loop3A_1078 = tpu.vector_load %arg11[%parallel_loop3A_1076, %parallel_loop3A_1077] {strides = array<i32>} : memref<64x768xf32, #tpu.memory_space<vmem>>, vector<16xf32>,
      %parallel_loop3A_1079 = arith.constant 0 : i32
      %parallel_loop3A_1080 = arith.index_cast %parallel_loop3A_1079 : i32 to index
      %parallel_loop3A_1081 = arith.constant 496 : index
      %parallel_loop3A_1082 = tpu.vector_load %arg12[%parallel_loop3A_1080, %parallel_loop3A_1081] {strides = array<i32>} : memref<2x768xf32, #tpu.memory_space<vmem>>, vector<16xf32>,
      %parallel_loop3A_1083 = arith.addf %parallel_loop3A_1078, %parallel_loop3A_1082 : vector<16xf32>
      %parallel_loop3A_1084 = arith.index_cast %parallel_loop3A_734 : i32 to index
      %parallel_loop3A_1085 = arith.constant 496 : index
      %parallel_loop3A_1086 = tpu.vector_load %arg11[%parallel_loop3A_1084, %parallel_loop3A_1085] {strides = array<i32>} : memref<64x768xf32, #tpu.memory_space<vmem>>, vector<16xf32>,
      tpu.vector_store %arg11[%parallel_loop3A_1084, %parallel_loop3A_1085], %parallel_loop3A_1083 {strides = array<i32>} : memref<64x768xf32, #tpu.memory_space<vmem>>, vector<16xf32>,
      %parallel_loop3A_1087 = arith.index_cast %parallel_loop3A_734 : i32 to index
      %parallel_loop3A_1088 = arith.constant 512 : index
      %parallel_loop3A_1089 = tpu.vector_load %arg11[%parallel_loop3A_1087, %parallel_loop3A_1088] {strides = array<i32>} : memref<64x768xf32, #tpu.memory_space<vmem>>, vector<16xf32>,
      %parallel_loop3A_1090 = arith.constant 0 : i32
      %parallel_loop3A_1091 = arith.index_cast %parallel_loop3A_1090 : i32 to index
      %parallel_loop3A_1092 = arith.constant 512 : index
      %parallel_loop3A_1093 = tpu.vector_load %arg12[%parallel_loop3A_1091, %parallel_loop3A_1092] {strides = array<i32>} : memref<2x768xf32, #tpu.memory_space<vmem>>, vector<16xf32>,
      %parallel_loop3A_1094 = arith.addf %parallel_loop3A_1089, %parallel_loop3A_1093 : vector<16xf32>
      %parallel_loop3A_1095 = arith.index_cast %parallel_loop3A_734 : i32 to index
      %parallel_loop3A_1096 = arith.constant 512 : index
      %parallel_loop3A_1097 = tpu.vector_load %arg11[%parallel_loop3A_1095, %parallel_loop3A_1096] {strides = array<i32>} : memref<64x768xf32, #tpu.memory_space<vmem>>, vector<16xf32>,
      tpu.vector_store %arg11[%parallel_loop3A_1095, %parallel_loop3A_1096], %parallel_loop3A_1094 {strides = array<i32>} : memref<64x768xf32, #tpu.memory_space<vmem>>, vector<16xf32>,
      %parallel_loop3A_1098 = arith.index_cast %parallel_loop3A_734 : i32 to index
      %parallel_loop3A_1099 = arith.constant 528 : index
      %parallel_loop3A_1100 = tpu.vector_load %arg11[%parallel_loop3A_1098, %parallel_loop3A_1099] {strides = array<i32>} : memref<64x768xf32, #tpu.memory_space<vmem>>, vector<16xf32>,
      %parallel_loop3A_1101 = arith.constant 0 : i32
      %parallel_loop3A_1102 = arith.index_cast %parallel_loop3A_1101 : i32 to index
      %parallel_loop3A_1103 = arith.constant 528 : index
      %parallel_loop3A_1104 = tpu.vector_load %arg12[%parallel_loop3A_1102, %parallel_loop3A_1103] {strides = array<i32>} : memref<2x768xf32, #tpu.memory_space<vmem>>, vector<16xf32>,
      %parallel_loop3A_1105 = arith.addf %parallel_loop3A_1100, %parallel_loop3A_1104 : vector<16xf32>
      %parallel_loop3A_1106 = arith.index_cast %parallel_loop3A_734 : i32 to index
      %parallel_loop3A_1107 = arith.constant 528 : index
      %parallel_loop3A_1108 = tpu.vector_load %arg11[%parallel_loop3A_1106, %parallel_loop3A_1107] {strides = array<i32>} : memref<64x768xf32, #tpu.memory_space<vmem>>, vector<16xf32>,
      tpu.vector_store %arg11[%parallel_loop3A_1106, %parallel_loop3A_1107], %parallel_loop3A_1105 {strides = array<i32>} : memref<64x768xf32, #tpu.memory_space<vmem>>, vector<16xf32>,
      %parallel_loop3A_1109 = arith.index_cast %parallel_loop3A_734 : i32 to index
      %parallel_loop3A_1110 = arith.constant 544 : index
      %parallel_loop3A_1111 = tpu.vector_load %arg11[%parallel_loop3A_1109, %parallel_loop3A_1110] {strides = array<i32>} : memref<64x768xf32, #tpu.memory_space<vmem>>, vector<16xf32>,
      %parallel_loop3A_1112 = arith.constant 0 : i32
      %parallel_loop3A_1113 = arith.index_cast %parallel_loop3A_1112 : i32 to index
      %parallel_loop3A_1114 = arith.constant 544 : index
      %parallel_loop3A_1115 = tpu.vector_load %arg12[%parallel_loop3A_1113, %parallel_loop3A_1114] {strides = array<i32>} : memref<2x768xf32, #tpu.memory_space<vmem>>, vector<16xf32>,
      %parallel_loop3A_1116 = arith.addf %parallel_loop3A_1111, %parallel_loop3A_1115 : vector<16xf32>
      %parallel_loop3A_1117 = arith.index_cast %parallel_loop3A_734 : i32 to index
      %parallel_loop3A_1118 = arith.constant 544 : index
      %parallel_loop3A_1119 = tpu.vector_load %arg11[%parallel_loop3A_1117, %parallel_loop3A_1118] {strides = array<i32>} : memref<64x768xf32, #tpu.memory_space<vmem>>, vector<16xf32>,
      tpu.vector_store %arg11[%parallel_loop3A_1117, %parallel_loop3A_1118], %parallel_loop3A_1116 {strides = array<i32>} : memref<64x768xf32, #tpu.memory_space<vmem>>, vector<16xf32>,
      %parallel_loop3A_1120 = arith.index_cast %parallel_loop3A_734 : i32 to index
      %parallel_loop3A_1121 = arith.constant 560 : index
      %parallel_loop3A_1122 = tpu.vector_load %arg11[%parallel_loop3A_1120, %parallel_loop3A_1121] {strides = array<i32>} : memref<64x768xf32, #tpu.memory_space<vmem>>, vector<16xf32>,
      %parallel_loop3A_1123 = arith.constant 0 : i32
      %parallel_loop3A_1124 = arith.index_cast %parallel_loop3A_1123 : i32 to index
      %parallel_loop3A_1125 = arith.constant 560 : index
      %parallel_loop3A_1126 = tpu.vector_load %arg12[%parallel_loop3A_1124, %parallel_loop3A_1125] {strides = array<i32>} : memref<2x768xf32, #tpu.memory_space<vmem>>, vector<16xf32>,
      %parallel_loop3A_1127 = arith.addf %parallel_loop3A_1122, %parallel_loop3A_1126 : vector<16xf32>
      %parallel_loop3A_1128 = arith.index_cast %parallel_loop3A_734 : i32 to index
      %parallel_loop3A_1129 = arith.constant 560 : index
      %parallel_loop3A_1130 = tpu.vector_load %arg11[%parallel_loop3A_1128, %parallel_loop3A_1129] {strides = array<i32>} : memref<64x768xf32, #tpu.memory_space<vmem>>, vector<16xf32>,
      tpu.vector_store %arg11[%parallel_loop3A_1128, %parallel_loop3A_1129], %parallel_loop3A_1127 {strides = array<i32>} : memref<64x768xf32, #tpu.memory_space<vmem>>, vector<16xf32>,
      %parallel_loop3A_1131 = arith.index_cast %parallel_loop3A_734 : i32 to index
      %parallel_loop3A_1132 = arith.constant 576 : index
      %parallel_loop3A_1133 = tpu.vector_load %arg11[%parallel_loop3A_1131, %parallel_loop3A_1132] {strides = array<i32>} : memref<64x768xf32, #tpu.memory_space<vmem>>, vector<16xf32>,
      %parallel_loop3A_1134 = arith.constant 0 : i32
      %parallel_loop3A_1135 = arith.index_cast %parallel_loop3A_1134 : i32 to index
      %parallel_loop3A_1136 = arith.constant 576 : index
      %parallel_loop3A_1137 = tpu.vector_load %arg12[%parallel_loop3A_1135, %parallel_loop3A_1136] {strides = array<i32>} : memref<2x768xf32, #tpu.memory_space<vmem>>, vector<16xf32>,
      %parallel_loop3A_1138 = arith.addf %parallel_loop3A_1133, %parallel_loop3A_1137 : vector<16xf32>
      %parallel_loop3A_1139 = arith.index_cast %parallel_loop3A_734 : i32 to index
      %parallel_loop3A_1140 = arith.constant 576 : index
      %parallel_loop3A_1141 = tpu.vector_load %arg11[%parallel_loop3A_1139, %parallel_loop3A_1140] {strides = array<i32>} : memref<64x768xf32, #tpu.memory_space<vmem>>, vector<16xf32>,
      tpu.vector_store %arg11[%parallel_loop3A_1139, %parallel_loop3A_1140], %parallel_loop3A_1138 {strides = array<i32>} : memref<64x768xf32, #tpu.memory_space<vmem>>, vector<16xf32>,
      %parallel_loop3A_1142 = arith.index_cast %parallel_loop3A_734 : i32 to index
      %parallel_loop3A_1143 = arith.constant 592 : index
      %parallel_loop3A_1144 = tpu.vector_load %arg11[%parallel_loop3A_1142, %parallel_loop3A_1143] {strides = array<i32>} : memref<64x768xf32, #tpu.memory_space<vmem>>, vector<16xf32>,
      %parallel_loop3A_1145 = arith.constant 0 : i32
      %parallel_loop3A_1146 = arith.index_cast %parallel_loop3A_1145 : i32 to index
      %parallel_loop3A_1147 = arith.constant 592 : index
      %parallel_loop3A_1148 = tpu.vector_load %arg12[%parallel_loop3A_1146, %parallel_loop3A_1147] {strides = array<i32>} : memref<2x768xf32, #tpu.memory_space<vmem>>, vector<16xf32>,
      %parallel_loop3A_1149 = arith.addf %parallel_loop3A_1144, %parallel_loop3A_1148 : vector<16xf32>
      %parallel_loop3A_1150 = arith.index_cast %parallel_loop3A_734 : i32 to index
      %parallel_loop3A_1151 = arith.constant 592 : index
      %parallel_loop3A_1152 = tpu.vector_load %arg11[%parallel_loop3A_1150, %parallel_loop3A_1151] {strides = array<i32>} : memref<64x768xf32, #tpu.memory_space<vmem>>, vector<16xf32>,
      tpu.vector_store %arg11[%parallel_loop3A_1150, %parallel_loop3A_1151], %parallel_loop3A_1149 {strides = array<i32>} : memref<64x768xf32, #tpu.memory_space<vmem>>, vector<16xf32>,
      %parallel_loop3A_1153 = arith.index_cast %parallel_loop3A_734 : i32 to index
      %parallel_loop3A_1154 = arith.constant 608 : index
      %parallel_loop3A_1155 = tpu.vector_load %arg11[%parallel_loop3A_1153, %parallel_loop3A_1154] {strides = array<i32>} : memref<64x768xf32, #tpu.memory_space<vmem>>, vector<16xf32>,
      %parallel_loop3A_1156 = arith.constant 0 : i32
      %parallel_loop3A_1157 = arith.index_cast %parallel_loop3A_1156 : i32 to index
      %parallel_loop3A_1158 = arith.constant 608 : index
      %parallel_loop3A_1159 = tpu.vector_load %arg12[%parallel_loop3A_1157, %parallel_loop3A_1158] {strides = array<i32>} : memref<2x768xf32, #tpu.memory_space<vmem>>, vector<16xf32>,
      %parallel_loop3A_1160 = arith.addf %parallel_loop3A_1155, %parallel_loop3A_1159 : vector<16xf32>
      %parallel_loop3A_1161 = arith.index_cast %parallel_loop3A_734 : i32 to index
      %parallel_loop3A_1162 = arith.constant 608 : index
      %parallel_loop3A_1163 = tpu.vector_load %arg11[%parallel_loop3A_1161, %parallel_loop3A_1162] {strides = array<i32>} : memref<64x768xf32, #tpu.memory_space<vmem>>, vector<16xf32>,
      tpu.vector_store %arg11[%parallel_loop3A_1161, %parallel_loop3A_1162], %parallel_loop3A_1160 {strides = array<i32>} : memref<64x768xf32, #tpu.memory_space<vmem>>, vector<16xf32>,
      %parallel_loop3A_1164 = arith.index_cast %parallel_loop3A_734 : i32 to index
      %parallel_loop3A_1165 = arith.constant 624 : index
      %parallel_loop3A_1166 = tpu.vector_load %arg11[%parallel_loop3A_1164, %parallel_loop3A_1165] {strides = array<i32>} : memref<64x768xf32, #tpu.memory_space<vmem>>, vector<16xf32>,
      %parallel_loop3A_1167 = arith.constant 0 : i32
      %parallel_loop3A_1168 = arith.index_cast %parallel_loop3A_1167 : i32 to index
      %parallel_loop3A_1169 = arith.constant 624 : index
      %parallel_loop3A_1170 = tpu.vector_load %arg12[%parallel_loop3A_1168, %parallel_loop3A_1169] {strides = array<i32>} : memref<2x768xf32, #tpu.memory_space<vmem>>, vector<16xf32>,
      %parallel_loop3A_1171 = arith.addf %parallel_loop3A_1166, %parallel_loop3A_1170 : vector<16xf32>
      %parallel_loop3A_1172 = arith.index_cast %parallel_loop3A_734 : i32 to index
      %parallel_loop3A_1173 = arith.constant 624 : index
      %parallel_loop3A_1174 = tpu.vector_load %arg11[%parallel_loop3A_1172, %parallel_loop3A_1173] {strides = array<i32>} : memref<64x768xf32, #tpu.memory_space<vmem>>, vector<16xf32>,
      tpu.vector_store %arg11[%parallel_loop3A_1172, %parallel_loop3A_1173], %parallel_loop3A_1171 {strides = array<i32>} : memref<64x768xf32, #tpu.memory_space<vmem>>, vector<16xf32>,
      %parallel_loop3A_1175 = arith.index_cast %parallel_loop3A_734 : i32 to index
      %parallel_loop3A_1176 = arith.constant 640 : index
      %parallel_loop3A_1177 = tpu.vector_load %arg11[%parallel_loop3A_1175, %parallel_loop3A_1176] {strides = array<i32>} : memref<64x768xf32, #tpu.memory_space<vmem>>, vector<16xf32>,
      %parallel_loop3A_1178 = arith.constant 0 : i32
      %parallel_loop3A_1179 = arith.index_cast %parallel_loop3A_1178 : i32 to index
      %parallel_loop3A_1180 = arith.constant 640 : index
      %parallel_loop3A_1181 = tpu.vector_load %arg12[%parallel_loop3A_1179, %parallel_loop3A_1180] {strides = array<i32>} : memref<2x768xf32, #tpu.memory_space<vmem>>, vector<16xf32>,
      %parallel_loop3A_1182 = arith.addf %parallel_loop3A_1177, %parallel_loop3A_1181 : vector<16xf32>
      %parallel_loop3A_1183 = arith.index_cast %parallel_loop3A_734 : i32 to index
      %parallel_loop3A_1184 = arith.constant 640 : index
      %parallel_loop3A_1185 = tpu.vector_load %arg11[%parallel_loop3A_1183, %parallel_loop3A_1184] {strides = array<i32>} : memref<64x768xf32, #tpu.memory_space<vmem>>, vector<16xf32>,
      tpu.vector_store %arg11[%parallel_loop3A_1183, %parallel_loop3A_1184], %parallel_loop3A_1182 {strides = array<i32>} : memref<64x768xf32, #tpu.memory_space<vmem>>, vector<16xf32>,
      %parallel_loop3A_1186 = arith.index_cast %parallel_loop3A_734 : i32 to index
      %parallel_loop3A_1187 = arith.constant 656 : index
      %parallel_loop3A_1188 = tpu.vector_load %arg11[%parallel_loop3A_1186, %parallel_loop3A_1187] {strides = array<i32>} : memref<64x768xf32, #tpu.memory_space<vmem>>, vector<16xf32>,
      %parallel_loop3A_1189 = arith.constant 0 : i32
      %parallel_loop3A_1190 = arith.index_cast %parallel_loop3A_1189 : i32 to index
      %parallel_loop3A_1191 = arith.constant 656 : index
      %parallel_loop3A_1192 = tpu.vector_load %arg12[%parallel_loop3A_1190, %parallel_loop3A_1191] {strides = array<i32>} : memref<2x768xf32, #tpu.memory_space<vmem>>, vector<16xf32>,
      %parallel_loop3A_1193 = arith.addf %parallel_loop3A_1188, %parallel_loop3A_1192 : vector<16xf32>
      %parallel_loop3A_1194 = arith.index_cast %parallel_loop3A_734 : i32 to index
      %parallel_loop3A_1195 = arith.constant 656 : index
      %parallel_loop3A_1196 = tpu.vector_load %arg11[%parallel_loop3A_1194, %parallel_loop3A_1195] {strides = array<i32>} : memref<64x768xf32, #tpu.memory_space<vmem>>, vector<16xf32>,
      tpu.vector_store %arg11[%parallel_loop3A_1194, %parallel_loop3A_1195], %parallel_loop3A_1193 {strides = array<i32>} : memref<64x768xf32, #tpu.memory_space<vmem>>, vector<16xf32>,
      %parallel_loop3A_1197 = arith.index_cast %parallel_loop3A_734 : i32 to index
      %parallel_loop3A_1198 = arith.constant 672 : index
      %parallel_loop3A_1199 = tpu.vector_load %arg11[%parallel_loop3A_1197, %parallel_loop3A_1198] {strides = array<i32>} : memref<64x768xf32, #tpu.memory_space<vmem>>, vector<16xf32>,
      %parallel_loop3A_1200 = arith.constant 0 : i32
      %parallel_loop3A_1201 = arith.index_cast %parallel_loop3A_1200 : i32 to index
      %parallel_loop3A_1202 = arith.constant 672 : index
      %parallel_loop3A_1203 = tpu.vector_load %arg12[%parallel_loop3A_1201, %parallel_loop3A_1202] {strides = array<i32>} : memref<2x768xf32, #tpu.memory_space<vmem>>, vector<16xf32>,
      %parallel_loop3A_1204 = arith.addf %parallel_loop3A_1199, %parallel_loop3A_1203 : vector<16xf32>
      %parallel_loop3A_1205 = arith.index_cast %parallel_loop3A_734 : i32 to index
      %parallel_loop3A_1206 = arith.constant 672 : index
      %parallel_loop3A_1207 = tpu.vector_load %arg11[%parallel_loop3A_1205, %parallel_loop3A_1206] {strides = array<i32>} : memref<64x768xf32, #tpu.memory_space<vmem>>, vector<16xf32>,
      tpu.vector_store %arg11[%parallel_loop3A_1205, %parallel_loop3A_1206], %parallel_loop3A_1204 {strides = array<i32>} : memref<64x768xf32, #tpu.memory_space<vmem>>, vector<16xf32>,
      %parallel_loop3A_1208 = arith.index_cast %parallel_loop3A_734 : i32 to index
      %parallel_loop3A_1209 = arith.constant 688 : index
      %parallel_loop3A_1210 = tpu.vector_load %arg11[%parallel_loop3A_1208, %parallel_loop3A_1209] {strides = array<i32>} : memref<64x768xf32, #tpu.memory_space<vmem>>, vector<16xf32>,
      %parallel_loop3A_1211 = arith.constant 0 : i32
      %parallel_loop3A_1212 = arith.index_cast %parallel_loop3A_1211 : i32 to index
      %parallel_loop3A_1213 = arith.constant 688 : index
      %parallel_loop3A_1214 = tpu.vector_load %arg12[%parallel_loop3A_1212, %parallel_loop3A_1213] {strides = array<i32>} : memref<2x768xf32, #tpu.memory_space<vmem>>, vector<16xf32>,
      %parallel_loop3A_1215 = arith.addf %parallel_loop3A_1210, %parallel_loop3A_1214 : vector<16xf32>
      %parallel_loop3A_1216 = arith.index_cast %parallel_loop3A_734 : i32 to index
      %parallel_loop3A_1217 = arith.constant 688 : index
      %parallel_loop3A_1218 = tpu.vector_load %arg11[%parallel_loop3A_1216, %parallel_loop3A_1217] {strides = array<i32>} : memref<64x768xf32, #tpu.memory_space<vmem>>, vector<16xf32>,
      tpu.vector_store %arg11[%parallel_loop3A_1216, %parallel_loop3A_1217], %parallel_loop3A_1215 {strides = array<i32>} : memref<64x768xf32, #tpu.memory_space<vmem>>, vector<16xf32>,
      %parallel_loop3A_1219 = arith.index_cast %parallel_loop3A_734 : i32 to index
      %parallel_loop3A_1220 = arith.constant 704 : index
      %parallel_loop3A_1221 = tpu.vector_load %arg11[%parallel_loop3A_1219, %parallel_loop3A_1220] {strides = array<i32>} : memref<64x768xf32, #tpu.memory_space<vmem>>, vector<16xf32>,
      %parallel_loop3A_1222 = arith.constant 0 : i32
      %parallel_loop3A_1223 = arith.index_cast %parallel_loop3A_1222 : i32 to index
      %parallel_loop3A_1224 = arith.constant 704 : index
      %parallel_loop3A_1225 = tpu.vector_load %arg12[%parallel_loop3A_1223, %parallel_loop3A_1224] {strides = array<i32>} : memref<2x768xf32, #tpu.memory_space<vmem>>, vector<16xf32>,
      %parallel_loop3A_1226 = arith.addf %parallel_loop3A_1221, %parallel_loop3A_1225 : vector<16xf32>
      %parallel_loop3A_1227 = arith.index_cast %parallel_loop3A_734 : i32 to index
      %parallel_loop3A_1228 = arith.constant 704 : index
      %parallel_loop3A_1229 = tpu.vector_load %arg11[%parallel_loop3A_1227, %parallel_loop3A_1228] {strides = array<i32>} : memref<64x768xf32, #tpu.memory_space<vmem>>, vector<16xf32>,
      tpu.vector_store %arg11[%parallel_loop3A_1227, %parallel_loop3A_1228], %parallel_loop3A_1226 {strides = array<i32>} : memref<64x768xf32, #tpu.memory_space<vmem>>, vector<16xf32>,
      %parallel_loop3A_1230 = arith.index_cast %parallel_loop3A_734 : i32 to index
      %parallel_loop3A_1231 = arith.constant 720 : index
      %parallel_loop3A_1232 = tpu.vector_load %arg11[%parallel_loop3A_1230, %parallel_loop3A_1231] {strides = array<i32>} : memref<64x768xf32, #tpu.memory_space<vmem>>, vector<16xf32>,
      %parallel_loop3A_1233 = arith.constant 0 : i32
      %parallel_loop3A_1234 = arith.index_cast %parallel_loop3A_1233 : i32 to index
      %parallel_loop3A_1235 = arith.constant 720 : index
      %parallel_loop3A_1236 = tpu.vector_load %arg12[%parallel_loop3A_1234, %parallel_loop3A_1235] {strides = array<i32>} : memref<2x768xf32, #tpu.memory_space<vmem>>, vector<16xf32>,
      %parallel_loop3A_1237 = arith.addf %parallel_loop3A_1232, %parallel_loop3A_1236 : vector<16xf32>
      %parallel_loop3A_1238 = arith.index_cast %parallel_loop3A_734 : i32 to index
      %parallel_loop3A_1239 = arith.constant 720 : index
      %parallel_loop3A_1240 = tpu.vector_load %arg11[%parallel_loop3A_1238, %parallel_loop3A_1239] {strides = array<i32>} : memref<64x768xf32, #tpu.memory_space<vmem>>, vector<16xf32>,
      tpu.vector_store %arg11[%parallel_loop3A_1238, %parallel_loop3A_1239], %parallel_loop3A_1237 {strides = array<i32>} : memref<64x768xf32, #tpu.memory_space<vmem>>, vector<16xf32>,
      %parallel_loop3A_1241 = arith.index_cast %parallel_loop3A_734 : i32 to index
      %parallel_loop3A_1242 = arith.constant 736 : index
      %parallel_loop3A_1243 = tpu.vector_load %arg11[%parallel_loop3A_1241, %parallel_loop3A_1242] {strides = array<i32>} : memref<64x768xf32, #tpu.memory_space<vmem>>, vector<16xf32>,
      %parallel_loop3A_1244 = arith.constant 0 : i32
      %parallel_loop3A_1245 = arith.index_cast %parallel_loop3A_1244 : i32 to index
      %parallel_loop3A_1246 = arith.constant 736 : index
      %parallel_loop3A_1247 = tpu.vector_load %arg12[%parallel_loop3A_1245, %parallel_loop3A_1246] {strides = array<i32>} : memref<2x768xf32, #tpu.memory_space<vmem>>, vector<16xf32>,
      %parallel_loop3A_1248 = arith.addf %parallel_loop3A_1243, %parallel_loop3A_1247 : vector<16xf32>
      %parallel_loop3A_1249 = arith.index_cast %parallel_loop3A_734 : i32 to index
      %parallel_loop3A_1250 = arith.constant 736 : index
      %parallel_loop3A_1251 = tpu.vector_load %arg11[%parallel_loop3A_1249, %parallel_loop3A_1250] {strides = array<i32>} : memref<64x768xf32, #tpu.memory_space<vmem>>, vector<16xf32>,
      tpu.vector_store %arg11[%parallel_loop3A_1249, %parallel_loop3A_1250], %parallel_loop3A_1248 {strides = array<i32>} : memref<64x768xf32, #tpu.memory_space<vmem>>, vector<16xf32>,
      %parallel_loop3A_1252 = arith.index_cast %parallel_loop3A_734 : i32 to index
      %parallel_loop3A_1253 = arith.constant 752 : index
      %parallel_loop3A_1254 = tpu.vector_load %arg11[%parallel_loop3A_1252, %parallel_loop3A_1253] {strides = array<i32>} : memref<64x768xf32, #tpu.memory_space<vmem>>, vector<16xf32>,
      %parallel_loop3A_1255 = arith.constant 0 : i32
      %parallel_loop3A_1256 = arith.index_cast %parallel_loop3A_1255 : i32 to index
      %parallel_loop3A_1257 = arith.constant 752 : index
      %parallel_loop3A_1258 = tpu.vector_load %arg12[%parallel_loop3A_1256, %parallel_loop3A_1257] {strides = array<i32>} : memref<2x768xf32, #tpu.memory_space<vmem>>, vector<16xf32>,
      %parallel_loop3A_1259 = arith.addf %parallel_loop3A_1254, %parallel_loop3A_1258 : vector<16xf32>
      %parallel_loop3A_1260 = arith.index_cast %parallel_loop3A_734 : i32 to index
      %parallel_loop3A_1261 = arith.constant 752 : index
      %parallel_loop3A_1262 = tpu.vector_load %arg11[%parallel_loop3A_1260, %parallel_loop3A_1261] {strides = array<i32>} : memref<64x768xf32, #tpu.memory_space<vmem>>, vector<16xf32>,
      tpu.vector_store %arg11[%parallel_loop3A_1260, %parallel_loop3A_1261], %parallel_loop3A_1259 {strides = array<i32>} : memref<64x768xf32, #tpu.memory_space<vmem>>, vector<16xf32>,
    } {sc.loop_unroll_factor = 4 : i64, sc.parallel_access}
    %scan3A = arith.constant 0 : i32
    %scan3A_714 = arith.constant 0 : i32
    %scan3A_715 = arith.constant 8 : i32
    %scan3A_716 = arith.addi %scan3A_714, %scan3A_715 : i32
    %scan3A_717 = arith.constant 1 : i32
    scf.for %scan3A_734 = %scan3A_714 to %scan3A_716 step %scan3A_717  : i32 {
      %rem3A = arith.constant 2 : i32
      %rem3A_735 = arith.remsi %scan3A_734, %rem3A : i32
      %mul3A_736 = arith.constant 32 : i32
      %mul3A_737 = arith.muli %rem3A_735, %mul3A_736 : i32
      %sub3A_738 = arith.constant 1 : i32
      %sub3A_739 = arith.subi %sub3A_738, %rem3A_735 : i32
      %mul3A_740 = arith.constant 32 : i32
      %mul3A_741 = arith.muli %sub3A_739, %mul3A_740 : i32
      %rem3A_742 = arith.constant 4 : i32
      %rem3A_743 = arith.remsi %scan3A_734, %rem3A_742 : i32
      %div3A = arith.constant 4 : i32
      %div3A_744 = arith.divsi %scan3A_734, %div3A : i32
      %mul3A_745 = arith.constant 2048 : i32
      %mul3A_746 = arith.muli %rem3A_743, %mul3A_745 : i32
      %add3A_747 = arith.addi %mul3A_746, %mul3A_2 : i32
      %mul3A_748 = arith.constant 32 : i32
      %mul3A_749 = arith.muli %div3A_744, %mul3A_748 : i32
      %add3A_750 = arith.addi %add3A_747, %mul3A_749 : i32
      %ge3A = arith.constant 1 : i32
      %ge3A_751 = arith.cmpi sge, %scan3A_734, %ge3A : i32
      %convert_element_type3A = arith.extui %ge3A_751 : i1 to i32
      %cond3A = arith.constant 0 : i32
      %cond3A_752 = arith.cmpi ne, %convert_element_type3A, %cond3A : i32
      scf.if %cond3A_752 {
        %sub3A_785 = arith.constant 1 : i32
        %sub3A_786 = arith.subi %scan3A_734, %sub3A_785 : i32
        %div3A_787 = arith.constant 4 : i32
        %div3A_788 = arith.divsi %sub3A_786, %div3A_787 : i32
        %mul3A_789 = arith.constant 32 : i32
        %mul3A_790 = arith.muli %div3A_788, %mul3A_789 : i32
        %add3A_791 = arith.addi %mul3A_2, %mul3A_790 : i32
        %rem3A_792 = arith.constant 4 : i32
        %rem3A_793 = arith.remsi %sub3A_786, %rem3A_792 : i32
        %dma_wait3A_794 = arith.constant 0 : i32
        %dma_wait3A_795 = tpu.memref_slice %arg10[%mul3A_741, %dma_wait3A_794] : memref<64x768xf32, #tpu.memory_space<vmem>> -> memref<32x768xf32, #tpu.memory_space<vmem>>
        %dma_wait3A_796 = arith.constant 0 : i32
        %dma_wait3A_797 = tpu.memref_slice %arg9[%rem3A_793, %add3A_791, %dma_wait3A_796] : memref<4x2048x768xf32, #tpu.memory_space<hbm>> -> memref<1x32x768xf32, #tpu.memory_space<hbm>>
        %dma_wait3A_798 = tpu.memref_squeeze %dma_wait3A_797 : memref<1x32x768xf32, #tpu.memory_space<hbm>> -> memref<32x768xf32, #tpu.memory_space<hbm>>
        %dma_wait3A_799 = arith.constant 0 : i32
        %dma_wait3A_800 = tpu.memref_slice %arg9[%rem3A_793, %add3A_791, %dma_wait3A_799] : memref<4x2048x768xf32, #tpu.memory_space<hbm>> -> memref<1x32x768xf32, #tpu.memory_space<hbm>>
        %dma_wait3A_801 = tpu.memref_squeeze %dma_wait3A_800 : memref<1x32x768xf32, #tpu.memory_space<hbm>> -> memref<32x768xf32, #tpu.memory_space<hbm>>
        %dma_wait3A_802 = arith.constant 0 : i32
        %dma_wait3A_803 = tpu.memref_slice %arg10[%mul3A_741, %dma_wait3A_802] : memref<64x768xf32, #tpu.memory_space<vmem>> -> memref<32x768xf32, #tpu.memory_space<vmem>>
        tpu.wait_dma2 semaphore(%arg19 : memref<!tpu.dma_semaphore, #tpu.memory_space<semaphore_mem>>) src(%dma_wait3A_803 : memref<32x768xf32, #tpu.memory_space<vmem>>) dst(%dma_wait3A_801 : memref<32x768xf32, #tpu.memory_space<hbm>>)
      } else {
      }
      %mul3A_753 = arith.constant 32 : i32
      %mul3A_754 = arith.muli %div3A_744, %mul3A_753 : i32
      %dma_wait3A_755 = arith.constant 0 : i32
      %dma_wait3A_756 = tpu.memref_slice %arg10[%mul3A_737, %dma_wait3A_755] : memref<64x768xf32, #tpu.memory_space<vmem>> -> memref<32x768xf32, #tpu.memory_space<vmem>>
      %dma_wait3A_757 = tpu.memref_slice %arg16[%rem3A_743, %mul3A_754] : memref<4x64xi32, #tpu.memory_space<vmem>> -> memref<1x32xi32, #tpu.memory_space<vmem>>
      %dma_wait3A_758 = tpu.memref_squeeze %dma_wait3A_757 : memref<1x32xi32, #tpu.memory_space<vmem>> -> memref<32xi32, #tpu.memory_space<vmem>>
      %dma_wait3A_759 = arith.constant 0 : i32
      %dma_wait3A_760 = arith.constant 0 : i32
      %dma_wait3A_761 = tpu.memref_slice %arg4[%dma_wait3A_759, %dma_wait3A_760] : memref<100000x768xf32, #tpu.memory_space<hbm>> -> memref<100000x768xf32, #tpu.memory_space<hbm>>
      tpu.wait_indirect_dma semaphore(%arg18 : memref<!tpu.dma_semaphore, #tpu.memory_space<semaphore_mem>>) src(%dma_wait3A_761 : memref<100000x768xf32, #tpu.memory_space<hbm>>) dst(%dma_wait3A_756 : memref<32x768xf32, #tpu.memory_space<vmem>>)
      %le3A = arith.constant 6 : i32
      %le3A_762 = arith.cmpi sle, %scan3A_734, %le3A : i32
      %convert_element_type3A_763 = arith.extui %le3A_762 : i1 to i32
      %cond3A_764 = arith.constant 0 : i32
      %cond3A_765 = arith.cmpi ne, %convert_element_type3A_763, %cond3A_764 : i32
      scf.if %cond3A_765 {
        %add3A_785 = arith.constant 1 : i32
        %add3A_786 = arith.addi %scan3A_734, %add3A_785 : i32
        %rem3A_787 = arith.constant 4 : i32
        %rem3A_788 = arith.remsi %add3A_786, %rem3A_787 : i32
        %add3A_789 = arith.constant 1 : i32
        %add3A_790 = arith.addi %scan3A_734, %add3A_789 : i32
        %div3A_791 = arith.constant 4 : i32
        %div3A_792 = arith.divsi %add3A_790, %div3A_791 : i32
        %mul3A_793 = arith.constant 32 : i32
        %mul3A_794 = arith.muli %div3A_792, %mul3A_793 : i32
        %dma_start3A_795 = arith.constant 0 : i32
        %dma_start3A_796 = tpu.memref_slice %arg10[%mul3A_741, %dma_start3A_795] : memref<64x768xf32, #tpu.memory_space<vmem>> -> memref<32x768xf32, #tpu.memory_space<vmem>>
        %dma_start3A_797 = tpu.memref_slice %arg16[%rem3A_788, %mul3A_794] : memref<4x64xi32, #tpu.memory_space<vmem>> -> memref<1x32xi32, #tpu.memory_space<vmem>>
        %dma_start3A_798 = tpu.memref_squeeze %dma_start3A_797 : memref<1x32xi32, #tpu.memory_space<vmem>> -> memref<32xi32, #tpu.memory_space<vmem>>
        %dma_start3A_799 = arith.constant 0 : i32
        %dma_start3A_800 = arith.constant 0 : i32
        %dma_start3A_801 = tpu.memref_slice %arg4[%dma_start3A_799, %dma_start3A_800] : memref<100000x768xf32, #tpu.memory_space<hbm>> -> memref<100000x768xf32, #tpu.memory_space<hbm>>
        tpu.enqueue_indirect_dma source(%dma_start3A_801 : memref<100000x768xf32, #tpu.memory_space<hbm>>) target(%dma_start3A_796 : memref<32x768xf32, #tpu.memory_space<vmem>>) offsets(%dma_start3A_798 : memref<32xi32, #tpu.memory_space<vmem>>) semaphore(%arg18 : memref<!tpu.dma_semaphore, #tpu.memory_space<semaphore_mem>>)
      } else {
      }
      %scan3A_766 = arith.constant 0 : i32
      %scan3A_767 = arith.constant 0 : i32
      %scan3A_768 = arith.constant 4 : i32
      %scan3A_769 = arith.addi %scan3A_767, %scan3A_768 : i32
      %scan3A_770 = arith.constant 1 : i32
      scf.for %scan3A_785 = %scan3A_767 to %scan3A_769 step %scan3A_770  : i32 {
        %mul3A_786 = arith.constant 8 : i32
        %mul3A_787 = arith.muli %scan3A_785, %mul3A_786 : i32
        %add3A_788 = arith.addi %mul3A_737, %mul3A_787 : i32
        %mul3A_789 = arith.constant 32 : i32
        %mul3A_790 = arith.muli %div3A_744, %mul3A_789 : i32
        %mul3A_791 = arith.constant 8 : i32
        %mul3A_792 = arith.muli %scan3A_785, %mul3A_791 : i32
        %add3A_793 = arith.addi %mul3A_790, %mul3A_792 : i32
        %mul3A_794 = arith.constant 2 : i32
        %mul3A_795 = arith.muli %rem3A_743, %mul3A_794 : i32
        %mul3A_796 = arith.constant 32 : i32
        %mul3A_797 = arith.muli %mul3A_795, %mul3A_796 : i32
        %mul3A_798 = arith.constant 32 : i32
        %mul3A_799 = arith.muli %div3A_744, %mul3A_798 : i32
        %add3A_800 = arith.addi %mul3A_797, %mul3A_799 : i32
        %mul3A_801 = arith.constant 8 : i32
        %mul3A_802 = arith.muli %scan3A_785, %mul3A_801 : i32
        %add3A_803 = arith.addi %add3A_800, %mul3A_802 : i32
        %add3A_804 = arith.constant 0 : i32
        %add3A_805 = arith.addi %add3A_803, %add3A_804 : i32
        %get3A_806 = arith.index_cast %add3A_805 : i32 to index
        %get3A_807 = tpu.vector_load %arg17[%get3A_806] {strides = array<i32>} : memref<272xi32, #tpu.memory_space<vmem>>, vector<16xi32>,
        %slice3A = vector.extract_strided_slice %get3A_807 {offsets = [0], sizes = [1], strides = [1]} : vector<16xi32> to vector<1xi32>
        %squeeze3A = vector.extract %slice3A[0] : i32 from vector<1xi32>
        %broadcast_in_dim3A = vector.broadcast %squeeze3A : i32 to vector<16xi32>
        %convert_element_type3A_808 = arith.sitofp %broadcast_in_dim3A : vector<16xi32> to vector<16xf32>
        %add3A_809 = arith.constant 1 : i32
        %add3A_810 = arith.addi %add3A_803, %add3A_809 : i32
        %get3A_811 = arith.index_cast %add3A_810 : i32 to index
        %get3A_812 = tpu.vector_load %arg17[%get3A_811] {strides = array<i32>} : memref<272xi32, #tpu.memory_space<vmem>>, vector<16xi32>,
        %slice3A_813 = vector.extract_strided_slice %get3A_812 {offsets = [0], sizes = [1], strides = [1]} : vector<16xi32> to vector<1xi32>
        %squeeze3A_814 = vector.extract %slice3A_813[0] : i32 from vector<1xi32>
        %broadcast_in_dim3A_815 = vector.broadcast %squeeze3A_814 : i32 to vector<16xi32>
        %convert_element_type3A_816 = arith.sitofp %broadcast_in_dim3A_815 : vector<16xi32> to vector<16xf32>
        %add3A_817 = arith.constant 2 : i32
        %add3A_818 = arith.addi %add3A_803, %add3A_817 : i32
        %get3A_819 = arith.index_cast %add3A_818 : i32 to index
        %get3A_820 = tpu.vector_load %arg17[%get3A_819] {strides = array<i32>} : memref<272xi32, #tpu.memory_space<vmem>>, vector<16xi32>,
        %slice3A_821 = vector.extract_strided_slice %get3A_820 {offsets = [0], sizes = [1], strides = [1]} : vector<16xi32> to vector<1xi32>
        %squeeze3A_822 = vector.extract %slice3A_821[0] : i32 from vector<1xi32>
        %broadcast_in_dim3A_823 = vector.broadcast %squeeze3A_822 : i32 to vector<16xi32>
        %convert_element_type3A_824 = arith.sitofp %broadcast_in_dim3A_823 : vector<16xi32> to vector<16xf32>
        %add3A_825 = arith.constant 3 : i32
        %add3A_826 = arith.addi %add3A_803, %add3A_825 : i32
        %get3A_827 = arith.index_cast %add3A_826 : i32 to index
        %get3A_828 = tpu.vector_load %arg17[%get3A_827] {strides = array<i32>} : memref<272xi32, #tpu.memory_space<vmem>>, vector<16xi32>,
        %slice3A_829 = vector.extract_strided_slice %get3A_828 {offsets = [0], sizes = [1], strides = [1]} : vector<16xi32> to vector<1xi32>
        %squeeze3A_830 = vector.extract %slice3A_829[0] : i32 from vector<1xi32>
        %broadcast_in_dim3A_831 = vector.broadcast %squeeze3A_830 : i32 to vector<16xi32>
        %convert_element_type3A_832 = arith.sitofp %broadcast_in_dim3A_831 : vector<16xi32> to vector<16xf32>
        %add3A_833 = arith.constant 4 : i32
        %add3A_834 = arith.addi %add3A_803, %add3A_833 : i32
        %get3A_835 = arith.index_cast %add3A_834 : i32 to index
        %get3A_836 = tpu.vector_load %arg17[%get3A_835] {strides = array<i32>} : memref<272xi32, #tpu.memory_space<vmem>>, vector<16xi32>,
        %slice3A_837 = vector.extract_strided_slice %get3A_836 {offsets = [0], sizes = [1], strides = [1]} : vector<16xi32> to vector<1xi32>
        %squeeze3A_838 = vector.extract %slice3A_837[0] : i32 from vector<1xi32>
        %broadcast_in_dim3A_839 = vector.broadcast %squeeze3A_838 : i32 to vector<16xi32>
        %convert_element_type3A_840 = arith.sitofp %broadcast_in_dim3A_839 : vector<16xi32> to vector<16xf32>
        %add3A_841 = arith.constant 5 : i32
        %add3A_842 = arith.addi %add3A_803, %add3A_841 : i32
        %get3A_843 = arith.index_cast %add3A_842 : i32 to index
        %get3A_844 = tpu.vector_load %arg17[%get3A_843] {strides = array<i32>} : memref<272xi32, #tpu.memory_space<vmem>>, vector<16xi32>,
        %slice3A_845 = vector.extract_strided_slice %get3A_844 {offsets = [0], sizes = [1], strides = [1]} : vector<16xi32> to vector<1xi32>
        %squeeze3A_846 = vector.extract %slice3A_845[0] : i32 from vector<1xi32>
        %broadcast_in_dim3A_847 = vector.broadcast %squeeze3A_846 : i32 to vector<16xi32>
        %convert_element_type3A_848 = arith.sitofp %broadcast_in_dim3A_847 : vector<16xi32> to vector<16xf32>
        %add3A_849 = arith.constant 6 : i32
        %add3A_850 = arith.addi %add3A_803, %add3A_849 : i32
        %get3A_851 = arith.index_cast %add3A_850 : i32 to index
        %get3A_852 = tpu.vector_load %arg17[%get3A_851] {strides = array<i32>} : memref<272xi32, #tpu.memory_space<vmem>>, vector<16xi32>,
        %slice3A_853 = vector.extract_strided_slice %get3A_852 {offsets = [0], sizes = [1], strides = [1]} : vector<16xi32> to vector<1xi32>
        %squeeze3A_854 = vector.extract %slice3A_853[0] : i32 from vector<1xi32>
        %broadcast_in_dim3A_855 = vector.broadcast %squeeze3A_854 : i32 to vector<16xi32>
        %convert_element_type3A_856 = arith.sitofp %broadcast_in_dim3A_855 : vector<16xi32> to vector<16xf32>
        %add3A_857 = arith.constant 7 : i32
        %add3A_858 = arith.addi %add3A_803, %add3A_857 : i32
        %get3A_859 = arith.index_cast %add3A_858 : i32 to index
        %get3A_860 = tpu.vector_load %arg17[%get3A_859] {strides = array<i32>} : memref<272xi32, #tpu.memory_space<vmem>>, vector<16xi32>,
        %slice3A_861 = vector.extract_strided_slice %get3A_860 {offsets = [0], sizes = [1], strides = [1]} : vector<16xi32> to vector<1xi32>
        %squeeze3A_862 = vector.extract %slice3A_861[0] : i32 from vector<1xi32>
        %broadcast_in_dim3A_863 = vector.broadcast %squeeze3A_862 : i32 to vector<16xi32>
        %convert_element_type3A_864 = arith.sitofp %broadcast_in_dim3A_863 : vector<16xi32> to vector<16xf32>
        %broadcast_in_dim3A_865 = arith.constant 0.000000e+00 : f32
        %broadcast_in_dim3A_866 = vector.broadcast %broadcast_in_dim3A_865 : f32 to vector<16xf32>
        %parallel_loop3A_867 = arith.constant 0 : i32
        %parallel_loop3A_868 = arith.constant 48 : i32
        %parallel_loop3A_869 = arith.constant 1 : i32
        %parallel_loop3A_870:16 = scf.for %parallel_loop3A_1295 = %parallel_loop3A_867 to %parallel_loop3A_868 step %parallel_loop3A_869 iter_args(%parallel_loop3A_1296 = %broadcast_in_dim3A_866, %parallel_loop3A_1297 = %broadcast_in_dim3A_866, %parallel_loop3A_1298 = %broadcast_in_dim3A_866, %parallel_loop3A_1299 = %broadcast_in_dim3A_866, %parallel_loop3A_1300 = %broadcast_in_dim3A_866, %parallel_loop3A_1301 = %broadcast_in_dim3A_866, %parallel_loop3A_1302 = %broadcast_in_dim3A_866, %parallel_loop3A_1303 = %broadcast_in_dim3A_866, %parallel_loop3A_1304 = %broadcast_in_dim3A_866, %parallel_loop3A_1305 = %broadcast_in_dim3A_866, %parallel_loop3A_1306 = %broadcast_in_dim3A_866, %parallel_loop3A_1307 = %broadcast_in_dim3A_866, %parallel_loop3A_1308 = %broadcast_in_dim3A_866, %parallel_loop3A_1309 = %broadcast_in_dim3A_866, %parallel_loop3A_1310 = %broadcast_in_dim3A_866, %parallel_loop3A_1311 = %broadcast_in_dim3A_866) -> (vector<16xf32>, vector<16xf32>, vector<16xf32>, vector<16xf32>, vector<16xf32>, vector<16xf32>, vector<16xf32>, vector<16xf32>, vector<16xf32>, vector<16xf32>, vector<16xf32>, vector<16xf32>, vector<16xf32>, vector<16xf32>, vector<16xf32>, vector<16xf32>)  : i32 {
          %parallel_loop3A_1312 = arith.constant 16 : i32
          %parallel_loop3A_1313 = arith.muli %parallel_loop3A_1295, %parallel_loop3A_1312 : i32
          %parallel_loop3A_1314 = arith.index_cast %parallel_loop3A_1313 : i32 to index
          %parallel_loop3A_1315 = tpu.vector_load %arg13[%parallel_loop3A_1314] {strides = array<i32>} : memref<768xf32, #tpu.memory_space<vmem>>, vector<16xf32>,
          %parallel_loop3A_1316 = arith.constant 0 : i32
          %parallel_loop3A_1317 = arith.addi %add3A_788, %parallel_loop3A_1316 : i32
          %parallel_loop3A_1318 = arith.index_cast %parallel_loop3A_1317 : i32 to index
          %parallel_loop3A_1319 = arith.index_cast %parallel_loop3A_1313 : i32 to index
          %parallel_loop3A_1320 = tpu.vector_load %arg10[%parallel_loop3A_1318, %parallel_loop3A_1319] {strides = array<i32>} : memref<64x768xf32, #tpu.memory_space<vmem>>, vector<16xf32>,
          %parallel_loop3A_1321 = arith.constant 0 : i32
          %parallel_loop3A_1322 = arith.addi %add3A_793, %parallel_loop3A_1321 : i32
          %parallel_loop3A_1323 = arith.index_cast %parallel_loop3A_1322 : i32 to index
          %parallel_loop3A_1324 = arith.index_cast %parallel_loop3A_1313 : i32 to index
          %parallel_loop3A_1325 = tpu.vector_load %arg11[%parallel_loop3A_1323, %parallel_loop3A_1324] {strides = array<i32>} : memref<64x768xf32, #tpu.memory_space<vmem>>, vector<16xf32>,
          %parallel_loop3A_1326 = arith.addf %parallel_loop3A_1320, %parallel_loop3A_1325 : vector<16xf32>
          %parallel_loop3A_1327 = arith.mulf %convert_element_type3A_808, %parallel_loop3A_1315 : vector<16xf32>
          %parallel_loop3A_1328 = arith.addf %parallel_loop3A_1326, %parallel_loop3A_1327 : vector<16xf32>
          %parallel_loop3A_1329 = arith.constant 0 : i32
          %parallel_loop3A_1330 = arith.addi %add3A_788, %parallel_loop3A_1329 : i32
          %parallel_loop3A_1331 = arith.index_cast %parallel_loop3A_1330 : i32 to index
          %parallel_loop3A_1332 = arith.index_cast %parallel_loop3A_1313 : i32 to index
          %parallel_loop3A_1333 = tpu.vector_load %arg10[%parallel_loop3A_1331, %parallel_loop3A_1332] {strides = array<i32>} : memref<64x768xf32, #tpu.memory_space<vmem>>, vector<16xf32>,
          tpu.vector_store %arg10[%parallel_loop3A_1331, %parallel_loop3A_1332], %parallel_loop3A_1328 {strides = array<i32>} : memref<64x768xf32, #tpu.memory_space<vmem>>, vector<16xf32>,
          %parallel_loop3A_1334 = arith.addf %parallel_loop3A_1296, %parallel_loop3A_1328 : vector<16xf32>
          %parallel_loop3A_1335 = arith.mulf %parallel_loop3A_1328, %parallel_loop3A_1328 : vector<16xf32>
          %parallel_loop3A_1336 = arith.addf %parallel_loop3A_1297, %parallel_loop3A_1335 : vector<16xf32>
          %parallel_loop3A_1337 = arith.constant 1 : i32
          %parallel_loop3A_1338 = arith.addi %add3A_788, %parallel_loop3A_1337 : i32
          %parallel_loop3A_1339 = arith.index_cast %parallel_loop3A_1338 : i32 to index
          %parallel_loop3A_1340 = arith.index_cast %parallel_loop3A_1313 : i32 to index
          %parallel_loop3A_1341 = tpu.vector_load %arg10[%parallel_loop3A_1339, %parallel_loop3A_1340] {strides = array<i32>} : memref<64x768xf32, #tpu.memory_space<vmem>>, vector<16xf32>,
          %parallel_loop3A_1342 = arith.constant 1 : i32
          %parallel_loop3A_1343 = arith.addi %add3A_793, %parallel_loop3A_1342 : i32
          %parallel_loop3A_1344 = arith.index_cast %parallel_loop3A_1343 : i32 to index
          %parallel_loop3A_1345 = arith.index_cast %parallel_loop3A_1313 : i32 to index
          %parallel_loop3A_1346 = tpu.vector_load %arg11[%parallel_loop3A_1344, %parallel_loop3A_1345] {strides = array<i32>} : memref<64x768xf32, #tpu.memory_space<vmem>>, vector<16xf32>,
          %parallel_loop3A_1347 = arith.addf %parallel_loop3A_1341, %parallel_loop3A_1346 : vector<16xf32>
          %parallel_loop3A_1348 = arith.mulf %convert_element_type3A_816, %parallel_loop3A_1315 : vector<16xf32>
          %parallel_loop3A_1349 = arith.addf %parallel_loop3A_1347, %parallel_loop3A_1348 : vector<16xf32>
          %parallel_loop3A_1350 = arith.constant 1 : i32
          %parallel_loop3A_1351 = arith.addi %add3A_788, %parallel_loop3A_1350 : i32
          %parallel_loop3A_1352 = arith.index_cast %parallel_loop3A_1351 : i32 to index
          %parallel_loop3A_1353 = arith.index_cast %parallel_loop3A_1313 : i32 to index
          %parallel_loop3A_1354 = tpu.vector_load %arg10[%parallel_loop3A_1352, %parallel_loop3A_1353] {strides = array<i32>} : memref<64x768xf32, #tpu.memory_space<vmem>>, vector<16xf32>,
          tpu.vector_store %arg10[%parallel_loop3A_1352, %parallel_loop3A_1353], %parallel_loop3A_1349 {strides = array<i32>} : memref<64x768xf32, #tpu.memory_space<vmem>>, vector<16xf32>,
          %parallel_loop3A_1355 = arith.addf %parallel_loop3A_1298, %parallel_loop3A_1349 : vector<16xf32>
          %parallel_loop3A_1356 = arith.mulf %parallel_loop3A_1349, %parallel_loop3A_1349 : vector<16xf32>
          %parallel_loop3A_1357 = arith.addf %parallel_loop3A_1299, %parallel_loop3A_1356 : vector<16xf32>
          %parallel_loop3A_1358 = arith.constant 2 : i32
          %parallel_loop3A_1359 = arith.addi %add3A_788, %parallel_loop3A_1358 : i32
          %parallel_loop3A_1360 = arith.index_cast %parallel_loop3A_1359 : i32 to index
          %parallel_loop3A_1361 = arith.index_cast %parallel_loop3A_1313 : i32 to index
          %parallel_loop3A_1362 = tpu.vector_load %arg10[%parallel_loop3A_1360, %parallel_loop3A_1361] {strides = array<i32>} : memref<64x768xf32, #tpu.memory_space<vmem>>, vector<16xf32>,
          %parallel_loop3A_1363 = arith.constant 2 : i32
          %parallel_loop3A_1364 = arith.addi %add3A_793, %parallel_loop3A_1363 : i32
          %parallel_loop3A_1365 = arith.index_cast %parallel_loop3A_1364 : i32 to index
          %parallel_loop3A_1366 = arith.index_cast %parallel_loop3A_1313 : i32 to index
          %parallel_loop3A_1367 = tpu.vector_load %arg11[%parallel_loop3A_1365, %parallel_loop3A_1366] {strides = array<i32>} : memref<64x768xf32, #tpu.memory_space<vmem>>, vector<16xf32>,
          %parallel_loop3A_1368 = arith.addf %parallel_loop3A_1362, %parallel_loop3A_1367 : vector<16xf32>
          %parallel_loop3A_1369 = arith.mulf %convert_element_type3A_824, %parallel_loop3A_1315 : vector<16xf32>
          %parallel_loop3A_1370 = arith.addf %parallel_loop3A_1368, %parallel_loop3A_1369 : vector<16xf32>
          %parallel_loop3A_1371 = arith.constant 2 : i32
          %parallel_loop3A_1372 = arith.addi %add3A_788, %parallel_loop3A_1371 : i32
          %parallel_loop3A_1373 = arith.index_cast %parallel_loop3A_1372 : i32 to index
          %parallel_loop3A_1374 = arith.index_cast %parallel_loop3A_1313 : i32 to index
          %parallel_loop3A_1375 = tpu.vector_load %arg10[%parallel_loop3A_1373, %parallel_loop3A_1374] {strides = array<i32>} : memref<64x768xf32, #tpu.memory_space<vmem>>, vector<16xf32>,
          tpu.vector_store %arg10[%parallel_loop3A_1373, %parallel_loop3A_1374], %parallel_loop3A_1370 {strides = array<i32>} : memref<64x768xf32, #tpu.memory_space<vmem>>, vector<16xf32>,
          %parallel_loop3A_1376 = arith.addf %parallel_loop3A_1300, %parallel_loop3A_1370 : vector<16xf32>
          %parallel_loop3A_1377 = arith.mulf %parallel_loop3A_1370, %parallel_loop3A_1370 : vector<16xf32>
          %parallel_loop3A_1378 = arith.addf %parallel_loop3A_1301, %parallel_loop3A_1377 : vector<16xf32>
          %parallel_loop3A_1379 = arith.constant 3 : i32
          %parallel_loop3A_1380 = arith.addi %add3A_788, %parallel_loop3A_1379 : i32
          %parallel_loop3A_1381 = arith.index_cast %parallel_loop3A_1380 : i32 to index
          %parallel_loop3A_1382 = arith.index_cast %parallel_loop3A_1313 : i32 to index
          %parallel_loop3A_1383 = tpu.vector_load %arg10[%parallel_loop3A_1381, %parallel_loop3A_1382] {strides = array<i32>} : memref<64x768xf32, #tpu.memory_space<vmem>>, vector<16xf32>,
          %parallel_loop3A_1384 = arith.constant 3 : i32
          %parallel_loop3A_1385 = arith.addi %add3A_793, %parallel_loop3A_1384 : i32
          %parallel_loop3A_1386 = arith.index_cast %parallel_loop3A_1385 : i32 to index
          %parallel_loop3A_1387 = arith.index_cast %parallel_loop3A_1313 : i32 to index
          %parallel_loop3A_1388 = tpu.vector_load %arg11[%parallel_loop3A_1386, %parallel_loop3A_1387] {strides = array<i32>} : memref<64x768xf32, #tpu.memory_space<vmem>>, vector<16xf32>,
          %parallel_loop3A_1389 = arith.addf %parallel_loop3A_1383, %parallel_loop3A_1388 : vector<16xf32>
          %parallel_loop3A_1390 = arith.mulf %convert_element_type3A_832, %parallel_loop3A_1315 : vector<16xf32>
          %parallel_loop3A_1391 = arith.addf %parallel_loop3A_1389, %parallel_loop3A_1390 : vector<16xf32>
          %parallel_loop3A_1392 = arith.constant 3 : i32
          %parallel_loop3A_1393 = arith.addi %add3A_788, %parallel_loop3A_1392 : i32
          %parallel_loop3A_1394 = arith.index_cast %parallel_loop3A_1393 : i32 to index
          %parallel_loop3A_1395 = arith.index_cast %parallel_loop3A_1313 : i32 to index
          %parallel_loop3A_1396 = tpu.vector_load %arg10[%parallel_loop3A_1394, %parallel_loop3A_1395] {strides = array<i32>} : memref<64x768xf32, #tpu.memory_space<vmem>>, vector<16xf32>,
          tpu.vector_store %arg10[%parallel_loop3A_1394, %parallel_loop3A_1395], %parallel_loop3A_1391 {strides = array<i32>} : memref<64x768xf32, #tpu.memory_space<vmem>>, vector<16xf32>,
          %parallel_loop3A_1397 = arith.addf %parallel_loop3A_1302, %parallel_loop3A_1391 : vector<16xf32>
          %parallel_loop3A_1398 = arith.mulf %parallel_loop3A_1391, %parallel_loop3A_1391 : vector<16xf32>
          %parallel_loop3A_1399 = arith.addf %parallel_loop3A_1303, %parallel_loop3A_1398 : vector<16xf32>
          %parallel_loop3A_1400 = arith.constant 4 : i32
          %parallel_loop3A_1401 = arith.addi %add3A_788, %parallel_loop3A_1400 : i32
          %parallel_loop3A_1402 = arith.index_cast %parallel_loop3A_1401 : i32 to index
          %parallel_loop3A_1403 = arith.index_cast %parallel_loop3A_1313 : i32 to index
          %parallel_loop3A_1404 = tpu.vector_load %arg10[%parallel_loop3A_1402, %parallel_loop3A_1403] {strides = array<i32>} : memref<64x768xf32, #tpu.memory_space<vmem>>, vector<16xf32>,
          %parallel_loop3A_1405 = arith.constant 4 : i32
          %parallel_loop3A_1406 = arith.addi %add3A_793, %parallel_loop3A_1405 : i32
          %parallel_loop3A_1407 = arith.index_cast %parallel_loop3A_1406 : i32 to index
          %parallel_loop3A_1408 = arith.index_cast %parallel_loop3A_1313 : i32 to index
          %parallel_loop3A_1409 = tpu.vector_load %arg11[%parallel_loop3A_1407, %parallel_loop3A_1408] {strides = array<i32>} : memref<64x768xf32, #tpu.memory_space<vmem>>, vector<16xf32>,
          %parallel_loop3A_1410 = arith.addf %parallel_loop3A_1404, %parallel_loop3A_1409 : vector<16xf32>
          %parallel_loop3A_1411 = arith.mulf %convert_element_type3A_840, %parallel_loop3A_1315 : vector<16xf32>
          %parallel_loop3A_1412 = arith.addf %parallel_loop3A_1410, %parallel_loop3A_1411 : vector<16xf32>
          %parallel_loop3A_1413 = arith.constant 4 : i32
          %parallel_loop3A_1414 = arith.addi %add3A_788, %parallel_loop3A_1413 : i32
          %parallel_loop3A_1415 = arith.index_cast %parallel_loop3A_1414 : i32 to index
          %parallel_loop3A_1416 = arith.index_cast %parallel_loop3A_1313 : i32 to index
          %parallel_loop3A_1417 = tpu.vector_load %arg10[%parallel_loop3A_1415, %parallel_loop3A_1416] {strides = array<i32>} : memref<64x768xf32, #tpu.memory_space<vmem>>, vector<16xf32>,
          tpu.vector_store %arg10[%parallel_loop3A_1415, %parallel_loop3A_1416], %parallel_loop3A_1412 {strides = array<i32>} : memref<64x768xf32, #tpu.memory_space<vmem>>, vector<16xf32>,
          %parallel_loop3A_1418 = arith.addf %parallel_loop3A_1304, %parallel_loop3A_1412 : vector<16xf32>
          %parallel_loop3A_1419 = arith.mulf %parallel_loop3A_1412, %parallel_loop3A_1412 : vector<16xf32>
          %parallel_loop3A_1420 = arith.addf %parallel_loop3A_1305, %parallel_loop3A_1419 : vector<16xf32>
          %parallel_loop3A_1421 = arith.constant 5 : i32
          %parallel_loop3A_1422 = arith.addi %add3A_788, %parallel_loop3A_1421 : i32
          %parallel_loop3A_1423 = arith.index_cast %parallel_loop3A_1422 : i32 to index
          %parallel_loop3A_1424 = arith.index_cast %parallel_loop3A_1313 : i32 to index
          %parallel_loop3A_1425 = tpu.vector_load %arg10[%parallel_loop3A_1423, %parallel_loop3A_1424] {strides = array<i32>} : memref<64x768xf32, #tpu.memory_space<vmem>>, vector<16xf32>,
          %parallel_loop3A_1426 = arith.constant 5 : i32
          %parallel_loop3A_1427 = arith.addi %add3A_793, %parallel_loop3A_1426 : i32
          %parallel_loop3A_1428 = arith.index_cast %parallel_loop3A_1427 : i32 to index
          %parallel_loop3A_1429 = arith.index_cast %parallel_loop3A_1313 : i32 to index
          %parallel_loop3A_1430 = tpu.vector_load %arg11[%parallel_loop3A_1428, %parallel_loop3A_1429] {strides = array<i32>} : memref<64x768xf32, #tpu.memory_space<vmem>>, vector<16xf32>,
          %parallel_loop3A_1431 = arith.addf %parallel_loop3A_1425, %parallel_loop3A_1430 : vector<16xf32>
          %parallel_loop3A_1432 = arith.mulf %convert_element_type3A_848, %parallel_loop3A_1315 : vector<16xf32>
          %parallel_loop3A_1433 = arith.addf %parallel_loop3A_1431, %parallel_loop3A_1432 : vector<16xf32>
          %parallel_loop3A_1434 = arith.constant 5 : i32
          %parallel_loop3A_1435 = arith.addi %add3A_788, %parallel_loop3A_1434 : i32
          %parallel_loop3A_1436 = arith.index_cast %parallel_loop3A_1435 : i32 to index
          %parallel_loop3A_1437 = arith.index_cast %parallel_loop3A_1313 : i32 to index
          %parallel_loop3A_1438 = tpu.vector_load %arg10[%parallel_loop3A_1436, %parallel_loop3A_1437] {strides = array<i32>} : memref<64x768xf32, #tpu.memory_space<vmem>>, vector<16xf32>,
          tpu.vector_store %arg10[%parallel_loop3A_1436, %parallel_loop3A_1437], %parallel_loop3A_1433 {strides = array<i32>} : memref<64x768xf32, #tpu.memory_space<vmem>>, vector<16xf32>,
          %parallel_loop3A_1439 = arith.addf %parallel_loop3A_1306, %parallel_loop3A_1433 : vector<16xf32>
          %parallel_loop3A_1440 = arith.mulf %parallel_loop3A_1433, %parallel_loop3A_1433 : vector<16xf32>
          %parallel_loop3A_1441 = arith.addf %parallel_loop3A_1307, %parallel_loop3A_1440 : vector<16xf32>
          %parallel_loop3A_1442 = arith.constant 6 : i32
          %parallel_loop3A_1443 = arith.addi %add3A_788, %parallel_loop3A_1442 : i32
          %parallel_loop3A_1444 = arith.index_cast %parallel_loop3A_1443 : i32 to index
          %parallel_loop3A_1445 = arith.index_cast %parallel_loop3A_1313 : i32 to index
          %parallel_loop3A_1446 = tpu.vector_load %arg10[%parallel_loop3A_1444, %parallel_loop3A_1445] {strides = array<i32>} : memref<64x768xf32, #tpu.memory_space<vmem>>, vector<16xf32>,
          %parallel_loop3A_1447 = arith.constant 6 : i32
          %parallel_loop3A_1448 = arith.addi %add3A_793, %parallel_loop3A_1447 : i32
          %parallel_loop3A_1449 = arith.index_cast %parallel_loop3A_1448 : i32 to index
          %parallel_loop3A_1450 = arith.index_cast %parallel_loop3A_1313 : i32 to index
          %parallel_loop3A_1451 = tpu.vector_load %arg11[%parallel_loop3A_1449, %parallel_loop3A_1450] {strides = array<i32>} : memref<64x768xf32, #tpu.memory_space<vmem>>, vector<16xf32>,
          %parallel_loop3A_1452 = arith.addf %parallel_loop3A_1446, %parallel_loop3A_1451 : vector<16xf32>
          %parallel_loop3A_1453 = arith.mulf %convert_element_type3A_856, %parallel_loop3A_1315 : vector<16xf32>
          %parallel_loop3A_1454 = arith.addf %parallel_loop3A_1452, %parallel_loop3A_1453 : vector<16xf32>
          %parallel_loop3A_1455 = arith.constant 6 : i32
          %parallel_loop3A_1456 = arith.addi %add3A_788, %parallel_loop3A_1455 : i32
          %parallel_loop3A_1457 = arith.index_cast %parallel_loop3A_1456 : i32 to index
          %parallel_loop3A_1458 = arith.index_cast %parallel_loop3A_1313 : i32 to index
          %parallel_loop3A_1459 = tpu.vector_load %arg10[%parallel_loop3A_1457, %parallel_loop3A_1458] {strides = array<i32>} : memref<64x768xf32, #tpu.memory_space<vmem>>, vector<16xf32>,
          tpu.vector_store %arg10[%parallel_loop3A_1457, %parallel_loop3A_1458], %parallel_loop3A_1454 {strides = array<i32>} : memref<64x768xf32, #tpu.memory_space<vmem>>, vector<16xf32>,
          %parallel_loop3A_1460 = arith.addf %parallel_loop3A_1308, %parallel_loop3A_1454 : vector<16xf32>
          %parallel_loop3A_1461 = arith.mulf %parallel_loop3A_1454, %parallel_loop3A_1454 : vector<16xf32>
          %parallel_loop3A_1462 = arith.addf %parallel_loop3A_1309, %parallel_loop3A_1461 : vector<16xf32>
          %parallel_loop3A_1463 = arith.constant 7 : i32
          %parallel_loop3A_1464 = arith.addi %add3A_788, %parallel_loop3A_1463 : i32
          %parallel_loop3A_1465 = arith.index_cast %parallel_loop3A_1464 : i32 to index
          %parallel_loop3A_1466 = arith.index_cast %parallel_loop3A_1313 : i32 to index
          %parallel_loop3A_1467 = tpu.vector_load %arg10[%parallel_loop3A_1465, %parallel_loop3A_1466] {strides = array<i32>} : memref<64x768xf32, #tpu.memory_space<vmem>>, vector<16xf32>,
          %parallel_loop3A_1468 = arith.constant 7 : i32
          %parallel_loop3A_1469 = arith.addi %add3A_793, %parallel_loop3A_1468 : i32
          %parallel_loop3A_1470 = arith.index_cast %parallel_loop3A_1469 : i32 to index
          %parallel_loop3A_1471 = arith.index_cast %parallel_loop3A_1313 : i32 to index
          %parallel_loop3A_1472 = tpu.vector_load %arg11[%parallel_loop3A_1470, %parallel_loop3A_1471] {strides = array<i32>} : memref<64x768xf32, #tpu.memory_space<vmem>>, vector<16xf32>,
          %parallel_loop3A_1473 = arith.addf %parallel_loop3A_1467, %parallel_loop3A_1472 : vector<16xf32>
          %parallel_loop3A_1474 = arith.mulf %convert_element_type3A_864, %parallel_loop3A_1315 : vector<16xf32>
          %parallel_loop3A_1475 = arith.addf %parallel_loop3A_1473, %parallel_loop3A_1474 : vector<16xf32>
          %parallel_loop3A_1476 = arith.constant 7 : i32
          %parallel_loop3A_1477 = arith.addi %add3A_788, %parallel_loop3A_1476 : i32
          %parallel_loop3A_1478 = arith.index_cast %parallel_loop3A_1477 : i32 to index
          %parallel_loop3A_1479 = arith.index_cast %parallel_loop3A_1313 : i32 to index
          %parallel_loop3A_1480 = tpu.vector_load %arg10[%parallel_loop3A_1478, %parallel_loop3A_1479] {strides = array<i32>} : memref<64x768xf32, #tpu.memory_space<vmem>>, vector<16xf32>,
          tpu.vector_store %arg10[%parallel_loop3A_1478, %parallel_loop3A_1479], %parallel_loop3A_1475 {strides = array<i32>} : memref<64x768xf32, #tpu.memory_space<vmem>>, vector<16xf32>,
          %parallel_loop3A_1481 = arith.addf %parallel_loop3A_1310, %parallel_loop3A_1475 : vector<16xf32>
          %parallel_loop3A_1482 = arith.mulf %parallel_loop3A_1475, %parallel_loop3A_1475 : vector<16xf32>
          %parallel_loop3A_1483 = arith.addf %parallel_loop3A_1311, %parallel_loop3A_1482 : vector<16xf32>
          scf.yield %parallel_loop3A_1334, %parallel_loop3A_1336, %parallel_loop3A_1355, %parallel_loop3A_1357, %parallel_loop3A_1376, %parallel_loop3A_1378, %parallel_loop3A_1397, %parallel_loop3A_1399, %parallel_loop3A_1418, %parallel_loop3A_1420, %parallel_loop3A_1439, %parallel_loop3A_1441, %parallel_loop3A_1460, %parallel_loop3A_1462, %parallel_loop3A_1481, %parallel_loop3A_1483 : vector<16xf32>, vector<16xf32>, vector<16xf32>, vector<16xf32>, vector<16xf32>, vector<16xf32>, vector<16xf32>, vector<16xf32>, vector<16xf32>, vector<16xf32>, vector<16xf32>, vector<16xf32>, vector<16xf32>, vector<16xf32>, vector<16xf32>, vector<16xf32>
        } {sc.loop_unroll_factor = 2 : i64, sc.parallel_access}
        %reduce_sum3A = arith.constant true
        %reduce_sum3A_871 = vector.broadcast %reduce_sum3A : i1 to vector<16xi1>
        %reduce_sum3A_872 = tpu.scan <sum>, %parallel_loop3A_870#0 masked %reduce_sum3A_871 : vector<16xf32>, vector<16xi1> -> vector<16xf32>
        %reduce_sum3A_873 = vector.extract %reduce_sum3A_872[15] : f32 from vector<16xf32>
        %mul3A_874 = arith.constant 0.00130208337 : f32
        %mul3A_875 = arith.mulf %reduce_sum3A_873, %mul3A_874 : f32
        %reduce_sum3A_876 = arith.constant true
        %reduce_sum3A_877 = vector.broadcast %reduce_sum3A_876 : i1 to vector<16xi1>
        %reduce_sum3A_878 = tpu.scan <sum>, %parallel_loop3A_870#1 masked %reduce_sum3A_877 : vector<16xf32>, vector<16xi1> -> vector<16xf32>
        %reduce_sum3A_879 = vector.extract %reduce_sum3A_878[15] : f32 from vector<16xf32>
        %mul3A_880 = arith.constant 0.00130208337 : f32
        %mul3A_881 = arith.mulf %reduce_sum3A_879, %mul3A_880 : f32
        %mul3A_882 = arith.mulf %mul3A_875, %mul3A_875 : f32
        %sub3A_883 = arith.subf %mul3A_881, %mul3A_882 : f32
        %add3A_884 = arith.constant 9.99999974E-6 : f32
        %add3A_885 = arith.addf %sub3A_883, %add3A_884 : f32
        %broadcast_in_dim3A_886 = vector.broadcast %add3A_885 : f32 to vector<16xf32>
        %bitcast3A = vector.bitcast %broadcast_in_dim3A_886 : vector<16xf32> to vector<16xi32>
        %shift_right_logical3A = arith.constant 1 : i32
        %shift_right_logical3A_887 = vector.broadcast %shift_right_logical3A : i32 to vector<16xi32>
        %shift_right_logical3A_888 = arith.shrui %bitcast3A, %shift_right_logical3A_887 : vector<16xi32>
        %sub3A_889 = arith.constant 1597463007 : i32
        %sub3A_890 = vector.broadcast %sub3A_889 : i32 to vector<16xi32>
        %sub3A_891 = arith.subi %sub3A_890, %shift_right_logical3A_888 : vector<16xi32>
        %bitcast3A_892 = vector.bitcast %sub3A_891 : vector<16xi32> to vector<16xf32>
        %mul3A_893 = arith.constant 5.000000e-01 : f32
        %mul3A_894 = vector.broadcast %mul3A_893 : f32 to vector<16xf32>
        %mul3A_895 = arith.mulf %mul3A_894, %broadcast_in_dim3A_886 : vector<16xf32>
        %mul3A_896 = arith.mulf %mul3A_895, %bitcast3A_892 : vector<16xf32>
        %mul3A_897 = arith.mulf %mul3A_896, %bitcast3A_892 : vector<16xf32>
        %sub3A_898 = arith.constant 1.500000e+00 : f32
        %sub3A_899 = vector.broadcast %sub3A_898 : f32 to vector<16xf32>
        %sub3A_900 = arith.subf %sub3A_899, %mul3A_897 : vector<16xf32>
        %mul3A_901 = arith.mulf %bitcast3A_892, %sub3A_900 : vector<16xf32>
        %mul3A_902 = arith.constant 5.000000e-01 : f32
        %mul3A_903 = vector.broadcast %mul3A_902 : f32 to vector<16xf32>
        %mul3A_904 = arith.mulf %mul3A_903, %broadcast_in_dim3A_886 : vector<16xf32>
        %mul3A_905 = arith.mulf %mul3A_904, %mul3A_901 : vector<16xf32>
        %mul3A_906 = arith.mulf %mul3A_905, %mul3A_901 : vector<16xf32>
        %sub3A_907 = arith.constant 1.500000e+00 : f32
        %sub3A_908 = vector.broadcast %sub3A_907 : f32 to vector<16xf32>
        %sub3A_909 = arith.subf %sub3A_908, %mul3A_906 : vector<16xf32>
        %mul3A_910 = arith.mulf %mul3A_901, %sub3A_909 : vector<16xf32>
        %mul3A_911 = arith.constant 5.000000e-01 : f32
        %mul3A_912 = vector.broadcast %mul3A_911 : f32 to vector<16xf32>
        %mul3A_913 = arith.mulf %mul3A_912, %broadcast_in_dim3A_886 : vector<16xf32>
        %mul3A_914 = arith.mulf %mul3A_913, %mul3A_910 : vector<16xf32>
        %mul3A_915 = arith.mulf %mul3A_914, %mul3A_910 : vector<16xf32>
        %sub3A_916 = arith.constant 1.500000e+00 : f32
        %sub3A_917 = vector.broadcast %sub3A_916 : f32 to vector<16xf32>
        %sub3A_918 = arith.subf %sub3A_917, %mul3A_915 : vector<16xf32>
        %mul3A_919 = arith.mulf %mul3A_910, %sub3A_918 : vector<16xf32>
        %broadcast_in_dim3A_920 = vector.broadcast %mul3A_875 : f32 to vector<16xf32>
        %reduce_sum3A_921 = arith.constant true
        %reduce_sum3A_922 = vector.broadcast %reduce_sum3A_921 : i1 to vector<16xi1>
        %reduce_sum3A_923 = tpu.scan <sum>, %parallel_loop3A_870#2 masked %reduce_sum3A_922 : vector<16xf32>, vector<16xi1> -> vector<16xf32>
        %reduce_sum3A_924 = vector.extract %reduce_sum3A_923[15] : f32 from vector<16xf32>
        %mul3A_925 = arith.constant 0.00130208337 : f32
        %mul3A_926 = arith.mulf %reduce_sum3A_924, %mul3A_925 : f32
        %reduce_sum3A_927 = arith.constant true
        %reduce_sum3A_928 = vector.broadcast %reduce_sum3A_927 : i1 to vector<16xi1>
        %reduce_sum3A_929 = tpu.scan <sum>, %parallel_loop3A_870#3 masked %reduce_sum3A_928 : vector<16xf32>, vector<16xi1> -> vector<16xf32>
        %reduce_sum3A_930 = vector.extract %reduce_sum3A_929[15] : f32 from vector<16xf32>
        %mul3A_931 = arith.constant 0.00130208337 : f32
        %mul3A_932 = arith.mulf %reduce_sum3A_930, %mul3A_931 : f32
        %mul3A_933 = arith.mulf %mul3A_926, %mul3A_926 : f32
        %sub3A_934 = arith.subf %mul3A_932, %mul3A_933 : f32
        %add3A_935 = arith.constant 9.99999974E-6 : f32
        %add3A_936 = arith.addf %sub3A_934, %add3A_935 : f32
        %broadcast_in_dim3A_937 = vector.broadcast %add3A_936 : f32 to vector<16xf32>
        %bitcast3A_938 = vector.bitcast %broadcast_in_dim3A_937 : vector<16xf32> to vector<16xi32>
        %shift_right_logical3A_939 = arith.constant 1 : i32
        %shift_right_logical3A_940 = vector.broadcast %shift_right_logical3A_939 : i32 to vector<16xi32>
        %shift_right_logical3A_941 = arith.shrui %bitcast3A_938, %shift_right_logical3A_940 : vector<16xi32>
        %sub3A_942 = arith.constant 1597463007 : i32
        %sub3A_943 = vector.broadcast %sub3A_942 : i32 to vector<16xi32>
        %sub3A_944 = arith.subi %sub3A_943, %shift_right_logical3A_941 : vector<16xi32>
        %bitcast3A_945 = vector.bitcast %sub3A_944 : vector<16xi32> to vector<16xf32>
        %mul3A_946 = arith.constant 5.000000e-01 : f32
        %mul3A_947 = vector.broadcast %mul3A_946 : f32 to vector<16xf32>
        %mul3A_948 = arith.mulf %mul3A_947, %broadcast_in_dim3A_937 : vector<16xf32>
        %mul3A_949 = arith.mulf %mul3A_948, %bitcast3A_945 : vector<16xf32>
        %mul3A_950 = arith.mulf %mul3A_949, %bitcast3A_945 : vector<16xf32>
        %sub3A_951 = arith.constant 1.500000e+00 : f32
        %sub3A_952 = vector.broadcast %sub3A_951 : f32 to vector<16xf32>
        %sub3A_953 = arith.subf %sub3A_952, %mul3A_950 : vector<16xf32>
        %mul3A_954 = arith.mulf %bitcast3A_945, %sub3A_953 : vector<16xf32>
        %mul3A_955 = arith.constant 5.000000e-01 : f32
        %mul3A_956 = vector.broadcast %mul3A_955 : f32 to vector<16xf32>
        %mul3A_957 = arith.mulf %mul3A_956, %broadcast_in_dim3A_937 : vector<16xf32>
        %mul3A_958 = arith.mulf %mul3A_957, %mul3A_954 : vector<16xf32>
        %mul3A_959 = arith.mulf %mul3A_958, %mul3A_954 : vector<16xf32>
        %sub3A_960 = arith.constant 1.500000e+00 : f32
        %sub3A_961 = vector.broadcast %sub3A_960 : f32 to vector<16xf32>
        %sub3A_962 = arith.subf %sub3A_961, %mul3A_959 : vector<16xf32>
        %mul3A_963 = arith.mulf %mul3A_954, %sub3A_962 : vector<16xf32>
        %mul3A_964 = arith.constant 5.000000e-01 : f32
        %mul3A_965 = vector.broadcast %mul3A_964 : f32 to vector<16xf32>
        %mul3A_966 = arith.mulf %mul3A_965, %broadcast_in_dim3A_937 : vector<16xf32>
        %mul3A_967 = arith.mulf %mul3A_966, %mul3A_963 : vector<16xf32>
        %mul3A_968 = arith.mulf %mul3A_967, %mul3A_963 : vector<16xf32>
        %sub3A_969 = arith.constant 1.500000e+00 : f32
        %sub3A_970 = vector.broadcast %sub3A_969 : f32 to vector<16xf32>
        %sub3A_971 = arith.subf %sub3A_970, %mul3A_968 : vector<16xf32>
        %mul3A_972 = arith.mulf %mul3A_963, %sub3A_971 : vector<16xf32>
        %broadcast_in_dim3A_973 = vector.broadcast %mul3A_926 : f32 to vector<16xf32>
        %reduce_sum3A_974 = arith.constant true
        %reduce_sum3A_975 = vector.broadcast %reduce_sum3A_974 : i1 to vector<16xi1>
        %reduce_sum3A_976 = tpu.scan <sum>, %parallel_loop3A_870#4 masked %reduce_sum3A_975 : vector<16xf32>, vector<16xi1> -> vector<16xf32>
        %reduce_sum3A_977 = vector.extract %reduce_sum3A_976[15] : f32 from vector<16xf32>
        %mul3A_978 = arith.constant 0.00130208337 : f32
        %mul3A_979 = arith.mulf %reduce_sum3A_977, %mul3A_978 : f32
        %reduce_sum3A_980 = arith.constant true
        %reduce_sum3A_981 = vector.broadcast %reduce_sum3A_980 : i1 to vector<16xi1>
        %reduce_sum3A_982 = tpu.scan <sum>, %parallel_loop3A_870#5 masked %reduce_sum3A_981 : vector<16xf32>, vector<16xi1> -> vector<16xf32>
        %reduce_sum3A_983 = vector.extract %reduce_sum3A_982[15] : f32 from vector<16xf32>
        %mul3A_984 = arith.constant 0.00130208337 : f32
        %mul3A_985 = arith.mulf %reduce_sum3A_983, %mul3A_984 : f32
        %mul3A_986 = arith.mulf %mul3A_979, %mul3A_979 : f32
        %sub3A_987 = arith.subf %mul3A_985, %mul3A_986 : f32
        %add3A_988 = arith.constant 9.99999974E-6 : f32
        %add3A_989 = arith.addf %sub3A_987, %add3A_988 : f32
        %broadcast_in_dim3A_990 = vector.broadcast %add3A_989 : f32 to vector<16xf32>
        %bitcast3A_991 = vector.bitcast %broadcast_in_dim3A_990 : vector<16xf32> to vector<16xi32>
        %shift_right_logical3A_992 = arith.constant 1 : i32
        %shift_right_logical3A_993 = vector.broadcast %shift_right_logical3A_992 : i32 to vector<16xi32>
        %shift_right_logical3A_994 = arith.shrui %bitcast3A_991, %shift_right_logical3A_993 : vector<16xi32>
        %sub3A_995 = arith.constant 1597463007 : i32
        %sub3A_996 = vector.broadcast %sub3A_995 : i32 to vector<16xi32>
        %sub3A_997 = arith.subi %sub3A_996, %shift_right_logical3A_994 : vector<16xi32>
        %bitcast3A_998 = vector.bitcast %sub3A_997 : vector<16xi32> to vector<16xf32>
        %mul3A_999 = arith.constant 5.000000e-01 : f32
        %mul3A_1000 = vector.broadcast %mul3A_999 : f32 to vector<16xf32>
        %mul3A_1001 = arith.mulf %mul3A_1000, %broadcast_in_dim3A_990 : vector<16xf32>
        %mul3A_1002 = arith.mulf %mul3A_1001, %bitcast3A_998 : vector<16xf32>
        %mul3A_1003 = arith.mulf %mul3A_1002, %bitcast3A_998 : vector<16xf32>
        %sub3A_1004 = arith.constant 1.500000e+00 : f32
        %sub3A_1005 = vector.broadcast %sub3A_1004 : f32 to vector<16xf32>
        %sub3A_1006 = arith.subf %sub3A_1005, %mul3A_1003 : vector<16xf32>
        %mul3A_1007 = arith.mulf %bitcast3A_998, %sub3A_1006 : vector<16xf32>
        %mul3A_1008 = arith.constant 5.000000e-01 : f32
        %mul3A_1009 = vector.broadcast %mul3A_1008 : f32 to vector<16xf32>
        %mul3A_1010 = arith.mulf %mul3A_1009, %broadcast_in_dim3A_990 : vector<16xf32>
        %mul3A_1011 = arith.mulf %mul3A_1010, %mul3A_1007 : vector<16xf32>
        %mul3A_1012 = arith.mulf %mul3A_1011, %mul3A_1007 : vector<16xf32>
        %sub3A_1013 = arith.constant 1.500000e+00 : f32
        %sub3A_1014 = vector.broadcast %sub3A_1013 : f32 to vector<16xf32>
        %sub3A_1015 = arith.subf %sub3A_1014, %mul3A_1012 : vector<16xf32>
        %mul3A_1016 = arith.mulf %mul3A_1007, %sub3A_1015 : vector<16xf32>
        %mul3A_1017 = arith.constant 5.000000e-01 : f32
        %mul3A_1018 = vector.broadcast %mul3A_1017 : f32 to vector<16xf32>
        %mul3A_1019 = arith.mulf %mul3A_1018, %broadcast_in_dim3A_990 : vector<16xf32>
        %mul3A_1020 = arith.mulf %mul3A_1019, %mul3A_1016 : vector<16xf32>
        %mul3A_1021 = arith.mulf %mul3A_1020, %mul3A_1016 : vector<16xf32>
        %sub3A_1022 = arith.constant 1.500000e+00 : f32
        %sub3A_1023 = vector.broadcast %sub3A_1022 : f32 to vector<16xf32>
        %sub3A_1024 = arith.subf %sub3A_1023, %mul3A_1021 : vector<16xf32>
        %mul3A_1025 = arith.mulf %mul3A_1016, %sub3A_1024 : vector<16xf32>
        %broadcast_in_dim3A_1026 = vector.broadcast %mul3A_979 : f32 to vector<16xf32>
        %reduce_sum3A_1027 = arith.constant true
        %reduce_sum3A_1028 = vector.broadcast %reduce_sum3A_1027 : i1 to vector<16xi1>
        %reduce_sum3A_1029 = tpu.scan <sum>, %parallel_loop3A_870#6 masked %reduce_sum3A_1028 : vector<16xf32>, vector<16xi1> -> vector<16xf32>
        %reduce_sum3A_1030 = vector.extract %reduce_sum3A_1029[15] : f32 from vector<16xf32>
        %mul3A_1031 = arith.constant 0.00130208337 : f32
        %mul3A_1032 = arith.mulf %reduce_sum3A_1030, %mul3A_1031 : f32
        %reduce_sum3A_1033 = arith.constant true
        %reduce_sum3A_1034 = vector.broadcast %reduce_sum3A_1033 : i1 to vector<16xi1>
        %reduce_sum3A_1035 = tpu.scan <sum>, %parallel_loop3A_870#7 masked %reduce_sum3A_1034 : vector<16xf32>, vector<16xi1> -> vector<16xf32>
        %reduce_sum3A_1036 = vector.extract %reduce_sum3A_1035[15] : f32 from vector<16xf32>
        %mul3A_1037 = arith.constant 0.00130208337 : f32
        %mul3A_1038 = arith.mulf %reduce_sum3A_1036, %mul3A_1037 : f32
        %mul3A_1039 = arith.mulf %mul3A_1032, %mul3A_1032 : f32
        %sub3A_1040 = arith.subf %mul3A_1038, %mul3A_1039 : f32
        %add3A_1041 = arith.constant 9.99999974E-6 : f32
        %add3A_1042 = arith.addf %sub3A_1040, %add3A_1041 : f32
        %broadcast_in_dim3A_1043 = vector.broadcast %add3A_1042 : f32 to vector<16xf32>
        %bitcast3A_1044 = vector.bitcast %broadcast_in_dim3A_1043 : vector<16xf32> to vector<16xi32>
        %shift_right_logical3A_1045 = arith.constant 1 : i32
        %shift_right_logical3A_1046 = vector.broadcast %shift_right_logical3A_1045 : i32 to vector<16xi32>
        %shift_right_logical3A_1047 = arith.shrui %bitcast3A_1044, %shift_right_logical3A_1046 : vector<16xi32>
        %sub3A_1048 = arith.constant 1597463007 : i32
        %sub3A_1049 = vector.broadcast %sub3A_1048 : i32 to vector<16xi32>
        %sub3A_1050 = arith.subi %sub3A_1049, %shift_right_logical3A_1047 : vector<16xi32>
        %bitcast3A_1051 = vector.bitcast %sub3A_1050 : vector<16xi32> to vector<16xf32>
        %mul3A_1052 = arith.constant 5.000000e-01 : f32
        %mul3A_1053 = vector.broadcast %mul3A_1052 : f32 to vector<16xf32>
        %mul3A_1054 = arith.mulf %mul3A_1053, %broadcast_in_dim3A_1043 : vector<16xf32>
        %mul3A_1055 = arith.mulf %mul3A_1054, %bitcast3A_1051 : vector<16xf32>
        %mul3A_1056 = arith.mulf %mul3A_1055, %bitcast3A_1051 : vector<16xf32>
        %sub3A_1057 = arith.constant 1.500000e+00 : f32
        %sub3A_1058 = vector.broadcast %sub3A_1057 : f32 to vector<16xf32>
        %sub3A_1059 = arith.subf %sub3A_1058, %mul3A_1056 : vector<16xf32>
        %mul3A_1060 = arith.mulf %bitcast3A_1051, %sub3A_1059 : vector<16xf32>
        %mul3A_1061 = arith.constant 5.000000e-01 : f32
        %mul3A_1062 = vector.broadcast %mul3A_1061 : f32 to vector<16xf32>
        %mul3A_1063 = arith.mulf %mul3A_1062, %broadcast_in_dim3A_1043 : vector<16xf32>
        %mul3A_1064 = arith.mulf %mul3A_1063, %mul3A_1060 : vector<16xf32>
        %mul3A_1065 = arith.mulf %mul3A_1064, %mul3A_1060 : vector<16xf32>
        %sub3A_1066 = arith.constant 1.500000e+00 : f32
        %sub3A_1067 = vector.broadcast %sub3A_1066 : f32 to vector<16xf32>
        %sub3A_1068 = arith.subf %sub3A_1067, %mul3A_1065 : vector<16xf32>
        %mul3A_1069 = arith.mulf %mul3A_1060, %sub3A_1068 : vector<16xf32>
        %mul3A_1070 = arith.constant 5.000000e-01 : f32
        %mul3A_1071 = vector.broadcast %mul3A_1070 : f32 to vector<16xf32>
        %mul3A_1072 = arith.mulf %mul3A_1071, %broadcast_in_dim3A_1043 : vector<16xf32>
        %mul3A_1073 = arith.mulf %mul3A_1072, %mul3A_1069 : vector<16xf32>
        %mul3A_1074 = arith.mulf %mul3A_1073, %mul3A_1069 : vector<16xf32>
        %sub3A_1075 = arith.constant 1.500000e+00 : f32
        %sub3A_1076 = vector.broadcast %sub3A_1075 : f32 to vector<16xf32>
        %sub3A_1077 = arith.subf %sub3A_1076, %mul3A_1074 : vector<16xf32>
        %mul3A_1078 = arith.mulf %mul3A_1069, %sub3A_1077 : vector<16xf32>
        %broadcast_in_dim3A_1079 = vector.broadcast %mul3A_1032 : f32 to vector<16xf32>
        %reduce_sum3A_1080 = arith.constant true
        %reduce_sum3A_1081 = vector.broadcast %reduce_sum3A_1080 : i1 to vector<16xi1>
        %reduce_sum3A_1082 = tpu.scan <sum>, %parallel_loop3A_870#8 masked %reduce_sum3A_1081 : vector<16xf32>, vector<16xi1> -> vector<16xf32>
        %reduce_sum3A_1083 = vector.extract %reduce_sum3A_1082[15] : f32 from vector<16xf32>
        %mul3A_1084 = arith.constant 0.00130208337 : f32
        %mul3A_1085 = arith.mulf %reduce_sum3A_1083, %mul3A_1084 : f32
        %reduce_sum3A_1086 = arith.constant true
        %reduce_sum3A_1087 = vector.broadcast %reduce_sum3A_1086 : i1 to vector<16xi1>
        %reduce_sum3A_1088 = tpu.scan <sum>, %parallel_loop3A_870#9 masked %reduce_sum3A_1087 : vector<16xf32>, vector<16xi1> -> vector<16xf32>
        %reduce_sum3A_1089 = vector.extract %reduce_sum3A_1088[15] : f32 from vector<16xf32>
        %mul3A_1090 = arith.constant 0.00130208337 : f32
        %mul3A_1091 = arith.mulf %reduce_sum3A_1089, %mul3A_1090 : f32
        %mul3A_1092 = arith.mulf %mul3A_1085, %mul3A_1085 : f32
        %sub3A_1093 = arith.subf %mul3A_1091, %mul3A_1092 : f32
        %add3A_1094 = arith.constant 9.99999974E-6 : f32
        %add3A_1095 = arith.addf %sub3A_1093, %add3A_1094 : f32
        %broadcast_in_dim3A_1096 = vector.broadcast %add3A_1095 : f32 to vector<16xf32>
        %bitcast3A_1097 = vector.bitcast %broadcast_in_dim3A_1096 : vector<16xf32> to vector<16xi32>
        %shift_right_logical3A_1098 = arith.constant 1 : i32
        %shift_right_logical3A_1099 = vector.broadcast %shift_right_logical3A_1098 : i32 to vector<16xi32>
        %shift_right_logical3A_1100 = arith.shrui %bitcast3A_1097, %shift_right_logical3A_1099 : vector<16xi32>
        %sub3A_1101 = arith.constant 1597463007 : i32
        %sub3A_1102 = vector.broadcast %sub3A_1101 : i32 to vector<16xi32>
        %sub3A_1103 = arith.subi %sub3A_1102, %shift_right_logical3A_1100 : vector<16xi32>
        %bitcast3A_1104 = vector.bitcast %sub3A_1103 : vector<16xi32> to vector<16xf32>
        %mul3A_1105 = arith.constant 5.000000e-01 : f32
        %mul3A_1106 = vector.broadcast %mul3A_1105 : f32 to vector<16xf32>
        %mul3A_1107 = arith.mulf %mul3A_1106, %broadcast_in_dim3A_1096 : vector<16xf32>
        %mul3A_1108 = arith.mulf %mul3A_1107, %bitcast3A_1104 : vector<16xf32>
        %mul3A_1109 = arith.mulf %mul3A_1108, %bitcast3A_1104 : vector<16xf32>
        %sub3A_1110 = arith.constant 1.500000e+00 : f32
        %sub3A_1111 = vector.broadcast %sub3A_1110 : f32 to vector<16xf32>
        %sub3A_1112 = arith.subf %sub3A_1111, %mul3A_1109 : vector<16xf32>
        %mul3A_1113 = arith.mulf %bitcast3A_1104, %sub3A_1112 : vector<16xf32>
        %mul3A_1114 = arith.constant 5.000000e-01 : f32
        %mul3A_1115 = vector.broadcast %mul3A_1114 : f32 to vector<16xf32>
        %mul3A_1116 = arith.mulf %mul3A_1115, %broadcast_in_dim3A_1096 : vector<16xf32>
        %mul3A_1117 = arith.mulf %mul3A_1116, %mul3A_1113 : vector<16xf32>
        %mul3A_1118 = arith.mulf %mul3A_1117, %mul3A_1113 : vector<16xf32>
        %sub3A_1119 = arith.constant 1.500000e+00 : f32
        %sub3A_1120 = vector.broadcast %sub3A_1119 : f32 to vector<16xf32>
        %sub3A_1121 = arith.subf %sub3A_1120, %mul3A_1118 : vector<16xf32>
        %mul3A_1122 = arith.mulf %mul3A_1113, %sub3A_1121 : vector<16xf32>
        %mul3A_1123 = arith.constant 5.000000e-01 : f32
        %mul3A_1124 = vector.broadcast %mul3A_1123 : f32 to vector<16xf32>
        %mul3A_1125 = arith.mulf %mul3A_1124, %broadcast_in_dim3A_1096 : vector<16xf32>
        %mul3A_1126 = arith.mulf %mul3A_1125, %mul3A_1122 : vector<16xf32>
        %mul3A_1127 = arith.mulf %mul3A_1126, %mul3A_1122 : vector<16xf32>
        %sub3A_1128 = arith.constant 1.500000e+00 : f32
        %sub3A_1129 = vector.broadcast %sub3A_1128 : f32 to vector<16xf32>
        %sub3A_1130 = arith.subf %sub3A_1129, %mul3A_1127 : vector<16xf32>
        %mul3A_1131 = arith.mulf %mul3A_1122, %sub3A_1130 : vector<16xf32>
        %broadcast_in_dim3A_1132 = vector.broadcast %mul3A_1085 : f32 to vector<16xf32>
        %reduce_sum3A_1133 = arith.constant true
        %reduce_sum3A_1134 = vector.broadcast %reduce_sum3A_1133 : i1 to vector<16xi1>
        %reduce_sum3A_1135 = tpu.scan <sum>, %parallel_loop3A_870#10 masked %reduce_sum3A_1134 : vector<16xf32>, vector<16xi1> -> vector<16xf32>
        %reduce_sum3A_1136 = vector.extract %reduce_sum3A_1135[15] : f32 from vector<16xf32>
        %mul3A_1137 = arith.constant 0.00130208337 : f32
        %mul3A_1138 = arith.mulf %reduce_sum3A_1136, %mul3A_1137 : f32
        %reduce_sum3A_1139 = arith.constant true
        %reduce_sum3A_1140 = vector.broadcast %reduce_sum3A_1139 : i1 to vector<16xi1>
        %reduce_sum3A_1141 = tpu.scan <sum>, %parallel_loop3A_870#11 masked %reduce_sum3A_1140 : vector<16xf32>, vector<16xi1> -> vector<16xf32>
        %reduce_sum3A_1142 = vector.extract %reduce_sum3A_1141[15] : f32 from vector<16xf32>
        %mul3A_1143 = arith.constant 0.00130208337 : f32
        %mul3A_1144 = arith.mulf %reduce_sum3A_1142, %mul3A_1143 : f32
        %mul3A_1145 = arith.mulf %mul3A_1138, %mul3A_1138 : f32
        %sub3A_1146 = arith.subf %mul3A_1144, %mul3A_1145 : f32
        %add3A_1147 = arith.constant 9.99999974E-6 : f32
        %add3A_1148 = arith.addf %sub3A_1146, %add3A_1147 : f32
        %broadcast_in_dim3A_1149 = vector.broadcast %add3A_1148 : f32 to vector<16xf32>
        %bitcast3A_1150 = vector.bitcast %broadcast_in_dim3A_1149 : vector<16xf32> to vector<16xi32>
        %shift_right_logical3A_1151 = arith.constant 1 : i32
        %shift_right_logical3A_1152 = vector.broadcast %shift_right_logical3A_1151 : i32 to vector<16xi32>
        %shift_right_logical3A_1153 = arith.shrui %bitcast3A_1150, %shift_right_logical3A_1152 : vector<16xi32>
        %sub3A_1154 = arith.constant 1597463007 : i32
        %sub3A_1155 = vector.broadcast %sub3A_1154 : i32 to vector<16xi32>
        %sub3A_1156 = arith.subi %sub3A_1155, %shift_right_logical3A_1153 : vector<16xi32>
        %bitcast3A_1157 = vector.bitcast %sub3A_1156 : vector<16xi32> to vector<16xf32>
        %mul3A_1158 = arith.constant 5.000000e-01 : f32
        %mul3A_1159 = vector.broadcast %mul3A_1158 : f32 to vector<16xf32>
        %mul3A_1160 = arith.mulf %mul3A_1159, %broadcast_in_dim3A_1149 : vector<16xf32>
        %mul3A_1161 = arith.mulf %mul3A_1160, %bitcast3A_1157 : vector<16xf32>
        %mul3A_1162 = arith.mulf %mul3A_1161, %bitcast3A_1157 : vector<16xf32>
        %sub3A_1163 = arith.constant 1.500000e+00 : f32
        %sub3A_1164 = vector.broadcast %sub3A_1163 : f32 to vector<16xf32>
        %sub3A_1165 = arith.subf %sub3A_1164, %mul3A_1162 : vector<16xf32>
        %mul3A_1166 = arith.mulf %bitcast3A_1157, %sub3A_1165 : vector<16xf32>
        %mul3A_1167 = arith.constant 5.000000e-01 : f32
        %mul3A_1168 = vector.broadcast %mul3A_1167 : f32 to vector<16xf32>
        %mul3A_1169 = arith.mulf %mul3A_1168, %broadcast_in_dim3A_1149 : vector<16xf32>
        %mul3A_1170 = arith.mulf %mul3A_1169, %mul3A_1166 : vector<16xf32>
        %mul3A_1171 = arith.mulf %mul3A_1170, %mul3A_1166 : vector<16xf32>
        %sub3A_1172 = arith.constant 1.500000e+00 : f32
        %sub3A_1173 = vector.broadcast %sub3A_1172 : f32 to vector<16xf32>
        %sub3A_1174 = arith.subf %sub3A_1173, %mul3A_1171 : vector<16xf32>
        %mul3A_1175 = arith.mulf %mul3A_1166, %sub3A_1174 : vector<16xf32>
        %mul3A_1176 = arith.constant 5.000000e-01 : f32
        %mul3A_1177 = vector.broadcast %mul3A_1176 : f32 to vector<16xf32>
        %mul3A_1178 = arith.mulf %mul3A_1177, %broadcast_in_dim3A_1149 : vector<16xf32>
        %mul3A_1179 = arith.mulf %mul3A_1178, %mul3A_1175 : vector<16xf32>
        %mul3A_1180 = arith.mulf %mul3A_1179, %mul3A_1175 : vector<16xf32>
        %sub3A_1181 = arith.constant 1.500000e+00 : f32
        %sub3A_1182 = vector.broadcast %sub3A_1181 : f32 to vector<16xf32>
        %sub3A_1183 = arith.subf %sub3A_1182, %mul3A_1180 : vector<16xf32>
        %mul3A_1184 = arith.mulf %mul3A_1175, %sub3A_1183 : vector<16xf32>
        %broadcast_in_dim3A_1185 = vector.broadcast %mul3A_1138 : f32 to vector<16xf32>
        %reduce_sum3A_1186 = arith.constant true
        %reduce_sum3A_1187 = vector.broadcast %reduce_sum3A_1186 : i1 to vector<16xi1>
        %reduce_sum3A_1188 = tpu.scan <sum>, %parallel_loop3A_870#12 masked %reduce_sum3A_1187 : vector<16xf32>, vector<16xi1> -> vector<16xf32>
        %reduce_sum3A_1189 = vector.extract %reduce_sum3A_1188[15] : f32 from vector<16xf32>
        %mul3A_1190 = arith.constant 0.00130208337 : f32
        %mul3A_1191 = arith.mulf %reduce_sum3A_1189, %mul3A_1190 : f32
        %reduce_sum3A_1192 = arith.constant true
        %reduce_sum3A_1193 = vector.broadcast %reduce_sum3A_1192 : i1 to vector<16xi1>
        %reduce_sum3A_1194 = tpu.scan <sum>, %parallel_loop3A_870#13 masked %reduce_sum3A_1193 : vector<16xf32>, vector<16xi1> -> vector<16xf32>
        %reduce_sum3A_1195 = vector.extract %reduce_sum3A_1194[15] : f32 from vector<16xf32>
        %mul3A_1196 = arith.constant 0.00130208337 : f32
        %mul3A_1197 = arith.mulf %reduce_sum3A_1195, %mul3A_1196 : f32
        %mul3A_1198 = arith.mulf %mul3A_1191, %mul3A_1191 : f32
        %sub3A_1199 = arith.subf %mul3A_1197, %mul3A_1198 : f32
        %add3A_1200 = arith.constant 9.99999974E-6 : f32
        %add3A_1201 = arith.addf %sub3A_1199, %add3A_1200 : f32
        %broadcast_in_dim3A_1202 = vector.broadcast %add3A_1201 : f32 to vector<16xf32>
        %bitcast3A_1203 = vector.bitcast %broadcast_in_dim3A_1202 : vector<16xf32> to vector<16xi32>
        %shift_right_logical3A_1204 = arith.constant 1 : i32
        %shift_right_logical3A_1205 = vector.broadcast %shift_right_logical3A_1204 : i32 to vector<16xi32>
        %shift_right_logical3A_1206 = arith.shrui %bitcast3A_1203, %shift_right_logical3A_1205 : vector<16xi32>
        %sub3A_1207 = arith.constant 1597463007 : i32
        %sub3A_1208 = vector.broadcast %sub3A_1207 : i32 to vector<16xi32>
        %sub3A_1209 = arith.subi %sub3A_1208, %shift_right_logical3A_1206 : vector<16xi32>
        %bitcast3A_1210 = vector.bitcast %sub3A_1209 : vector<16xi32> to vector<16xf32>
        %mul3A_1211 = arith.constant 5.000000e-01 : f32
        %mul3A_1212 = vector.broadcast %mul3A_1211 : f32 to vector<16xf32>
        %mul3A_1213 = arith.mulf %mul3A_1212, %broadcast_in_dim3A_1202 : vector<16xf32>
        %mul3A_1214 = arith.mulf %mul3A_1213, %bitcast3A_1210 : vector<16xf32>
        %mul3A_1215 = arith.mulf %mul3A_1214, %bitcast3A_1210 : vector<16xf32>
        %sub3A_1216 = arith.constant 1.500000e+00 : f32
        %sub3A_1217 = vector.broadcast %sub3A_1216 : f32 to vector<16xf32>
        %sub3A_1218 = arith.subf %sub3A_1217, %mul3A_1215 : vector<16xf32>
        %mul3A_1219 = arith.mulf %bitcast3A_1210, %sub3A_1218 : vector<16xf32>
        %mul3A_1220 = arith.constant 5.000000e-01 : f32
        %mul3A_1221 = vector.broadcast %mul3A_1220 : f32 to vector<16xf32>
        %mul3A_1222 = arith.mulf %mul3A_1221, %broadcast_in_dim3A_1202 : vector<16xf32>
        %mul3A_1223 = arith.mulf %mul3A_1222, %mul3A_1219 : vector<16xf32>
        %mul3A_1224 = arith.mulf %mul3A_1223, %mul3A_1219 : vector<16xf32>
        %sub3A_1225 = arith.constant 1.500000e+00 : f32
        %sub3A_1226 = vector.broadcast %sub3A_1225 : f32 to vector<16xf32>
        %sub3A_1227 = arith.subf %sub3A_1226, %mul3A_1224 : vector<16xf32>
        %mul3A_1228 = arith.mulf %mul3A_1219, %sub3A_1227 : vector<16xf32>
        %mul3A_1229 = arith.constant 5.000000e-01 : f32
        %mul3A_1230 = vector.broadcast %mul3A_1229 : f32 to vector<16xf32>
        %mul3A_1231 = arith.mulf %mul3A_1230, %broadcast_in_dim3A_1202 : vector<16xf32>
        %mul3A_1232 = arith.mulf %mul3A_1231, %mul3A_1228 : vector<16xf32>
        %mul3A_1233 = arith.mulf %mul3A_1232, %mul3A_1228 : vector<16xf32>
        %sub3A_1234 = arith.constant 1.500000e+00 : f32
        %sub3A_1235 = vector.broadcast %sub3A_1234 : f32 to vector<16xf32>
        %sub3A_1236 = arith.subf %sub3A_1235, %mul3A_1233 : vector<16xf32>
        %mul3A_1237 = arith.mulf %mul3A_1228, %sub3A_1236 : vector<16xf32>
        %broadcast_in_dim3A_1238 = vector.broadcast %mul3A_1191 : f32 to vector<16xf32>
        %reduce_sum3A_1239 = arith.constant true
        %reduce_sum3A_1240 = vector.broadcast %reduce_sum3A_1239 : i1 to vector<16xi1>
        %reduce_sum3A_1241 = tpu.scan <sum>, %parallel_loop3A_870#14 masked %reduce_sum3A_1240 : vector<16xf32>, vector<16xi1> -> vector<16xf32>
        %reduce_sum3A_1242 = vector.extract %reduce_sum3A_1241[15] : f32 from vector<16xf32>
        %mul3A_1243 = arith.constant 0.00130208337 : f32
        %mul3A_1244 = arith.mulf %reduce_sum3A_1242, %mul3A_1243 : f32
        %reduce_sum3A_1245 = arith.constant true
        %reduce_sum3A_1246 = vector.broadcast %reduce_sum3A_1245 : i1 to vector<16xi1>
        %reduce_sum3A_1247 = tpu.scan <sum>, %parallel_loop3A_870#15 masked %reduce_sum3A_1246 : vector<16xf32>, vector<16xi1> -> vector<16xf32>
        %reduce_sum3A_1248 = vector.extract %reduce_sum3A_1247[15] : f32 from vector<16xf32>
        %mul3A_1249 = arith.constant 0.00130208337 : f32
        %mul3A_1250 = arith.mulf %reduce_sum3A_1248, %mul3A_1249 : f32
        %mul3A_1251 = arith.mulf %mul3A_1244, %mul3A_1244 : f32
        %sub3A_1252 = arith.subf %mul3A_1250, %mul3A_1251 : f32
        %add3A_1253 = arith.constant 9.99999974E-6 : f32
        %add3A_1254 = arith.addf %sub3A_1252, %add3A_1253 : f32
        %broadcast_in_dim3A_1255 = vector.broadcast %add3A_1254 : f32 to vector<16xf32>
        %bitcast3A_1256 = vector.bitcast %broadcast_in_dim3A_1255 : vector<16xf32> to vector<16xi32>
        %shift_right_logical3A_1257 = arith.constant 1 : i32
        %shift_right_logical3A_1258 = vector.broadcast %shift_right_logical3A_1257 : i32 to vector<16xi32>
        %shift_right_logical3A_1259 = arith.shrui %bitcast3A_1256, %shift_right_logical3A_1258 : vector<16xi32>
        %sub3A_1260 = arith.constant 1597463007 : i32
        %sub3A_1261 = vector.broadcast %sub3A_1260 : i32 to vector<16xi32>
        %sub3A_1262 = arith.subi %sub3A_1261, %shift_right_logical3A_1259 : vector<16xi32>
        %bitcast3A_1263 = vector.bitcast %sub3A_1262 : vector<16xi32> to vector<16xf32>
        %mul3A_1264 = arith.constant 5.000000e-01 : f32
        %mul3A_1265 = vector.broadcast %mul3A_1264 : f32 to vector<16xf32>
        %mul3A_1266 = arith.mulf %mul3A_1265, %broadcast_in_dim3A_1255 : vector<16xf32>
        %mul3A_1267 = arith.mulf %mul3A_1266, %bitcast3A_1263 : vector<16xf32>
        %mul3A_1268 = arith.mulf %mul3A_1267, %bitcast3A_1263 : vector<16xf32>
        %sub3A_1269 = arith.constant 1.500000e+00 : f32
        %sub3A_1270 = vector.broadcast %sub3A_1269 : f32 to vector<16xf32>
        %sub3A_1271 = arith.subf %sub3A_1270, %mul3A_1268 : vector<16xf32>
        %mul3A_1272 = arith.mulf %bitcast3A_1263, %sub3A_1271 : vector<16xf32>
        %mul3A_1273 = arith.constant 5.000000e-01 : f32
        %mul3A_1274 = vector.broadcast %mul3A_1273 : f32 to vector<16xf32>
        %mul3A_1275 = arith.mulf %mul3A_1274, %broadcast_in_dim3A_1255 : vector<16xf32>
        %mul3A_1276 = arith.mulf %mul3A_1275, %mul3A_1272 : vector<16xf32>
        %mul3A_1277 = arith.mulf %mul3A_1276, %mul3A_1272 : vector<16xf32>
        %sub3A_1278 = arith.constant 1.500000e+00 : f32
        %sub3A_1279 = vector.broadcast %sub3A_1278 : f32 to vector<16xf32>
        %sub3A_1280 = arith.subf %sub3A_1279, %mul3A_1277 : vector<16xf32>
        %mul3A_1281 = arith.mulf %mul3A_1272, %sub3A_1280 : vector<16xf32>
        %mul3A_1282 = arith.constant 5.000000e-01 : f32
        %mul3A_1283 = vector.broadcast %mul3A_1282 : f32 to vector<16xf32>
        %mul3A_1284 = arith.mulf %mul3A_1283, %broadcast_in_dim3A_1255 : vector<16xf32>
        %mul3A_1285 = arith.mulf %mul3A_1284, %mul3A_1281 : vector<16xf32>
        %mul3A_1286 = arith.mulf %mul3A_1285, %mul3A_1281 : vector<16xf32>
        %sub3A_1287 = arith.constant 1.500000e+00 : f32
        %sub3A_1288 = vector.broadcast %sub3A_1287 : f32 to vector<16xf32>
        %sub3A_1289 = arith.subf %sub3A_1288, %mul3A_1286 : vector<16xf32>
        %mul3A_1290 = arith.mulf %mul3A_1281, %sub3A_1289 : vector<16xf32>
        %broadcast_in_dim3A_1291 = vector.broadcast %mul3A_1244 : f32 to vector<16xf32>
        %parallel_loop3A_1292 = arith.constant 0 : i32
        %parallel_loop3A_1293 = arith.constant 48 : i32
        %parallel_loop3A_1294 = arith.constant 1 : i32
        scf.for %parallel_loop3A_1295 = %parallel_loop3A_1292 to %parallel_loop3A_1293 step %parallel_loop3A_1294  : i32 {
          %parallel_loop3A_1296 = arith.constant 16 : i32
          %parallel_loop3A_1297 = arith.muli %parallel_loop3A_1295, %parallel_loop3A_1296 : i32
          %parallel_loop3A_1298 = arith.index_cast %parallel_loop3A_1297 : i32 to index
          %parallel_loop3A_1299 = tpu.vector_load %arg14[%parallel_loop3A_1298] {strides = array<i32>} : memref<768xf32, #tpu.memory_space<vmem>>, vector<16xf32>,
          %parallel_loop3A_1300 = arith.index_cast %parallel_loop3A_1297 : i32 to index
          %parallel_loop3A_1301 = tpu.vector_load %arg15[%parallel_loop3A_1300] {strides = array<i32>} : memref<768xf32, #tpu.memory_space<vmem>>, vector<16xf32>,
          %parallel_loop3A_1302 = arith.constant 0 : i32
          %parallel_loop3A_1303 = arith.addi %add3A_788, %parallel_loop3A_1302 : i32
          %parallel_loop3A_1304 = arith.index_cast %parallel_loop3A_1303 : i32 to index
          %parallel_loop3A_1305 = arith.index_cast %parallel_loop3A_1297 : i32 to index
          %parallel_loop3A_1306 = tpu.vector_load %arg10[%parallel_loop3A_1304, %parallel_loop3A_1305] {strides = array<i32>} : memref<64x768xf32, #tpu.memory_space<vmem>>, vector<16xf32>,
          %parallel_loop3A_1307 = arith.subf %parallel_loop3A_1306, %broadcast_in_dim3A_920 : vector<16xf32>
          %parallel_loop3A_1308 = arith.mulf %parallel_loop3A_1307, %mul3A_919 : vector<16xf32>
          %parallel_loop3A_1309 = arith.mulf %parallel_loop3A_1308, %parallel_loop3A_1299 : vector<16xf32>
          %parallel_loop3A_1310 = arith.addf %parallel_loop3A_1309, %parallel_loop3A_1301 : vector<16xf32>
          %parallel_loop3A_1311 = arith.constant 0 : i32
          %parallel_loop3A_1312 = arith.addi %add3A_788, %parallel_loop3A_1311 : i32
          %parallel_loop3A_1313 = arith.index_cast %parallel_loop3A_1312 : i32 to index
          %parallel_loop3A_1314 = arith.index_cast %parallel_loop3A_1297 : i32 to index
          %parallel_loop3A_1315 = tpu.vector_load %arg10[%parallel_loop3A_1313, %parallel_loop3A_1314] {strides = array<i32>} : memref<64x768xf32, #tpu.memory_space<vmem>>, vector<16xf32>,
          tpu.vector_store %arg10[%parallel_loop3A_1313, %parallel_loop3A_1314], %parallel_loop3A_1310 {strides = array<i32>} : memref<64x768xf32, #tpu.memory_space<vmem>>, vector<16xf32>,
          %parallel_loop3A_1316 = arith.constant 1 : i32
          %parallel_loop3A_1317 = arith.addi %add3A_788, %parallel_loop3A_1316 : i32
          %parallel_loop3A_1318 = arith.index_cast %parallel_loop3A_1317 : i32 to index
          %parallel_loop3A_1319 = arith.index_cast %parallel_loop3A_1297 : i32 to index
          %parallel_loop3A_1320 = tpu.vector_load %arg10[%parallel_loop3A_1318, %parallel_loop3A_1319] {strides = array<i32>} : memref<64x768xf32, #tpu.memory_space<vmem>>, vector<16xf32>,
          %parallel_loop3A_1321 = arith.subf %parallel_loop3A_1320, %broadcast_in_dim3A_973 : vector<16xf32>
          %parallel_loop3A_1322 = arith.mulf %parallel_loop3A_1321, %mul3A_972 : vector<16xf32>
          %parallel_loop3A_1323 = arith.mulf %parallel_loop3A_1322, %parallel_loop3A_1299 : vector<16xf32>
          %parallel_loop3A_1324 = arith.addf %parallel_loop3A_1323, %parallel_loop3A_1301 : vector<16xf32>
          %parallel_loop3A_1325 = arith.constant 1 : i32
          %parallel_loop3A_1326 = arith.addi %add3A_788, %parallel_loop3A_1325 : i32
          %parallel_loop3A_1327 = arith.index_cast %parallel_loop3A_1326 : i32 to index
          %parallel_loop3A_1328 = arith.index_cast %parallel_loop3A_1297 : i32 to index
          %parallel_loop3A_1329 = tpu.vector_load %arg10[%parallel_loop3A_1327, %parallel_loop3A_1328] {strides = array<i32>} : memref<64x768xf32, #tpu.memory_space<vmem>>, vector<16xf32>,
          tpu.vector_store %arg10[%parallel_loop3A_1327, %parallel_loop3A_1328], %parallel_loop3A_1324 {strides = array<i32>} : memref<64x768xf32, #tpu.memory_space<vmem>>, vector<16xf32>,
          %parallel_loop3A_1330 = arith.constant 2 : i32
          %parallel_loop3A_1331 = arith.addi %add3A_788, %parallel_loop3A_1330 : i32
          %parallel_loop3A_1332 = arith.index_cast %parallel_loop3A_1331 : i32 to index
          %parallel_loop3A_1333 = arith.index_cast %parallel_loop3A_1297 : i32 to index
          %parallel_loop3A_1334 = tpu.vector_load %arg10[%parallel_loop3A_1332, %parallel_loop3A_1333] {strides = array<i32>} : memref<64x768xf32, #tpu.memory_space<vmem>>, vector<16xf32>,
          %parallel_loop3A_1335 = arith.subf %parallel_loop3A_1334, %broadcast_in_dim3A_1026 : vector<16xf32>
          %parallel_loop3A_1336 = arith.mulf %parallel_loop3A_1335, %mul3A_1025 : vector<16xf32>
          %parallel_loop3A_1337 = arith.mulf %parallel_loop3A_1336, %parallel_loop3A_1299 : vector<16xf32>
          %parallel_loop3A_1338 = arith.addf %parallel_loop3A_1337, %parallel_loop3A_1301 : vector<16xf32>
          %parallel_loop3A_1339 = arith.constant 2 : i32
          %parallel_loop3A_1340 = arith.addi %add3A_788, %parallel_loop3A_1339 : i32
          %parallel_loop3A_1341 = arith.index_cast %parallel_loop3A_1340 : i32 to index
          %parallel_loop3A_1342 = arith.index_cast %parallel_loop3A_1297 : i32 to index
          %parallel_loop3A_1343 = tpu.vector_load %arg10[%parallel_loop3A_1341, %parallel_loop3A_1342] {strides = array<i32>} : memref<64x768xf32, #tpu.memory_space<vmem>>, vector<16xf32>,
          tpu.vector_store %arg10[%parallel_loop3A_1341, %parallel_loop3A_1342], %parallel_loop3A_1338 {strides = array<i32>} : memref<64x768xf32, #tpu.memory_space<vmem>>, vector<16xf32>,
          %parallel_loop3A_1344 = arith.constant 3 : i32
          %parallel_loop3A_1345 = arith.addi %add3A_788, %parallel_loop3A_1344 : i32
          %parallel_loop3A_1346 = arith.index_cast %parallel_loop3A_1345 : i32 to index
          %parallel_loop3A_1347 = arith.index_cast %parallel_loop3A_1297 : i32 to index
          %parallel_loop3A_1348 = tpu.vector_load %arg10[%parallel_loop3A_1346, %parallel_loop3A_1347] {strides = array<i32>} : memref<64x768xf32, #tpu.memory_space<vmem>>, vector<16xf32>,
          %parallel_loop3A_1349 = arith.subf %parallel_loop3A_1348, %broadcast_in_dim3A_1079 : vector<16xf32>
          %parallel_loop3A_1350 = arith.mulf %parallel_loop3A_1349, %mul3A_1078 : vector<16xf32>
          %parallel_loop3A_1351 = arith.mulf %parallel_loop3A_1350, %parallel_loop3A_1299 : vector<16xf32>
          %parallel_loop3A_1352 = arith.addf %parallel_loop3A_1351, %parallel_loop3A_1301 : vector<16xf32>
          %parallel_loop3A_1353 = arith.constant 3 : i32
          %parallel_loop3A_1354 = arith.addi %add3A_788, %parallel_loop3A_1353 : i32
          %parallel_loop3A_1355 = arith.index_cast %parallel_loop3A_1354 : i32 to index
          %parallel_loop3A_1356 = arith.index_cast %parallel_loop3A_1297 : i32 to index
          %parallel_loop3A_1357 = tpu.vector_load %arg10[%parallel_loop3A_1355, %parallel_loop3A_1356] {strides = array<i32>} : memref<64x768xf32, #tpu.memory_space<vmem>>, vector<16xf32>,
          tpu.vector_store %arg10[%parallel_loop3A_1355, %parallel_loop3A_1356], %parallel_loop3A_1352 {strides = array<i32>} : memref<64x768xf32, #tpu.memory_space<vmem>>, vector<16xf32>,
          %parallel_loop3A_1358 = arith.constant 4 : i32
          %parallel_loop3A_1359 = arith.addi %add3A_788, %parallel_loop3A_1358 : i32
          %parallel_loop3A_1360 = arith.index_cast %parallel_loop3A_1359 : i32 to index
          %parallel_loop3A_1361 = arith.index_cast %parallel_loop3A_1297 : i32 to index
          %parallel_loop3A_1362 = tpu.vector_load %arg10[%parallel_loop3A_1360, %parallel_loop3A_1361] {strides = array<i32>} : memref<64x768xf32, #tpu.memory_space<vmem>>, vector<16xf32>,
          %parallel_loop3A_1363 = arith.subf %parallel_loop3A_1362, %broadcast_in_dim3A_1132 : vector<16xf32>
          %parallel_loop3A_1364 = arith.mulf %parallel_loop3A_1363, %mul3A_1131 : vector<16xf32>
          %parallel_loop3A_1365 = arith.mulf %parallel_loop3A_1364, %parallel_loop3A_1299 : vector<16xf32>
          %parallel_loop3A_1366 = arith.addf %parallel_loop3A_1365, %parallel_loop3A_1301 : vector<16xf32>
          %parallel_loop3A_1367 = arith.constant 4 : i32
          %parallel_loop3A_1368 = arith.addi %add3A_788, %parallel_loop3A_1367 : i32
          %parallel_loop3A_1369 = arith.index_cast %parallel_loop3A_1368 : i32 to index
          %parallel_loop3A_1370 = arith.index_cast %parallel_loop3A_1297 : i32 to index
          %parallel_loop3A_1371 = tpu.vector_load %arg10[%parallel_loop3A_1369, %parallel_loop3A_1370] {strides = array<i32>} : memref<64x768xf32, #tpu.memory_space<vmem>>, vector<16xf32>,
          tpu.vector_store %arg10[%parallel_loop3A_1369, %parallel_loop3A_1370], %parallel_loop3A_1366 {strides = array<i32>} : memref<64x768xf32, #tpu.memory_space<vmem>>, vector<16xf32>,
          %parallel_loop3A_1372 = arith.constant 5 : i32
          %parallel_loop3A_1373 = arith.addi %add3A_788, %parallel_loop3A_1372 : i32
          %parallel_loop3A_1374 = arith.index_cast %parallel_loop3A_1373 : i32 to index
          %parallel_loop3A_1375 = arith.index_cast %parallel_loop3A_1297 : i32 to index
          %parallel_loop3A_1376 = tpu.vector_load %arg10[%parallel_loop3A_1374, %parallel_loop3A_1375] {strides = array<i32>} : memref<64x768xf32, #tpu.memory_space<vmem>>, vector<16xf32>,
          %parallel_loop3A_1377 = arith.subf %parallel_loop3A_1376, %broadcast_in_dim3A_1185 : vector<16xf32>
          %parallel_loop3A_1378 = arith.mulf %parallel_loop3A_1377, %mul3A_1184 : vector<16xf32>
          %parallel_loop3A_1379 = arith.mulf %parallel_loop3A_1378, %parallel_loop3A_1299 : vector<16xf32>
          %parallel_loop3A_1380 = arith.addf %parallel_loop3A_1379, %parallel_loop3A_1301 : vector<16xf32>
          %parallel_loop3A_1381 = arith.constant 5 : i32
          %parallel_loop3A_1382 = arith.addi %add3A_788, %parallel_loop3A_1381 : i32
          %parallel_loop3A_1383 = arith.index_cast %parallel_loop3A_1382 : i32 to index
          %parallel_loop3A_1384 = arith.index_cast %parallel_loop3A_1297 : i32 to index
          %parallel_loop3A_1385 = tpu.vector_load %arg10[%parallel_loop3A_1383, %parallel_loop3A_1384] {strides = array<i32>} : memref<64x768xf32, #tpu.memory_space<vmem>>, vector<16xf32>,
          tpu.vector_store %arg10[%parallel_loop3A_1383, %parallel_loop3A_1384], %parallel_loop3A_1380 {strides = array<i32>} : memref<64x768xf32, #tpu.memory_space<vmem>>, vector<16xf32>,
          %parallel_loop3A_1386 = arith.constant 6 : i32
          %parallel_loop3A_1387 = arith.addi %add3A_788, %parallel_loop3A_1386 : i32
          %parallel_loop3A_1388 = arith.index_cast %parallel_loop3A_1387 : i32 to index
          %parallel_loop3A_1389 = arith.index_cast %parallel_loop3A_1297 : i32 to index
          %parallel_loop3A_1390 = tpu.vector_load %arg10[%parallel_loop3A_1388, %parallel_loop3A_1389] {strides = array<i32>} : memref<64x768xf32, #tpu.memory_space<vmem>>, vector<16xf32>,
          %parallel_loop3A_1391 = arith.subf %parallel_loop3A_1390, %broadcast_in_dim3A_1238 : vector<16xf32>
          %parallel_loop3A_1392 = arith.mulf %parallel_loop3A_1391, %mul3A_1237 : vector<16xf32>
          %parallel_loop3A_1393 = arith.mulf %parallel_loop3A_1392, %parallel_loop3A_1299 : vector<16xf32>
          %parallel_loop3A_1394 = arith.addf %parallel_loop3A_1393, %parallel_loop3A_1301 : vector<16xf32>
          %parallel_loop3A_1395 = arith.constant 6 : i32
          %parallel_loop3A_1396 = arith.addi %add3A_788, %parallel_loop3A_1395 : i32
          %parallel_loop3A_1397 = arith.index_cast %parallel_loop3A_1396 : i32 to index
          %parallel_loop3A_1398 = arith.index_cast %parallel_loop3A_1297 : i32 to index
          %parallel_loop3A_1399 = tpu.vector_load %arg10[%parallel_loop3A_1397, %parallel_loop3A_1398] {strides = array<i32>} : memref<64x768xf32, #tpu.memory_space<vmem>>, vector<16xf32>,
          tpu.vector_store %arg10[%parallel_loop3A_1397, %parallel_loop3A_1398], %parallel_loop3A_1394 {strides = array<i32>} : memref<64x768xf32, #tpu.memory_space<vmem>>, vector<16xf32>,
          %parallel_loop3A_1400 = arith.constant 7 : i32
          %parallel_loop3A_1401 = arith.addi %add3A_788, %parallel_loop3A_1400 : i32
          %parallel_loop3A_1402 = arith.index_cast %parallel_loop3A_1401 : i32 to index
          %parallel_loop3A_1403 = arith.index_cast %parallel_loop3A_1297 : i32 to index
          %parallel_loop3A_1404 = tpu.vector_load %arg10[%parallel_loop3A_1402, %parallel_loop3A_1403] {strides = array<i32>} : memref<64x768xf32, #tpu.memory_space<vmem>>, vector<16xf32>,
          %parallel_loop3A_1405 = arith.subf %parallel_loop3A_1404, %broadcast_in_dim3A_1291 : vector<16xf32>
          %parallel_loop3A_1406 = arith.mulf %parallel_loop3A_1405, %mul3A_1290 : vector<16xf32>
          %parallel_loop3A_1407 = arith.mulf %parallel_loop3A_1406, %parallel_loop3A_1299 : vector<16xf32>
          %parallel_loop3A_1408 = arith.addf %parallel_loop3A_1407, %parallel_loop3A_1301 : vector<16xf32>
          %parallel_loop3A_1409 = arith.constant 7 : i32
          %parallel_loop3A_1410 = arith.addi %add3A_788, %parallel_loop3A_1409 : i32
          %parallel_loop3A_1411 = arith.index_cast %parallel_loop3A_1410 : i32 to index
          %parallel_loop3A_1412 = arith.index_cast %parallel_loop3A_1297 : i32 to index
          %parallel_loop3A_1413 = tpu.vector_load %arg10[%parallel_loop3A_1411, %parallel_loop3A_1412] {strides = array<i32>} : memref<64x768xf32, #tpu.memory_space<vmem>>, vector<16xf32>,
          tpu.vector_store %arg10[%parallel_loop3A_1411, %parallel_loop3A_1412], %parallel_loop3A_1408 {strides = array<i32>} : memref<64x768xf32, #tpu.memory_space<vmem>>, vector<16xf32>,
        } {sc.loop_unroll_factor = 2 : i64, sc.parallel_access}
      }
      %scan3A_771 = arith.constant 4 : i32
      %mul3A_772 = arith.constant 32 : i32
      %mul3A_773 = arith.muli %div3A_744, %mul3A_772 : i32
      %add3A_774 = arith.addi %mul3A_2, %mul3A_773 : i32
      %dma_start3A_775 = arith.constant 0 : i32
      %dma_start3A_776 = tpu.memref_slice %arg10[%mul3A_737, %dma_start3A_775] : memref<64x768xf32, #tpu.memory_space<vmem>> -> memref<32x768xf32, #tpu.memory_space<vmem>>
      %dma_start3A_777 = arith.constant 0 : i32
      %dma_start3A_778 = tpu.memref_slice %arg9[%rem3A_743, %add3A_774, %dma_start3A_777] : memref<4x2048x768xf32, #tpu.memory_space<hbm>> -> memref<1x32x768xf32, #tpu.memory_space<hbm>>
      %dma_start3A_779 = tpu.memref_squeeze %dma_start3A_778 : memref<1x32x768xf32, #tpu.memory_space<hbm>> -> memref<32x768xf32, #tpu.memory_space<hbm>>
      %dma_start3A_780 = arith.constant 0 : i32
      %dma_start3A_781 = tpu.memref_slice %arg9[%rem3A_743, %add3A_774, %dma_start3A_780] : memref<4x2048x768xf32, #tpu.memory_space<hbm>> -> memref<1x32x768xf32, #tpu.memory_space<hbm>>
      %dma_start3A_782 = tpu.memref_squeeze %dma_start3A_781 : memref<1x32x768xf32, #tpu.memory_space<hbm>> -> memref<32x768xf32, #tpu.memory_space<hbm>>
      %dma_start3A_783 = arith.constant 0 : i32
      %dma_start3A_784 = tpu.memref_slice %arg10[%mul3A_737, %dma_start3A_783] : memref<64x768xf32, #tpu.memory_space<vmem>> -> memref<32x768xf32, #tpu.memory_space<vmem>>
      tpu.enqueue_dma source(%dma_start3A_784 : memref<32x768xf32, #tpu.memory_space<vmem>>) target(%dma_start3A_782 : memref<32x768xf32, #tpu.memory_space<hbm>>) target_semaphore(%arg19 : memref<!tpu.dma_semaphore, #tpu.memory_space<semaphore_mem>>)
    }
    %scan3A_718 = arith.constant 8 : i32
    %add3A_719 = arith.constant 32 : i32
    %add3A_720 = arith.addi %mul3A_2, %add3A_719 : i32
    %dma_wait3A_721 = arith.constant 3 : i32
    %dma_wait3A_722 = arith.constant 32 : i32
    %dma_wait3A_723 = arith.constant 0 : i32
    %dma_wait3A_724 = tpu.memref_slice %arg10[%dma_wait3A_722, %dma_wait3A_723] : memref<64x768xf32, #tpu.memory_space<vmem>> -> memref<32x768xf32, #tpu.memory_space<vmem>>
    %dma_wait3A_725 = arith.constant 0 : i32
    %dma_wait3A_726 = tpu.memref_slice %arg9[%dma_wait3A_721, %add3A_720, %dma_wait3A_725] : memref<4x2048x768xf32, #tpu.memory_space<hbm>> -> memref<1x32x768xf32, #tpu.memory_space<hbm>>
    %dma_wait3A_727 = tpu.memref_squeeze %dma_wait3A_726 : memref<1x32x768xf32, #tpu.memory_space<hbm>> -> memref<32x768xf32, #tpu.memory_space<hbm>>
    %dma_wait3A_728 = arith.constant 0 : i32
    %dma_wait3A_729 = tpu.memref_slice %arg9[%dma_wait3A_721, %add3A_720, %dma_wait3A_728] : memref<4x2048x768xf32, #tpu.memory_space<hbm>> -> memref<1x32x768xf32, #tpu.memory_space<hbm>>
    %dma_wait3A_730 = tpu.memref_squeeze %dma_wait3A_729 : memref<1x32x768xf32, #tpu.memory_space<hbm>> -> memref<32x768xf32, #tpu.memory_space<hbm>>
    %dma_wait3A_731 = arith.constant 32 : i32
    %dma_wait3A_732 = arith.constant 0 : i32
    %dma_wait3A_733 = tpu.memref_slice %arg10[%dma_wait3A_731, %dma_wait3A_732] : memref<64x768xf32, #tpu.memory_space<vmem>> -> memref<32x768xf32, #tpu.memory_space<vmem>>
    tpu.wait_dma2 semaphore(%arg19 : memref<!tpu.dma_semaphore, #tpu.memory_space<semaphore_mem>>) src(%dma_wait3A_733 : memref<32x768xf32, #tpu.memory_space<vmem>>) dst(%dma_wait3A_730 : memref<32x768xf32, #tpu.memory_space<hbm>>)
    return
  }
}

</mosaic_0001>

<sc_bundles>
// kernel: _sc_call.3.cloned.1.call-start
scs
__scs_entry_jumppad:
0x0: {  	(pc) =	sbr.rel $0x88, $3  }
0x1: {  	(tag) =	ssettag $0x0;
	lr =	simm.s32 $0x1  }
0x2: {  	[smem:$0x3F9A] =	sst lr;
	_ =	strace $0xD0000000  }
0x3: {  	_ = 	snop  }
0x4: {  	_ = 	snop  }
0x5: {  	_ = 	snop  }
0x6: {  	_ = 	snop  }
0x7: {  	_ = 	snop  }
__scs_overlays_trampoline_lowered:
0x8: {  	[smem:$0x3FA9] =	sst s0  }
0x9: {  	[smem:$0x3FAA] =	sst s1  }
0xa: {  	[smem:$0x3FAB] =	sst s2  }
0xb: {  	[smem:$0x3FAC] =	sst s3  }
0xc: {  	[smem:$0x3FAD] =	sst s4  }
0xd: {  	[smem:$0x3FAE] =	sst s5  }
0xe: {  	[smem:$0x3FAF] =	sst s6  }
0xf: {  	[smem:$0x3FB0] =	sst s7  }
0x10: {  	[smem:$0x3FB1] =	sst s8  }
0x11: {  	[smem:$0x3FB2] =	sst s9;
	s0 =	simm.s32 @!p0 $0x0  }
0x12: {  	s1 =	sld [smem:$0x3F98];
	s0 =	simm.s32 @p0 $0x1  }
0x13: {  	[smem:$0x3FB3] =	sst s0;
	s0 =	simm.s32 @!p1 $0x0  }
0x14: {  	s2 =	sld [smem:$0x3F97];
	s0 =	simm.s32 @p1 $0x1  }
0x15: {  	[smem:$0x3FB4] =	sst s0;
	s0 =	simm.s32 @!p2 $0x0  }
0x16: {  	s3 =	sld [smem:$0x3FDB];
	s0 =	simm.s32 @p2 $0x1  }
0x17: {  	s4 =	simm.s32 $0x1BF5;
	[smem:$0x3FB6] =	sst s0  }
0x18: {  	s0 =	sld [smem:$0x3F99];
	_ =	swait.ge [sflag:s4], $0x0  }
0x19: {  	s7 =	sld [smem:$0x3F9A]  }
0x1a: {  	s8 =	sadd.s32 $0xFFFFE003, lr  }
0x1b: {  	s9 =	sadd.s32 $0xFFFFFEF7, lr;
	s5 =	simm.s32 $0xFFFFFFFF;
	p2 =	slt.u32 s8, $0xFFFFF086  }
0x1c: {  	p1 =	slt.u32 s9, $0xF7A;
	s5 =	simm.s32 @!p2 $0x0  }
0x1d: {  	s5 =	simm.s32 @p1 $0x1;
	p0 =	seq.s32 s7, s2  }
0x1e: {  	s7 =	smul.u32 @!p0 $0xF7A, s2;
	p2 =	seq.s32 @!p0 s5, $0x0  }
0x1f: {  	s9 =	smul.u32 $0xF7A, s1;
	s8 =	simm.s32 @!p0 $0x1BF5;
	p2 =	por !p2, p0  }
0x20: {  	[sflag:s8] =	ssyncset.s32 @!p0 $0xFFFFF086;
	s6 =	sadd.s32 @!p0 s3, s7;
	s7 =	simm.s32 @!p0 $0x108  }
0x21: {  	s3 =	sadd.s32 s3, s9;
	s6 =	sadd.s32 @!p0 $0x88, s6;
	s7 =	simm.s32 @p2 $0x1082  }
0x22: {  	[simem:s7], [sflag:s8] =	dma.local @!p0 [hbm:s6], $0xF7A  }
0x23: {  	s9 =	sor.u32 $0xD0000000, s2;
	s6 =	simm.s32 $0x108;
	_ =	swait.ge @!p0 [sflag:s8], $0x0  }
0x24: {  	s3 =	sadd.s32 $0x88, s3;
	s6 =	simm.s32 @!p1 $0x1082;
	[sflag:s4] =	ssyncset.s32 $0xFFFFF086  }
0x25: {  	[simem:s6], [sflag:s4] =	dma.local [hbm:s3], $0xF7A  }
0x26: {  	[smem:$0x3F9A] =	sst s1;
	(tag) =	ssettag s2;
	_ =	strace s9  }
0x27: {  	s1 =	sld [smem:$0x3FAA]  }
0x28: {  	s2 =	sld [smem:$0x3FAB]  }
0x29: {  	s4 =	sld [smem:$0x3FAD]  }
0x2a: {  	p0 =	seq.s32 s5, $0x0;
	s5 =	sld [smem:$0x3FAE]  }
0x2b: {  	s6 =	sld [smem:$0x3FAF]  }
0x2c: {  	s7 =	sld [smem:$0x3FB0]  }
0x2d: {  	s3 =	simm.s32 $0x108;
	s8 =	sld [smem:$0x3FB1]  }
0x2e: {  	s3 =	simm.s32 @!p0 $0x1082;
	s9 =	sld [smem:$0x3FB2]  }
0x2f: {  	lr =	sadd.s32 s0, s3;
	s0 =	sld [smem:$0x3FA9]  }
0x30: {  	s3 =	sld [smem:$0x3FAC]  }
0x31: {  	[smem:$0x3FB5] =	sst s10  }
0x32: {  	s10 =	sld [smem:$0x3FB3];
	_ =	sdelay $0x3  }
0x33: {  	p0 =	seq.s32 s10, $0x1;
	s10 =	sld [smem:$0x3FB5];
	_ =	sdelay $0x3  }
0x34: {  	[smem:$0x3FB5] =	sst s10  }
0x35: {  	s10 =	sld [smem:$0x3FB4];
	_ =	sdelay $0x3  }
0x36: {  	p1 =	seq.s32 s10, $0x1;
	s10 =	sld [smem:$0x3FB5];
	_ =	sdelay $0x3  }
0x37: {  	[smem:$0x3FB5] =	sst s10  }
0x38: {  	s10 =	sld [smem:$0x3FB6]  }
0x39: {  	_ = 	snop;
	(pc) =	sbr.ind lr, $3  }
0x3a: {  	_ = 	snop  }
0x3b: {  	_ = 	snop  }
0x3c: {  	p2 =	seq.s32 s10, $0x1;
	s10 =	sld [smem:$0x3FB5]  }
0x3d: {  	_ =	shalt  }
0x3e: {  	_ =	shalt  }
0x3f: {  	_ =	shalt  }
0x40: {  	_ =	shalt  }
0x41: {  	_ =	shalt  }
0x42: {  	_ =	shalt  }
0x43: {  	_ =	shalt  }
0x44: {  	_ =	shalt  }
0x45: {  	_ =	shalt  }
0x46: {  	_ =	shalt  }
0x47: {  	_ =	shalt  }
0x48: {  	_ =	shalt  }
0x49: {  	_ =	shalt  }
0x4a: {  	_ =	shalt  }
0x4b: {  	_ =	shalt  }
0x4c: {  	_ =	shalt  }
0x4d: {  	_ =	shalt  }
0x4e: {  	_ =	shalt  }
0x4f: {  	_ =	shalt  }
0x50: {  	_ =	shalt  }
0x51: {  	_ =	shalt  }
0x52: {  	_ =	shalt  }
0x53: {  	_ =	shalt  }
0x54: {  	_ =	shalt  }
0x55: {  	_ =	shalt  }
0x56: {  	_ =	shalt  }
0x57: {  	_ =	shalt  }
0x58: {  	_ =	shalt  }
0x59: {  	_ =	shalt  }
0x5a: {  	_ =	shalt  }
0x5b: {  	_ =	shalt  }
0x5c: {  	_ =	shalt  }
0x5d: {  	_ =	shalt  }
0x5e: {  	_ =	shalt  }
0x5f: {  	_ =	shalt  }
0x60: {  	_ =	shalt  }
0x61: {  	_ =	shalt  }
0x62: {  	_ =	shalt  }
0x63: {  	_ =	shalt  }
0x64: {  	_ =	shalt  }
0x65: {  	_ =	shalt  }
0x66: {  	_ =	shalt  }
0x67: {  	_ =	shalt  }
0x68: {  	_ =	shalt  }
0x69: {  	_ =	shalt  }
0x6a: {  	_ =	shalt  }
0x6b: {  	_ =	shalt  }
0x6c: {  	_ =	shalt  }
0x6d: {  	_ =	shalt  }
0x6e: {  	_ =	shalt  }
0x6f: {  	_ =	shalt  }
0x70: {  	_ =	shalt  }
0x71: {  	_ =	shalt  }
0x72: {  	_ =	shalt  }
0x73: {  	_ =	shalt  }
0x74: {  	_ =	shalt  }
0x75: {  	_ =	shalt  }
0x76: {  	_ =	shalt  }
0x77: {  	_ =	shalt  }
0x78: {  	_ =	shalt  }
0x79: {  	_ =	shalt  }
0x7a: {  	_ =	shalt  }
0x7b: {  	_ =	shalt  }
0x7c: {  	_ =	shalt  }
0x7d: {  	_ =	shalt  }
0x7e: {  	_ =	shalt  }
0x7f: {  	_ =	shalt  }
0x80: {  	_ =	shalt  }
0x81: {  	_ =	shalt  }
0x82: {  	_ =	shalt  }
0x83: {  	_ =	shalt  }
0x84: {  	_ =	shalt  }
0x85: {  	_ =	shalt  }
0x86: {  	_ =	shalt  }
0x87: {  	_ =	shalt  }
.Lfunc_end0:
.L_simem_size_0:
called_computation_lowered:
.L_overlay_start_0:
0x88: {  	s2 =	sld [smem:$0x3FD9]  }
0x89: {  	s3 =	sld [smem:$0x3FFE];
	_ =	sdelay $0x1  }
0x8a: {  	s1 =	srdreg.scid  }
0x8b: {  	s0 =	sand.u32 $0x1, s1  }
0x8c: {  	s18 =	sshll.u32 s0, $0xA;
	s2 =	sadd.s32 s3, s2  }
0x8d: {  	s2 =	sadd.s32 s2, s18  }
0x8e: {  	[smem:$0x3FC1] =	sst s2  }
0x8f: {  	_ = 	snop  }
0x90: {  	s2 =	sld [smem:$0x3FC9]  }
0x91: {  	s19 =	sld [smem:$0x3FC8]  }
0x92: {  	s4 =	sld [smem:$0x3FC7]  }
0x93: {  	s5 =	sld [smem:$0x3FC6]  }
0x94: {  	s6 =	sld [smem:$0x3FC5]  }
0x95: {  	s7 =	sld [smem:$0x3FC4]  }
0x96: {  	s8 =	sld [smem:$0x3FC3]  }
0x97: {  	s9 =	sld [smem:$0x3FD0];
	(tm) =	ssettm $0x1  }
0x98: {  	s10 =	sld [smem:$0x3FFB];
	_ =	sdelay $0x3  }
0x99: {  	_ =	strace s10  }
0x9a: {  	s10 =	sld [smem:$0x3FFC];
	_ =	sdelay $0x3  }
0x9b: {  	_ =	strace s10  }
0x9c: {  	s10 =	sld [smem:$0x3FFD];
	_ =	sdelay $0x3  }
0x9d: {  	_ =	strace s10  }
0x9e: {  	_ =	strace $0x8FFFFFFF  }
0x9f: {  	s20 =	sld [smem:$0x3FDB];
	_ =	sdelay $0x1  }
0xa0: {  	s11 =	simm.s32 $_scs_section_size  }
0xa1: {  	s12 =	simm.s32 $_size__tile_overlayer_lowered;
	s13 =	simm.s32 $_tile_overlayer_lowered  }
0xa2: {  	s23 =	simm.s32 $0x1BFF;
	s22 =	sshll.u32 s13, $0x1;
	s10 =	sadd.s32 s11, s20  }
0xa3: {  	s14 =	simm.s32 $0x0;
	s21 =	sshll.u32 s12, $0x1;
	s12 =	sadd.s32 s22, s10  }
0xa4: {  	[timem:s14], [sflag:s23] =	dma.local [hbm:s12], s21  }
0xa5: {  	_ =	swait.ge [sflag:s23], s21  }
0xa6: {  	s11 =	ssub.s32 $0x0, s21;
	[sflag:s23] =	ssyncset.done $0x0  }
0xa7: {  	[sflag:s23] =	ssyncadd.s32 s11;
	_ =	sdelay $0x1  }
0xa8: {  	s24 =	simm.s32 $0x1B8B  }
0xa9: {  	_ =	swait.ge [sflag:s24], $0x1  }
0xaa: {  	[sflag:s24] =	ssyncset.done $0x0  }
0xab: {  	s25 =	simm.s32 $0x1B8E;
	[sflag:s24] =	ssyncadd.s32 $0xFFFFFFFF  }
0xac: {  	s26 =	simm.s32 $execute0_lowered;
	[smem:$0x3FD2] =	sst s25  }
0xad: {  	s11 =	sshll.u32 s26, $0x1;
	_ =	strace $0x80000046;
	[dreg:$0x1] =	wrdreg $0xFFFFFFFF  }
0xae: {  	s28 =	simm.s32 $_size_execute0_lowered;
	s10 =	sadd.s32 s10, s11;
	[dreg:$0x0] =	wrdreg $0x0  }
0xaf: {  	s11 =	sshll.u32 s28, $0x1;
	[dreg:$0x2] =	wrdreg s10  }
0xb0: {  	[dreg:$0x3] =	wrdreg s11  }
0xb1: {  	[dreg:$0x4] =	wrdreg $0xC0  }
0xb2: {  	_ =	task [dreg:s14], $0x5FFFF  }
0xb3: {  	[dreg:$0x1] =	wrdreg $0xFFFFFFFF  }
0xb4: {  	[dreg:$0x0] =	wrdreg $0x60  }
0xb5: {  	[dreg:$0x2] =	wrdreg s2  }
0xb6: {  	[dreg:$0x3] =	wrdreg s19  }
0xb7: {  	[dreg:$0x4] =	wrdreg s4  }
0xb8: {  	[dreg:$0x5] =	wrdreg s5  }
0xb9: {  	[dreg:$0x6] =	wrdreg s6  }
0xba: {  	[dreg:$0x7] =	wrdreg s7  }
0xbb: {  	[dreg:$0x8] =	wrdreg s8  }
0xbc: {  	[dreg:$0x9] =	wrdreg s9  }
0xbd: {  	[dreg:$0xa] =	wrdreg $0x9  }
0xbe: {  	_ =	task.clear_ibuf [dreg:s14], $0xBFFFF;
	_ =	strace $0x90000046  }
0xbf: {  	s29 =	simm.s32 $0x9;
	_ =	strace $0x80000048  }
0xc0: {  	_ =	swait.ge [sflag:s29], $0x1  }
0xc1: {  	[sflag:s29] =	ssyncadd.s32 $0xFFFFFFFF  }
0xc2: {  	_ =	strace $0x90000048  }
0xc3: {  	_ =	sfence  }
0xc4: {  	s30 =	sld [smem:$0x0];
	_ =	sdelay $0x2  }
0xc5: {  	s31 =	sshll.u32 s1, $0xD;
	s1 =	sshrl.u32 s1, $0x2  }
0xc6: {  	s3 =	sand.u32 $0x4000, s31;
	s1 =	sadd.s32 s1, s30  }
0xc7: {  	s0 =	sor.u32 s3, s0;
	s1 =	sshll.u32 s1, $0x11  }
0xc8: {  	s0 =	sor.u32 s1, s0  }
0xc9: {  	s0 =	sadd.s32 $0x8F2B, s0  }
0xca: {  	[sflag:s0] =	ssyncadd.remote.s32 $0x1  }
0xcb: {  	_ =	sfence.sel $0xFFFF  }
0xcc: {  	[dreg:$0x0] =	wrdreg $0xFFFFFFFF;
	(pc) =	sbr.abs _section_cstart, $3  }
0xcd: {  	[dreg:$0x1] =	wrdreg $0xFFFFFFFF  }
0xce: {  	_ =	task.clear_ibuf [dreg:s14], $0x2FFFF;
	_ =	strace $0x9FFFFFFF  }
0xcf: {  	(tm) =	ssettm $0x7FFFFFFF  }
tec
execute0_lowered:
.L_overlay_start_1:
0x0: {  	(tag) =	ssettag $0x1  }
0x1: {  	s1 =	rddreg [dreg:$0x0]  }
0x2: {  	s2 =	rddreg [dreg:$0x1]  }
0x3: {  	s0 =	rddreg [dreg:$0x2];
	s4 =	srdreg.scid  }
0x4: {  	s3 =	rddreg [dreg:$0x3];
	s5 =	stileid.u32;
	s4 =	sand.u32 $0x1, s4  }
0x5: {  	s9 =	simm.s32 $0x0;
	s5 =	sshll.u32 s5, $0x7;
	s6 =	sshll.u32 s4, $0x6  }
0x6: {  	[smem:$0x7FF] =	sst s9;
	s4 =	ssub.s32 $0x2, s4;
	s7 =	sor.u32 s6, s5  }
0x7: {  	_ =	strace $0x80000047;
	s19 =	sshrl.u32 s4, $0x1;
	s5 =	sshll.u32 s7, $0x2  }
0x8: {  	s4 =	ssub.s32 s4, s19;
	[dreg:$0xa] =	wrdreg s7;
	s12 =	sshrl.u32 s7, $0x3  }
0x9: {  	s8 =	sand.u32 $0x1E00, s5;
	s5 =	sor.u32 s6, s5;
	s12 =	smul.u32 $0x300, s12  }
0xa: {  	s31 =	smax.u32 s4, $0x1;
	s8 =	sor.u32 s6, s8;
	s5 =	sshrl.u32 s5, $0x3  }
0xb: {  	[dreg:$0x14] =	wrdreg s31;
	s8 =	sshrl.u32 s8, $0x3;
	s30 =	sadd.s32 s3, s12  }
0xc: {  	s23 =	sor.u32 $0x20, s5;
	s20 =	sadd.s32 s1, s8;
	[dreg:$0x13] =	wrdreg s30  }
0xd: {  	s24 =	sadd.s32 s1, s23;
	[dreg:$0xb] =	wrdreg s20  }
0xe: {  	s25 =	sadd.s32 s2, s8;
	[dreg:$0xd] =	wrdreg s24  }
0xf: {  	s5 =	sor.u32 $0x30, s5;
	s28 =	sadd.s32 s2, s23;
	[dreg:$0xf] =	wrdreg s25  }
0x10: {  	s21 =	sor.u32 $0x10, s8;
	s29 =	sadd.s32 s2, s5;
	[dreg:$0x11] =	wrdreg s28  }
0x11: {  	s10 =	sadd.s32 $0x100, s0;
	s22 =	sadd.s32 s1, s21;
	[dreg:$0x12] =	wrdreg s29  }
0x12: {  	v2 =	vlaneseq.u32;
	s11 =	sadd.s32 $0x200, s0;
	s1 =	sadd.s32 s1, s5;
	[dreg:$0xc] =	wrdreg s22  }
0x13: {  	vm0 =	vmmov $0xffff;
	v1 =	vshrl.u32 v2, $0x3;
	s4 =	simm.s32 $0x1;
	s26 =	sadd.s32 s2, s21;
	[dreg:$0xe] =	wrdreg s1  }
0x14: {  	v0 =	vand.u32 $0x7, v2;
	v2 =	vor.u32 $0x8, v2;
	v1 =	vmul.u32 $0x8, v1;
	s5 =	simm.s32 $0x2;
	s2 =	simm.s32 $0x0;
	[dreg:$0x10] =	wrdreg s26  }
.LBB2_1:
0x15: {  	[dreg:$0x15] =	wrdreg s2  }
0x16: {  	s2 =	simm.s32 $0x0;
	s1 =	rddreg [dreg:$0xb];
	s3 =	simm.s32 $0x18F00  }
0x17: {  	[tilespmem:s3], [sflag:$0x2] =	stream.linear.gather [hbm4b:s1+s2], $0x40, $0x38;
	[tilespmem:$0x19280] =	vst v63  }
0x18: {  	_ =	swait.ge [sflag:s5], $0x40  }
0x19: {  	[sflag:s5] =	ssyncset.done $0x0  }
0x1a: {  	[sflag:s5] =	ssyncadd.s32 $0xFFFFFFC0  }
0x1b: {  	v3 =	vld [tilespmem:$0x18F00];
	_ =	sdelay $0x4  }
0x1c: {  	v4 =	vshrl.u32 v3, $0x3  }
0x1d: {  	v4 =	vmul.u32 $0x30, v4  }
0x1e: {  	v3 =	vand.u32 $0x7, v3  }
0x1f: {  	v3 =	vor.u32 v3, v4  }
0x20: {  	v4 =	vperm.xlane v3, v0;
	_ =	sdelay $0x1  }
0x21: {  	v4 =	vadd.s32 v1, v4;
	_ =	sdelay $0x3  }
0x22: {  	v3 =	vperm.xlane v3, v2  }
0x23: {  	[tilespmem:s2], [sflag:$0x1] =	stream.indirect_vreg.gather [hbm4b:s0+s2], $0x80, v4, vm0, $0xb8;
	[tilespmem:$0x19280] =	vst v63  }
0x24: {  	s3 =	simm.s32 $0x800;
	v3 =	vadd.s32 v1, v3  }
0x25: {  	[tilespmem:s3], [sflag:$0x1] =	stream.indirect_vreg.gather [hbm4b:s10+s2], $0x80, v4, vm0, $0xb8;
	[tilespmem:$0x19280] =	vst v63  }
0x26: {  	s6 =	simm.s32 $0x1000  }
0x27: {  	[tilespmem:s6], [sflag:$0x1] =	stream.indirect_vreg.gather [hbm4b:s11+s2], $0x80, v4, vm0, $0xb8;
	[tilespmem:$0x19280] =	vst v63  }
0x28: {  	s7 =	simm.s32 $0x1800  }
0x29: {  	[tilespmem:s7], [sflag:$0x1] =	stream.indirect_vreg.gather [hbm4b:s0+s2], $0x80, v3, vm0, $0xb8;
	[tilespmem:$0x19280] =	vst v63  }
0x2a: {  	s8 =	simm.s32 $0x2000  }
0x2b: {  	[tilespmem:s8], [sflag:$0x1] =	stream.indirect_vreg.gather [hbm4b:s10+s2], $0x80, v3, vm0, $0xb8;
	[tilespmem:$0x19280] =	vst v63  }
0x2c: {  	s9 =	simm.s32 $0x2800  }
0x2d: {  	[tilespmem:s9], [sflag:$0x1] =	stream.indirect_vreg.gather [hbm4b:s11+s2], $0x80, v3, vm0, $0xb8;
	[tilespmem:$0x19280] =	vst v63  }
0x2e: {  	v3 =	vld [tilespmem:$0x18F10];
	_ =	sdelay $0x4  }
0x2f: {  	v4 =	vshrl.u32 v3, $0x3  }
0x30: {  	v4 =	vmul.u32 $0x30, v4  }
0x31: {  	v3 =	vand.u32 $0x7, v3  }
0x32: {  	v3 =	vor.u32 v3, v4  }
0x33: {  	v4 =	vperm.xlane v3, v0;
	_ =	sdelay $0x1  }
0x34: {  	v4 =	vadd.s32 v1, v4;
	_ =	sdelay $0x3  }
0x35: {  	s12 =	simm.s32 $0x3000;
	v3 =	vperm.xlane v3, v2  }
0x36: {  	[tilespmem:s12], [sflag:$0x1] =	stream.indirect_vreg.gather [hbm4b:s0+s2], $0x80, v4, vm0, $0xb8;
	[tilespmem:$0x19280] =	vst v63  }
0x37: {  	s13 =	simm.s32 $0x3800;
	v3 =	vadd.s32 v1, v3  }
0x38: {  	[tilespmem:s13], [sflag:$0x1] =	stream.indirect_vreg.gather [hbm4b:s10+s2], $0x80, v4, vm0, $0xb8;
	[tilespmem:$0x19280] =	vst v63  }
0x39: {  	s14 =	simm.s32 $0x4000  }
0x3a: {  	[tilespmem:s14], [sflag:$0x1] =	stream.indirect_vreg.gather [hbm4b:s11+s2], $0x80, v4, vm0, $0xb8;
	[tilespmem:$0x19280] =	vst v63  }
0x3b: {  	s15 =	simm.s32 $0x4800  }
0x3c: {  	[tilespmem:s15], [sflag:$0x1] =	stream.indirect_vreg.gather [hbm4b:s0+s2], $0x80, v3, vm0, $0xb8;
	[tilespmem:$0x19280] =	vst v63  }
0x3d: {  	s16 =	simm.s32 $0x5000  }
0x3e: {  	[tilespmem:s16], [sflag:$0x1] =	stream.indirect_vreg.gather [hbm4b:s10+s2], $0x80, v3, vm0, $0xb8;
	[tilespmem:$0x19280] =	vst v63  }
0x3f: {  	s17 =	simm.s32 $0x5800  }
0x40: {  	[tilespmem:s17], [sflag:$0x1] =	stream.indirect_vreg.gather [hbm4b:s11+s2], $0x80, v3, vm0, $0xb8;
	[tilespmem:$0x19280] =	vst v63  }
0x41: {  	s19 =	simm.s32 $0x18F80;
	s18 =	rddreg [dreg:$0xc]  }
0x42: {  	[tilespmem:s19], [sflag:$0x2] =	stream.linear.gather [hbm4b:s18+s2], $0x40, $0x38;
	[tilespmem:$0x19280] =	vst v63  }
0x43: {  	s21 =	simm.s32 $0x19000;
	s20 =	rddreg [dreg:$0xd]  }
0x44: {  	[tilespmem:s21], [sflag:$0x2] =	stream.linear.gather [hbm4b:s20+s2], $0x40, $0x38;
	[tilespmem:$0x19280] =	vst v63  }
0x45: {  	s23 =	simm.s32 $0x19080;
	s22 =	rddreg [dreg:$0xe]  }
0x46: {  	[tilespmem:s23], [sflag:$0x2] =	stream.linear.gather [hbm4b:s22+s2], $0x40, $0x38;
	[tilespmem:$0x19280] =	vst v63  }
0x47: {  	s25 =	simm.s32 $0x19100;
	s24 =	rddreg [dreg:$0xf]  }
0x48: {  	[tilespmem:s25], [sflag:$0x2] =	stream.linear.gather [hbm4b:s24+s2], $0x40, $0x38;
	[tilespmem:$0x19280] =	vst v63  }
0x49: {  	s31 =	simm.s32 $0x19140;
	s26 =	rddreg [dreg:$0x10]  }
0x4a: {  	[tilespmem:s31], [sflag:$0x2] =	stream.linear.gather [hbm4b:s26+s2], $0x40, $0x38;
	[tilespmem:$0x19280] =	vst v63  }
0x4b: {  	s3 =	rddreg [dreg:$0x11];
	s6 =	simm.s32 $0x19180  }
0x4c: {  	[tilespmem:s6], [sflag:$0x2] =	stream.linear.gather [hbm4b:s3+s2], $0x40, $0x38;
	[tilespmem:$0x19280] =	vst v63  }
0x4d: {  	s7 =	rddreg [dreg:$0x12];
	s8 =	simm.s32 $0x191C0  }
0x4e: {  	[tilespmem:s8], [sflag:$0x2] =	stream.linear.gather [hbm4b:s7+s2], $0x40, $0x38;
	[tilespmem:$0x19280] =	vst v63  }
0x4f: {  	s9 =	rddreg [dreg:$0x4];
	s12 =	simm.s32 $0x18000  }
0x50: {  	[tilespmem:s12], [sflag:$0x2] =	stream.linear.gather [hbm4b:s9+s2], $0x600, $0x38;
	[tilespmem:$0x19280] =	vst v63  }
0x51: {  	s13 =	rddreg [dreg:$0x5];
	s14 =	simm.s32 $0x18900  }
0x52: {  	[tilespmem:s14], [sflag:$0x2] =	stream.linear.gather [hbm4b:s13+s2], $0x300, $0x38;
	[tilespmem:$0x19280] =	vst v63  }
0x53: {  	s15 =	rddreg [dreg:$0x6];
	s16 =	simm.s32 $0x18C00  }
0x54: {  	[tilespmem:s16], [sflag:$0x2] =	stream.linear.gather [hbm4b:s15+s2], $0x300, $0x38;
	[tilespmem:$0x19280] =	vst v63  }
0x55: {  	s17 =	rddreg [dreg:$0x13];
	s18 =	simm.s32 $0xC000  }
0x56: {  	[tilespmem:s18], [sflag:$0x2] =	stream.linear.gather [hbm4b:s17+s2], $0xC000, $0x38;
	[tilespmem:$0x19280] =	vst v63  }
0x57: {  	_ =	swait.ge [sflag:s5], $0x40  }
0x58: {  	[sflag:s5] =	ssyncset.done $0x0  }
0x59: {  	[sflag:s5] =	ssyncadd.s32 $0xFFFFFFC0  }
0x5a: {  	_ =	swait.ge [sflag:s5], $0x40  }
0x5b: {  	[sflag:s5] =	ssyncset.done $0x0  }
0x5c: {  	[sflag:s5] =	ssyncadd.s32 $0xFFFFFFC0  }
0x5d: {  	_ =	swait.ge [sflag:s5], $0x40  }
0x5e: {  	[sflag:s5] =	ssyncset.done $0x0  }
0x5f: {  	[sflag:s5] =	ssyncadd.s32 $0xFFFFFFC0  }
0x60: {  	_ =	swait.ge [sflag:s5], $0x40  }
0x61: {  	[sflag:s5] =	ssyncset.done $0x0  }
0x62: {  	[sflag:s5] =	ssyncadd.s32 $0xFFFFFFC0  }
0x63: {  	_ =	swait.ge [sflag:s5], $0x40  }
0x64: {  	[sflag:s5] =	ssyncset.done $0x0  }
0x65: {  	[sflag:s5] =	ssyncadd.s32 $0xFFFFFFC0  }
0x66: {  	_ =	swait.ge [sflag:s5], $0x40  }
0x67: {  	[sflag:s5] =	ssyncset.done $0x0  }
0x68: {  	[sflag:s5] =	ssyncadd.s32 $0xFFFFFFC0  }
0x69: {  	_ =	swait.ge [sflag:s5], $0x40  }
0x6a: {  	[sflag:s5] =	ssyncset.done $0x0  }
0x6b: {  	[sflag:s5] =	ssyncadd.s32 $0xFFFFFFC0  }
0x6c: {  	_ =	swait.ge [sflag:s5], $0x600  }
0x6d: {  	[sflag:s5] =	ssyncset.done $0x0  }
0x6e: {  	[sflag:s5] =	ssyncadd.s32 $0xFFFFFA00  }
0x6f: {  	_ =	swait.ge [sflag:s5], $0x300  }
0x70: {  	[sflag:s5] =	ssyncset.done $0x0  }
0x71: {  	[sflag:s5] =	ssyncadd.s32 $0xFFFFFD00  }
0x72: {  	_ =	swait.ge [sflag:s5], $0x300  }
0x73: {  	[sflag:s5] =	ssyncset.done $0x0  }
0x74: {  	[sflag:s5] =	ssyncadd.s32 $0xFFFFFD00  }
0x75: {  	_ =	swait.ge [sflag:s5], $0xC000  }
0x76: {  	[sflag:s5] =	ssyncset.done $0x0  }
0x77: {  	[sflag:s5] =	ssyncadd.s32 $0xFFFF4000  }
0x78: {  	v3 =	vld [tilespmem:$0x18080]  }
0x79: {  	v4 =	vld [tilespmem:$0x18000]  }
0x7a: {  	v5 =	vld [tilespmem:$0x18090]  }
0x7b: {  	v6 =	vld [tilespmem:$0x18010]  }
0x7c: {  	v7 =	vld [tilespmem:$0x180A0]  }
0x7d: {  	v8 =	vld [tilespmem:$0x18020]  }
0x7e: {  	v9 =	vld [tilespmem:$0x180B0]  }
0x7f: {  	v10 =	vld [tilespmem:$0x18030]  }
0x80: {  	v11 =	vld [tilespmem:$0x180C0]  }
0x81: {  	v12 =	vld [tilespmem:$0x18040]  }
0x82: {  	v13 =	vld [tilespmem:$0x180D0]  }
0x83: {  	v14 =	vld [tilespmem:$0x18050]  }
0x84: {  	v15 =	vld [tilespmem:$0x180E0]  }
0x85: {  	v16 =	vld [tilespmem:$0x18060]  }
0x86: {  	v17 =	vld [tilespmem:$0x180F0]  }
0x87: {  	v18 =	vld [tilespmem:$0x18070]  }
0x88: {  	v19 =	vld [tilespmem:$0x18180]  }
0x89: {  	v20 =	vld [tilespmem:$0x18100]  }
0x8a: {  	v21 =	vld [tilespmem:$0x18190]  }
0x8b: {  	v22 =	vld [tilespmem:$0x18110]  }
0x8c: {  	v23 =	vld [tilespmem:$0x181A0]  }
0x8d: {  	v24 =	vld [tilespmem:$0x18120]  }
0x8e: {  	v25 =	vld [tilespmem:$0x181B0]  }
0x8f: {  	v26 =	vld [tilespmem:$0x18130]  }
0x90: {  	v27 =	vld [tilespmem:$0x181C0]  }
0x91: {  	v28 =	vld [tilespmem:$0x18140]  }
0x92: {  	v29 =	vld [tilespmem:$0x181D0]  }
0x93: {  	v30 =	vld [tilespmem:$0x18150]  }
0x94: {  	v31 =	vld [tilespmem:$0x181E0]  }
0x95: {  	v32 =	vld [tilespmem:$0x18160]  }
0x96: {  	v33 =	vld [tilespmem:$0x181F0]  }
0x97: {  	v34 =	vld [tilespmem:$0x18170]  }
0x98: {  	v35 =	vld [tilespmem:$0x18280]  }
0x99: {  	v36 =	vld [tilespmem:$0x18200]  }
0x9a: {  	v37 =	vld [tilespmem:$0x18290]  }
0x9b: {  	v38 =	vld [tilespmem:$0x18210]  }
0x9c: {  	v39 =	vld [tilespmem:$0x182A0]  }
0x9d: {  	v40 =	vld [tilespmem:$0x18220]  }
0x9e: {  	v41 =	vld [tilespmem:$0x182B0]  }
0x9f: {  	v42 =	vld [tilespmem:$0x18230]  }
0xa0: {  	v43 =	vld [tilespmem:$0x182C0]  }
0xa1: {  	v44 =	vld [tilespmem:$0x18240]  }
0xa2: {  	v45 =	vld [tilespmem:$0x182D0]  }
0xa3: {  	v46 =	vld [tilespmem:$0x18250]  }
0xa4: {  	v47 =	vld [tilespmem:$0x182E0]  }
0xa5: {  	v48 =	vld [tilespmem:$0x18260]  }
0xa6: {  	v49 =	vld [tilespmem:$0x182F0]  }
0xa7: {  	v50 =	vld [tilespmem:$0x18270]  }
0xa8: {  	v51 =	vld [tilespmem:$0x18380]  }
0xa9: {  	v52 =	vld [tilespmem:$0x18300]  }
0xaa: {  	v53 =	vld [tilespmem:$0x18390]  }
0xab: {  	v54 =	vld [tilespmem:$0x18310]  }
0xac: {  	v55 =	vld [tilespmem:$0x183A0]  }
0xad: {  	v56 =	vld [tilespmem:$0x18430];
	v3 =	vsub.f32 v3, v4  }
0xae: {  	v57 =	vld [tilespmem:$0x184C0];
	v5 =	vsub.f32 v5, v6  }
0xaf: {  	v58 =	vld [tilespmem:$0x18440];
	[tilespmem:$0x18600] =	vst v3;
	v3 =	vsub.f32 v7, v8  }
0xb0: {  	v59 =	vld [tilespmem:$0x184D0];
	[tilespmem:$0x18610] =	vst v5;
	v5 =	vsub.f32 v9, v10  }
0xb1: {  	v60 =	vld [tilespmem:$0x18450];
	[tilespmem:$0x18620] =	vst v3;
	v3 =	vsub.f32 v11, v12  }
0xb2: {  	v61 =	vld [tilespmem:$0x184E0];
	[tilespmem:$0x18630] =	vst v5;
	v5 =	vsub.f32 v13, v14  }
0xb3: {  	v62 =	vld [tilespmem:$0x18460];
	[tilespmem:$0x18640] =	vst v3;
	v3 =	vsub.f32 v15, v16  }
0xb4: {  	v63 =	vld [tilespmem:$0x184F0];
	[tilespmem:$0x18650] =	vst v5;
	v5 =	vsub.f32 v17, v18  }
0xb5: {  	v4 =	vld [tilespmem:$0x18320];
	[tilespmem:$0x18660] =	vst v3;
	v3 =	vsub.f32 v19, v20  }
0xb6: {  	v6 =	vld [tilespmem:$0x183B0];
	[tilespmem:$0x18670] =	vst v5;
	v5 =	vsub.f32 v21, v22  }
0xb7: {  	v7 =	vld [tilespmem:$0x18330];
	[tilespmem:$0x18680] =	vst v3;
	v3 =	vsub.f32 v23, v24  }
0xb8: {  	v8 =	vld [tilespmem:$0x183C0];
	[tilespmem:$0x18690] =	vst v5;
	v5 =	vsub.f32 v25, v26  }
0xb9: {  	v9 =	vld [tilespmem:$0x18340];
	[tilespmem:$0x186A0] =	vst v3;
	v3 =	vsub.f32 v27, v28  }
0xba: {  	v10 =	vld [tilespmem:$0x183D0];
	[tilespmem:$0x186B0] =	vst v5;
	v5 =	vsub.f32 v29, v30  }
0xbb: {  	v11 =	vld [tilespmem:$0x18350];
	[tilespmem:$0x186C0] =	vst v3;
	v3 =	vsub.f32 v31, v32  }
0xbc: {  	v12 =	vld [tilespmem:$0x183E0];
	[tilespmem:$0x186D0] =	vst v5;
	v5 =	vsub.f32 v33, v34  }
0xbd: {  	v13 =	vld [tilespmem:$0x18360];
	[tilespmem:$0x186E0] =	vst v3;
	v3 =	vsub.f32 v35, v36  }
0xbe: {  	v14 =	vld [tilespmem:$0x183F0];
	[tilespmem:$0x186F0] =	vst v5;
	v5 =	vsub.f32 v37, v38  }
0xbf: {  	v15 =	vld [tilespmem:$0x18370];
	[tilespmem:$0x18700] =	vst v3;
	v3 =	vsub.f32 v39, v40  }
0xc0: {  	v16 =	vld [tilespmem:$0x18480];
	[tilespmem:$0x18710] =	vst v5;
	v5 =	vsub.f32 v41, v42  }
0xc1: {  	v17 =	vld [tilespmem:$0x18400];
	[tilespmem:$0x18720] =	vst v3;
	v3 =	vsub.f32 v43, v44  }
0xc2: {  	v18 =	vld [tilespmem:$0x18490];
	[tilespmem:$0x18730] =	vst v5;
	v5 =	vsub.f32 v45, v46  }
0xc3: {  	v19 =	vld [tilespmem:$0x18410];
	[tilespmem:$0x18740] =	vst v3;
	v3 =	vsub.f32 v47, v48  }
0xc4: {  	v20 =	vld [tilespmem:$0x184A0];
	[tilespmem:$0x18750] =	vst v5;
	v5 =	vsub.f32 v49, v50  }
0xc5: {  	v36 =	vld [tilespmem:$0x18420];
	[tilespmem:$0x18760] =	vst v3;
	v3 =	vsub.f32 v51, v52  }
0xc6: {  	v38 =	vld [tilespmem:$0x184B0];
	[tilespmem:$0x18770] =	vst v5;
	v5 =	vsub.f32 v53, v54  }
0xc7: {  	[tilespmem:$0x18780] =	vst v3;
	v3 =	vsub.f32 v55, v4;
	v4 =	vld [tilespmem:$0x18470]  }
0xc8: {  	[tilespmem:$0x18790] =	vst v5;
	v5 =	vsub.f32 v6, v7;
	v6 =	vld [tilespmem:$0x18580]  }
0xc9: {  	v7 =	vld [tilespmem:$0x18500];
	[tilespmem:$0x187A0] =	vst v3;
	v3 =	vsub.f32 v8, v9  }
0xca: {  	[tilespmem:$0x187B0] =	vst v5;
	v5 =	vsub.f32 v10, v11;
	v8 =	vld [tilespmem:$0x18590]  }
0xcb: {  	v9 =	vld [tilespmem:$0x18510];
	[tilespmem:$0x187C0] =	vst v3;
	v3 =	vsub.f32 v12, v13  }
0xcc: {  	v10 =	vld [tilespmem:$0x185A0];
	[tilespmem:$0x187D0] =	vst v5;
	v5 =	vsub.f32 v14, v15  }
0xcd: {  	v11 =	vld [tilespmem:$0x18520];
	v4 =	vsub.f32 v63, v4;
	[tilespmem:$0x187E0] =	vst v3  }
0xce: {  	v12 =	vld [tilespmem:$0x185B0];
	v3 =	vsub.f32 v16, v17;
	[tilespmem:$0x187F0] =	vst v5  }
0xcf: {  	v13 =	vld [tilespmem:$0x18530];
	v5 =	vsub.f32 v18, v19;
	[tilespmem:$0x18870] =	vst v4  }
0xd0: {  	v14 =	vld [tilespmem:$0x185C0];
	[tilespmem:$0x18800] =	vst v3;
	v3 =	vsub.f32 v20, v36  }
0xd1: {  	v15 =	vld [tilespmem:$0x18540];
	[tilespmem:$0x18810] =	vst v5;
	v5 =	vsub.f32 v38, v56  }
0xd2: {  	v16 =	vld [tilespmem:$0x185D0];
	[tilespmem:$0x18820] =	vst v3;
	v3 =	vsub.f32 v57, v58  }
0xd3: {  	v17 =	vld [tilespmem:$0x18550];
	[tilespmem:$0x18830] =	vst v5;
	v5 =	vsub.f32 v59, v60  }
0xd4: {  	v4 =	vsub.f32 v8, v9;
	v8 =	vld [tilespmem:$0x18570];
	[tilespmem:$0x18840] =	vst v3;
	v3 =	vsub.f32 v61, v62  }
0xd5: {  	[tilespmem:$0x18850] =	vst v5;
	v5 =	vld [tilespmem:$0x185E0]  }
0xd6: {  	[tilespmem:$0x18860] =	vst v3;
	v3 =	vsub.f32 v6, v7;
	v7 =	vld [tilespmem:$0x185F0]  }
0xd7: {  	[tilespmem:$0x18890] =	vst v4;
	v4 =	vsub.f32 v12, v13;
	v6 =	vld [tilespmem:$0x18560]  }
0xd8: {  	[tilespmem:$0x18880] =	vst v3;
	v3 =	vsub.f32 v10, v11  }
0xd9: {  	s19 =	simm.s32 $0x0;
	[tilespmem:$0x188B0] =	vst v4;
	v4 =	vsub.f32 v16, v17  }
0xda: {  	s1 =	smul.u32 $0x6000, s19;
	[tilespmem:$0x188A0] =	vst v3;
	v3 =	vsub.f32 v14, v15  }
0xdb: {  	[tilespmem:$0x188D0] =	vst v4;
	v4 =	vsub.f32 v7, v8  }
0xdc: {  	s14 =	sshra.s32 s1, $0x2;
	[tilespmem:$0x188C0] =	vst v3;
	v3 =	vsub.f32 v5, v6  }
0xdd: {  	s9 =	sand.u32 $0x200, s2;
	s1 =	sadd.s32 $0xC000, s14;
	[tilespmem:$0x188F0] =	vst v4  }
0xde: {  	s6 =	sor.u32 s9, s1;
	[tilespmem:$0x188E0] =	vst v3;
	v3 =	vld [tilespmem:$0x18000]  }
0xdf: {  	v4 =	vld [tilespmem:s6+$0x0];
	_ =	sdelay $0x4  }
0xe0: {  	v4 =	vadd.f32 v3, v4;
	_ =	sdelay $0x1  }
0xe1: {  	[tilespmem:s6+$0x0] =	vst v4;
	v4 =	vld [tilespmem:s6+$0x10]  }
0xe2: {  	v5 =	vld [tilespmem:$0x18010];
	_ =	sdelay $0x4  }
0xe3: {  	v4 =	vadd.f32 v5, v4;
	_ =	sdelay $0x1  }
0xe4: {  	[tilespmem:s6+$0x10] =	vst v4;
	v4 =	vld [tilespmem:s6+$0x20]  }
0xe5: {  	v5 =	vld [tilespmem:$0x18020];
	_ =	sdelay $0x4  }
0xe6: {  	v4 =	vadd.f32 v5, v4;
	_ =	sdelay $0x1  }
0xe7: {  	[tilespmem:s6+$0x20] =	vst v4;
	v4 =	vld [tilespmem:s6+$0x30]  }
0xe8: {  	v5 =	vld [tilespmem:$0x18030];
	_ =	sdelay $0x4  }
0xe9: {  	v4 =	vadd.f32 v5, v4;
	_ =	sdelay $0x1  }
0xea: {  	[tilespmem:s6+$0x30] =	vst v4;
	v4 =	vld [tilespmem:s6+$0x40]  }
0xeb: {  	v5 =	vld [tilespmem:$0x18040];
	_ =	sdelay $0x4  }
0xec: {  	v4 =	vadd.f32 v5, v4;
	_ =	sdelay $0x1  }
0xed: {  	[tilespmem:s6+$0x40] =	vst v4;
	v4 =	vld [tilespmem:s6+$0x50]  }
0xee: {  	v5 =	vld [tilespmem:$0x18050];
	_ =	sdelay $0x4  }
0xef: {  	v4 =	vadd.f32 v5, v4;
	_ =	sdelay $0x1  }
0xf0: {  	[tilespmem:s6+$0x50] =	vst v4;
	v4 =	vld [tilespmem:s6+$0x60]  }
0xf1: {  	v5 =	vld [tilespmem:$0x18060];
	_ =	sdelay $0x4  }
0xf2: {  	v4 =	vadd.f32 v5, v4;
	_ =	sdelay $0x1  }
0xf3: {  	[tilespmem:s6+$0x60] =	vst v4;
	v4 =	vld [tilespmem:s6+$0x70]  }
0xf4: {  	v5 =	vld [tilespmem:$0x18070];
	_ =	sdelay $0x4  }
0xf5: {  	v4 =	vadd.f32 v5, v4;
	_ =	sdelay $0x1  }
0xf6: {  	[tilespmem:s6+$0x70] =	vst v4;
	v4 =	vld [tilespmem:s6+$0x400]  }
0xf7: {  	v5 =	vld [tilespmem:$0x18100];
	_ =	sdelay $0x4  }
0xf8: {  	v4 =	vadd.f32 v5, v4;
	_ =	sdelay $0x1  }
0xf9: {  	[tilespmem:s6+$0x400] =	vst v4;
	v4 =	vld [tilespmem:s6+$0x410]  }
0xfa: {  	v5 =	vld [tilespmem:$0x18110];
	_ =	sdelay $0x4  }
0xfb: {  	v4 =	vadd.f32 v5, v4;
	_ =	sdelay $0x1  }
0xfc: {  	[tilespmem:s6+$0x410] =	vst v4;
	v4 =	vld [tilespmem:s6+$0x420]  }
0xfd: {  	s15 =	sor.u32 $0x180, s9;
	v5 =	vld [tilespmem:$0x18120]  }
0xfe: {  	s20 =	sor.u32 s15, s1;
	v7 =	vld [tilespmem:$0x18000]  }
0xff: {  	s13 =	sor.u32 $0x80, s9;
	v6 =	vld [tilespmem:s20+$0x0]  }
0x100: {  	s21 =	sor.u32 s13, s1  }
0x101: {  	s12 =	sor.u32 $0x100, s9;
	v8 =	vld [tilespmem:s21+$0x0]  }
0x102: {  	s1 =	sor.u32 s12, s1;
	v4 =	vadd.f32 v5, v4  }
0x103: {  	v5 =	vld [tilespmem:s1+$0x0]  }
0x104: {  	v6 =	vadd.f32 v7, v6;
	[tilespmem:s6+$0x420] =	vst v4;
	v4 =	vld [tilespmem:s6+$0x430]  }
0x105: {  	v7 =	vld [tilespmem:$0x18130]  }
0x106: {  	v8 =	vadd.f32 v8, v3;
	[tilespmem:s20+$0x0] =	vst v6;
	v6 =	vld [tilespmem:s20+$0x10]  }
0x107: {  	v9 =	vld [tilespmem:$0x18010]  }
0x108: {  	v10 =	vld [tilespmem:s21+$0x10];
	[tilespmem:s21+$0x0] =	vst v8;
	v3 =	vadd.f32 v5, v3  }
0x109: {  	v5 =	vld [tilespmem:$0x18010]  }
0x10a: {  	[tilespmem:s1+$0x0] =	vst v3;
	v4 =	vadd.f32 v7, v4;
	v7 =	vld [tilespmem:s1+$0x10]  }
0x10b: {  	v3 =	vld [tilespmem:$0x18010]  }
0x10c: {  	v6 =	vadd.f32 v9, v6;
	[tilespmem:s6+$0x430] =	vst v4;
	v4 =	vld [tilespmem:s6+$0x440]  }
0x10d: {  	v8 =	vld [tilespmem:$0x18140]  }
0x10e: {  	[tilespmem:s20+$0x10] =	vst v6;
	v6 =	vld [tilespmem:s20+$0x20];
	v5 =	vadd.f32 v5, v10  }
0x10f: {  	v9 =	vld [tilespmem:$0x18020]  }
0x110: {  	v10 =	vld [tilespmem:s21+$0x20];
	[tilespmem:s21+$0x10] =	vst v5;
	v3 =	vadd.f32 v3, v7  }
0x111: {  	v5 =	vld [tilespmem:$0x18020]  }
0x112: {  	v7 =	vld [tilespmem:s1+$0x20];
	[tilespmem:s1+$0x10] =	vst v3;
	v4 =	vadd.f32 v8, v4  }
0x113: {  	v3 =	vld [tilespmem:$0x18020]  }
0x114: {  	v6 =	vadd.f32 v9, v6;
	[tilespmem:s6+$0x440] =	vst v4;
	v4 =	vld [tilespmem:s6+$0x450]  }
0x115: {  	v8 =	vld [tilespmem:$0x18150]  }
0x116: {  	[tilespmem:s20+$0x20] =	vst v6;
	v6 =	vld [tilespmem:s20+$0x30];
	v5 =	vadd.f32 v5, v10  }
0x117: {  	v9 =	vld [tilespmem:$0x18030]  }
0x118: {  	v10 =	vld [tilespmem:s21+$0x30];
	[tilespmem:s21+$0x20] =	vst v5;
	v3 =	vadd.f32 v3, v7  }
0x119: {  	v5 =	vld [tilespmem:$0x18030]  }
0x11a: {  	v7 =	vld [tilespmem:s1+$0x30];
	[tilespmem:s1+$0x20] =	vst v3;
	v4 =	vadd.f32 v8, v4  }
0x11b: {  	v3 =	vld [tilespmem:$0x18030]  }
0x11c: {  	v6 =	vadd.f32 v9, v6;
	[tilespmem:s6+$0x450] =	vst v4;
	v4 =	vld [tilespmem:s6+$0x460]  }
0x11d: {  	v8 =	vld [tilespmem:$0x18160]  }
0x11e: {  	[tilespmem:s20+$0x30] =	vst v6;
	v6 =	vld [tilespmem:s20+$0x40];
	v5 =	vadd.f32 v5, v10  }
0x11f: {  	v9 =	vld [tilespmem:$0x18040]  }
0x120: {  	v10 =	vld [tilespmem:s21+$0x40];
	[tilespmem:s21+$0x30] =	vst v5;
	v3 =	vadd.f32 v3, v7  }
0x121: {  	v5 =	vld [tilespmem:$0x18040]  }
0x122: {  	v7 =	vld [tilespmem:s1+$0x40];
	[tilespmem:s1+$0x30] =	vst v3;
	v4 =	vadd.f32 v8, v4  }
0x123: {  	v3 =	vld [tilespmem:$0x18040]  }
0x124: {  	v6 =	vadd.f32 v9, v6;
	[tilespmem:s6+$0x460] =	vst v4;
	v4 =	vld [tilespmem:s6+$0x470]  }
0x125: {  	v8 =	vld [tilespmem:$0x18170]  }
0x126: {  	[tilespmem:s20+$0x40] =	vst v6;
	v6 =	vld [tilespmem:s20+$0x50];
	v5 =	vadd.f32 v5, v10  }
0x127: {  	v9 =	vld [tilespmem:$0x18050]  }
0x128: {  	v10 =	vld [tilespmem:s21+$0x50];
	[tilespmem:s21+$0x40] =	vst v5;
	v3 =	vadd.f32 v3, v7  }
0x129: {  	v5 =	vld [tilespmem:$0x18050]  }
0x12a: {  	v7 =	vld [tilespmem:s1+$0x50];
	[tilespmem:s1+$0x40] =	vst v3;
	v4 =	vadd.f32 v8, v4  }
0x12b: {  	v3 =	vld [tilespmem:$0x18050]  }
0x12c: {  	[tilespmem:s6+$0x470] =	vst v4;
	v4 =	vadd.f32 v9, v6  }
0x12d: {  	v9 =	vld [tilespmem:s21+$0x60]  }
0x12e: {  	s22 =	sadd.s32 $0xC800, s14;
	v5 =	vadd.f32 v5, v10;
	[tilespmem:s20+$0x50] =	vst v4;
	v4 =	vld [tilespmem:s20+$0x60]  }
0x12f: {  	s23 =	sor.u32 s9, s22;
	v8 =	vld [tilespmem:$0x18060]  }
0x130: {  	v6 =	vld [tilespmem:s23+$0x0];
	[tilespmem:s21+$0x50] =	vst v5;
	v3 =	vadd.f32 v3, v7  }
0x131: {  	v5 =	vld [tilespmem:$0x18060]  }
0x132: {  	v7 =	vld [tilespmem:s1+$0x60];
	[tilespmem:s1+$0x50] =	vst v3  }
0x133: {  	v3 =	vld [tilespmem:$0x18060]  }
0x134: {  	v10 =	vld [tilespmem:$0x18200];
	v4 =	vadd.f32 v8, v4  }
0x135: {  	v11 =	vld [tilespmem:s21+$0x70]  }
0x136: {  	v5 =	vadd.f32 v5, v9;
	[tilespmem:s20+$0x60] =	vst v4;
	v4 =	vld [tilespmem:s20+$0x70]  }
0x137: {  	v9 =	vld [tilespmem:$0x18070]  }
0x138: {  	v8 =	vld [tilespmem:s23+$0x10];
	[tilespmem:s21+$0x60] =	vst v5;
	v3 =	vadd.f32 v3, v7  }
0x139: {  	v5 =	vadd.f32 v10, v6;
	v6 =	vld [tilespmem:$0x18070]  }
0x13a: {  	v7 =	vld [tilespmem:s1+$0x70];
	[tilespmem:s1+$0x60] =	vst v3  }
0x13b: {  	[tilespmem:s23+$0x0] =	vst v5;
	v3 =	vld [tilespmem:$0x18070]  }
0x13c: {  	v5 =	vld [tilespmem:$0x18210];
	v4 =	vadd.f32 v9, v4  }
0x13d: {  	v9 =	vld [tilespmem:s23+$0x20]  }
0x13e: {  	v6 =	vadd.f32 v6, v11;
	[tilespmem:s20+$0x70] =	vst v4;
	v4 =	vld [tilespmem:s20+$0x400]  }
0x13f: {  	v10 =	vld [tilespmem:$0x18100]  }
0x140: {  	v11 =	vld [tilespmem:s21+$0x400];
	[tilespmem:s21+$0x70] =	vst v6;
	v3 =	vadd.f32 v3, v7  }
0x141: {  	v5 =	vadd.f32 v5, v8;
	v6 =	vld [tilespmem:$0x18100]  }
0x142: {  	v7 =	vld [tilespmem:s1+$0x400];
	[tilespmem:s1+$0x70] =	vst v3  }
0x143: {  	[tilespmem:s23+$0x10] =	vst v5;
	v3 =	vld [tilespmem:$0x18100]  }
0x144: {  	v5 =	vld [tilespmem:$0x18220];
	v4 =	vadd.f32 v10, v4  }
0x145: {  	v8 =	vld [tilespmem:s23+$0x30]  }
0x146: {  	v6 =	vadd.f32 v6, v11;
	[tilespmem:s20+$0x400] =	vst v4;
	v4 =	vld [tilespmem:s20+$0x410]  }
0x147: {  	v10 =	vld [tilespmem:$0x18110]  }
0x148: {  	v11 =	vld [tilespmem:s21+$0x410];
	[tilespmem:s21+$0x400] =	vst v6;
	v3 =	vadd.f32 v3, v7  }
0x149: {  	v5 =	vadd.f32 v5, v9;
	v6 =	vld [tilespmem:$0x18110]  }
0x14a: {  	v7 =	vld [tilespmem:s1+$0x410];
	[tilespmem:s1+$0x400] =	vst v3  }
0x14b: {  	[tilespmem:s23+$0x20] =	vst v5;
	v3 =	vld [tilespmem:$0x18110]  }
0x14c: {  	v5 =	vld [tilespmem:$0x18230];
	v4 =	vadd.f32 v10, v4  }
0x14d: {  	v9 =	vld [tilespmem:s23+$0x40]  }
0x14e: {  	v6 =	vadd.f32 v6, v11;
	[tilespmem:s20+$0x410] =	vst v4;
	v4 =	vld [tilespmem:s20+$0x420]  }
0x14f: {  	v10 =	vld [tilespmem:$0x18120]  }
0x150: {  	v11 =	vld [tilespmem:s21+$0x420];
	[tilespmem:s21+$0x410] =	vst v6;
	v3 =	vadd.f32 v3, v7  }
0x151: {  	v5 =	vadd.f32 v5, v8;
	v6 =	vld [tilespmem:$0x18120]  }
0x152: {  	v7 =	vld [tilespmem:s1+$0x420];
	[tilespmem:s1+$0x410] =	vst v3  }
0x153: {  	[tilespmem:s23+$0x30] =	vst v5;
	v3 =	vld [tilespmem:$0x18120]  }
0x154: {  	v5 =	vld [tilespmem:$0x18240];
	v4 =	vadd.f32 v10, v4  }
0x155: {  	v8 =	vld [tilespmem:s23+$0x50]  }
0x156: {  	v6 =	vadd.f32 v6, v11;
	[tilespmem:s20+$0x420] =	vst v4;
	v4 =	vld [tilespmem:s20+$0x430]  }
0x157: {  	v10 =	vld [tilespmem:$0x18130]  }
0x158: {  	v11 =	vld [tilespmem:s21+$0x430];
	[tilespmem:s21+$0x420] =	vst v6;
	v3 =	vadd.f32 v3, v7  }
0x159: {  	v5 =	vadd.f32 v5, v9;
	v6 =	vld [tilespmem:$0x18130]  }
0x15a: {  	v7 =	vld [tilespmem:s1+$0x430];
	[tilespmem:s1+$0x420] =	vst v3  }
0x15b: {  	[tilespmem:s23+$0x40] =	vst v5;
	v3 =	vld [tilespmem:$0x18130]  }
0x15c: {  	v5 =	vld [tilespmem:$0x18250];
	v4 =	vadd.f32 v10, v4  }
0x15d: {  	v9 =	vld [tilespmem:s23+$0x60]  }
0x15e: {  	v6 =	vadd.f32 v6, v11;
	[tilespmem:s20+$0x430] =	vst v4;
	v4 =	vld [tilespmem:s20+$0x440]  }
0x15f: {  	v10 =	vld [tilespmem:$0x18140]  }
0x160: {  	v11 =	vld [tilespmem:s21+$0x440];
	[tilespmem:s21+$0x430] =	vst v6;
	v3 =	vadd.f32 v3, v7  }
0x161: {  	v5 =	vadd.f32 v5, v8;
	v6 =	vld [tilespmem:$0x18140]  }
0x162: {  	v7 =	vld [tilespmem:s1+$0x440];
	[tilespmem:s1+$0x430] =	vst v3  }
0x163: {  	[tilespmem:s23+$0x50] =	vst v5;
	v3 =	vld [tilespmem:$0x18140]  }
0x164: {  	v5 =	vld [tilespmem:$0x18260];
	v4 =	vadd.f32 v10, v4  }
0x165: {  	v8 =	vld [tilespmem:s23+$0x70]  }
0x166: {  	v6 =	vadd.f32 v6, v11;
	[tilespmem:s20+$0x440] =	vst v4;
	v4 =	vld [tilespmem:s20+$0x450]  }
0x167: {  	v10 =	vld [tilespmem:$0x18150]  }
0x168: {  	v11 =	vld [tilespmem:s21+$0x450];
	[tilespmem:s21+$0x440] =	vst v6;
	v3 =	vadd.f32 v3, v7  }
0x169: {  	v5 =	vadd.f32 v5, v9;
	v6 =	vld [tilespmem:$0x18150]  }
0x16a: {  	v7 =	vld [tilespmem:s1+$0x450];
	[tilespmem:s1+$0x440] =	vst v3  }
0x16b: {  	[tilespmem:s23+$0x60] =	vst v5;
	v3 =	vld [tilespmem:$0x18150]  }
0x16c: {  	v5 =	vld [tilespmem:$0x18270];
	v4 =	vadd.f32 v10, v4;
	_ =	sdelay $0x1  }
0x16d: {  	v6 =	vadd.f32 v6, v11;
	[tilespmem:s20+$0x450] =	vst v4;
	v4 =	vld [tilespmem:s20+$0x460]  }
0x16e: {  	v9 =	vld [tilespmem:$0x18160]  }
0x16f: {  	v10 =	vld [tilespmem:s21+$0x460];
	[tilespmem:s21+$0x450] =	vst v6;
	v3 =	vadd.f32 v3, v7  }
0x170: {  	v5 =	vadd.f32 v5, v8;
	v6 =	vld [tilespmem:$0x18160]  }
0x171: {  	s8 =	sadd.s32 $0xCC00, s14;
	v7 =	vld [tilespmem:s1+$0x460];
	[tilespmem:s1+$0x450] =	vst v3  }
0x172: {  	s24 =	sor.u32 s9, s8;
	[tilespmem:s23+$0x70] =	vst v5;
	v3 =	vld [tilespmem:$0x18160]  }
0x173: {  	v5 =	vld [tilespmem:s24+$0x0];
	v4 =	vadd.f32 v9, v4  }
0x174: {  	v8 =	vld [tilespmem:$0x18300]  }
0x175: {  	v6 =	vadd.f32 v6, v10;
	[tilespmem:s20+$0x460] =	vst v4;
	v4 =	vld [tilespmem:s20+$0x470]  }
0x176: {  	v9 =	vld [tilespmem:$0x18170]  }
0x177: {  	v10 =	vld [tilespmem:s21+$0x470];
	[tilespmem:s21+$0x460] =	vst v6;
	v3 =	vadd.f32 v3, v7  }
0x178: {  	v6 =	vld [tilespmem:$0x18170]  }
0x179: {  	v7 =	vld [tilespmem:s1+$0x470];
	[tilespmem:s1+$0x460] =	vst v3  }
0x17a: {  	v5 =	vadd.f32 v8, v5;
	v3 =	vld [tilespmem:$0x18170]  }
0x17b: {  	v11 =	vld [tilespmem:s24+$0x30];
	v4 =	vadd.f32 v9, v4  }
0x17c: {  	[tilespmem:s24+$0x0] =	vst v5;
	v5 =	vld [tilespmem:s24+$0x10]  }
0x17d: {  	s19 =	sor.u32 s15, s22;
	v8 =	vld [tilespmem:$0x18310];
	v6 =	vadd.f32 v6, v10;
	[tilespmem:s20+$0x470] =	vst v4  }
0x17e: {  	v4 =	vld [tilespmem:s19+$0x0]  }
0x17f: {  	s18 =	sor.u32 s13, s22;
	[tilespmem:s21+$0x470] =	vst v6;
	v3 =	vadd.f32 v3, v7;
	v6 =	vld [tilespmem:$0x18200]  }
0x180: {  	v7 =	vld [tilespmem:s18+$0x0]  }
0x181: {  	s17 =	sor.u32 s12, s22;
	[tilespmem:s1+$0x470] =	vst v3;
	v3 =	vld [tilespmem:$0x18200]  }
0x182: {  	v5 =	vadd.f32 v8, v5;
	v8 =	vld [tilespmem:s17+$0x0]  }
0x183: {  	v10 =	vld [tilespmem:$0x18200]  }
0x184: {  	v9 =	vld [tilespmem:s24+$0x20];
	[tilespmem:s24+$0x10] =	vst v5;
	v4 =	vadd.f32 v6, v4  }
0x185: {  	v5 =	vld [tilespmem:$0x18320]  }
0x186: {  	v3 =	vadd.f32 v3, v7;
	[tilespmem:s19+$0x0] =	vst v4;
	v4 =	vld [tilespmem:s19+$0x10]  }
0x187: {  	v6 =	vld [tilespmem:$0x18210]  }
0x188: {  	v7 =	vld [tilespmem:s18+$0x10];
	[tilespmem:s18+$0x0] =	vst v3;
	v3 =	vadd.f32 v10, v8  }
0x189: {  	v8 =	vld [tilespmem:$0x18210]  }
0x18a: {  	v5 =	vadd.f32 v5, v9;
	v9 =	vld [tilespmem:s17+$0x10];
	[tilespmem:s17+$0x0] =	vst v3  }
0x18b: {  	v3 =	vld [tilespmem:$0x18210]  }
0x18c: {  	v13 =	vld [tilespmem:s18+$0x60];
	v4 =	vadd.f32 v6, v4  }
0x18d: {  	v14 =	vld [tilespmem:s18+$0x70]  }
0x18e: {  	v6 =	vadd.f32 v8, v7;
	[tilespmem:s19+$0x10] =	vst v4;
	v4 =	vld [tilespmem:s19+$0x20]  }
0x18f: {  	v7 =	vld [tilespmem:$0x18220]  }
0x190: {  	v8 =	vld [tilespmem:s18+$0x20];
	[tilespmem:s18+$0x10] =	vst v6;
	v3 =	vadd.f32 v3, v9  }
0x191: {  	v6 =	vld [tilespmem:$0x18220]  }
0x192: {  	v9 =	vld [tilespmem:s17+$0x20];
	[tilespmem:s17+$0x10] =	vst v3  }
0x193: {  	v3 =	vld [tilespmem:$0x18220]  }
0x194: {  	v10 =	vld [tilespmem:s24+$0x40];
	[tilespmem:s24+$0x20] =	vst v5;
	v4 =	vadd.f32 v7, v4  }
0x195: {  	v5 =	vld [tilespmem:$0x18330]  }
0x196: {  	v6 =	vadd.f32 v6, v8;
	[tilespmem:s19+$0x20] =	vst v4;
	v4 =	vld [tilespmem:s19+$0x30]  }
0x197: {  	v7 =	vld [tilespmem:$0x18230]  }
0x198: {  	v8 =	vld [tilespmem:s18+$0x30];
	[tilespmem:s18+$0x20] =	vst v6;
	v3 =	vadd.f32 v3, v9  }
0x199: {  	v6 =	vld [tilespmem:$0x18230]  }
0x19a: {  	v5 =	vadd.f32 v5, v11;
	v9 =	vld [tilespmem:s17+$0x30];
	[tilespmem:s17+$0x20] =	vst v3  }
0x19b: {  	v3 =	vld [tilespmem:$0x18230]  }
0x19c: {  	v11 =	vld [tilespmem:s24+$0x50];
	[tilespmem:s24+$0x30] =	vst v5;
	v4 =	vadd.f32 v7, v4  }
0x19d: {  	v5 =	vld [tilespmem:$0x18340]  }
0x19e: {  	v6 =	vadd.f32 v6, v8;
	[tilespmem:s19+$0x30] =	vst v4;
	v4 =	vld [tilespmem:s19+$0x40]  }
0x19f: {  	v7 =	vld [tilespmem:$0x18240]  }
0x1a0: {  	v8 =	vld [tilespmem:s18+$0x40];
	[tilespmem:s18+$0x30] =	vst v6;
	v3 =	vadd.f32 v3, v9  }
0x1a1: {  	v6 =	vld [tilespmem:$0x18240]  }
0x1a2: {  	v5 =	vadd.f32 v5, v10;
	v9 =	vld [tilespmem:s17+$0x40];
	[tilespmem:s17+$0x30] =	vst v3  }
0x1a3: {  	v3 =	vld [tilespmem:$0x18240]  }
0x1a4: {  	v10 =	vld [tilespmem:s24+$0x60];
	[tilespmem:s24+$0x40] =	vst v5;
	v4 =	vadd.f32 v7, v4  }
0x1a5: {  	v5 =	vld [tilespmem:$0x18350]  }
0x1a6: {  	v6 =	vadd.f32 v6, v8;
	[tilespmem:s19+$0x40] =	vst v4;
	v4 =	vld [tilespmem:s19+$0x50]  }
0x1a7: {  	s25 =	simm.s32 $0x0;
	v7 =	vld [tilespmem:$0x18250]  }
0x1a8: {  	s1 =	smul.u32 $0x6000, s25;
	v8 =	vld [tilespmem:s18+$0x50];
	[tilespmem:s18+$0x40] =	vst v6;
	v3 =	vadd.f32 v3, v9  }
0x1a9: {  	v6 =	vld [tilespmem:$0x18250]  }
0x1aa: {  	s5 =	simm.s32 $0x200;
	s3 =	sshra.s32 s1, $0x2;
	v9 =	vld [tilespmem:s17+$0x50];
	[tilespmem:s17+$0x40] =	vst v3  }
0x1ab: {  	s2 =	sand.u32 $0x200, s5;
	s16 =	sadd.s32 $0xC000, s3;
	v12 =	vld [tilespmem:$0x18250]  }
0x1ac: {  	s26 =	sor.u32 s2, s16;
	v3 =	vld [tilespmem:$0x18000];
	v4 =	vadd.f32 v7, v4  }
0x1ad: {  	v5 =	vadd.f32 v5, v11;
	v7 =	vld [tilespmem:s26+$0x0]  }
0x1ae: {  	v6 =	vadd.f32 v6, v8;
	[tilespmem:s19+$0x50] =	vst v4;
	v4 =	vld [tilespmem:s19+$0x60]  }
0x1af: {  	[tilespmem:s24+$0x50] =	vst v5;
	v8 =	vld [tilespmem:$0x18260]  }
0x1b0: {  	v5 =	vld [tilespmem:$0x18360];
	[tilespmem:s18+$0x50] =	vst v6;
	v6 =	vadd.f32 v12, v9  }
0x1b1: {  	v9 =	vld [tilespmem:$0x18260]  }
0x1b2: {  	v12 =	vld [tilespmem:s17+$0x60];
	v7 =	vadd.f32 v3, v7;
	[tilespmem:s17+$0x50] =	vst v6  }
0x1b3: {  	v6 =	vld [tilespmem:$0x18260]  }
0x1b4: {  	[tilespmem:s26+$0x0] =	vst v7;
	v7 =	vld [tilespmem:s26+$0x10];
	v4 =	vadd.f32 v8, v4  }
0x1b5: {  	v8 =	vld [tilespmem:$0x18010]  }
0x1b6: {  	v9 =	vadd.f32 v9, v13;
	[tilespmem:s19+$0x60] =	vst v4;
	v4 =	vld [tilespmem:s19+$0x70]  }
0x1b7: {  	v13 =	vld [tilespmem:$0x18270]  }
0x1b8: {  	v11 =	vld [tilespmem:s24+$0x70];
	[tilespmem:s18+$0x60] =	vst v9;
	v6 =	vadd.f32 v6, v12  }
0x1b9: {  	v5 =	vadd.f32 v5, v10;
	v9 =	vld [tilespmem:$0x18270]  }
0x1ba: {  	v10 =	vld [tilespmem:s17+$0x70];
	[tilespmem:s17+$0x60] =	vst v6  }
0x1bb: {  	[tilespmem:s24+$0x60] =	vst v5;
	v5 =	vadd.f32 v8, v7;
	v6 =	vld [tilespmem:$0x18270]  }
0x1bc: {  	v7 =	vld [tilespmem:$0x18370];
	v4 =	vadd.f32 v13, v4  }
0x1bd: {  	[tilespmem:s26+$0x10] =	vst v5;
	v5 =	vld [tilespmem:s26+$0x20]  }
0x1be: {  	s20 =	sor.u32 s15, s8;
	v8 =	vld [tilespmem:$0x18020];
	v9 =	vadd.f32 v9, v14;
	[tilespmem:s19+$0x70] =	vst v4  }
0x1bf: {  	v4 =	vld [tilespmem:s20+$0x0]  }
0x1c0: {  	s7 =	sor.u32 s13, s8;
	[tilespmem:s18+$0x70] =	vst v9;
	v6 =	vadd.f32 v6, v10;
	v9 =	vld [tilespmem:$0x18300]  }
0x1c1: {  	v10 =	vld [tilespmem:s7+$0x0]  }
0x1c2: {  	s21 =	sor.u32 s12, s8;
	v12 =	vld [tilespmem:$0x18300];
	[tilespmem:s17+$0x70] =	vst v6  }
0x1c3: {  	v5 =	vadd.f32 v8, v5;
	v6 =	vld [tilespmem:s21+$0x0]  }
0x1c4: {  	v8 =	vld [tilespmem:$0x18300]  }
0x1c5: {  	[tilespmem:s26+$0x20] =	vst v5;
	v5 =	vld [tilespmem:s26+$0x30];
	v4 =	vadd.f32 v9, v4  }
0x1c6: {  	v9 =	vld [tilespmem:$0x18030]  }
0x1c7: {  	v10 =	vadd.f32 v12, v10;
	v12 =	vld [tilespmem:s20+$0x10];
	[tilespmem:s20+$0x0] =	vst v4  }
0x1c8: {  	v13 =	vld [tilespmem:$0x18310]  }
0x1c9: {  	[tilespmem:s7+$0x0] =	vst v10;
	v10 =	vld [tilespmem:s7+$0x10];
	v4 =	vadd.f32 v8, v6  }
0x1ca: {  	v6 =	vadd.f32 v7, v11;
	v8 =	vld [tilespmem:s21+$0x10]  }
0x1cb: {  	v7 =	vld [tilespmem:$0x18310];
	[tilespmem:s21+$0x0] =	vst v4  }
0x1cc: {  	[tilespmem:s24+$0x70] =	vst v6;
	v5 =	vadd.f32 v9, v5;
	v6 =	vld [tilespmem:$0x18310]  }
0x1cd: {  	v4 =	vld [tilespmem:$0x18400]  }
0x1ce: {  	[tilespmem:s26+$0x30] =	vst v5;
	v5 =	vld [tilespmem:s26+$0x40];
	v9 =	vadd.f32 v13, v12  }
0x1cf: {  	v11 =	vld [tilespmem:$0x18040]  }
0x1d0: {  	v7 =	vadd.f32 v7, v10;
	[tilespmem:s20+$0x10] =	vst v9;
	v9 =	vld [tilespmem:s20+$0x20]  }
0x1d1: {  	v10 =	vld [tilespmem:$0x18320];
	v6 =	vadd.f32 v6, v8  }
0x1d2: {  	[tilespmem:s7+$0x10] =	vst v7;
	v7 =	vld [tilespmem:s7+$0x20]  }
0x1d3: {  	v8 =	vld [tilespmem:$0x18320];
	[tilespmem:s21+$0x10] =	vst v6  }
0x1d4: {  	v5 =	vadd.f32 v11, v5;
	v6 =	vld [tilespmem:s21+$0x20]  }
0x1d5: {  	v11 =	vld [tilespmem:$0x18320]  }
0x1d6: {  	[tilespmem:s26+$0x40] =	vst v5;
	v5 =	vld [tilespmem:s26+$0x50];
	v9 =	vadd.f32 v10, v9  }
0x1d7: {  	v10 =	vld [tilespmem:$0x18050]  }
0x1d8: {  	v7 =	vadd.f32 v8, v7;
	v8 =	vld [tilespmem:s20+$0x30];
	[tilespmem:s20+$0x20] =	vst v9  }
0x1d9: {  	v9 =	vld [tilespmem:$0x18330]  }
0x1da: {  	[tilespmem:s7+$0x20] =	vst v7;
	v7 =	vld [tilespmem:s7+$0x30];
	v6 =	vadd.f32 v11, v6  }
0x1db: {  	v11 =	vld [tilespmem:$0x18330]  }
0x1dc: {  	v5 =	vadd.f32 v10, v5;
	[tilespmem:s21+$0x20] =	vst v6;
	v6 =	vld [tilespmem:s21+$0x30]  }
0x1dd: {  	v10 =	vld [tilespmem:$0x18330]  }
0x1de: {  	[tilespmem:s26+$0x50] =	vst v5;
	v5 =	vld [tilespmem:s26+$0x60];
	v8 =	vadd.f32 v9, v8  }
0x1df: {  	v9 =	vld [tilespmem:$0x18060]  }
0x1e0: {  	v7 =	vadd.f32 v11, v7;
	[tilespmem:s20+$0x30] =	vst v8;
	v8 =	vld [tilespmem:s20+$0x40]  }
0x1e1: {  	v11 =	vld [tilespmem:$0x18340]  }
0x1e2: {  	[tilespmem:s7+$0x30] =	vst v7;
	v7 =	vld [tilespmem:s7+$0x40];
	v6 =	vadd.f32 v10, v6  }
0x1e3: {  	v10 =	vld [tilespmem:$0x18340]  }
0x1e4: {  	v5 =	vadd.f32 v9, v5;
	[tilespmem:s21+$0x30] =	vst v6;
	v6 =	vld [tilespmem:s21+$0x40]  }
0x1e5: {  	v9 =	vld [tilespmem:$0x18340]  }
0x1e6: {  	[tilespmem:s26+$0x60] =	vst v5;
	v5 =	vld [tilespmem:s26+$0x70];
	v8 =	vadd.f32 v11, v8  }
0x1e7: {  	v11 =	vld [tilespmem:$0x18070]  }
0x1e8: {  	v7 =	vadd.f32 v10, v7;
	[tilespmem:s20+$0x40] =	vst v8;
	v8 =	vld [tilespmem:s20+$0x50]  }
0x1e9: {  	v10 =	vld [tilespmem:$0x18350]  }
0x1ea: {  	[tilespmem:s7+$0x40] =	vst v7;
	v7 =	vld [tilespmem:s7+$0x50];
	v6 =	vadd.f32 v9, v6  }
0x1eb: {  	v9 =	vld [tilespmem:$0x18350]  }
0x1ec: {  	v5 =	vadd.f32 v11, v5;
	[tilespmem:s21+$0x40] =	vst v6;
	v6 =	vld [tilespmem:s21+$0x50]  }
0x1ed: {  	v11 =	vld [tilespmem:$0x18350]  }
0x1ee: {  	[tilespmem:s26+$0x70] =	vst v5;
	v5 =	vld [tilespmem:s26+$0x400];
	v8 =	vadd.f32 v10, v8  }
0x1ef: {  	v10 =	vld [tilespmem:$0x18100]  }
0x1f0: {  	v7 =	vadd.f32 v9, v7;
	[tilespmem:s20+$0x50] =	vst v8;
	v8 =	vld [tilespmem:s20+$0x60]  }
0x1f1: {  	v9 =	vld [tilespmem:$0x18360]  }
0x1f2: {  	[tilespmem:s7+$0x50] =	vst v7;
	v7 =	vld [tilespmem:s7+$0x60];
	v6 =	vadd.f32 v11, v6  }
0x1f3: {  	v11 =	vld [tilespmem:$0x18360]  }
0x1f4: {  	v5 =	vadd.f32 v10, v5;
	[tilespmem:s21+$0x50] =	vst v6;
	v6 =	vld [tilespmem:s21+$0x60]  }
0x1f5: {  	v10 =	vld [tilespmem:$0x18360]  }
0x1f6: {  	[tilespmem:s26+$0x400] =	vst v5;
	v5 =	vld [tilespmem:s26+$0x410];
	v8 =	vadd.f32 v9, v8  }
0x1f7: {  	v9 =	vld [tilespmem:$0x18110]  }
0x1f8: {  	v7 =	vadd.f32 v11, v7;
	[tilespmem:s20+$0x60] =	vst v8;
	v8 =	vld [tilespmem:s20+$0x70]  }
0x1f9: {  	v11 =	vld [tilespmem:$0x18370]  }
0x1fa: {  	[tilespmem:s7+$0x60] =	vst v7;
	v7 =	vld [tilespmem:s7+$0x70];
	v6 =	vadd.f32 v10, v6  }
0x1fb: {  	v10 =	vld [tilespmem:$0x18370]  }
0x1fc: {  	v5 =	vadd.f32 v9, v5;
	[tilespmem:s21+$0x60] =	vst v6;
	v6 =	vld [tilespmem:s21+$0x70]  }
0x1fd: {  	v9 =	vld [tilespmem:$0x18370]  }
0x1fe: {  	s22 =	sadd.s32 $0xD000, s14;
	[tilespmem:s26+$0x410] =	vst v5;
	v5 =	vld [tilespmem:s26+$0x420];
	v8 =	vadd.f32 v11, v8  }
0x1ff: {  	s31 =	sor.u32 s9, s22;
	v11 =	vld [tilespmem:$0x18120]  }
0x200: {  	s23 =	sor.u32 s15, s22;
	v12 =	vld [tilespmem:s31+$0x0];
	v7 =	vadd.f32 v10, v7;
	[tilespmem:s20+$0x70] =	vst v8  }
0x201: {  	v8 =	vld [tilespmem:s23+$0x0]  }
0x202: {  	s24 =	sor.u32 s13, s22;
	[tilespmem:s7+$0x70] =	vst v7;
	v6 =	vadd.f32 v9, v6;
	v7 =	vld [tilespmem:$0x18400]  }
0x203: {  	v9 =	vld [tilespmem:s24+$0x0]  }
0x204: {  	s25 =	sor.u32 s12, s22;
	v10 =	vld [tilespmem:$0x18400];
	v5 =	vadd.f32 v11, v5;
	[tilespmem:s21+$0x70] =	vst v6  }
0x205: {  	v6 =	vld [tilespmem:s25+$0x0]  }
0x206: {  	[tilespmem:s26+$0x420] =	vst v5;
	v5 =	vld [tilespmem:s26+$0x430]  }
0x207: {  	v11 =	vld [tilespmem:$0x18130];
	v7 =	vadd.f32 v7, v8  }
0x208: {  	v4 =	vadd.f32 v4, v12;
	v8 =	vld [tilespmem:$0x18400]  }
0x209: {  	v9 =	vadd.f32 v10, v9;
	[tilespmem:s23+$0x0] =	vst v7;
	v7 =	vld [tilespmem:s23+$0x10]  }
0x20a: {  	[tilespmem:s31+$0x0] =	vst v4;
	v10 =	vld [tilespmem:$0x18410]  }
0x20b: {  	v4 =	vld [tilespmem:s25+$0x10];
	[tilespmem:s24+$0x0] =	vst v9  }
0x20c: {  	v9 =	vld [tilespmem:$0x18410];
	v5 =	vadd.f32 v11, v5  }
0x20d: {  	v11 =	vld [tilespmem:s24+$0x10];
	v6 =	vadd.f32 v8, v6  }
0x20e: {  	[tilespmem:s26+$0x430] =	vst v5;
	v5 =	vld [tilespmem:s26+$0x440]  }
0x20f: {  	[tilespmem:s25+$0x0] =	vst v6;
	v8 =	vld [tilespmem:$0x18140];
	v6 =	vadd.f32 v10, v7  }
0x210: {  	v7 =	vld [tilespmem:$0x18410]  }
0x211: {  	[tilespmem:s23+$0x10] =	vst v6;
	v6 =	vld [tilespmem:s23+$0x20]  }
0x212: {  	v10 =	vld [tilespmem:$0x18420]  }
0x213: {  	v9 =	vadd.f32 v9, v11  }
0x214: {  	v11 =	vld [tilespmem:s31+$0x10];
	v5 =	vadd.f32 v8, v5  }
0x215: {  	[tilespmem:s24+$0x10] =	vst v9;
	v8 =	vld [tilespmem:$0x18410];
	v4 =	vadd.f32 v7, v4  }
0x216: {  	[tilespmem:s26+$0x440] =	vst v5;
	v5 =	vld [tilespmem:s26+$0x450]  }
0x217: {  	[tilespmem:s25+$0x10] =	vst v4;
	v9 =	vld [tilespmem:$0x18150];
	v6 =	vadd.f32 v10, v6  }
0x218: {  	v7 =	vld [tilespmem:$0x18420]  }
0x219: {  	[tilespmem:s23+$0x20] =	vst v6;
	v6 =	vld [tilespmem:s23+$0x30]  }
0x21a: {  	v8 =	vadd.f32 v8, v11;
	v11 =	vld [tilespmem:s25+$0x20]  }
0x21b: {  	v4 =	vld [tilespmem:$0x18430]  }
0x21c: {  	v10 =	vld [tilespmem:$0x18420];
	v5 =	vadd.f32 v9, v5  }
0x21d: {  	v9 =	vld [tilespmem:s24+$0x20]  }
0x21e: {  	[tilespmem:s26+$0x450] =	vst v5;
	v5 =	vld [tilespmem:s26+$0x460]  }
0x21f: {  	[tilespmem:s31+$0x10] =	vst v8;
	v8 =	vld [tilespmem:$0x18160]  }
0x220: {  	v7 =	vadd.f32 v7, v11;
	v11 =	vld [tilespmem:s31+$0x20];
	v4 =	vadd.f32 v4, v6  }
0x221: {  	v6 =	vld [tilespmem:$0x18420]  }
0x222: {  	v9 =	vadd.f32 v10, v9;
	[tilespmem:s23+$0x30] =	vst v4;
	v4 =	vld [tilespmem:s23+$0x40]  }
0x223: {  	[tilespmem:s25+$0x20] =	vst v7;
	v10 =	vld [tilespmem:$0x18440]  }
0x224: {  	v7 =	vld [tilespmem:$0x18430];
	[tilespmem:s24+$0x20] =	vst v9;
	v5 =	vadd.f32 v8, v5  }
0x225: {  	v8 =	vld [tilespmem:$0x18430]  }
0x226: {  	v6 =	vadd.f32 v6, v11;
	[tilespmem:s26+$0x460] =	vst v5;
	v5 =	vld [tilespmem:s26+$0x470]  }
0x227: {  	v9 =	vld [tilespmem:$0x18170]  }
0x228: {  	[tilespmem:s31+$0x20] =	vst v6;
	v6 =	vld [tilespmem:s25+$0x30];
	v4 =	vadd.f32 v10, v4  }
0x229: {  	v10 =	vld [tilespmem:s24+$0x30]  }
0x22a: {  	[tilespmem:s23+$0x40] =	vst v4;
	v4 =	vld [tilespmem:s23+$0x50]  }
0x22b: {  	v11 =	vld [tilespmem:$0x18450]  }
0x22c: {  	v12 =	vld [tilespmem:s31+$0x30];
	v5 =	vadd.f32 v9, v5  }
0x22d: {  	s17 =	sadd.s32 $0xC800, s3;
	v9 =	vld [tilespmem:$0x18430]  }
0x22e: {  	s1 =	sor.u32 s2, s17;
	v8 =	vadd.f32 v8, v10;
	[tilespmem:s26+$0x470] =	vst v5;
	v5 =	vld [tilespmem:s24+$0x40]  }
0x22f: {  	v6 =	vadd.f32 v7, v6;
	v13 =	vld [tilespmem:s1+$0x0]  }
0x230: {  	[tilespmem:s24+$0x30] =	vst v8;
	v4 =	vadd.f32 v11, v4;
	v10 =	vld [tilespmem:$0x18200]  }
0x231: {  	[tilespmem:s25+$0x30] =	vst v6;
	v6 =	vld [tilespmem:$0x18440]  }
0x232: {  	[tilespmem:s23+$0x50] =	vst v4;
	v4 =	vld [tilespmem:s23+$0x60]  }
0x233: {  	v8 =	vadd.f32 v9, v12;
	v9 =	vld [tilespmem:$0x18440]  }
0x234: {  	v7 =	vld [tilespmem:$0x18460]  }
0x235: {  	v12 =	vld [tilespmem:s25+$0x50]  }
0x236: {  	[tilespmem:s31+$0x30] =	vst v8;
	v8 =	vadd.f32 v10, v13;
	v10 =	vld [tilespmem:s25+$0x40]  }
0x237: {  	v11 =	vld [tilespmem:$0x18440]  }
0x238: {  	v5 =	vadd.f32 v6, v5;
	[tilespmem:s1+$0x0] =	vst v8;
	v8 =	vld [tilespmem:s1+$0x10]  }
0x239: {  	v4 =	vadd.f32 v7, v4;
	v7 =	vld [tilespmem:$0x18210]  }
0x23a: {  	[tilespmem:s24+$0x40] =	vst v5;
	v5 =	vld [tilespmem:s31+$0x40]  }
0x23b: {  	[tilespmem:s23+$0x60] =	vst v4;
	v4 =	vld [tilespmem:s23+$0x70]  }
0x23c: {  	v6 =	vadd.f32 v9, v10;
	v9 =	vld [tilespmem:$0x18470]  }
0x23d: {  	v10 =	vld [tilespmem:$0x18450]  }
0x23e: {  	[tilespmem:s25+$0x40] =	vst v6;
	v7 =	vadd.f32 v7, v8;
	v8 =	vld [tilespmem:s24+$0x50]  }
0x23f: {  	v6 =	vld [tilespmem:$0x18450]  }
0x240: {  	v5 =	vadd.f32 v11, v5;
	[tilespmem:s1+$0x10] =	vst v7;
	v7 =	vld [tilespmem:s1+$0x20]  }
0x241: {  	v4 =	vadd.f32 v9, v4;
	v9 =	vld [tilespmem:$0x18220]  }
0x242: {  	s14 =	sadd.s32 $0xD400, s14;
	v11 =	vld [tilespmem:s31+$0x50];
	[tilespmem:s31+$0x40] =	vst v5  }
0x243: {  	s7 =	sor.u32 s15, s14;
	[tilespmem:s23+$0x70] =	vst v4;
	v5 =	vadd.f32 v10, v8;
	v10 =	vld [tilespmem:$0x18450]  }
0x244: {  	v6 =	vadd.f32 v6, v12;
	v4 =	vld [tilespmem:s7+$0x0]  }
0x245: {  	v8 =	vld [tilespmem:$0x18500];
	[tilespmem:s24+$0x50] =	vst v5  }
0x246: {  	[tilespmem:s25+$0x50] =	vst v6;
	v5 =	vadd.f32 v9, v7;
	v7 =	vld [tilespmem:$0x18460]  }
0x247: {  	v6 =	vld [tilespmem:$0x18460]  }
0x248: {  	[tilespmem:s1+$0x20] =	vst v5;
	v5 =	vld [tilespmem:s1+$0x30]  }
0x249: {  	v9 =	vadd.f32 v10, v11;
	v11 =	vld [tilespmem:s24+$0x60]  }
0x24a: {  	v4 =	vadd.f32 v8, v4;
	v8 =	vld [tilespmem:$0x18230]  }
0x24b: {  	[tilespmem:s31+$0x50] =	vst v9;
	v9 =	vld [tilespmem:s25+$0x60]  }
0x24c: {  	[tilespmem:s7+$0x0] =	vst v4;
	v4 =	vld [tilespmem:s7+$0x10]  }
0x24d: {  	v10 =	vld [tilespmem:$0x18510]  }
0x24e: {  	v12 =	vld [tilespmem:s31+$0x60]  }
0x24f: {  	v7 =	vadd.f32 v7, v11;
	v11 =	vld [tilespmem:s25+$0x70];
	v5 =	vadd.f32 v8, v5  }
0x250: {  	v8 =	vld [tilespmem:$0x18460];
	v6 =	vadd.f32 v6, v9  }
0x251: {  	[tilespmem:s1+$0x30] =	vst v5;
	v5 =	vld [tilespmem:s1+$0x40]  }
0x252: {  	v4 =	vadd.f32 v10, v4;
	v10 =	vld [tilespmem:$0x18240];
	[tilespmem:s25+$0x60] =	vst v6  }
0x253: {  	v6 =	vld [tilespmem:$0x18470]  }
0x254: {  	[tilespmem:s7+$0x10] =	vst v4;
	v4 =	vld [tilespmem:s7+$0x20]  }
0x255: {  	[tilespmem:s24+$0x60] =	vst v7;
	v7 =	vld [tilespmem:$0x18520]  }
0x256: {  	v15 =	vld [tilespmem:$0x18000]  }
0x257: {  	v9 =	vld [tilespmem:$0x18470];
	v5 =	vadd.f32 v10, v5  }
0x258: {  	v10 =	vld [tilespmem:s24+$0x70]  }
0x259: {  	v6 =	vadd.f32 v6, v11;
	[tilespmem:s1+$0x40] =	vst v5;
	v5 =	vld [tilespmem:s1+$0x50]  }
0x25a: {  	v4 =	vadd.f32 v7, v4;
	v7 =	vadd.f32 v8, v12;
	v8 =	vld [tilespmem:$0x18250]  }
0x25b: {  	s28 =	sor.u32 s12, s14;
	v12 =	vld [tilespmem:s31+$0x70];
	[tilespmem:s25+$0x70] =	vst v6  }
0x25c: {  	s25 =	sor.u32 $0x180, s2;
	v11 =	vld [tilespmem:s28+$0x0]  }
0x25d: {  	s19 =	sor.u32 s25, s16;
	[tilespmem:s7+$0x20] =	vst v4;
	v4 =	vld [tilespmem:s7+$0x30]  }
0x25e: {  	v14 =	vld [tilespmem:s19+$0x0]  }
0x25f: {  	[tilespmem:s31+$0x60] =	vst v7;
	v7 =	vadd.f32 v9, v10;
	v46 =	vld [tilespmem:s19+$0x70]  }
0x260: {  	v9 =	vld [tilespmem:$0x18530]  }
0x261: {  	s26 =	sor.u32 s13, s14;
	v10 =	vld [tilespmem:$0x18470];
	[tilespmem:s24+$0x70] =	vst v7  }
0x262: {  	s24 =	sor.u32 $0x80, s2;
	v7 =	vld [tilespmem:s26+$0x0]  }
0x263: {  	v5 =	vadd.f32 v8, v5;
	v8 =	vld [tilespmem:$0x18500];
	s20 =	sor.u32 s24, s16  }
0x264: {  	v16 =	vld [tilespmem:s20+$0x0]  }
0x265: {  	v18 =	vld [tilespmem:s20+$0x10]  }
0x266: {  	v20 =	vld [tilespmem:s20+$0x20]  }
0x267: {  	v32 =	vld [tilespmem:s20+$0x30]  }
0x268: {  	v34 =	vld [tilespmem:s20+$0x50]  }
0x269: {  	v36 =	vld [tilespmem:s20+$0x70]  }
0x26a: {  	v38 =	vld [tilespmem:s20+$0x400]  }
0x26b: {  	v40 =	vld [tilespmem:s20+$0x410]  }
0x26c: {  	v42 =	vld [tilespmem:s20+$0x430]  }
0x26d: {  	v44 =	vld [tilespmem:s20+$0x440]  }
0x26e: {  	v48 =	vld [tilespmem:s20+$0x450]  }
0x26f: {  	[tilespmem:s1+$0x50] =	vst v5;
	v5 =	vld [tilespmem:s1+$0x60];
	v14 =	vadd.f32 v15, v14  }
0x270: {  	v4 =	vadd.f32 v9, v4;
	v9 =	vld [tilespmem:$0x18260]  }
0x271: {  	v6 =	vadd.f32 v10, v12;
	[tilespmem:s19+$0x0] =	vst v14;
	v14 =	vld [tilespmem:s19+$0x10]  }
0x272: {  	[tilespmem:s7+$0x30] =	vst v4;
	v4 =	vld [tilespmem:s7+$0x40]  }
0x273: {  	[tilespmem:s31+$0x70] =	vst v6;
	v6 =	vld [tilespmem:$0x18500]  }
0x274: {  	v17 =	vld [tilespmem:$0x18010]  }
0x275: {  	s23 =	sor.u32 $0x100, s2;
	v10 =	vld [tilespmem:$0x18540]  }
0x276: {  	s31 =	sor.u32 s23, s16;
	v12 =	vld [tilespmem:$0x18500]  }
0x277: {  	v15 =	vld [tilespmem:s31+$0x0]  }
0x278: {  	v19 =	vld [tilespmem:s31+$0x10]  }
0x279: {  	v33 =	vld [tilespmem:s31+$0x30]  }
0x27a: {  	v35 =	vld [tilespmem:s31+$0x50]  }
0x27b: {  	v37 =	vld [tilespmem:s31+$0x70]  }
0x27c: {  	v39 =	vld [tilespmem:s31+$0x400]  }
0x27d: {  	v41 =	vld [tilespmem:s31+$0x410]  }
0x27e: {  	v43 =	vld [tilespmem:s31+$0x430]  }
0x27f: {  	v16 =	vadd.f32 v16, v3;
	v45 =	vld [tilespmem:s31+$0x440]  }
0x280: {  	s21 =	sor.u32 s9, s14;
	v7 =	vadd.f32 v8, v7;
	v49 =	vld [tilespmem:s31+$0x450]  }
0x281: {  	v5 =	vadd.f32 v9, v5;
	v9 =	vld [tilespmem:s21+$0x0];
	[tilespmem:s20+$0x0] =	vst v16  }
0x282: {  	[tilespmem:s26+$0x0] =	vst v7;
	v16 =	vld [tilespmem:$0x18010]  }
0x283: {  	[tilespmem:s1+$0x60] =	vst v5;
	v5 =	vld [tilespmem:s1+$0x70]  }
0x284: {  	v6 =	vadd.f32 v6, v11;
	v11 =	vld [tilespmem:$0x18510];
	v4 =	vadd.f32 v10, v4  }
0x285: {  	v8 =	vld [tilespmem:$0x18270];
	v3 =	vadd.f32 v15, v3  }
0x286: {  	v15 =	vld [tilespmem:s31+$0x20];
	[tilespmem:s7+$0x40] =	vst v4  }
0x287: {  	v4 =	vld [tilespmem:s7+$0x50];
	[tilespmem:s31+$0x0] =	vst v3;
	v3 =	vadd.f32 v17, v14  }
0x288: {  	v14 =	vld [tilespmem:$0x18010]  }
0x289: {  	[tilespmem:s19+$0x10] =	vst v3;
	v3 =	vld [tilespmem:s19+$0x20]  }
0x28a: {  	[tilespmem:s28+$0x0] =	vst v6;
	v17 =	vld [tilespmem:$0x18020]  }
0x28b: {  	v6 =	vadd.f32 v12, v9;
	v9 =	vld [tilespmem:$0x18510]  }
0x28c: {  	v10 =	vld [tilespmem:$0x18550];
	v16 =	vadd.f32 v16, v18  }
0x28d: {  	v18 =	vld [tilespmem:s20+$0x40];
	[tilespmem:s21+$0x0] =	vst v6;
	v14 =	vadd.f32 v14, v19  }
0x28e: {  	v6 =	vld [tilespmem:s28+$0x10];
	[tilespmem:s20+$0x10] =	vst v16  }
0x28f: {  	v16 =	vld [tilespmem:$0x18020];
	[tilespmem:s31+$0x10] =	vst v14;
	v3 =	vadd.f32 v17, v3  }
0x290: {  	v14 =	vld [tilespmem:$0x18020]  }
0x291: {  	[tilespmem:s19+$0x20] =	vst v3;
	v3 =	vld [tilespmem:s19+$0x30]  }
0x292: {  	v17 =	vld [tilespmem:$0x18030]  }
0x293: {  	v5 =	vadd.f32 v8, v5;
	v8 =	vld [tilespmem:s26+$0x10]  }
0x294: {  	v7 =	vld [tilespmem:$0x18510];
	v16 =	vadd.f32 v16, v20  }
0x295: {  	v60 =	vld [tilespmem:s21+$0x50];
	[tilespmem:s1+$0x70] =	vst v5;
	v14 =	vadd.f32 v14, v15  }
0x296: {  	v5 =	vld [tilespmem:s7+$0x60];
	[tilespmem:s20+$0x20] =	vst v16  }
0x297: {  	v16 =	vld [tilespmem:$0x18030];
	[tilespmem:s31+$0x20] =	vst v14;
	v3 =	vadd.f32 v17, v3  }
0x298: {  	v14 =	vld [tilespmem:$0x18030]  }
0x299: {  	s30 =	sadd.s32 $0xCC00, s3;
	[tilespmem:s19+$0x30] =	vst v3;
	v3 =	vld [tilespmem:s19+$0x40]  }
0x29a: {  	s18 =	sor.u32 s2, s30;
	v17 =	vld [tilespmem:$0x18040]  }
0x29b: {  	v12 =	vld [tilespmem:s18+$0x0]  }
0x29c: {  	v13 =	vld [tilespmem:$0x18300];
	v16 =	vadd.f32 v16, v32  }
0x29d: {  	v4 =	vadd.f32 v10, v4;
	v10 =	vld [tilespmem:s21+$0x10];
	v14 =	vadd.f32 v14, v33  }
0x29e: {  	v19 =	vld [tilespmem:s31+$0x40];
	[tilespmem:s20+$0x30] =	vst v16  }
0x29f: {  	v16 =	vld [tilespmem:$0x18040];
	[tilespmem:s31+$0x30] =	vst v14;
	v3 =	vadd.f32 v17, v3  }
0x2a0: {  	v14 =	vld [tilespmem:$0x18040]  }
0x2a1: {  	[tilespmem:s19+$0x40] =	vst v3;
	v3 =	vld [tilespmem:s19+$0x50]  }
0x2a2: {  	v17 =	vld [tilespmem:$0x18050]  }
0x2a3: {  	v51 =	vld [tilespmem:s18+$0x10]  }
0x2a4: {  	v53 =	vld [tilespmem:s18+$0x20];
	v16 =	vadd.f32 v16, v18  }
0x2a5: {  	v54 =	vld [tilespmem:s18+$0x30];
	v14 =	vadd.f32 v14, v19  }
0x2a6: {  	v55 =	vld [tilespmem:s18+$0x40];
	[tilespmem:s20+$0x40] =	vst v16  }
0x2a7: {  	v16 =	vld [tilespmem:$0x18050];
	[tilespmem:s31+$0x40] =	vst v14;
	v3 =	vadd.f32 v17, v3  }
0x2a8: {  	v14 =	vld [tilespmem:$0x18050]  }
0x2a9: {  	[tilespmem:s19+$0x50] =	vst v3;
	v3 =	vld [tilespmem:s19+$0x60]  }
0x2aa: {  	v17 =	vld [tilespmem:$0x18060]  }
0x2ab: {  	v57 =	vld [tilespmem:s18+$0x50]  }
0x2ac: {  	v58 =	vld [tilespmem:s18+$0x60];
	v16 =	vadd.f32 v16, v34  }
0x2ad: {  	v20 =	vld [tilespmem:s20+$0x60];
	v14 =	vadd.f32 v14, v35  }
0x2ae: {  	v15 =	vld [tilespmem:s31+$0x60];
	[tilespmem:s20+$0x50] =	vst v16  }
0x2af: {  	v16 =	vld [tilespmem:$0x18060];
	[tilespmem:s31+$0x50] =	vst v14;
	v3 =	vadd.f32 v17, v3  }
0x2b0: {  	v17 =	vld [tilespmem:$0x18060]  }
0x2b1: {  	v59 =	vld [tilespmem:s18+$0x70];
	[tilespmem:s19+$0x60] =	vst v3  }
0x2b2: {  	v6 =	vadd.f32 v9, v6;
	v47 =	vld [tilespmem:$0x18070]  }
0x2b3: {  	[tilespmem:s7+$0x50] =	vst v4;
	v4 =	vadd.f32 v11, v8;
	v11 =	vld [tilespmem:s26+$0x20]  }
0x2b4: {  	v8 =	vld [tilespmem:$0x18560];
	[tilespmem:s28+$0x10] =	vst v6;
	v16 =	vadd.f32 v16, v20  }
0x2b5: {  	[tilespmem:s26+$0x10] =	vst v4;
	v4 =	vld [tilespmem:$0x18520];
	v15 =	vadd.f32 v17, v15  }
0x2b6: {  	v9 =	vld [tilespmem:$0x18520];
	[tilespmem:s20+$0x60] =	vst v16  }
0x2b7: {  	v16 =	vld [tilespmem:$0x18070];
	[tilespmem:s31+$0x60] =	vst v15;
	v15 =	vadd.f32 v47, v46  }
0x2b8: {  	v17 =	vld [tilespmem:$0x18070]  }
0x2b9: {  	v50 =	vadd.f32 v13, v12;
	[tilespmem:s19+$0x70] =	vst v15;
	v15 =	vld [tilespmem:s19+$0x400]  }
0x2ba: {  	v20 =	vld [tilespmem:$0x18100]  }
0x2bb: {  	v13 =	vld [tilespmem:s20+$0x470];
	[tilespmem:s18+$0x0] =	vst v50;
	v5 =	vadd.f32 v8, v5  }
0x2bc: {  	v52 =	vld [tilespmem:$0x18310];
	v16 =	vadd.f32 v16, v36  }
0x2bd: {  	[tilespmem:s7+$0x60] =	vst v5;
	v5 =	vld [tilespmem:s7+$0x70];
	v17 =	vadd.f32 v17, v37  }
0x2be: {  	v6 =	vld [tilespmem:$0x18570];
	[tilespmem:s20+$0x70] =	vst v16  }
0x2bf: {  	v16 =	vld [tilespmem:$0x18100];
	[tilespmem:s31+$0x70] =	vst v17;
	v15 =	vadd.f32 v20, v15  }
0x2c0: {  	v17 =	vld [tilespmem:$0x18100]  }
0x2c1: {  	[tilespmem:s19+$0x400] =	vst v15;
	v15 =	vld [tilespmem:s19+$0x410]  }
0x2c2: {  	v25 =	vadd.f32 v52, v51;
	v20 =	vld [tilespmem:$0x18110]  }
0x2c3: {  	v12 =	vld [tilespmem:s31+$0x470];
	v6 =	vadd.f32 v6, v5  }
0x2c4: {  	v8 =	vld [tilespmem:s28+$0x20];
	[tilespmem:s18+$0x10] =	vst v25;
	v16 =	vadd.f32 v16, v38  }
0x2c5: {  	v56 =	vld [tilespmem:$0x18320];
	[tilespmem:s7+$0x70] =	vst v6;
	v17 =	vadd.f32 v17, v39  }
0x2c6: {  	v6 =	vld [tilespmem:s26+$0x60];
	[tilespmem:s20+$0x400] =	vst v16  }
0x2c7: {  	v16 =	vld [tilespmem:$0x18110];
	[tilespmem:s31+$0x400] =	vst v17;
	v15 =	vadd.f32 v20, v15  }
0x2c8: {  	v17 =	vld [tilespmem:$0x18110]  }
0x2c9: {  	[tilespmem:s19+$0x410] =	vst v15;
	v15 =	vld [tilespmem:s19+$0x420]  }
0x2ca: {  	v20 =	vld [tilespmem:$0x18120]  }
0x2cb: {  	v18 =	vld [tilespmem:s20+$0x420];
	v22 =	vadd.f32 v56, v53  }
0x2cc: {  	v19 =	vld [tilespmem:s31+$0x420];
	v16 =	vadd.f32 v16, v40  }
0x2cd: {  	[tilespmem:s18+$0x20] =	vst v22;
	v14 =	vld [tilespmem:s20+$0x460];
	v17 =	vadd.f32 v17, v41  }
0x2ce: {  	[tilespmem:s20+$0x410] =	vst v16;
	v16 =	vld [tilespmem:$0x18330]  }
0x2cf: {  	[tilespmem:s31+$0x410] =	vst v17;
	v15 =	vadd.f32 v20, v15;
	v17 =	vld [tilespmem:$0x18120]  }
0x2d0: {  	v7 =	vadd.f32 v7, v10;
	v10 =	vld [tilespmem:$0x18120]  }
0x2d1: {  	[tilespmem:s19+$0x420] =	vst v15;
	v15 =	vld [tilespmem:s19+$0x430]  }
0x2d2: {  	[tilespmem:s21+$0x10] =	vst v7;
	v7 =	vadd.f32 v9, v11;
	v9 =	vld [tilespmem:$0x18130]  }
0x2d3: {  	v3 =	vld [tilespmem:s31+$0x460];
	v11 =	vadd.f32 v16, v54  }
0x2d4: {  	[tilespmem:s26+$0x20] =	vst v7;
	v16 =	vld [tilespmem:$0x18520];
	v7 =	vadd.f32 v17, v18  }
0x2d5: {  	[tilespmem:s18+$0x30] =	vst v11;
	v11 =	vld [tilespmem:$0x18530];
	v10 =	vadd.f32 v10, v19  }
0x2d6: {  	[tilespmem:s20+$0x420] =	vst v7;
	v7 =	vld [tilespmem:$0x18340]  }
0x2d7: {  	[tilespmem:s31+$0x420] =	vst v10;
	v9 =	vadd.f32 v9, v15;
	v10 =	vld [tilespmem:$0x18130]  }
0x2d8: {  	v4 =	vadd.f32 v4, v8;
	v8 =	vld [tilespmem:$0x18130]  }
0x2d9: {  	[tilespmem:s19+$0x430] =	vst v9;
	v9 =	vld [tilespmem:s19+$0x440]  }
0x2da: {  	[tilespmem:s28+$0x20] =	vst v4;
	v4 =	vld [tilespmem:$0x18140]  }
0x2db: {  	v17 =	vld [tilespmem:s21+$0x20];
	v7 =	vadd.f32 v7, v55  }
0x2dc: {  	v18 =	vld [tilespmem:s26+$0x30];
	v10 =	vadd.f32 v10, v42  }
0x2dd: {  	v15 =	vld [tilespmem:$0x18530];
	[tilespmem:s18+$0x40] =	vst v7;
	v7 =	vadd.f32 v8, v43  }
0x2de: {  	[tilespmem:s20+$0x430] =	vst v10;
	v10 =	vld [tilespmem:$0x18350]  }
0x2df: {  	[tilespmem:s31+$0x430] =	vst v7;
	v7 =	vld [tilespmem:$0x18140];
	v4 =	vadd.f32 v4, v9  }
0x2e0: {  	v8 =	vld [tilespmem:s28+$0x30];
	v9 =	vadd.f32 v16, v17  }
0x2e1: {  	v16 =	vld [tilespmem:$0x18140];
	[tilespmem:s19+$0x440] =	vst v4  }
0x2e2: {  	v4 =	vld [tilespmem:s19+$0x450];
	[tilespmem:s21+$0x20] =	vst v9;
	v9 =	vadd.f32 v11, v18  }
0x2e3: {  	v11 =	vld [tilespmem:$0x18150];
	v10 =	vadd.f32 v10, v57  }
0x2e4: {  	v17 =	vld [tilespmem:$0x18530];
	[tilespmem:s26+$0x30] =	vst v9;
	v7 =	vadd.f32 v7, v44  }
0x2e5: {  	v9 =	vld [tilespmem:s21+$0x30];
	[tilespmem:s18+$0x50] =	vst v10  }
0x2e6: {  	v16 =	vadd.f32 v16, v45;
	v18 =	vld [tilespmem:$0x18360];
	[tilespmem:s20+$0x440] =	vst v7  }
0x2e7: {  	v7 =	vld [tilespmem:$0x18150]  }
0x2e8: {  	v10 =	vld [tilespmem:$0x18540];
	[tilespmem:s31+$0x440] =	vst v16;
	v4 =	vadd.f32 v11, v4  }
0x2e9: {  	v8 =	vadd.f32 v15, v8;
	v11 =	vld [tilespmem:$0x18150]  }
0x2ea: {  	[tilespmem:s19+$0x450] =	vst v4;
	v4 =	vld [tilespmem:s19+$0x460]  }
0x2eb: {  	[tilespmem:s28+$0x30] =	vst v8;
	v8 =	vld [tilespmem:$0x18160];
	v15 =	vadd.f32 v18, v58  }
0x2ec: {  	v16 =	vld [tilespmem:$0x18540];
	v7 =	vadd.f32 v7, v48  }
0x2ed: {  	v18 =	vld [tilespmem:s26+$0x40];
	[tilespmem:s18+$0x60] =	vst v15  }
0x2ee: {  	v15 =	vld [tilespmem:s28+$0x40];
	v11 =	vadd.f32 v11, v49;
	[tilespmem:s20+$0x450] =	vst v7  }
0x2ef: {  	v7 =	vld [tilespmem:$0x18160]  }
0x2f0: {  	v19 =	vld [tilespmem:$0x18370];
	[tilespmem:s31+$0x450] =	vst v11;
	v4 =	vadd.f32 v8, v4  }
0x2f1: {  	v8 =	vadd.f32 v17, v9;
	v9 =	vld [tilespmem:$0x18160]  }
0x2f2: {  	[tilespmem:s19+$0x460] =	vst v4;
	v4 =	vld [tilespmem:s19+$0x470]  }
0x2f3: {  	[tilespmem:s21+$0x30] =	vst v8;
	v8 =	vadd.f32 v10, v18;
	v10 =	vld [tilespmem:$0x18170]  }
0x2f4: {  	v17 =	vld [tilespmem:$0x18540];
	v7 =	vadd.f32 v7, v14  }
0x2f5: {  	v11 =	vadd.f32 v19, v59;
	[tilespmem:s26+$0x40] =	vst v8;
	v8 =	vld [tilespmem:s21+$0x40]  }
0x2f6: {  	v19 =	vld [tilespmem:s28+$0x50];
	v9 =	vadd.f32 v9, v3;
	[tilespmem:s20+$0x460] =	vst v7  }
0x2f7: {  	[tilespmem:s18+$0x70] =	vst v11;
	v7 =	vld [tilespmem:$0x18170]  }
0x2f8: {  	v18 =	vld [tilespmem:$0x18550];
	v11 =	vadd.f32 v16, v15;
	[tilespmem:s31+$0x460] =	vst v9  }
0x2f9: {  	v4 =	vadd.f32 v10, v4;
	v9 =	vld [tilespmem:$0x18170]  }
0x2fa: {  	v3 =	vld [tilespmem:$0x18400];
	[tilespmem:s28+$0x40] =	vst v11  }
0x2fb: {  	s22 =	sor.u32 s25, s17;
	v16 =	vld [tilespmem:$0x18550];
	v8 =	vadd.f32 v17, v8;
	[tilespmem:s19+$0x470] =	vst v4  }
0x2fc: {  	v4 =	vld [tilespmem:s22+$0x0];
	v7 =	vadd.f32 v7, v13  }
0x2fd: {  	v10 =	vld [tilespmem:$0x18200];
	[tilespmem:s21+$0x40] =	vst v8  }
0x2fe: {  	s15 =	sor.u32 s24, s17;
	v17 =	vld [tilespmem:s26+$0x50];
	v8 =	vadd.f32 v9, v12;
	[tilespmem:s20+$0x470] =	vst v7  }
0x2ff: {  	v7 =	vld [tilespmem:s15+$0x0]  }
0x300: {  	s14 =	sor.u32 s23, s17;
	[tilespmem:s31+$0x470] =	vst v8;
	v8 =	vld [tilespmem:$0x18200]  }
0x301: {  	v9 =	vld [tilespmem:s14+$0x0]  }
0x302: {  	v4 =	vadd.f32 v10, v4;
	v10 =	vld [tilespmem:$0x18200]  }
0x303: {  	v20 =	vld [tilespmem:$0x18550]  }
0x304: {  	v17 =	vadd.f32 v18, v17;
	v18 =	vld [tilespmem:s22+$0x40]  }
0x305: {  	[tilespmem:s22+$0x0] =	vst v4;
	v4 =	vld [tilespmem:s22+$0x10];
	v7 =	vadd.f32 v8, v7  }
0x306: {  	v11 =	vld [tilespmem:$0x18210]  }
0x307: {  	v8 =	vld [tilespmem:s15+$0x10];
	[tilespmem:s15+$0x0] =	vst v7;
	v7 =	vadd.f32 v10, v9  }
0x308: {  	v9 =	vld [tilespmem:$0x18210]  }
0x309: {  	v12 =	vld [tilespmem:s14+$0x10];
	[tilespmem:s14+$0x0] =	vst v7  }
0x30a: {  	v7 =	vld [tilespmem:$0x18210]  }
0x30b: {  	v61 =	vld [tilespmem:s15+$0x30];
	v4 =	vadd.f32 v11, v4  }
0x30c: {  	v15 =	vld [tilespmem:s15+$0x40]  }
0x30d: {  	[tilespmem:s22+$0x10] =	vst v4;
	v4 =	vld [tilespmem:s22+$0x20];
	v8 =	vadd.f32 v9, v8  }
0x30e: {  	v9 =	vld [tilespmem:$0x18220]  }
0x30f: {  	v10 =	vld [tilespmem:s15+$0x20];
	[tilespmem:s15+$0x10] =	vst v8;
	v7 =	vadd.f32 v7, v12  }
0x310: {  	v8 =	vld [tilespmem:$0x18220]  }
0x311: {  	v11 =	vld [tilespmem:s14+$0x20];
	[tilespmem:s14+$0x10] =	vst v7  }
0x312: {  	v7 =	vld [tilespmem:$0x18220]  }
0x313: {  	v13 =	vld [tilespmem:s15+$0x50];
	v4 =	vadd.f32 v9, v4  }
0x314: {  	v62 =	vld [tilespmem:s14+$0x30]  }
0x315: {  	[tilespmem:s22+$0x20] =	vst v4;
	v4 =	vadd.f32 v8, v10;
	v8 =	vld [tilespmem:s22+$0x30]  }
0x316: {  	v16 =	vadd.f32 v16, v19;
	v9 =	vld [tilespmem:$0x18230]  }
0x317: {  	v14 =	vld [tilespmem:s14+$0x40];
	[tilespmem:s15+$0x20] =	vst v4;
	v4 =	vadd.f32 v7, v11  }
0x318: {  	[tilespmem:s28+$0x50] =	vst v16;
	v7 =	vld [tilespmem:$0x18230]  }
0x319: {  	v5 =	vld [tilespmem:$0x18560];
	[tilespmem:s14+$0x20] =	vst v4  }
0x31a: {  	v4 =	vld [tilespmem:$0x18230]  }
0x31b: {  	v12 =	vld [tilespmem:s14+$0x50];
	v63 =	vadd.f32 v9, v8  }
0x31c: {  	v10 =	vld [tilespmem:s14+$0x60]  }
0x31d: {  	v11 =	vld [tilespmem:s15+$0x60];
	[tilespmem:s22+$0x30] =	vst v63;
	v7 =	vadd.f32 v7, v61  }
0x31e: {  	v19 =	vld [tilespmem:$0x18240]  }
0x31f: {  	v9 =	vld [tilespmem:s15+$0x70];
	[tilespmem:s15+$0x30] =	vst v7;
	v7 =	vadd.f32 v4, v62  }
0x320: {  	[tilespmem:s26+$0x50] =	vst v17;
	v17 =	vld [tilespmem:$0x18240]  }
0x321: {  	v8 =	vld [tilespmem:s14+$0x70];
	[tilespmem:s14+$0x30] =	vst v7  }
0x322: {  	v7 =	vadd.f32 v20, v60;
	v16 =	vld [tilespmem:$0x18240]  }
0x323: {  	v4 =	vld [tilespmem:$0x18560];
	v18 =	vadd.f32 v19, v18  }
0x324: {  	s29 =	simm.s32 $0x4;
	s12 =	sor.u32 s23, s30;
	s13 =	sor.u32 s24, s30;
	[tilespmem:s21+$0x50] =	vst v7;
	v7 =	vld [tilespmem:s28+$0x60]  }
.LBB2_2:
0x325: {  	s29 =	sadd.s32 $0x4, s29;
	v15 =	vadd.f32 v17, v15;
	[tilespmem:s22+$0x40] =	vst v18;
	v17 =	vld [tilespmem:s22+$0x50]  }
0x326: {  	s1 =	sshrl.u32 s29, $0x3;
	p0 =	slt.u32 s29, $0x3C;
	v18 =	vld [tilespmem:$0x18250]  }
0x327: {  	s1 =	smul.u32 $0x6000, s1;
	[tilespmem:s15+$0x40] =	vst v15;
	v14 =	vadd.f32 v16, v14;
	v15 =	vld [tilespmem:$0x18560]  }
0x328: {  	v16 =	vld [tilespmem:$0x18250];
	v4 =	vadd.f32 v4, v6  }
0x329: {  	s5 =	sadd.s32 $0x200, s5;
	s20 =	sshra.s32 s1, $0x2;
	[tilespmem:s14+$0x40] =	vst v14;
	v6 =	vld [tilespmem:s21+$0x60];
	v5 =	vadd.f32 v5, v7  }
0x32a: {  	s18 =	sand.u32 $0x200, s5;
	s16 =	sadd.s32 $0xC000, s20;
	v7 =	vld [tilespmem:$0x18250];
	[tilespmem:s26+$0x60] =	vst v4  }
0x32b: {  	s19 =	sor.u32 $0x100, s18;
	s1 =	sor.u32 $0x80, s18;
	s6 =	sor.u32 s18, s16;
	v4 =	vld [tilespmem:$0x18000];
	v14 =	vadd.f32 v18, v17;
	[tilespmem:s28+$0x60] =	vst v5  }
0x32c: {  	s9 =	sor.u32 s1, s16;
	s31 =	sor.u32 s19, s16;
	v5 =	vld [tilespmem:s6+$0x0]  }
0x32d: {  	v13 =	vadd.f32 v16, v13;
	[tilespmem:s22+$0x50] =	vst v14;
	v14 =	vld [tilespmem:s22+$0x60]  }
0x32e: {  	v16 =	vld [tilespmem:$0x18260];
	v6 =	vadd.f32 v15, v6  }
0x32f: {  	[tilespmem:s15+$0x50] =	vst v13;
	v7 =	vadd.f32 v7, v12;
	v12 =	vld [tilespmem:$0x18570]  }
0x330: {  	v13 =	vld [tilespmem:$0x18260];
	[tilespmem:s21+$0x60] =	vst v6  }
0x331: {  	v5 =	vadd.f32 v4, v5;
	[tilespmem:s14+$0x50] =	vst v7;
	v6 =	vld [tilespmem:$0x18570]  }
0x332: {  	v7 =	vld [tilespmem:$0x18260]  }
0x333: {  	[tilespmem:s6+$0x0] =	vst v5;
	v5 =	vld [tilespmem:s6+$0x10];
	v14 =	vadd.f32 v16, v14  }
0x334: {  	v15 =	vld [tilespmem:$0x18010]  }
0x335: {  	v11 =	vadd.f32 v13, v11;
	[tilespmem:s22+$0x60] =	vst v14;
	v13 =	vld [tilespmem:s22+$0x70]  }
0x336: {  	v14 =	vld [tilespmem:$0x18270]  }
0x337: {  	[tilespmem:s15+$0x60] =	vst v11;
	v7 =	vadd.f32 v7, v10;
	v10 =	vld [tilespmem:s26+$0x70]  }
0x338: {  	v11 =	vld [tilespmem:$0x18270]  }
0x339: {  	[tilespmem:s14+$0x60] =	vst v7;
	v7 =	vld [tilespmem:s28+$0x70]  }
0x33a: {  	v15 =	vadd.f32 v15, v5;
	v16 =	vld [tilespmem:$0x18270]  }
0x33b: {  	v13 =	vadd.f32 v14, v13;
	v5 =	vld [tilespmem:$0x18570]  }
0x33c: {  	[tilespmem:s6+$0x10] =	vst v15;
	v14 =	vld [tilespmem:s6+$0x20];
	v10 =	vadd.f32 v12, v10  }
0x33d: {  	s8 =	sor.u32 s25, s30;
	v12 =	vld [tilespmem:$0x18020];
	v9 =	vadd.f32 v11, v9;
	[tilespmem:s22+$0x70] =	vst v13  }
0x33e: {  	v11 =	vld [tilespmem:s8+$0x0];
	[tilespmem:s26+$0x70] =	vst v10;
	v6 =	vadd.f32 v6, v7  }
0x33f: {  	[tilespmem:s15+$0x70] =	vst v9;
	v7 =	vadd.f32 v16, v8;
	v8 =	vld [tilespmem:$0x18300]  }
0x340: {  	v9 =	vld [tilespmem:s13+$0x0];
	[tilespmem:s28+$0x70] =	vst v6  }
0x341: {  	v6 =	vld [tilespmem:$0x18300];
	[tilespmem:s14+$0x70] =	vst v7  }
0x342: {  	v7 =	vadd.f32 v12, v14;
	v10 =	vld [tilespmem:s12+$0x0]  }
0x343: {  	v12 =	vld [tilespmem:$0x18300]  }
0x344: {  	[tilespmem:s6+$0x20] =	vst v7;
	v7 =	vld [tilespmem:s6+$0x30];
	v8 =	vadd.f32 v8, v11  }
0x345: {  	v11 =	vld [tilespmem:$0x18030]  }
0x346: {  	v6 =	vadd.f32 v6, v9;
	[tilespmem:s8+$0x0] =	vst v8;
	v8 =	vld [tilespmem:s8+$0x10]  }
0x347: {  	v9 =	vld [tilespmem:$0x18310]  }
0x348: {  	[tilespmem:s13+$0x0] =	vst v6;
	v6 =	vld [tilespmem:s13+$0x10];
	v10 =	vadd.f32 v12, v10  }
0x349: {  	v12 =	vld [tilespmem:$0x18310]  }
0x34a: {  	v7 =	vadd.f32 v11, v7;
	[tilespmem:s12+$0x0] =	vst v10;
	v10 =	vld [tilespmem:s12+$0x10]  }
0x34b: {  	v11 =	vld [tilespmem:$0x18310]  }
0x34c: {  	[tilespmem:s6+$0x30] =	vst v7;
	v7 =	vld [tilespmem:s6+$0x40];
	v8 =	vadd.f32 v9, v8  }
0x34d: {  	v9 =	vld [tilespmem:$0x18040]  }
0x34e: {  	v6 =	vadd.f32 v12, v6;
	[tilespmem:s8+$0x10] =	vst v8;
	v8 =	vld [tilespmem:s8+$0x20]  }
0x34f: {  	v12 =	vld [tilespmem:$0x18320]  }
0x350: {  	[tilespmem:s13+$0x10] =	vst v6;
	v6 =	vld [tilespmem:s13+$0x20];
	v10 =	vadd.f32 v11, v10  }
0x351: {  	v11 =	vld [tilespmem:$0x18320]  }
0x352: {  	v7 =	vadd.f32 v9, v7;
	[tilespmem:s12+$0x10] =	vst v10;
	v9 =	vld [tilespmem:s12+$0x20]  }
0x353: {  	v10 =	vld [tilespmem:$0x18320]  }
0x354: {  	[tilespmem:s6+$0x40] =	vst v7  }
0x355: {  	v8 =	vadd.f32 v12, v8;
	v7 =	vld [tilespmem:s6+$0x50]  }
0x356: {  	v12 =	vld [tilespmem:$0x18050]  }
0x357: {  	v6 =	vadd.f32 v11, v6;
	[tilespmem:s8+$0x20] =	vst v8;
	v8 =	vld [tilespmem:s8+$0x30]  }
0x358: {  	v11 =	vld [tilespmem:$0x18330]  }
0x359: {  	v9 =	vadd.f32 v10, v9;
	[tilespmem:s13+$0x20] =	vst v6;
	v6 =	vld [tilespmem:s13+$0x30]  }
0x35a: {  	v10 =	vld [tilespmem:$0x18330]  }
0x35b: {  	v7 =	vadd.f32 v12, v7;
	[tilespmem:s12+$0x20] =	vst v9;
	v9 =	vld [tilespmem:s12+$0x30]  }
0x35c: {  	v12 =	vld [tilespmem:$0x18330]  }
0x35d: {  	[tilespmem:s6+$0x50] =	vst v7;
	v7 =	vld [tilespmem:s6+$0x60];
	v8 =	vadd.f32 v11, v8  }
0x35e: {  	v11 =	vld [tilespmem:$0x18060]  }
0x35f: {  	v6 =	vadd.f32 v10, v6;
	[tilespmem:s8+$0x30] =	vst v8;
	v8 =	vld [tilespmem:s8+$0x40]  }
0x360: {  	v10 =	vld [tilespmem:$0x18340]  }
0x361: {  	[tilespmem:s13+$0x30] =	vst v6;
	v6 =	vld [tilespmem:s13+$0x40];
	v9 =	vadd.f32 v12, v9  }
0x362: {  	v12 =	vld [tilespmem:$0x18340]  }
0x363: {  	v7 =	vadd.f32 v11, v7;
	[tilespmem:s12+$0x30] =	vst v9;
	v9 =	vld [tilespmem:s12+$0x40]  }
0x364: {  	v11 =	vld [tilespmem:$0x18340]  }
0x365: {  	[tilespmem:s6+$0x60] =	vst v7;
	v7 =	vld [tilespmem:s6+$0x70];
	v8 =	vadd.f32 v10, v8  }
0x366: {  	v10 =	vld [tilespmem:$0x18070]  }
0x367: {  	v6 =	vadd.f32 v12, v6;
	[tilespmem:s8+$0x40] =	vst v8;
	v8 =	vld [tilespmem:s8+$0x50]  }
0x368: {  	v12 =	vld [tilespmem:$0x18350]  }
0x369: {  	[tilespmem:s13+$0x40] =	vst v6;
	v6 =	vld [tilespmem:s13+$0x50];
	v9 =	vadd.f32 v11, v9  }
0x36a: {  	v11 =	vld [tilespmem:$0x18350]  }
0x36b: {  	v7 =	vadd.f32 v10, v7;
	[tilespmem:s12+$0x40] =	vst v9;
	v9 =	vld [tilespmem:s12+$0x50]  }
0x36c: {  	v10 =	vld [tilespmem:$0x18350]  }
0x36d: {  	[tilespmem:s6+$0x70] =	vst v7;
	v7 =	vld [tilespmem:s6+$0x400];
	v8 =	vadd.f32 v12, v8  }
0x36e: {  	v12 =	vld [tilespmem:$0x18100]  }
0x36f: {  	v6 =	vadd.f32 v11, v6;
	[tilespmem:s8+$0x50] =	vst v8;
	v8 =	vld [tilespmem:s8+$0x60]  }
0x370: {  	v11 =	vld [tilespmem:$0x18360]  }
0x371: {  	[tilespmem:s13+$0x50] =	vst v6;
	v6 =	vld [tilespmem:s13+$0x60];
	v9 =	vadd.f32 v10, v9  }
0x372: {  	v10 =	vld [tilespmem:$0x18360]  }
0x373: {  	v7 =	vadd.f32 v12, v7;
	[tilespmem:s12+$0x50] =	vst v9;
	v9 =	vld [tilespmem:s12+$0x60]  }
0x374: {  	v12 =	vld [tilespmem:$0x18360]  }
0x375: {  	[tilespmem:s6+$0x400] =	vst v7;
	v7 =	vld [tilespmem:s6+$0x410];
	v8 =	vadd.f32 v11, v8  }
0x376: {  	v11 =	vld [tilespmem:$0x18110]  }
0x377: {  	v6 =	vadd.f32 v10, v6;
	[tilespmem:s8+$0x60] =	vst v8;
	v8 =	vld [tilespmem:s8+$0x70]  }
0x378: {  	v10 =	vld [tilespmem:$0x18370]  }
0x379: {  	[tilespmem:s13+$0x60] =	vst v6;
	v6 =	vld [tilespmem:s13+$0x70];
	v9 =	vadd.f32 v12, v9  }
0x37a: {  	v12 =	vld [tilespmem:$0x18370]  }
0x37b: {  	v7 =	vadd.f32 v11, v7;
	[tilespmem:s12+$0x60] =	vst v9;
	v9 =	vld [tilespmem:s12+$0x70]  }
0x37c: {  	v11 =	vld [tilespmem:$0x18370]  }
0x37d: {  	[tilespmem:s6+$0x410] =	vst v7;
	v7 =	vld [tilespmem:s6+$0x420];
	v8 =	vadd.f32 v10, v8  }
0x37e: {  	s14 =	sadd.s32 $0xD000, s3;
	v10 =	vld [tilespmem:$0x18120]  }
0x37f: {  	s22 =	sor.u32 s2, s14;
	s30 =	sor.u32 s24, s14;
	s28 =	sor.u32 s25, s14;
	v6 =	vadd.f32 v12, v6;
	[tilespmem:s8+$0x70] =	vst v8;
	v8 =	vld [tilespmem:s21+$0x70]  }
0x380: {  	s8 =	sor.u32 s23, s14;
	v12 =	vld [tilespmem:s28+$0x0]  }
0x381: {  	[tilespmem:s13+$0x70] =	vst v6;
	v6 =	vadd.f32 v11, v9;
	v9 =	vld [tilespmem:$0x18400]  }
0x382: {  	v11 =	vld [tilespmem:s30+$0x0]  }
0x383: {  	v7 =	vadd.f32 v10, v7;
	v10 =	vld [tilespmem:$0x18400];
	[tilespmem:s12+$0x70] =	vst v6  }
0x384: {  	v6 =	vld [tilespmem:s8+$0x0];
	v5 =	vadd.f32 v5, v8  }
0x385: {  	[tilespmem:s6+$0x420] =	vst v7;
	v7 =	vld [tilespmem:s6+$0x430]  }
0x386: {  	v8 =	vld [tilespmem:$0x18130];
	v9 =	vadd.f32 v9, v12;
	[tilespmem:s21+$0x70] =	vst v5  }
0x387: {  	v5 =	vld [tilespmem:$0x18400]  }
0x388: {  	v10 =	vadd.f32 v10, v11;
	[tilespmem:s28+$0x0] =	vst v9;
	v9 =	vld [tilespmem:s28+$0x10]  }
0x389: {  	v11 =	vld [tilespmem:$0x18410]  }
0x38a: {  	v12 =	vld [tilespmem:s22+$0x0];
	[tilespmem:s30+$0x0] =	vst v10  }
0x38b: {  	v7 =	vadd.f32 v8, v7;
	v8 =	vld [tilespmem:$0x18410]  }
0x38c: {  	v10 =	vld [tilespmem:s30+$0x10];
	v5 =	vadd.f32 v5, v6  }
0x38d: {  	[tilespmem:s6+$0x430] =	vst v7;
	v6 =	vld [tilespmem:s6+$0x440]  }
0x38e: {  	v7 =	vld [tilespmem:$0x18140];
	[tilespmem:s8+$0x0] =	vst v5;
	v5 =	vadd.f32 v11, v9  }
0x38f: {  	v3 =	vadd.f32 v3, v12;
	v9 =	vld [tilespmem:$0x18410]  }
0x390: {  	[tilespmem:s28+$0x10] =	vst v5;
	v5 =	vld [tilespmem:s28+$0x20]  }
0x391: {  	[tilespmem:s22+$0x0] =	vst v3;
	v3 =	vadd.f32 v8, v10;
	v8 =	vld [tilespmem:$0x18420]  }
0x392: {  	v10 =	vld [tilespmem:s8+$0x10]  }
0x393: {  	v6 =	vadd.f32 v7, v6;
	v7 =	vld [tilespmem:$0x18410];
	[tilespmem:s30+$0x10] =	vst v3  }
0x394: {  	v3 =	vld [tilespmem:s22+$0x10]  }
0x395: {  	[tilespmem:s6+$0x440] =	vst v6;
	v6 =	vld [tilespmem:s6+$0x450]  }
0x396: {  	v11 =	vld [tilespmem:$0x18150];
	v5 =	vadd.f32 v8, v5  }
0x397: {  	v8 =	vld [tilespmem:$0x18420];
	v9 =	vadd.f32 v9, v10  }
0x398: {  	[tilespmem:s28+$0x20] =	vst v5;
	v5 =	vld [tilespmem:s28+$0x30]  }
0x399: {  	v3 =	vadd.f32 v7, v3;
	[tilespmem:s8+$0x10] =	vst v9;
	v7 =	vld [tilespmem:$0x18430]  }
0x39a: {  	v9 =	vld [tilespmem:$0x18420]  }
0x39b: {  	v6 =	vadd.f32 v11, v6;
	[tilespmem:s22+$0x10] =	vst v3;
	v3 =	vld [tilespmem:s30+$0x20]  }
0x39c: {  	v10 =	vld [tilespmem:s8+$0x20]  }
0x39d: {  	[tilespmem:s6+$0x450] =	vst v6;
	v6 =	vld [tilespmem:s6+$0x460]  }
0x39e: {  	v11 =	vld [tilespmem:$0x18160];
	v5 =	vadd.f32 v7, v5  }
0x39f: {  	v7 =	vld [tilespmem:$0x18420]  }
0x3a0: {  	v3 =	vadd.f32 v8, v3;
	[tilespmem:s28+$0x30] =	vst v5;
	v5 =	vld [tilespmem:s28+$0x40]  }
0x3a1: {  	v8 =	vadd.f32 v9, v10;
	v9 =	vld [tilespmem:$0x18440]  }
0x3a2: {  	v10 =	vld [tilespmem:s22+$0x20];
	[tilespmem:s30+$0x20] =	vst v3  }
0x3a3: {  	v3 =	vadd.f32 v11, v6;
	v6 =	vld [tilespmem:$0x18430];
	[tilespmem:s8+$0x20] =	vst v8  }
0x3a4: {  	v8 =	vld [tilespmem:$0x18430]  }
0x3a5: {  	[tilespmem:s6+$0x460] =	vst v3;
	v3 =	vld [tilespmem:s6+$0x470]  }
0x3a6: {  	v11 =	vld [tilespmem:$0x18170];
	v5 =	vadd.f32 v9, v5  }
0x3a7: {  	v7 =	vadd.f32 v7, v10;
	v9 =	vld [tilespmem:s30+$0x30]  }
0x3a8: {  	[tilespmem:s28+$0x40] =	vst v5;
	v5 =	vld [tilespmem:s28+$0x50]  }
0x3a9: {  	[tilespmem:s22+$0x20] =	vst v7;
	v7 =	vld [tilespmem:$0x18450]  }
0x3aa: {  	v10 =	vld [tilespmem:s8+$0x30]  }
0x3ab: {  	v3 =	vadd.f32 v11, v3;
	v11 =	vld [tilespmem:$0x18430]  }
0x3ac: {  	s17 =	sadd.s32 $0xC800, s20;
	v12 =	vld [tilespmem:s22+$0x30];
	v6 =	vadd.f32 v6, v9  }
0x3ad: {  	s15 =	sor.u32 s1, s17;
	s14 =	sor.u32 s19, s17;
	[tilespmem:s6+$0x470] =	vst v3;
	s6 =	sor.u32 s18, s17;
	v3 =	vld [tilespmem:s30+$0x40]  }
0x3ae: {  	v9 =	vld [tilespmem:s6+$0x0];
	[tilespmem:s30+$0x30] =	vst v6;
	v5 =	vadd.f32 v7, v5  }
0x3af: {  	v6 =	vld [tilespmem:$0x18200];
	v7 =	vadd.f32 v8, v10  }
0x3b0: {  	[tilespmem:s28+$0x50] =	vst v5;
	v5 =	vld [tilespmem:s28+$0x60]  }
0x3b1: {  	v8 =	vadd.f32 v11, v12;
	[tilespmem:s8+$0x30] =	vst v7;
	v7 =	vld [tilespmem:$0x18460]  }
0x3b2: {  	v10 =	vld [tilespmem:$0x18440]  }
0x3b3: {  	[tilespmem:s22+$0x30] =	vst v8;
	v8 =	vld [tilespmem:$0x18440]  }
0x3b4: {  	v6 =	vadd.f32 v6, v9;
	v9 =	vld [tilespmem:s8+$0x40]  }
0x3b5: {  	v11 =	vld [tilespmem:$0x18440]  }
0x3b6: {  	[tilespmem:s6+$0x0] =	vst v6;
	v6 =	vld [tilespmem:s6+$0x10];
	v5 =	vadd.f32 v7, v5  }
0x3b7: {  	v7 =	vld [tilespmem:$0x18210];
	v3 =	vadd.f32 v10, v3  }
0x3b8: {  	[tilespmem:s28+$0x60] =	vst v5;
	v5 =	vld [tilespmem:s28+$0x70]  }
0x3b9: {  	[tilespmem:s30+$0x40] =	vst v3;
	v3 =	vadd.f32 v8, v9;
	v8 =	vld [tilespmem:$0x18470]  }
0x3ba: {  	v9 =	vld [tilespmem:s22+$0x40]  }
0x3bb: {  	v10 =	vld [tilespmem:$0x18450];
	[tilespmem:s8+$0x40] =	vst v3  }
0x3bc: {  	v3 =	vld [tilespmem:$0x18450]  }
0x3bd: {  	v6 =	vadd.f32 v7, v6;
	v7 =	vld [tilespmem:s30+$0x50]  }
0x3be: {  	v12 =	vld [tilespmem:s8+$0x50];
	v5 =	vadd.f32 v8, v5  }
0x3bf: {  	s12 =	sadd.s32 $0xD400, s3;
	s3 =	smov.u32 s20;
	[tilespmem:s6+$0x10] =	vst v6;
	v6 =	vld [tilespmem:s6+$0x20];
	v8 =	vadd.f32 v11, v9  }
0x3c0: {  	s26 =	sor.u32 s24, s12;
	s20 =	sor.u32 s25, s12;
	s21 =	sor.u32 s2, s12;
	v9 =	vld [tilespmem:$0x18220];
	[tilespmem:s28+$0x70] =	vst v5  }
0x3c1: {  	s24 =	smov.u32 s1;
	s2 =	smov.u32 s18;
	s28 =	sor.u32 s23, s12;
	[tilespmem:s22+$0x40] =	vst v8;
	v5 =	vld [tilespmem:s20+$0x0]  }
0x3c2: {  	s23 =	smov.u32 s19;
	v7 =	vadd.f32 v10, v7;
	v8 =	vld [tilespmem:$0x18500]  }
0x3c3: {  	v10 =	vld [tilespmem:$0x18450];
	v3 =	vadd.f32 v3, v12  }
0x3c4: {  	v11 =	vld [tilespmem:s22+$0x50];
	[tilespmem:s30+$0x50] =	vst v7  }
0x3c5: {  	v6 =	vadd.f32 v9, v6;
	v7 =	vld [tilespmem:$0x18460];
	[tilespmem:s8+$0x50] =	vst v3  }
0x3c6: {  	v3 =	vld [tilespmem:$0x18460]  }
0x3c7: {  	[tilespmem:s6+$0x20] =	vst v6;
	v6 =	vld [tilespmem:s6+$0x30];
	v5 =	vadd.f32 v8, v5  }
0x3c8: {  	v8 =	vld [tilespmem:$0x18230]  }
0x3c9: {  	v9 =	vadd.f32 v10, v11;
	[tilespmem:s20+$0x0] =	vst v5;
	v5 =	vld [tilespmem:s20+$0x10]  }
0x3ca: {  	v10 =	vld [tilespmem:$0x18510]  }
0x3cb: {  	[tilespmem:s22+$0x50] =	vst v9;
	v9 =	vld [tilespmem:s30+$0x60]  }
0x3cc: {  	v11 =	vld [tilespmem:s8+$0x60]  }
0x3cd: {  	v6 =	vadd.f32 v8, v6;
	v8 =	vld [tilespmem:$0x18460]  }
0x3ce: {  	v12 =	vld [tilespmem:s22+$0x60]  }
0x3cf: {  	[tilespmem:s6+$0x30] =	vst v6;
	v6 =	vld [tilespmem:s6+$0x40];
	v5 =	vadd.f32 v10, v5  }
0x3d0: {  	v10 =	vld [tilespmem:$0x18240];
	v7 =	vadd.f32 v7, v9  }
0x3d1: {  	v3 =	vadd.f32 v3, v11;
	[tilespmem:s20+$0x10] =	vst v5;
	v5 =	vld [tilespmem:s20+$0x20]  }
0x3d2: {  	[tilespmem:s30+$0x60] =	vst v7;
	v7 =	vld [tilespmem:$0x18520]  }
0x3d3: {  	v8 =	vadd.f32 v8, v12;
	v9 =	vld [tilespmem:$0x18470];
	[tilespmem:s8+$0x60] =	vst v3  }
0x3d4: {  	v3 =	vld [tilespmem:$0x18470]  }
0x3d5: {  	v6 =	vadd.f32 v10, v6;
	[tilespmem:s22+$0x60] =	vst v8;
	v8 =	vld [tilespmem:s30+$0x70]  }
0x3d6: {  	v10 =	vld [tilespmem:s8+$0x70]  }
0x3d7: {  	[tilespmem:s6+$0x40] =	vst v6;
	v6 =	vld [tilespmem:s6+$0x50];
	v5 =	vadd.f32 v7, v5  }
0x3d8: {  	v7 =	vld [tilespmem:$0x18250]  }
0x3d9: {  	[tilespmem:s20+$0x20] =	vst v5;
	v5 =	vld [tilespmem:s20+$0x30]  }
0x3da: {  	v8 =	vadd.f32 v9, v8;
	v9 =	vld [tilespmem:$0x18530]  }
0x3db: {  	v11 =	vld [tilespmem:$0x18470];
	v3 =	vadd.f32 v3, v10  }
0x3dc: {  	v10 =	vld [tilespmem:s22+$0x70];
	[tilespmem:s30+$0x70] =	vst v8  }
0x3dd: {  	v6 =	vadd.f32 v7, v6;
	v7 =	vld [tilespmem:s26+$0x0];
	[tilespmem:s8+$0x70] =	vst v3  }
0x3de: {  	v3 =	vld [tilespmem:$0x18500]  }
0x3df: {  	[tilespmem:s6+$0x50] =	vst v6;
	v6 =	vld [tilespmem:s6+$0x60];
	v5 =	vadd.f32 v9, v5  }
0x3e0: {  	v8 =	vld [tilespmem:$0x18260]  }
0x3e1: {  	v9 =	vadd.f32 v11, v10;
	[tilespmem:s20+$0x30] =	vst v5;
	v5 =	vld [tilespmem:s20+$0x40]  }
0x3e2: {  	v10 =	vld [tilespmem:$0x18540]  }
0x3e3: {  	[tilespmem:s22+$0x70] =	vst v9;
	v3 =	vadd.f32 v3, v7;
	v7 =	vld [tilespmem:s28+$0x0]  }
0x3e4: {  	v9 =	vld [tilespmem:$0x18500]  }
0x3e5: {  	v6 =	vadd.f32 v8, v6;
	v8 =	vld [tilespmem:s21+$0x0];
	[tilespmem:s26+$0x0] =	vst v3  }
0x3e6: {  	v3 =	vld [tilespmem:$0x18500]  }
0x3e7: {  	[tilespmem:s6+$0x60] =	vst v6;
	v6 =	vld [tilespmem:s6+$0x70];
	v5 =	vadd.f32 v10, v5  }
0x3e8: {  	v10 =	vld [tilespmem:$0x18270]  }
0x3e9: {  	v7 =	vadd.f32 v9, v7;
	[tilespmem:s20+$0x40] =	vst v5;
	v5 =	vld [tilespmem:s20+$0x50]  }
0x3ea: {  	v9 =	vld [tilespmem:$0x18550]  }
0x3eb: {  	v3 =	vadd.f32 v3, v8;
	v8 =	vld [tilespmem:$0x18510];
	[tilespmem:s28+$0x0] =	vst v7  }
0x3ec: {  	v7 =	vld [tilespmem:$0x18510]  }
0x3ed: {  	v6 =	vadd.f32 v10, v6;
	[tilespmem:s21+$0x0] =	vst v3;
	v3 =	vld [tilespmem:s26+$0x10]  }
0x3ee: {  	s30 =	sadd.s32 $0xCC00, s3;
	v10 =	vld [tilespmem:s28+$0x10]  }
0x3ef: {  	s1 =	sor.u32 s2, s30;
	s13 =	sor.u32 s24, s30;
	s12 =	sor.u32 s23, s30;
	[tilespmem:s6+$0x70] =	vst v6;
	v6 =	vld [tilespmem:$0x18510];
	v5 =	vadd.f32 v9, v5  }
0x3f0: {  	v9 =	vld [tilespmem:s1+$0x0]  }
0x3f1: {  	[tilespmem:s20+$0x50] =	vst v5;
	v5 =	vld [tilespmem:s20+$0x60]  }
0x3f2: {  	v3 =	vadd.f32 v8, v3;
	v8 =	vld [tilespmem:$0x18560]  }
0x3f3: {  	v11 =	vld [tilespmem:$0x18300];
	v7 =	vadd.f32 v7, v10  }
0x3f4: {  	v10 =	vld [tilespmem:s21+$0x10];
	[tilespmem:s26+$0x10] =	vst v3  }
0x3f5: {  	v3 =	vld [tilespmem:$0x18520];
	[tilespmem:s28+$0x10] =	vst v7  }
0x3f6: {  	v7 =	vld [tilespmem:$0x18520]  }
0x3f7: {  	v12 =	vld [tilespmem:s26+$0x20];
	v5 =	vadd.f32 v8, v5  }
0x3f8: {  	v8 =	vadd.f32 v11, v9;
	v9 =	vld [tilespmem:s28+$0x20]  }
0x3f9: {  	s25 =	sor.u32 $0x180, s2;
	v6 =	vadd.f32 v6, v10;
	[tilespmem:s20+$0x60] =	vst v5;
	v5 =	vld [tilespmem:s20+$0x70]  }
0x3fa: {  	s6 =	sor.u32 s25, s16;
	[tilespmem:s1+$0x0] =	vst v8;
	v8 =	vld [tilespmem:$0x18570]  }
0x3fb: {  	v10 =	vld [tilespmem:s6+$0x0];
	[tilespmem:s21+$0x10] =	vst v6  }
0x3fc: {  	v6 =	vld [tilespmem:$0x18000];
	v3 =	vadd.f32 v3, v12  }
0x3fd: {  	v11 =	vld [tilespmem:s9+$0x0];
	v7 =	vadd.f32 v7, v9  }
0x3fe: {  	v9 =	vld [tilespmem:s31+$0x0];
	[tilespmem:s26+$0x20] =	vst v3  }
0x3ff: {  	v3 =	vld [tilespmem:s9+$0x10];
	[tilespmem:s28+$0x20] =	vst v7;
	v5 =	vadd.f32 v8, v5  }
0x400: {  	v7 =	vld [tilespmem:s31+$0x10]  }
0x401: {  	v8 =	vld [tilespmem:s9+$0x20];
	v6 =	vadd.f32 v6, v10;
	[tilespmem:s20+$0x70] =	vst v5  }
0x402: {  	v5 =	vadd.f32 v11, v4;
	v10 =	vld [tilespmem:s31+$0x20]  }
0x403: {  	v4 =	vadd.f32 v9, v4;
	[tilespmem:s6+$0x0] =	vst v6;
	v6 =	vld [tilespmem:s6+$0x10]  }
0x404: {  	[tilespmem:s9+$0x0] =	vst v5;
	v5 =	vld [tilespmem:$0x18010]  }
0x405: {  	v9 =	vld [tilespmem:$0x18010];
	[tilespmem:s31+$0x0] =	vst v4  }
0x406: {  	v4 =	vld [tilespmem:$0x18010]  }
0x407: {  	v11 =	vld [tilespmem:s9+$0x30]  }
0x408: {  	v12 =	vld [tilespmem:s31+$0x30]  }
0x409: {  	v14 =	vld [tilespmem:s9+$0x40];
	v5 =	vadd.f32 v5, v6  }
0x40a: {  	v3 =	vadd.f32 v9, v3;
	v6 =	vld [tilespmem:s31+$0x40]  }
0x40b: {  	v4 =	vadd.f32 v4, v7;
	[tilespmem:s6+$0x10] =	vst v5;
	v5 =	vld [tilespmem:s6+$0x20]  }
0x40c: {  	[tilespmem:s9+$0x10] =	vst v3;
	v3 =	vld [tilespmem:$0x18020]  }
0x40d: {  	v7 =	vld [tilespmem:$0x18020];
	[tilespmem:s31+$0x10] =	vst v4  }
0x40e: {  	v4 =	vld [tilespmem:$0x18020]  }
0x40f: {  	v15 =	vld [tilespmem:s9+$0x50]  }
0x410: {  	v16 =	vld [tilespmem:s31+$0x50]  }
0x411: {  	v17 =	vld [tilespmem:s9+$0x60];
	v3 =	vadd.f32 v3, v5  }
0x412: {  	v5 =	vadd.f32 v7, v8;
	v18 =	vld [tilespmem:s31+$0x60]  }
0x413: {  	v4 =	vadd.f32 v4, v10;
	[tilespmem:s6+$0x20] =	vst v3;
	v3 =	vld [tilespmem:s6+$0x30]  }
0x414: {  	[tilespmem:s9+$0x20] =	vst v5;
	v5 =	vld [tilespmem:$0x18030]  }
0x415: {  	v7 =	vld [tilespmem:$0x18030];
	[tilespmem:s31+$0x20] =	vst v4  }
0x416: {  	v4 =	vld [tilespmem:$0x18030]  }
0x417: {  	v19 =	vld [tilespmem:s9+$0x70]  }
0x418: {  	v20 =	vld [tilespmem:s31+$0x70]  }
0x419: {  	v21 =	vld [tilespmem:s9+$0x400];
	v3 =	vadd.f32 v5, v3  }
0x41a: {  	v5 =	vadd.f32 v7, v11;
	v22 =	vld [tilespmem:s31+$0x400]  }
0x41b: {  	v4 =	vadd.f32 v4, v12;
	[tilespmem:s6+$0x30] =	vst v3;
	v3 =	vld [tilespmem:s6+$0x40]  }
0x41c: {  	[tilespmem:s9+$0x30] =	vst v5;
	v5 =	vld [tilespmem:$0x18040]  }
0x41d: {  	v7 =	vld [tilespmem:$0x18040];
	[tilespmem:s31+$0x30] =	vst v4  }
0x41e: {  	v4 =	vld [tilespmem:$0x18040]  }
0x41f: {  	v23 =	vld [tilespmem:s9+$0x410]  }
0x420: {  	v24 =	vld [tilespmem:s31+$0x410]  }
0x421: {  	v13 =	vld [tilespmem:s9+$0x420];
	v3 =	vadd.f32 v5, v3  }
0x422: {  	v5 =	vadd.f32 v7, v14;
	v14 =	vld [tilespmem:s31+$0x420]  }
0x423: {  	v4 =	vadd.f32 v4, v6;
	[tilespmem:s6+$0x40] =	vst v3;
	v3 =	vld [tilespmem:s6+$0x50]  }
0x424: {  	[tilespmem:s9+$0x40] =	vst v5;
	v5 =	vld [tilespmem:$0x18050]  }
0x425: {  	v6 =	vld [tilespmem:$0x18050];
	[tilespmem:s31+$0x40] =	vst v4  }
0x426: {  	v4 =	vld [tilespmem:$0x18050]  }
0x427: {  	v11 =	vld [tilespmem:s9+$0x430]  }
0x428: {  	v12 =	vld [tilespmem:s31+$0x430]  }
0x429: {  	v9 =	vld [tilespmem:s9+$0x440];
	v3 =	vadd.f32 v5, v3  }
0x42a: {  	v5 =	vadd.f32 v6, v15;
	v10 =	vld [tilespmem:s31+$0x440]  }
0x42b: {  	v4 =	vadd.f32 v4, v16;
	[tilespmem:s6+$0x50] =	vst v3;
	v7 =	vld [tilespmem:s6+$0x60]  }
0x42c: {  	[tilespmem:s9+$0x50] =	vst v5;
	v5 =	vld [tilespmem:$0x18060]  }
0x42d: {  	v15 =	vld [tilespmem:$0x18060];
	[tilespmem:s31+$0x50] =	vst v4  }
0x42e: {  	v4 =	vld [tilespmem:$0x18060]  }
0x42f: {  	v3 =	vld [tilespmem:s9+$0x450]  }
0x430: {  	v8 =	vld [tilespmem:s31+$0x450]  }
0x431: {  	v6 =	vld [tilespmem:s9+$0x460];
	v5 =	vadd.f32 v5, v7  }
0x432: {  	v15 =	vadd.f32 v15, v17;
	v7 =	vld [tilespmem:s31+$0x460]  }
0x433: {  	v4 =	vadd.f32 v4, v18;
	[tilespmem:s6+$0x60] =	vst v5;
	v16 =	vld [tilespmem:s6+$0x70]  }
0x434: {  	[tilespmem:s9+$0x60] =	vst v15;
	v15 =	vld [tilespmem:$0x18070]  }
0x435: {  	v17 =	vld [tilespmem:$0x18070];
	[tilespmem:s31+$0x60] =	vst v4  }
0x436: {  	v18 =	vld [tilespmem:$0x18070]  }
0x437: {  	v5 =	vld [tilespmem:s9+$0x470]  }
0x438: {  	v4 =	vld [tilespmem:s31+$0x470]  }
0x439: {  	v25 =	vld [tilespmem:s1+$0x10];
	v15 =	vadd.f32 v15, v16  }
0x43a: {  	v16 =	vld [tilespmem:$0x18310];
	v17 =	vadd.f32 v17, v19  }
0x43b: {  	v18 =	vadd.f32 v18, v20;
	[tilespmem:s6+$0x70] =	vst v15;
	v15 =	vld [tilespmem:s6+$0x400]  }
0x43c: {  	[tilespmem:s9+$0x70] =	vst v17;
	v17 =	vld [tilespmem:$0x18100]  }
0x43d: {  	v19 =	vld [tilespmem:$0x18100];
	[tilespmem:s31+$0x70] =	vst v18  }
0x43e: {  	v18 =	vld [tilespmem:$0x18100]  }
0x43f: {  	v16 =	vadd.f32 v16, v25;
	v20 =	vld [tilespmem:s1+$0x20]  }
0x440: {  	v25 =	vld [tilespmem:s1+$0x30]  }
0x441: {  	[tilespmem:s1+$0x10] =	vst v16;
	v16 =	vld [tilespmem:s1+$0x40];
	v15 =	vadd.f32 v17, v15  }
0x442: {  	v17 =	vld [tilespmem:$0x18320];
	v19 =	vadd.f32 v19, v21  }
0x443: {  	v18 =	vadd.f32 v18, v22;
	[tilespmem:s6+$0x400] =	vst v15;
	v15 =	vld [tilespmem:s6+$0x410]  }
0x444: {  	[tilespmem:s9+$0x400] =	vst v19;
	v19 =	vld [tilespmem:$0x18110]  }
0x445: {  	v21 =	vld [tilespmem:$0x18110];
	[tilespmem:s31+$0x400] =	vst v18  }
0x446: {  	v18 =	vld [tilespmem:$0x18110]  }
0x447: {  	v17 =	vadd.f32 v17, v20;
	v20 =	vld [tilespmem:s1+$0x50]  }
0x448: {  	v22 =	vld [tilespmem:s1+$0x60]  }
0x449: {  	[tilespmem:s1+$0x20] =	vst v17;
	v17 =	vld [tilespmem:s1+$0x70];
	v15 =	vadd.f32 v19, v15  }
0x44a: {  	v19 =	vld [tilespmem:$0x18330];
	v21 =	vadd.f32 v21, v23  }
0x44b: {  	v18 =	vadd.f32 v18, v24;
	[tilespmem:s6+$0x410] =	vst v15;
	v15 =	vld [tilespmem:s6+$0x420]  }
0x44c: {  	[tilespmem:s9+$0x410] =	vst v21;
	v21 =	vld [tilespmem:$0x18120]  }
0x44d: {  	v23 =	vld [tilespmem:$0x18120];
	[tilespmem:s31+$0x410] =	vst v18  }
0x44e: {  	v18 =	vld [tilespmem:$0x18120]  }
0x44f: {  	v19 =	vadd.f32 v19, v25;
	v24 =	vld [tilespmem:$0x18520]  }
0x450: {  	v25 =	vld [tilespmem:s21+$0x20]  }
0x451: {  	[tilespmem:s1+$0x30] =	vst v19;
	v15 =	vadd.f32 v21, v15;
	v19 =	vld [tilespmem:$0x18530]  }
0x452: {  	v21 =	vld [tilespmem:$0x18340];
	v13 =	vadd.f32 v23, v13  }
0x453: {  	v14 =	vadd.f32 v18, v14;
	[tilespmem:s6+$0x420] =	vst v15;
	v15 =	vld [tilespmem:s6+$0x430]  }
0x454: {  	[tilespmem:s9+$0x420] =	vst v13;
	v13 =	vld [tilespmem:$0x18130]  }
0x455: {  	v18 =	vld [tilespmem:$0x18130];
	[tilespmem:s31+$0x420] =	vst v14;
	v14 =	vadd.f32 v24, v25  }
0x456: {  	v23 =	vld [tilespmem:$0x18130]  }
0x457: {  	v16 =	vadd.f32 v21, v16;
	[tilespmem:s21+$0x20] =	vst v14;
	v14 =	vld [tilespmem:$0x18530]  }
0x458: {  	v21 =	vld [tilespmem:s26+$0x30]  }
0x459: {  	[tilespmem:s1+$0x40] =	vst v16;
	v13 =	vadd.f32 v13, v15;
	v15 =	vld [tilespmem:s28+$0x30]  }
0x45a: {  	v16 =	vld [tilespmem:$0x18350];
	v11 =	vadd.f32 v18, v11  }
0x45b: {  	v12 =	vadd.f32 v23, v12;
	[tilespmem:s6+$0x430] =	vst v13;
	v13 =	vld [tilespmem:s6+$0x440]  }
0x45c: {  	[tilespmem:s9+$0x430] =	vst v11;
	v11 =	vld [tilespmem:$0x18140]  }
0x45d: {  	v18 =	vld [tilespmem:$0x18140];
	[tilespmem:s31+$0x430] =	vst v12;
	v12 =	vadd.f32 v19, v21  }
0x45e: {  	v19 =	vld [tilespmem:$0x18140];
	v14 =	vadd.f32 v14, v15  }
0x45f: {  	v15 =	vadd.f32 v16, v20;
	v16 =	vld [tilespmem:$0x18530];
	[tilespmem:s26+$0x30] =	vst v12  }
0x460: {  	v12 =	vld [tilespmem:s21+$0x30];
	[tilespmem:s28+$0x30] =	vst v14  }
0x461: {  	[tilespmem:s1+$0x50] =	vst v15;
	v11 =	vadd.f32 v11, v13;
	v13 =	vld [tilespmem:$0x18540]  }
0x462: {  	v14 =	vld [tilespmem:$0x18360];
	v9 =	vadd.f32 v18, v9  }
0x463: {  	v10 =	vadd.f32 v19, v10;
	[tilespmem:s6+$0x440] =	vst v11;
	v11 =	vld [tilespmem:s6+$0x450]  }
0x464: {  	[tilespmem:s9+$0x440] =	vst v9;
	v9 =	vld [tilespmem:$0x18150]  }
0x465: {  	v15 =	vld [tilespmem:$0x18150];
	[tilespmem:s31+$0x440] =	vst v10;
	v10 =	vadd.f32 v16, v12  }
0x466: {  	v12 =	vld [tilespmem:$0x18150]  }
0x467: {  	v14 =	vadd.f32 v14, v22;
	[tilespmem:s21+$0x30] =	vst v10;
	v10 =	vld [tilespmem:$0x18540]  }
0x468: {  	v16 =	vld [tilespmem:s26+$0x40]  }
0x469: {  	[tilespmem:s1+$0x60] =	vst v14;
	v9 =	vadd.f32 v9, v11;
	v11 =	vld [tilespmem:s28+$0x40]  }
0x46a: {  	v14 =	vld [tilespmem:$0x18370];
	v3 =	vadd.f32 v15, v3  }
0x46b: {  	v8 =	vadd.f32 v12, v8;
	[tilespmem:s6+$0x450] =	vst v9;
	v9 =	vld [tilespmem:s6+$0x460]  }
0x46c: {  	[tilespmem:s9+$0x450] =	vst v3;
	v3 =	vld [tilespmem:$0x18160]  }
0x46d: {  	v12 =	vld [tilespmem:$0x18160];
	[tilespmem:s31+$0x450] =	vst v8;
	v8 =	vadd.f32 v13, v16  }
0x46e: {  	v13 =	vld [tilespmem:$0x18160];
	v10 =	vadd.f32 v10, v11  }
0x46f: {  	v11 =	vadd.f32 v14, v17;
	v14 =	vld [tilespmem:$0x18540];
	[tilespmem:s26+$0x40] =	vst v8  }
0x470: {  	v8 =	vld [tilespmem:s21+$0x40];
	[tilespmem:s28+$0x40] =	vst v10  }
0x471: {  	[tilespmem:s1+$0x70] =	vst v11;
	v9 =	vadd.f32 v3, v9;
	v10 =	vld [tilespmem:$0x18550]  }
0x472: {  	v3 =	vld [tilespmem:$0x18400];
	v6 =	vadd.f32 v12, v6  }
0x473: {  	v7 =	vadd.f32 v13, v7;
	[tilespmem:s6+$0x460] =	vst v9;
	v9 =	vld [tilespmem:s6+$0x470]  }
0x474: {  	[tilespmem:s9+$0x460] =	vst v6;
	v6 =	vld [tilespmem:$0x18170]  }
0x475: {  	v11 =	vld [tilespmem:$0x18170];
	[tilespmem:s31+$0x460] =	vst v7;
	v7 =	vadd.f32 v14, v8  }
0x476: {  	v8 =	vld [tilespmem:$0x18170]  }
0x477: {  	[tilespmem:s21+$0x40] =	vst v7;
	v7 =	vld [tilespmem:$0x18550]  }
0x478: {  	v12 =	vld [tilespmem:s26+$0x50]  }
0x479: {  	v6 =	vadd.f32 v6, v9;
	v9 =	vld [tilespmem:s28+$0x50]  }
0x47a: {  	v5 =	vadd.f32 v11, v5;
	v11 =	vld [tilespmem:$0x18550]  }
0x47b: {  	s22 =	sor.u32 s25, s17;
	v4 =	vadd.f32 v8, v4;
	[tilespmem:s6+$0x470] =	vst v6;
	v6 =	vld [tilespmem:s21+$0x50]  }
0x47c: {  	[tilespmem:s9+$0x470] =	vst v5;
	v5 =	vld [tilespmem:s22+$0x0]  }
0x47d: {  	[tilespmem:s31+$0x470] =	vst v4;
	v4 =	vld [tilespmem:$0x18200];
	v8 =	vadd.f32 v10, v12  }
0x47e: {  	v10 =	vld [tilespmem:s15+$0x0];
	v7 =	vadd.f32 v7, v9  }
0x47f: {  	v9 =	vld [tilespmem:$0x18200];
	[tilespmem:s26+$0x50] =	vst v8  }
0x480: {  	v8 =	vld [tilespmem:s14+$0x0];
	v6 =	vadd.f32 v11, v6;
	[tilespmem:s28+$0x50] =	vst v7  }
0x481: {  	v7 =	vld [tilespmem:$0x18200]  }
0x482: {  	v11 =	vld [tilespmem:s15+$0x10];
	v4 =	vadd.f32 v4, v5;
	[tilespmem:s21+$0x50] =	vst v6  }
0x483: {  	v5 =	vld [tilespmem:s14+$0x10]  }
0x484: {  	v6 =	vadd.f32 v9, v10;
	[tilespmem:s22+$0x0] =	vst v4;
	v4 =	vld [tilespmem:s22+$0x10]  }
0x485: {  	v9 =	vld [tilespmem:$0x18210]  }
0x486: {  	[tilespmem:s15+$0x0] =	vst v6;
	v6 =	vld [tilespmem:s15+$0x20];
	v7 =	vadd.f32 v7, v8  }
0x487: {  	v8 =	vld [tilespmem:$0x18210]  }
0x488: {  	[tilespmem:s14+$0x0] =	vst v7;
	v7 =	vld [tilespmem:s14+$0x20]  }
0x489: {  	v10 =	vld [tilespmem:$0x18210]  }
0x48a: {  	v16 =	vld [tilespmem:s15+$0x30];
	v4 =	vadd.f32 v9, v4  }
0x48b: {  	v17 =	vld [tilespmem:s14+$0x30]  }
0x48c: {  	v8 =	vadd.f32 v8, v11;
	[tilespmem:s22+$0x10] =	vst v4;
	v4 =	vld [tilespmem:s22+$0x20]  }
0x48d: {  	v9 =	vld [tilespmem:$0x18220]  }
0x48e: {  	[tilespmem:s15+$0x10] =	vst v8;
	v15 =	vld [tilespmem:s15+$0x40];
	v5 =	vadd.f32 v10, v5  }
0x48f: {  	v8 =	vld [tilespmem:$0x18220]  }
0x490: {  	[tilespmem:s14+$0x10] =	vst v5;
	v14 =	vld [tilespmem:s14+$0x40]  }
0x491: {  	v5 =	vld [tilespmem:$0x18220]  }
0x492: {  	v13 =	vld [tilespmem:s15+$0x50];
	v4 =	vadd.f32 v9, v4  }
0x493: {  	v12 =	vld [tilespmem:s14+$0x50]  }
0x494: {  	v6 =	vadd.f32 v8, v6;
	[tilespmem:s22+$0x20] =	vst v4;
	v4 =	vld [tilespmem:s22+$0x30]  }
0x495: {  	v8 =	vld [tilespmem:$0x18230]  }
0x496: {  	[tilespmem:s15+$0x20] =	vst v6;
	v11 =	vld [tilespmem:s15+$0x60];
	v5 =	vadd.f32 v5, v7  }
0x497: {  	v6 =	vld [tilespmem:$0x18230]  }
0x498: {  	[tilespmem:s14+$0x20] =	vst v5;
	v10 =	vld [tilespmem:s14+$0x60]  }
0x499: {  	v5 =	vld [tilespmem:$0x18230]  }
0x49a: {  	v9 =	vld [tilespmem:s15+$0x70];
	v4 =	vadd.f32 v8, v4  }
0x49b: {  	v8 =	vld [tilespmem:s14+$0x70]  }
0x49c: {  	v6 =	vadd.f32 v6, v16;
	[tilespmem:s22+$0x30] =	vst v4;
	v7 =	vld [tilespmem:s22+$0x40]  }
0x49d: {  	v18 =	vld [tilespmem:$0x18240]  }
0x49e: {  	[tilespmem:s15+$0x30] =	vst v6;
	v5 =	vadd.f32 v5, v17;
	v4 =	vld [tilespmem:$0x18560]  }
.Ltmp0:
0x49f: {  	v17 =	vld [tilespmem:$0x18240];
	(pc) =	sbr.rel @p0 .LBB2_2-.Ltmp0, $4  }
0x4a0: {  	[tilespmem:s14+$0x30] =	vst v5;
	v5 =	vld [tilespmem:$0x18560]  }
0x4a1: {  	v16 =	vld [tilespmem:$0x18240]  }
0x4a2: {  	v18 =	vadd.f32 v18, v7;
	v6 =	vld [tilespmem:s26+$0x60]  }
0x4a3: {  	v7 =	vld [tilespmem:s28+$0x60]  }
0x4a4: {  	[tilespmem:s22+$0x40] =	vst v18;
	v39 =	vld [tilespmem:s22+$0x50];
	v15 =	vadd.f32 v17, v15  }
0x4a5: {  	v19 =	vld [tilespmem:$0x18250]  }
0x4a6: {  	[tilespmem:s15+$0x40] =	vst v15  }
0x4a7: {  	v14 =	vadd.f32 v16, v14;
	v15 =	vld [tilespmem:$0x18250];
	_ =	sdelay $0x1  }
0x4a8: {  	[tilespmem:s14+$0x40] =	vst v14  }
0x4a9: {  	v41 =	vld [tilespmem:$0x18250];
	v40 =	vadd.f32 v19, v39;
	_ =	sdelay $0x1  }
0x4aa: {  	v42 =	vld [tilespmem:s22+$0x60];
	[tilespmem:s22+$0x50] =	vst v40;
	v13 =	vadd.f32 v15, v13  }
0x4ab: {  	v43 =	vld [tilespmem:$0x18260]  }
0x4ac: {  	[tilespmem:s15+$0x50] =	vst v13  }
0x4ad: {  	v12 =	vadd.f32 v41, v12;
	v13 =	vld [tilespmem:$0x18260];
	_ =	sdelay $0x1  }
0x4ae: {  	[tilespmem:s14+$0x50] =	vst v12  }
0x4af: {  	v12 =	vld [tilespmem:$0x18260];
	v14 =	vadd.f32 v43, v42;
	_ =	sdelay $0x1  }
0x4b0: {  	v44 =	vld [tilespmem:s22+$0x70];
	[tilespmem:s22+$0x60] =	vst v14;
	v11 =	vadd.f32 v13, v11  }
0x4b1: {  	v14 =	vld [tilespmem:$0x18270]  }
0x4b2: {  	[tilespmem:s15+$0x60] =	vst v11  }
0x4b3: {  	v10 =	vadd.f32 v12, v10;
	v11 =	vld [tilespmem:$0x18270];
	_ =	sdelay $0x1  }
0x4b4: {  	[tilespmem:s14+$0x60] =	vst v10  }
0x4b5: {  	v10 =	vld [tilespmem:$0x18270];
	v45 =	vadd.f32 v14, v44;
	_ =	sdelay $0x1  }
0x4b6: {  	s1 =	sor.u32 s25, s30;
	v9 =	vadd.f32 v11, v9;
	[tilespmem:s22+$0x70] =	vst v45  }
0x4b7: {  	v46 =	vld [tilespmem:s1+$0x0]  }
0x4b8: {  	v47 =	vld [tilespmem:$0x18300];
	[tilespmem:s15+$0x70] =	vst v9  }
0x4b9: {  	v8 =	vadd.f32 v10, v8;
	v48 =	vld [tilespmem:s13+$0x0]  }
0x4ba: {  	v49 =	vld [tilespmem:$0x18300]  }
0x4bb: {  	[tilespmem:s14+$0x70] =	vst v8  }
0x4bc: {  	v8 =	vld [tilespmem:s12+$0x0]  }
0x4bd: {  	v50 =	vld [tilespmem:$0x18300];
	v9 =	vadd.f32 v47, v46;
	_ =	sdelay $0x1  }
0x4be: {  	v51 =	vld [tilespmem:s1+$0x10];
	v10 =	vadd.f32 v49, v48;
	[tilespmem:s1+$0x0] =	vst v9  }
0x4bf: {  	v52 =	vld [tilespmem:$0x18310]  }
0x4c0: {  	v53 =	vld [tilespmem:s13+$0x10];
	[tilespmem:s13+$0x0] =	vst v10  }
0x4c1: {  	v8 =	vadd.f32 v50, v8;
	v54 =	vld [tilespmem:$0x18310];
	_ =	sdelay $0x1  }
0x4c2: {  	v55 =	vld [tilespmem:s12+$0x10];
	[tilespmem:s12+$0x0] =	vst v8  }
0x4c3: {  	v56 =	vld [tilespmem:$0x18310];
	v9 =	vadd.f32 v52, v51;
	_ =	sdelay $0x1  }
0x4c4: {  	v57 =	vld [tilespmem:s1+$0x20];
	v10 =	vadd.f32 v54, v53;
	[tilespmem:s1+$0x10] =	vst v9  }
0x4c5: {  	v58 =	vld [tilespmem:$0x18320]  }
0x4c6: {  	v59 =	vld [tilespmem:s13+$0x20];
	[tilespmem:s13+$0x10] =	vst v10  }
0x4c7: {  	v8 =	vadd.f32 v56, v55;
	v60 =	vld [tilespmem:$0x18320];
	_ =	sdelay $0x1  }
0x4c8: {  	v61 =	vld [tilespmem:s12+$0x20];
	[tilespmem:s12+$0x10] =	vst v8  }
0x4c9: {  	v62 =	vld [tilespmem:$0x18320];
	v9 =	vadd.f32 v58, v57;
	_ =	sdelay $0x1  }
0x4ca: {  	v63 =	vld [tilespmem:s1+$0x30];
	v10 =	vadd.f32 v60, v59;
	[tilespmem:s1+$0x20] =	vst v9  }
0x4cb: {  	v16 =	vld [tilespmem:$0x18330]  }
0x4cc: {  	v17 =	vld [tilespmem:s13+$0x30];
	[tilespmem:s13+$0x20] =	vst v10  }
0x4cd: {  	v8 =	vadd.f32 v62, v61;
	v18 =	vld [tilespmem:$0x18330];
	_ =	sdelay $0x1  }
0x4ce: {  	v19 =	vld [tilespmem:s12+$0x30];
	[tilespmem:s12+$0x20] =	vst v8  }
0x4cf: {  	v20 =	vld [tilespmem:$0x18330];
	v9 =	vadd.f32 v16, v63;
	_ =	sdelay $0x1  }
0x4d0: {  	v21 =	vld [tilespmem:s1+$0x40];
	v10 =	vadd.f32 v18, v17;
	[tilespmem:s1+$0x30] =	vst v9  }
0x4d1: {  	v22 =	vld [tilespmem:$0x18340]  }
0x4d2: {  	v23 =	vld [tilespmem:s13+$0x40];
	[tilespmem:s13+$0x30] =	vst v10  }
0x4d3: {  	v8 =	vadd.f32 v20, v19;
	v24 =	vld [tilespmem:$0x18340];
	_ =	sdelay $0x1  }
0x4d4: {  	v25 =	vld [tilespmem:s12+$0x40];
	[tilespmem:s12+$0x30] =	vst v8  }
0x4d5: {  	v26 =	vld [tilespmem:$0x18340];
	v9 =	vadd.f32 v22, v21;
	_ =	sdelay $0x1  }
0x4d6: {  	v27 =	vld [tilespmem:s1+$0x50];
	v10 =	vadd.f32 v24, v23;
	[tilespmem:s1+$0x40] =	vst v9  }
0x4d7: {  	v28 =	vld [tilespmem:$0x18350]  }
0x4d8: {  	v29 =	vld [tilespmem:s13+$0x50];
	[tilespmem:s13+$0x40] =	vst v10  }
0x4d9: {  	v8 =	vadd.f32 v26, v25;
	v30 =	vld [tilespmem:$0x18350];
	_ =	sdelay $0x1  }
0x4da: {  	v31 =	vld [tilespmem:s12+$0x50];
	[tilespmem:s12+$0x40] =	vst v8  }
0x4db: {  	v32 =	vld [tilespmem:$0x18350];
	v9 =	vadd.f32 v28, v27;
	_ =	sdelay $0x1  }
0x4dc: {  	v33 =	vld [tilespmem:s1+$0x60];
	v10 =	vadd.f32 v30, v29;
	[tilespmem:s1+$0x50] =	vst v9  }
0x4dd: {  	v34 =	vld [tilespmem:$0x18360]  }
0x4de: {  	v35 =	vld [tilespmem:s13+$0x60];
	[tilespmem:s13+$0x50] =	vst v10  }
0x4df: {  	v8 =	vadd.f32 v32, v31;
	v36 =	vld [tilespmem:$0x18360];
	_ =	sdelay $0x1  }
0x4e0: {  	v37 =	vld [tilespmem:s12+$0x60];
	[tilespmem:s12+$0x50] =	vst v8  }
0x4e1: {  	v38 =	vld [tilespmem:$0x18360];
	v9 =	vadd.f32 v34, v33;
	_ =	sdelay $0x1  }
0x4e2: {  	v39 =	vld [tilespmem:s1+$0x70];
	v10 =	vadd.f32 v36, v35;
	[tilespmem:s1+$0x60] =	vst v9  }
0x4e3: {  	v40 =	vld [tilespmem:$0x18370]  }
0x4e4: {  	v41 =	vld [tilespmem:s13+$0x70];
	[tilespmem:s13+$0x60] =	vst v10  }
0x4e5: {  	v8 =	vadd.f32 v38, v37;
	v42 =	vld [tilespmem:$0x18370];
	_ =	sdelay $0x1  }
0x4e6: {  	v43 =	vld [tilespmem:s12+$0x70];
	[tilespmem:s12+$0x60] =	vst v8  }
0x4e7: {  	v44 =	vld [tilespmem:$0x18370];
	v9 =	vadd.f32 v40, v39  }
0x4e8: {  	s8 =	sadd.s32 $0xD000, s3  }
0x4e9: {  	s22 =	sor.u32 s25, s8;
	v10 =	vadd.f32 v42, v41;
	[tilespmem:s1+$0x70] =	vst v9  }
0x4ea: {  	v9 =	vld [tilespmem:s22+$0x0]  }
0x4eb: {  	s5 =	sor.u32 s24, s8;
	v45 =	vld [tilespmem:$0x18400];
	[tilespmem:s13+$0x70] =	vst v10  }
0x4ec: {  	v8 =	vadd.f32 v44, v43;
	v46 =	vld [tilespmem:s5+$0x0]  }
0x4ed: {  	s6 =	sor.u32 s23, s8;
	s8 =	sor.u32 s2, s8;
	v47 =	vld [tilespmem:$0x18400]  }
0x4ee: {  	v52 =	vld [tilespmem:s8+$0x0];
	[tilespmem:s12+$0x70] =	vst v8  }
0x4ef: {  	v8 =	vld [tilespmem:s6+$0x0]  }
0x4f0: {  	v48 =	vld [tilespmem:$0x18400];
	v9 =	vadd.f32 v45, v9;
	_ =	sdelay $0x1  }
0x4f1: {  	v50 =	vld [tilespmem:s22+$0x10];
	v49 =	vadd.f32 v47, v46;
	[tilespmem:s22+$0x0] =	vst v9  }
0x4f2: {  	v3 =	vadd.f32 v3, v52;
	v51 =	vld [tilespmem:$0x18410]  }
0x4f3: {  	v53 =	vld [tilespmem:s5+$0x10];
	[tilespmem:s5+$0x0] =	vst v49  }
0x4f4: {  	[tilespmem:s8+$0x0] =	vst v3;
	v8 =	vadd.f32 v48, v8;
	v10 =	vld [tilespmem:$0x18410]  }
0x4f5: {  	v57 =	vld [tilespmem:$0x18410]  }
0x4f6: {  	v54 =	vld [tilespmem:s6+$0x10];
	[tilespmem:s6+$0x0] =	vst v8  }
0x4f7: {  	v8 =	vld [tilespmem:$0x18410];
	v9 =	vadd.f32 v51, v50  }
0x4f8: {  	v16 =	vld [tilespmem:s8+$0x20]  }
0x4f9: {  	v55 =	vld [tilespmem:s22+$0x20];
	[tilespmem:s22+$0x10] =	vst v9;
	v3 =	vadd.f32 v10, v53  }
0x4fa: {  	v56 =	vld [tilespmem:$0x18420]  }
0x4fb: {  	[tilespmem:s5+$0x10] =	vst v3;
	v3 =	vld [tilespmem:s8+$0x10]  }
0x4fc: {  	v59 =	vld [tilespmem:s5+$0x20];
	v8 =	vadd.f32 v8, v54  }
0x4fd: {  	v58 =	vld [tilespmem:$0x18420]  }
0x4fe: {  	v60 =	vld [tilespmem:s6+$0x20];
	[tilespmem:s6+$0x10] =	vst v8  }
0x4ff: {  	v8 =	vld [tilespmem:$0x18420];
	v9 =	vadd.f32 v56, v55  }
0x500: {  	v21 =	vld [tilespmem:s8+$0x30];
	v3 =	vadd.f32 v57, v3  }
0x501: {  	v61 =	vld [tilespmem:s22+$0x30];
	[tilespmem:s22+$0x20] =	vst v9  }
0x502: {  	v17 =	vld [tilespmem:s5+$0x30];
	[tilespmem:s8+$0x10] =	vst v3;
	v3 =	vadd.f32 v58, v59  }
0x503: {  	v62 =	vld [tilespmem:$0x18430]  }
0x504: {  	v63 =	vld [tilespmem:$0x18420];
	v8 =	vadd.f32 v8, v60;
	[tilespmem:s5+$0x20] =	vst v3  }
0x505: {  	v3 =	vld [tilespmem:$0x18430]  }
0x506: {  	v18 =	vld [tilespmem:s6+$0x30];
	[tilespmem:s6+$0x20] =	vst v8  }
0x507: {  	v8 =	vld [tilespmem:$0x18430]  }
0x508: {  	v27 =	vld [tilespmem:s8+$0x40];
	v9 =	vadd.f32 v62, v61  }
0x509: {  	v19 =	vld [tilespmem:s22+$0x40];
	v11 =	vadd.f32 v63, v16  }
0x50a: {  	v22 =	vld [tilespmem:s5+$0x40];
	[tilespmem:s22+$0x30] =	vst v9;
	v3 =	vadd.f32 v3, v17  }
0x50b: {  	v20 =	vld [tilespmem:$0x18440];
	[tilespmem:s8+$0x20] =	vst v11  }
0x50c: {  	v11 =	vld [tilespmem:$0x18430];
	v8 =	vadd.f32 v8, v18;
	[tilespmem:s5+$0x30] =	vst v3  }
0x50d: {  	v3 =	vld [tilespmem:$0x18440]  }
0x50e: {  	v23 =	vld [tilespmem:s6+$0x40];
	[tilespmem:s6+$0x30] =	vst v8  }
0x50f: {  	v8 =	vld [tilespmem:$0x18440]  }
0x510: {  	v34 =	vld [tilespmem:s8+$0x50];
	v9 =	vadd.f32 v20, v19  }
0x511: {  	v40 =	vld [tilespmem:s8+$0x60];
	v11 =	vadd.f32 v11, v21  }
0x512: {  	v24 =	vld [tilespmem:s22+$0x50];
	[tilespmem:s22+$0x40] =	vst v9;
	v3 =	vadd.f32 v3, v22  }
0x513: {  	v25 =	vld [tilespmem:$0x18450];
	[tilespmem:s8+$0x30] =	vst v11  }
0x514: {  	v26 =	vld [tilespmem:$0x18440];
	[tilespmem:s5+$0x40] =	vst v3;
	v3 =	vadd.f32 v8, v23  }
0x515: {  	v28 =	vld [tilespmem:$0x18450]  }
0x516: {  	[tilespmem:s6+$0x40] =	vst v3;
	v3 =	vld [tilespmem:s5+$0x50]  }
0x517: {  	v31 =	vld [tilespmem:s22+$0x60]  }
0x518: {  	v38 =	vld [tilespmem:s22+$0x70]  }
0x519: {  	v35 =	vld [tilespmem:s5+$0x60];
	v9 =	vadd.f32 v25, v24  }
0x51a: {  	v30 =	vld [tilespmem:s6+$0x50];
	v8 =	vadd.f32 v26, v27  }
0x51b: {  	v29 =	vld [tilespmem:$0x18450];
	[tilespmem:s22+$0x50] =	vst v9;
	v3 =	vadd.f32 v28, v3  }
0x51c: {  	v32 =	vld [tilespmem:$0x18460];
	[tilespmem:s8+$0x40] =	vst v8  }
0x51d: {  	v8 =	vld [tilespmem:$0x18450];
	[tilespmem:s5+$0x50] =	vst v3  }
0x51e: {  	v3 =	vld [tilespmem:$0x18460]  }
0x51f: {  	v41 =	vld [tilespmem:s5+$0x70]  }
0x520: {  	v37 =	vld [tilespmem:s6+$0x60];
	v33 =	vadd.f32 v29, v30  }
0x521: {  	v43 =	vld [tilespmem:s6+$0x70];
	v9 =	vadd.f32 v32, v31  }
0x522: {  	v46 =	vld [tilespmem:s8+$0x70];
	[tilespmem:s6+$0x50] =	vst v33;
	v8 =	vadd.f32 v8, v34  }
0x523: {  	v36 =	vld [tilespmem:$0x18460];
	[tilespmem:s22+$0x60] =	vst v9;
	v3 =	vadd.f32 v3, v35  }
0x524: {  	v39 =	vld [tilespmem:$0x18470];
	[tilespmem:s8+$0x50] =	vst v8  }
0x525: {  	v8 =	vld [tilespmem:$0x18460];
	[tilespmem:s5+$0x60] =	vst v3  }
0x526: {  	v4 =	vadd.f32 v4, v6;
	v3 =	vld [tilespmem:$0x18470]  }
0x527: {  	v5 =	vadd.f32 v5, v7;
	v24 =	vld [tilespmem:$0x18560]  }
0x528: {  	[tilespmem:s26+$0x60] =	vst v4;
	v25 =	vld [tilespmem:s21+$0x60];
	v10 =	vadd.f32 v36, v37  }
0x529: {  	[tilespmem:s28+$0x60] =	vst v5;
	v34 =	vld [tilespmem:$0x18570];
	v9 =	vadd.f32 v39, v38  }
0x52a: {  	s9 =	sadd.s32 $0xD400, s3;
	v35 =	vld [tilespmem:$0x18570];
	[tilespmem:s6+$0x60] =	vst v10;
	v8 =	vadd.f32 v8, v40  }
0x52b: {  	s29 =	sor.u32 s25, s9;
	v42 =	vld [tilespmem:$0x18470];
	[tilespmem:s22+$0x70] =	vst v9;
	v3 =	vadd.f32 v3, v41  }
0x52c: {  	v9 =	vld [tilespmem:s29+$0x0];
	[tilespmem:s8+$0x60] =	vst v8  }
0x52d: {  	s3 =	sor.u32 s24, s9;
	v8 =	vld [tilespmem:$0x18470];
	[tilespmem:s5+$0x70] =	vst v3  }
0x52e: {  	v3 =	vld [tilespmem:s3+$0x0]  }
0x52f: {  	v47 =	vld [tilespmem:$0x18500]  }
0x530: {  	v44 =	vld [tilespmem:$0x18500];
	v45 =	vadd.f32 v42, v43  }
0x531: {  	v50 =	vld [tilespmem:s29+$0x10]  }
0x532: {  	s30 =	sor.u32 s23, s9;
	v56 =	vld [tilespmem:s29+$0x20];
	[tilespmem:s6+$0x70] =	vst v45;
	v8 =	vadd.f32 v8, v46  }
0x533: {  	v48 =	vld [tilespmem:s30+$0x0]  }
0x534: {  	s31 =	sor.u32 s2, s9;
	v49 =	vld [tilespmem:$0x18500];
	[tilespmem:s8+$0x70] =	vst v8;
	v3 =	vadd.f32 v47, v3  }
0x535: {  	v8 =	vld [tilespmem:s31+$0x0]  }
0x536: {  	[tilespmem:s3+$0x0] =	vst v3;
	v3 =	vld [tilespmem:$0x18500]  }
0x537: {  	v54 =	vld [tilespmem:s3+$0x10]  }
0x538: {  	v9 =	vadd.f32 v44, v9;
	v53 =	vld [tilespmem:$0x18510]  }
0x539: {  	v62 =	vld [tilespmem:s29+$0x30]  }
0x53a: {  	v55 =	vld [tilespmem:s30+$0x10];
	[tilespmem:s29+$0x0] =	vst v9;
	v52 =	vadd.f32 v49, v48  }
0x53b: {  	v51 =	vld [tilespmem:$0x18510];
	v3 =	vadd.f32 v3, v8  }
0x53c: {  	v58 =	vld [tilespmem:s31+$0x10];
	[tilespmem:s30+$0x0] =	vst v52  }
0x53d: {  	v10 =	vld [tilespmem:$0x18510];
	[tilespmem:s31+$0x0] =	vst v3;
	v3 =	vadd.f32 v53, v54  }
0x53e: {  	v57 =	vld [tilespmem:$0x18510]  }
0x53f: {  	v59 =	vld [tilespmem:s3+$0x20];
	[tilespmem:s3+$0x10] =	vst v3  }
0x540: {  	v3 =	vld [tilespmem:$0x18520]  }
0x541: {  	v26 =	vld [tilespmem:s29+$0x40];
	v9 =	vadd.f32 v51, v50  }
0x542: {  	v36 =	vld [tilespmem:s29+$0x50];
	v10 =	vadd.f32 v10, v55  }
0x543: {  	v60 =	vld [tilespmem:s30+$0x20];
	[tilespmem:s29+$0x10] =	vst v9;
	v61 =	vadd.f32 v57, v58  }
0x544: {  	v9 =	vld [tilespmem:$0x18520];
	[tilespmem:s30+$0x10] =	vst v10  }
0x545: {  	v10 =	vld [tilespmem:$0x18520];
	[tilespmem:s31+$0x10] =	vst v61;
	v3 =	vadd.f32 v3, v59  }
0x546: {  	v19 =	vld [tilespmem:$0x18520]  }
0x547: {  	[tilespmem:s3+$0x20] =	vst v3;
	v3 =	vld [tilespmem:s31+$0x20]  }
0x548: {  	v22 =	vld [tilespmem:s3+$0x30]  }
0x549: {  	v20 =	vld [tilespmem:$0x18530]  }
0x54a: {  	v41 =	vld [tilespmem:s26+$0x70];
	v8 =	vadd.f32 v9, v56  }
0x54b: {  	v42 =	vld [tilespmem:s28+$0x70];
	v18 =	vadd.f32 v10, v60  }
0x54c: {  	v23 =	vld [tilespmem:s30+$0x30];
	[tilespmem:s29+$0x20] =	vst v8;
	v3 =	vadd.f32 v19, v3  }
0x54d: {  	v63 =	vld [tilespmem:$0x18530];
	[tilespmem:s30+$0x20] =	vst v18  }
0x54e: {  	v21 =	vld [tilespmem:$0x18530];
	[tilespmem:s31+$0x20] =	vst v3;
	v3 =	vadd.f32 v20, v22  }
0x54f: {  	v29 =	vld [tilespmem:$0x18530]  }
0x550: {  	[tilespmem:s3+$0x30] =	vst v3;
	v3 =	vld [tilespmem:s31+$0x30]  }
0x551: {  	v32 =	vld [tilespmem:s3+$0x40]  }
0x552: {  	v39 =	vld [tilespmem:s3+$0x50];
	v8 =	vadd.f32 v63, v62  }
0x553: {  	v33 =	vld [tilespmem:s30+$0x40]  }
0x554: {  	v38 =	vld [tilespmem:s31+$0x40];
	[tilespmem:s29+$0x30] =	vst v8;
	v28 =	vadd.f32 v21, v23  }
0x555: {  	v27 =	vld [tilespmem:$0x18540];
	v3 =	vadd.f32 v29, v3  }
0x556: {  	[tilespmem:s30+$0x30] =	vst v28;
	v30 =	vld [tilespmem:$0x18540]  }
0x557: {  	v31 =	vld [tilespmem:$0x18540];
	[tilespmem:s31+$0x30] =	vst v3  }
0x558: {  	v37 =	vld [tilespmem:$0x18540]  }
0x559: {  	v40 =	vld [tilespmem:s30+$0x50]  }
0x55a: {  	v46 =	vld [tilespmem:s29+$0x60];
	v8 =	vadd.f32 v27, v26  }
0x55b: {  	v45 =	vld [tilespmem:s31+$0x50];
	v3 =	vadd.f32 v30, v32  }
0x55c: {  	v50 =	vld [tilespmem:s3+$0x60];
	[tilespmem:s29+$0x40] =	vst v8;
	v4 =	vadd.f32 v31, v33  }
0x55d: {  	v8 =	vld [tilespmem:$0x18550];
	[tilespmem:s3+$0x40] =	vst v3;
	v6 =	vadd.f32 v37, v38  }
0x55e: {  	[tilespmem:s30+$0x40] =	vst v4;
	v3 =	vld [tilespmem:$0x18550]  }
0x55f: {  	v48 =	vadd.f32 v24, v25;
	v4 =	vld [tilespmem:$0x18550];
	[tilespmem:s31+$0x40] =	vst v6  }
0x560: {  	v44 =	vld [tilespmem:$0x18550]  }
0x561: {  	[tilespmem:s21+$0x60] =	vst v48;
	v51 =	vld [tilespmem:s30+$0x60]  }
0x562: {  	v52 =	vld [tilespmem:$0x18570];
	v43 =	vadd.f32 v8, v36  }
0x563: {  	v53 =	vld [tilespmem:s31+$0x60];
	v3 =	vadd.f32 v3, v39  }
0x564: {  	v54 =	vld [tilespmem:s21+$0x70];
	[tilespmem:s29+$0x50] =	vst v43;
	v4 =	vadd.f32 v4, v40  }
0x565: {  	v47 =	vld [tilespmem:$0x18560];
	[tilespmem:s3+$0x50] =	vst v3;
	v8 =	vadd.f32 v44, v45  }
0x566: {  	[tilespmem:s30+$0x50] =	vst v4;
	v3 =	vld [tilespmem:$0x18560]  }
0x567: {  	v49 =	vld [tilespmem:$0x18560];
	[tilespmem:s31+$0x50] =	vst v8  }
0x568: {  	v8 =	vld [tilespmem:$0x18560]  }
0x569: {  	v55 =	vld [tilespmem:s29+$0x70]  }
0x56a: {  	v59 =	vld [tilespmem:s3+$0x70];
	v6 =	vadd.f32 v47, v46  }
0x56b: {  	v60 =	vld [tilespmem:s30+$0x70];
	v3 =	vadd.f32 v3, v50  }
0x56c: {  	v62 =	vld [tilespmem:s31+$0x70];
	[tilespmem:s29+$0x60] =	vst v6;
	v4 =	vadd.f32 v49, v51  }
0x56d: {  	v56 =	vld [tilespmem:$0x18570];
	[tilespmem:s3+$0x60] =	vst v3;
	v57 =	vadd.f32 v8, v53  }
0x56e: {  	[tilespmem:s30+$0x60] =	vst v4;
	v3 =	vld [tilespmem:$0x18570]  }
0x56f: {  	v5 =	vadd.f32 v34, v41;
	v58 =	vld [tilespmem:$0x18570];
	[tilespmem:s31+$0x60] =	vst v57  }
0x570: {  	v12 =	vadd.f32 v35, v42;
	v61 =	vld [tilespmem:$0x18570]  }
0x571: {  	[tilespmem:s26+$0x70] =	vst v5;
	v63 =	vadd.f32 v52, v54  }
0x572: {  	[tilespmem:s28+$0x70] =	vst v12;
	v6 =	vadd.f32 v56, v55  }
0x573: {  	[tilespmem:s21+$0x70] =	vst v63;
	v3 =	vadd.f32 v3, v59  }
0x574: {  	[tilespmem:s29+$0x70] =	vst v6;
	v4 =	vadd.f32 v58, v60  }
0x575: {  	[tilespmem:s3+$0x70] =	vst v3;
	v3 =	vadd.f32 v61, v62  }
0x576: {  	[tilespmem:s30+$0x70] =	vst v4  }
0x577: {  	s2 =	simm.s32 $0x0;
	[tilespmem:s31+$0x70] =	vst v3  }
.LBB2_4:
0x578: {  	p1 =	seq.s32 s2, $0x0  }
0x579: {  	s1 =	simm.s32 @!p1 $0x2  }
0x57a: {  	_ =	swait.ge @!p1 [sflag:s1], $0x6000  }
0x57b: {  	p0 =	seq.s32 s2, $0x7;
	[sflag:s1] =	ssyncset.done @!p1 $0x0  }
0x57c: {  	[sflag:s1] =	ssyncadd.s32 @!p1 $0xFFFFA000;
	s1 =	sadd.s32 @!p0 $0x1, s2  }
0x57d: {  	_ =	swait.ge [sflag:s4], $0x6000;
	s3 =	sshll.u32 @!p0 s1, $0x3;
	s1 =	sshll.u32 @!p0 s1, $0x7  }
0x57e: {  	[sflag:s4] =	ssyncset.done $0x0;
	s3 =	sand.u32 @!p0 $0x60, s3;
	s1 =	sand.u32 @!p0 $0x180, s1  }
0x57f: {  	[sflag:s4] =	ssyncadd.s32 $0xFFFFA000;
	s1 =	sor.u32 @!p0 s3, s1  }
0x580: {  	v3 =	vld @!p0 [tilespmem:s1+$0x18F00];
	_ =	sdelay $0x4  }
0x581: {  	v4 =	vshrl.u32 @!p0 v3, $0x3  }
0x582: {  	v4 =	vmul.u32 @!p0 $0x30, v4  }
0x583: {  	v5 =	vlaneseq.u32 @!p0;
	v3 =	vand.u32 @!p0 $0x7, v3  }
0x584: {  	v6 =	vshrl.u32 @!p0 v5, $0x3;
	v3 =	vor.u32 @!p0 v3, v4;
	v4 =	vand.u32 @!p0 $0x7, v5  }
0x585: {  	v6 =	vmul.u32 @!p0 $0x8, v6;
	s3 =	sand.u32 $0x1, s2;
	v7 =	vperm.xlane @!p0 v3, v4  }
0x586: {  	s5 =	sshll.u32 s3, $0x5  }
0x587: {  	s5 =	sxor.u32 $0x20, s5;
	v7 =	vadd.s32 @!p0 v6, v7  }
0x588: {  	s5 =	sshrl.u32 @!p0 s5, $0x3  }
0x589: {  	s5 =	smul.u32 @!p0 $0x6000, s5  }
0x58a: {  	v5 =	vor.u32 @!p0 $0x8, v5  }
0x58b: {  	vm1 =	vmmov @!p0 $0xffff;
	s6 =	simm.s32 @!p0 $0x0;
	s5 =	sshrl.u32 @!p0 s5, $0x2;
	v3 =	vperm.xlane @!p0 v3, v5  }
0x58c: {  	[tilespmem:s5], [sflag:$0x1] =	stream.indirect_vreg.gather @!p0 [hbm4b:s0+s6], $0x80, v7, vm1, $0xb8;
	[tilespmem:$0x19280] =	vst v63  }
0x58d: {  	s8 =	sadd.s32 @!p0 $0x800, s5;
	v3 =	vadd.s32 @!p0 v6, v3  }
0x58e: {  	[tilespmem:s8], [sflag:$0x1] =	stream.indirect_vreg.gather @!p0 [hbm4b:s10+s6], $0x80, v7, vm1, $0xb8;
	[tilespmem:$0x19280] =	vst v63  }
0x58f: {  	s8 =	sadd.s32 @!p0 $0x1000, s5  }
0x590: {  	[tilespmem:s8], [sflag:$0x1] =	stream.indirect_vreg.gather @!p0 [hbm4b:s11+s6], $0x80, v7, vm1, $0xb8;
	[tilespmem:$0x19280] =	vst v63  }
0x591: {  	s8 =	sadd.s32 @!p0 $0x1800, s5  }
0x592: {  	[tilespmem:s8], [sflag:$0x1] =	stream.indirect_vreg.gather @!p0 [hbm4b:s0+s6], $0x80, v3, vm1, $0xb8;
	[tilespmem:$0x19280] =	vst v63  }
0x593: {  	s8 =	sadd.s32 @!p0 $0x2000, s5  }
0x594: {  	[tilespmem:s8], [sflag:$0x1] =	stream.indirect_vreg.gather @!p0 [hbm4b:s10+s6], $0x80, v3, vm1, $0xb8;
	[tilespmem:$0x19280] =	vst v63  }
0x595: {  	s1 =	sadd.s32 @!p0 $0x18F00, s1;
	s8 =	sadd.s32 @!p0 $0x2800, s5  }
0x596: {  	[tilespmem:s8], [sflag:$0x1] =	stream.indirect_vreg.gather @!p0 [hbm4b:s11+s6], $0x80, v3, vm1, $0xb8;
	[tilespmem:$0x19280] =	vst v63  }
0x597: {  	v3 =	vld @!p0 [tilespmem:s1+$0x10];
	_ =	sdelay $0x4  }
0x598: {  	v7 =	vshrl.u32 @!p0 v3, $0x3  }
0x599: {  	v7 =	vmul.u32 @!p0 $0x30, v7  }
0x59a: {  	v3 =	vand.u32 @!p0 $0x7, v3  }
0x59b: {  	v3 =	vor.u32 @!p0 v3, v7  }
0x59c: {  	v4 =	vperm.xlane @!p0 v3, v4;
	_ =	sdelay $0x1  }
0x59d: {  	v4 =	vadd.s32 @!p0 v6, v4;
	_ =	sdelay $0x3  }
0x59e: {  	s1 =	sadd.s32 @!p0 $0x3000, s5;
	v3 =	vperm.xlane @!p0 v3, v5  }
0x59f: {  	[tilespmem:s1], [sflag:$0x1] =	stream.indirect_vreg.gather @!p0 [hbm4b:s0+s6], $0x80, v4, vm1, $0xb8;
	[tilespmem:$0x19280] =	vst v63  }
0x5a0: {  	v3 =	vadd.s32 @!p0 v6, v3;
	s1 =	sadd.s32 @!p0 $0x3800, s5  }
0x5a1: {  	[tilespmem:s1], [sflag:$0x1] =	stream.indirect_vreg.gather @!p0 [hbm4b:s10+s6], $0x80, v4, vm1, $0xb8;
	[tilespmem:$0x19280] =	vst v63  }
0x5a2: {  	s1 =	sadd.s32 @!p0 $0x4000, s5  }
0x5a3: {  	[tilespmem:s1], [sflag:$0x1] =	stream.indirect_vreg.gather @!p0 [hbm4b:s11+s6], $0x80, v4, vm1, $0xb8;
	[tilespmem:$0x19280] =	vst v63  }
0x5a4: {  	s1 =	sadd.s32 @!p0 $0x4800, s5  }
0x5a5: {  	[tilespmem:s1], [sflag:$0x1] =	stream.indirect_vreg.gather @!p0 [hbm4b:s0+s6], $0x80, v3, vm1, $0xb8;
	[tilespmem:$0x19280] =	vst v63  }
0x5a6: {  	s1 =	sadd.s32 @!p0 $0x5000, s5  }
0x5a7: {  	[tilespmem:s1], [sflag:$0x1] =	stream.indirect_vreg.gather @!p0 [hbm4b:s10+s6], $0x80, v3, vm1, $0xb8;
	[tilespmem:$0x19280] =	vst v63  }
0x5a8: {  	s29 =	sshrl.u32 s2, $0x2;
	s5 =	sadd.s32 @!p0 $0x5800, s5  }
0x5a9: {  	[tilespmem:s5], [sflag:$0x1] =	stream.indirect_vreg.gather @!p0 [hbm4b:s11+s6], $0x80, v3, vm1, $0xb8;
	[tilespmem:$0x19280] =	vst v63  }
0x5aa: {  	s21 =	sshll.u32 s29, $0x5;
	s5 =	sand.u32 $0x3, s2  }
0x5ab: {  	s31 =	sand.u32 $0x3FFFFFE0, s21;
	s30 =	sshll.u32 s5, $0x6  }
0x5ac: {  	s1 =	sadd.s32 s31, s30  }
0x5ad: {  	s1 =	sadd.s32 $0x19100, s1  }
0x5ae: {  	s23 =	sand.u32 $0x4, s2;
	s25 =	simm.s32 $0x0;
	s24 =	sshll.u32 s3, $0x2;
	v3 =	vmov s1  }
.LBB2_5:
0x5af: {  	s1 =	sadd.s32 s23, s25  }
0x5b0: {  	s1 =	smul.u32 $0x6000, s1  }
0x5b1: {  	s6 =	sshll.u32 s25, $0x5;
	s8 =	sor.u32 s25, s24  }
0x5b2: {  	s22 =	sshra.s32 s6, $0x2;
	s29 =	smul.u32 $0x6000, s8;
	s1 =	sshra.s32 s1, $0x2  }
0x5b3: {  	s9 =	simm.s32 $0x0;
	s12 =	simm.s32 $0x18600;
	v4 =	vld.idx.msk [tilespmem:v3+s22+$0x0 ss:$0x1], $0xffff;
	s1 =	sadd.s32 $0xC000, s1  }
0x5b4: {  	s31 =	sand.u32 $0x1C00, s9;
	v5 =	vld.idx.msk [tilespmem:v3+s22+$0x1 ss:$0x1], $0xffff;
	s26 =	sshra.s32 s29, $0x2;
	[dreg:$0x9] =	wrdreg s1  }
0x5b5: {  	s13 =	sand.u32 $0x60, s9;
	v6 =	vld.idx.msk [tilespmem:v3+s22+$0x2 ss:$0x1], $0xffff;
	s6 =	sadd.s32 s31, s26;
	s30 =	rddreg [dreg:$0x9]  }
0x5b6: {  	s18 =	sadd.s32 s13, s6;
	v26 =	vld [tilespmem:s12+$0x0];
	s8 =	sadd.s32 s31, s30  }
0x5b7: {  	s9 =	sand.u32 $0x380, s9;
	s7 =	sor.u32 $0x10, s13;
	v8 =	vld [tilespmem:s18+$0x0];
	s20 =	sadd.s32 s13, s8  }
0x5b8: {  	s9 =	sor.u32 s7, s9;
	v7 =	vld [tilespmem:s20+$0x0]  }
0x5b9: {  	s19 =	sadd.s32 s7, s6;
	v20 =	vld [tilespmem:s9+$0x18600];
	v4 =	vcvt.s32.f32 v4  }
0x5ba: {  	v10 =	vld [tilespmem:s19+$0x0];
	s8 =	sadd.s32 s7, s8  }
0x5bb: {  	v9 =	vbroadcast v4, $0x0;
	v4 =	vld [tilespmem:s8+$0x0]  }
0x5bc: {  	v12 =	vld.idx.msk [tilespmem:v3+s22+$0x3 ss:$0x1], $0xffff  }
0x5bd: {  	v14 =	vld.idx.msk [tilespmem:v3+s22+$0x4 ss:$0x1], $0xffff;
	v11 =	vmul.f32 v26, v9;
	v7 =	vadd.f32 v7, v8  }
0x5be: {  	v15 =	vld.idx.msk [tilespmem:v3+s22+$0x6 ss:$0x1], $0xffff  }
0x5bf: {  	v18 =	vld.idx.msk [tilespmem:v3+s22+$0x7 ss:$0x1], $0xffff;
	v17 =	vadd.f32 v7, v11  }
0x5c0: {  	v8 =	vld.idx.msk [tilespmem:v3+s22+$0x5 ss:$0x1], $0xffff;
	v4 =	vadd.f32 v4, v10;
	v7 =	vmul.f32 v20, v9  }
0x5c1: {  	v10 =	vld [tilespmem:s18+$0x80];
	[tilespmem:s18+$0x0] =	vst v17  }
0x5c2: {  	v19 =	vadd.f32 v4, v7;
	v4 =	vld [tilespmem:s20+$0x80]  }
0x5c3: {  	v5 =	vcvt.s32.f32 v5  }
0x5c4: {  	v7 =	vld [tilespmem:s19+$0x80];
	[tilespmem:s19+$0x0] =	vst v19  }
0x5c5: {  	v11 =	vbroadcast v5, $0x0;
	v5 =	vld [tilespmem:s8+$0x80];
	_ =	sdelay $0x1  }
0x5c6: {  	v4 =	vadd.f32 v4, v10;
	v10 =	vmul.f32 v26, v11;
	_ =	sdelay $0x1  }
0x5c7: {  	v21 =	vadd.f32 v4, v10  }
0x5c8: {  	v4 =	vadd.f32 v5, v7;
	v5 =	vmul.f32 v20, v11  }
0x5c9: {  	v7 =	vld [tilespmem:s18+$0x100];
	[tilespmem:s18+$0x80] =	vst v21  }
0x5ca: {  	v33 =	vadd.f32 v4, v5;
	v10 =	vld [tilespmem:s20+$0x100]  }
0x5cb: {  	s14 =	simm.s32 $0x100;
	v4 =	vcvt.s32.f32 v6  }
0x5cc: {  	s15 =	simm.s32 $0x20;
	s6 =	sand.u32 $0x1C00, s14;
	s13 =	rddreg [dreg:$0x9];
	v5 =	vld [tilespmem:s19+$0x100];
	[tilespmem:s19+$0x80] =	vst v33  }
0x5cd: {  	s1 =	sadd.s32 s6, s13;
	s6 =	sadd.s32 s6, s26;
	s22 =	sand.u32 $0x60, s15;
	v13 =	vbroadcast v4, $0x0;
	v4 =	vld [tilespmem:s8+$0x100]  }
0x5ce: {  	v22 =	vld [tilespmem:s18+$0x180];
	s9 =	sadd.s32 s22, s6;
	s13 =	sor.u32 $0x10, s22  }
0x5cf: {  	s12 =	sand.u32 $0x380, s15;
	v24 =	vld [tilespmem:s9+$0x0];
	s15 =	sadd.s32 s13, s1;
	v6 =	vadd.f32 v10, v7;
	v7 =	vmul.f32 v26, v13  }
0x5d0: {  	v29 =	vld [tilespmem:s15+$0x0]  }
0x5d1: {  	s17 =	simm.s32 $0x18620;
	v10 =	vld [tilespmem:s19+$0x180];
	v23 =	vadd.f32 v6, v7  }
0x5d2: {  	s16 =	sadd.s32 s22, s1;
	v6 =	vld [tilespmem:s17+$0x0];
	v4 =	vadd.f32 v4, v5;
	v5 =	vmul.f32 v20, v13  }
0x5d3: {  	v7 =	vld [tilespmem:s16+$0x0];
	[tilespmem:s18+$0x100] =	vst v23  }
0x5d4: {  	s14 =	sor.u32 s13, s12;
	v27 =	vadd.f32 v4, v5;
	v25 =	vld [tilespmem:s20+$0x180]  }
0x5d5: {  	s12 =	sadd.s32 s13, s6;
	v4 =	vld [tilespmem:s14+$0x18600];
	v5 =	vcvt.s32.f32 v12  }
0x5d6: {  	v12 =	vld [tilespmem:s12+$0x0];
	[tilespmem:s19+$0x100] =	vst v27  }
0x5d7: {  	v16 =	vbroadcast v5, $0x0;
	v28 =	vld [tilespmem:s8+$0x180]  }
0x5d8: {  	v5 =	vmul.f32 v6, v9;
	v7 =	vadd.f32 v7, v24  }
0x5d9: {  	v30 =	vld [tilespmem:s19+$0x200];
	v24 =	vmul.f32 v26, v16;
	v22 =	vadd.f32 v25, v22  }
0x5da: {  	v43 =	vld [tilespmem:s19+$0x280];
	v25 =	vadd.f32 v7, v5  }
0x5db: {  	v8 =	vcvt.s32.f32 v8;
	v12 =	vadd.f32 v29, v12;
	v29 =	vld [tilespmem:s18+$0x200];
	v22 =	vadd.f32 v22, v24  }
0x5dc: {  	v5 =	vld [tilespmem:s9+$0x80];
	v7 =	vadd.f32 v28, v10;
	v10 =	vmul.f32 v20, v16;
	[tilespmem:s9+$0x0] =	vst v25;
	v24 =	vmul.f32 v4, v9  }
0x5dd: {  	v32 =	vcvt.s32.f32 v15;
	v18 =	vcvt.s32.f32 v18;
	v28 =	vld [tilespmem:s16+$0x80];
	[tilespmem:s18+$0x180] =	vst v22  }
0x5de: {  	v8 =	vbroadcast v8, $0x0;
	v10 =	vadd.f32 v7, v10;
	v12 =	vadd.f32 v12, v24;
	v24 =	vld [tilespmem:s20+$0x200]  }
0x5df: {  	v45 =	vld [tilespmem:s18+$0x300];
	v34 =	vmul.f32 v17, v17;
	v7 =	vcvt.s32.f32 v14  }
0x5e0: {  	v41 =	vimm.f32 $0.0e+00;
	s30 =	simm.s32 $0x200;
	v38 =	vld [tilespmem:s9+$0x100];
	v54 =	vmul.f32 v26, v8;
	v56 =	vmul.f32 v20, v8;
	[tilespmem:s19+$0x180] =	vst v10  }
0x5e1: {  	s29 =	rddreg [dreg:$0x9];
	s31 =	sand.u32 $0x1C00, s30;
	s6 =	simm.s32 $0x40;
	v37 =	vadd.f32 v17, v41;
	v49 =	vmul.f32 v23, v23;
	v14 =	vbroadcast v7, $0x0;
	[tilespmem:s12+$0x0] =	vst v12;
	v31 =	vld [tilespmem:s8+$0x200]  }
0x5e2: {  	s28 =	sadd.s32 s31, s29;
	s22 =	sand.u32 $0x60, s6;
	v23 =	vadd.f32 v23, v41;
	v7 =	vmul.f32 v6, v11;
	v36 =	vld [tilespmem:s15+$0x80];
	v5 =	vadd.f32 v28, v5  }
0x5e3: {  	s17 =	sadd.s32 s22, s28;
	s14 =	sadd.s32 s31, s26;
	v40 =	vmul.f32 v27, v27;
	v28 =	vld [tilespmem:s12+$0x80];
	v35 =	vmul.f32 v26, v14;
	v24 =	vadd.f32 v24, v29  }
0x5e4: {  	v60 =	vld [tilespmem:s17+$0x0];
	s13 =	sadd.s32 s22, s14;
	v15 =	vadd.f32 v5, v7;
	v5 =	vadd.f32 v34, v41;
	v29 =	vmul.f32 v19, v19  }
0x5e5: {  	v27 =	vadd.f32 v27, v23;
	v61 =	vld [tilespmem:s13+$0x0];
	v52 =	vmul.f32 v6, v13;
	v35 =	vadd.f32 v24, v35  }
0x5e6: {  	v17 =	vmul.f32 v20, v14;
	v24 =	vld [tilespmem:s18+$0x280];
	[tilespmem:s9+$0x80] =	vst v15;
	v29 =	vadd.f32 v29, v5;
	v5 =	vadd.f32 v31, v30  }
0x5e7: {  	v42 =	vmul.f32 v22, v22;
	v22 =	vadd.f32 v22, v41;
	v19 =	vadd.f32 v19, v37;
	v30 =	vld [tilespmem:s16+$0x100];
	[tilespmem:s18+$0x200] =	vst v35  }
0x5e8: {  	v31 =	vmul.f32 v4, v11;
	v28 =	vadd.f32 v36, v28;
	v39 =	vadd.f32 v5, v17;
	v50 =	vld [tilespmem:s20+$0x280]  }
0x5e9: {  	v46 =	vld [tilespmem:s9+$0x180];
	v58 =	vmul.f32 v4, v13;
	v34 =	vadd.f32 v49, v41;
	v37 =	vadd.f32 v10, v22  }
0x5ea: {  	v53 =	vld [tilespmem:s12+$0x100];
	v23 =	vmul.f32 v10, v10;
	v19 =	vadd.f32 v25, v19;
	v17 =	vadd.f32 v28, v31;
	[tilespmem:s19+$0x200] =	vst v39  }
0x5eb: {  	v36 =	vadd.f32 v60, v61;
	v5 =	vbroadcast v18, $0x0;
	v18 =	vadd.f32 v42, v41;
	v51 =	vld [tilespmem:s8+$0x280]  }
0x5ec: {  	v7 =	vbroadcast v32, $0x0;
	v32 =	vld [tilespmem:s19+$0x300];
	v44 =	vadd.f32 v35, v41;
	[tilespmem:s12+$0x80] =	vst v17;
	v30 =	vadd.f32 v30, v38  }
0x5ed: {  	s1 =	simm.s32 $0x18640;
	s22 =	sor.u32 $0x10, s22;
	v55 =	vmul.f32 v25, v25;
	v42 =	vadd.f32 v23, v18;
	v23 =	vadd.f32 v50, v24;
	v24 =	vld [tilespmem:s15+$0x100]  }
0x5ee: {  	s14 =	sadd.s32 s22, s14;
	v10 =	vld [tilespmem:s1+$0x0];
	v63 =	vmul.f32 v26, v7;
	v28 =	vadd.f32 v40, v34;
	v30 =	vadd.f32 v30, v52  }
0x5ef: {  	s28 =	sadd.s32 s22, s28;
	v49 =	vld [tilespmem:s14+$0x0];
	v60 =	vmul.f32 v20, v7;
	v40 =	vadd.f32 v39, v44;
	v22 =	vadd.f32 v23, v54  }
0x5f0: {  	v52 =	vld [tilespmem:s28+$0x0];
	v23 =	vadd.f32 v55, v29;
	v29 =	vmul.f32 v12, v12;
	[tilespmem:s9+$0x100] =	vst v30;
	v34 =	vadd.f32 v51, v43  }
0x5f1: {  	v18 =	vmul.f32 v6, v8;
	v27 =	vadd.f32 v30, v27;
	v55 =	vadd.f32 v21, v41;
	v57 =	vld [tilespmem:s16+$0x180];
	[tilespmem:s18+$0x280] =	vst v22  }
0x5f2: {  	v48 =	vmul.f32 v30, v30;
	v23 =	vadd.f32 v29, v23;
	v29 =	vld [tilespmem:s20+$0x300];
	v25 =	vadd.f32 v24, v53  }
0x5f3: {  	s29 =	sand.u32 $0x380, s6;
	v31 =	vld [tilespmem:s12+$0x180];
	v59 =	vmul.f32 v22, v22;
	v47 =	vadd.f32 v22, v41;
	v34 =	vadd.f32 v34, v56  }
0x5f4: {  	s29 =	sor.u32 s22, s29;
	v26 =	vmul.f32 v26, v5;
	v30 =	vadd.f32 v48, v28;
	v48 =	vld [tilespmem:s13+$0x80];
	v38 =	vadd.f32 v25, v58  }
0x5f5: {  	v56 =	vmul.f32 v6, v16;
	v24 =	vadd.f32 v12, v19;
	v12 =	vld [tilespmem:s29+$0x18600];
	v44 =	vadd.f32 v59, v41;
	[tilespmem:s19+$0x280] =	vst v34  }
0x5f6: {  	v62 =	vmul.f32 v34, v34;
	v25 =	vadd.f32 v34, v47;
	v54 =	vld [tilespmem:s8+$0x300];
	v43 =	vadd.f32 v57, v46;
	[tilespmem:s12+$0x100] =	vst v38  }
0x5f7: {  	v34 =	vadd.f32 v52, v49;
	v53 =	vmul.f32 v38, v38;
	v45 =	vadd.f32 v29, v45;
	v50 =	vld [tilespmem:s15+$0x180]  }
0x5f8: {  	v52 =	vld [tilespmem:s19+$0x380];
	v29 =	vadd.f32 v38, v27;
	v27 =	vmul.f32 v10, v9;
	v43 =	vadd.f32 v43, v56  }
0x5f9: {  	v20 =	vmul.f32 v20, v5;
	v28 =	vadd.f32 v62, v44;
	v44 =	vld [tilespmem:s18+$0x380];
	v45 =	vadd.f32 v45, v63  }
0x5fa: {  	v46 =	vld [tilespmem:s9+$0x200];
	v59 =	vmul.f32 v12, v9;
	v30 =	vadd.f32 v53, v30;
	v38 =	vadd.f32 v36, v27;
	[tilespmem:s9+$0x180] =	vst v43  }
0x5fb: {  	v22 =	vmul.f32 v39, v39;
	v27 =	vadd.f32 v33, v55;
	v32 =	vadd.f32 v54, v32;
	v63 =	vld [tilespmem:s16+$0x200];
	[tilespmem:s18+$0x300] =	vst v45  }
0x5fc: {  	v58 =	vmul.f32 v4, v16;
	v39 =	vadd.f32 v34, v59;
	[tilespmem:s13+$0x0] =	vst v38;
	v57 =	vld [tilespmem:s20+$0x380];
	v31 =	vadd.f32 v50, v31  }
0x5fd: {  	v21 =	vmul.f32 v21, v21;
	v37 =	vadd.f32 v43, v37;
	v47 =	vadd.f32 v32, v60;
	v61 =	vld [tilespmem:s17+$0x80]  }
0x5fe: {  	v49 =	vld [tilespmem:s12+$0x200];
	v62 =	vmul.f32 v45, v45;
	v51 =	vadd.f32 v31, v58;
	v31 =	vmul.f32 v43, v43  }
0x5ff: {  	v19 =	vmul.f32 v10, v8;
	v54 =	vld [tilespmem:s14+$0x80];
	v55 =	vadd.f32 v21, v41;
	v45 =	vadd.f32 v45, v41;
	[tilespmem:s19+$0x300] =	vst v47  }
0x600: {  	v60 =	vmul.f32 v10, v11;
	v34 =	vadd.f32 v62, v41;
	[tilespmem:s12+$0x180] =	vst v51;
	v31 =	vadd.f32 v31, v42;
	v42 =	vld [tilespmem:s8+$0x380]  }
0x601: {  	[tilespmem:s14+$0x0] =	vst v39;
	v32 =	vadd.f32 v47, v45;
	v58 =	vmul.f32 v47, v47;
	v36 =	vadd.f32 v57, v44;
	v57 =	vld [tilespmem:s15+$0x200]  }
0x602: {  	v43 =	vadd.f32 v63, v46;
	v63 =	vld [tilespmem:s28+$0x80];
	v56 =	vmul.f32 v51, v51;
	v59 =	vadd.f32 v61, v48  }
0x603: {  	v37 =	vadd.f32 v51, v37;
	v61 =	vmul.f32 v6, v14;
	v53 =	vadd.f32 v36, v26  }
0x604: {  	v33 =	vmul.f32 v33, v33;
	v45 =	vld [tilespmem:s14+$0x180];
	v26 =	vadd.f32 v58, v34;
	v34 =	vadd.f32 v59, v60  }
0x605: {  	v50 =	vmul.f32 v4, v14;
	v46 =	vld [tilespmem:s9+$0x280];
	v31 =	vadd.f32 v56, v31;
	v21 =	vadd.f32 v43, v61  }
0x606: {  	v44 =	vmul.f32 v38, v38;
	[tilespmem:s13+$0x80] =	vst v34;
	v42 =	vadd.f32 v42, v52;
	v49 =	vadd.f32 v57, v49;
	v57 =	vld [tilespmem:s13+$0x100]  }
0x607: {  	v51 =	vadd.f32 v63, v54;
	v62 =	vmul.f32 v53, v53;
	v47 =	vadd.f32 v21, v40;
	v52 =	vld [tilespmem:s17+$0x100]  }
0x608: {  	v36 =	vld [tilespmem:s12+$0x300];
	v58 =	vmul.f32 v35, v35;
	v60 =	vadd.f32 v53, v41;
	v61 =	vadd.f32 v42, v20  }
0x609: {  	[tilespmem:s9+$0x200] =	vst v21;
	v56 =	vadd.f32 v62, v41;
	v62 =	vmul.f32 v12, v11;
	v42 =	vld [tilespmem:s9+$0x300];
	v48 =	vadd.f32 v49, v50  }
0x60a: {  	v40 =	vadd.f32 v33, v55;
	[tilespmem:s18+$0x380] =	vst v53;
	v41 =	vadd.f32 v58, v41;
	v50 =	vld [tilespmem:s16+$0x280];
	v63 =	vmul.f32 v61, v61  }
0x60b: {  	v53 =	vmul.f32 v10, v13;
	v49 =	vld [tilespmem:s12+$0x280];
	v20 =	vadd.f32 v61, v60;
	v35 =	vadd.f32 v51, v62;
	[tilespmem:s12+$0x200] =	vst v48  }
0x60c: {  	s8 =	simm.s32 $0x4;
	s18 =	simm.s32 $0x300;
	[tilespmem:s19+$0x380] =	vst v61;
	v43 =	vmul.f32 v48, v48;
	v51 =	vld [tilespmem:s15+$0x280];
	v52 =	vadd.f32 v52, v57;
	v33 =	vadd.f32 v63, v56  }
.LBB2_6:
0x60d: {  	s19 =	sand.u32 $0x1C00, s18;
	v54 =	vld [tilespmem:s14+$0x100];
	[tilespmem:s14+$0x80] =	vst v35  }
0x60e: {  	s20 =	rddreg [dreg:$0x9];
	s6 =	sadd.s32 $0x20, s6;
	s1 =	sadd.s32 $0x20, s1;
	v24 =	vadd.f32 v38, v24;
	v41 =	vadd.f32 v22, v41;
	v58 =	vld [tilespmem:s28+$0x100]  }
0x60f: {  	s22 =	sadd.s32 s19, s26;
	v23 =	vadd.f32 v44, v23;
	v44 =	vld [tilespmem:s13+$0x180];
	s30 =	sand.u32 $0x60, s6;
	s31 =	sadd.s32 s19, s20;
	v46 =	vadd.f32 v50, v46  }
0x610: {  	v59 =	vmul.f32 v39, v39;
	v22 =	vmovc v43;
	v43 =	vadd.f32 v48, v47;
	v48 =	vld [tilespmem:s1+$0x0];
	s20 =	sadd.s32 s30, s22;
	s29 =	sadd.s32 s30, s31;
	s30 =	sor.u32 $0x10, s30;
	v50 =	vadd.f32 v52, v53  }
0x611: {  	v60 =	vmul.f32 v4, v8;
	s19 =	sadd.s32 s30, s22;
	v57 =	vld [tilespmem:s20+$0x0];
	v46 =	vadd.f32 v46, v18;
	v18 =	vmovc v19;
	v19 =	vadd.f32 v51, v49  }
0x612: {  	v27 =	vadd.f32 v15, v27;
	[tilespmem:s13+$0x100] =	vst v50;
	v53 =	vmul.f32 v50, v50;
	v29 =	vadd.f32 v50, v29;
	v50 =	vld [tilespmem:s19+$0x0]  }
0x613: {  	v63 =	vmul.f32 v12, v13;
	v38 =	vld [tilespmem:s17+$0x180];
	v62 =	vadd.f32 v58, v54;
	[tilespmem:s9+$0x280] =	vst v46;
	v19 =	vadd.f32 v19, v60  }
0x614: {  	s7 =	sand.u32 $0x380, s6;
	v24 =	vadd.f32 v39, v24;
	v61 =	vmul.f32 v46, v46;
	v25 =	vadd.f32 v46, v25;
	v46 =	vld [tilespmem:s16+$0x300]  }
0x615: {  	v23 =	vadd.f32 v59, v23;
	s7 =	sor.u32 s30, s7;
	v49 =	vld [tilespmem:s29+$0x0];
	v39 =	vadd.f32 v62, v63;
	[tilespmem:s12+$0x280] =	vst v19  }
0x616: {  	s31 =	sadd.s32 s30, s31;
	v59 =	vmul.f32 v6, v7;
	v27 =	vadd.f32 v17, v27;
	v52 =	vmul.f32 v6, v5;
	v6 =	vmovc v10;
	v54 =	vld [tilespmem:s7+$0x18600]  }
0x617: {  	v30 =	vadd.f32 v53, v30;
	v28 =	vadd.f32 v61, v28;
	v58 =	vmul.f32 v19, v19;
	v61 =	vld [tilespmem:s31+$0x0];
	[tilespmem:s14+$0x100] =	vst v39  }
0x618: {  	v56 =	vmul.f32 v6, v16;
	v25 =	vadd.f32 v19, v25;
	v29 =	vadd.f32 v39, v29;
	v62 =	vld [tilespmem:s28+$0x180]  }
0x619: {  	v55 =	vmul.f32 v39, v39;
	v28 =	vadd.f32 v58, v28;
	v63 =	vld [tilespmem:s15+$0x300];
	v42 =	vadd.f32 v46, v42  }
0x61a: {  	v60 =	vmul.f32 v48, v9;
	v44 =	vadd.f32 v38, v44;
	v49 =	vadd.f32 v49, v57  }
0x61b: {  	v47 =	vld [tilespmem:s13+$0x200];
	v30 =	vadd.f32 v55, v30;
	v42 =	vadd.f32 v42, v59  }
0x61c: {  	v51 =	vld [tilespmem:s9+$0x380];
	v19 =	vmul.f32 v48, v8;
	v44 =	vadd.f32 v44, v56;
	v38 =	vadd.f32 v49, v60  }
0x61d: {  	v55 =	vld [tilespmem:s20+$0x80];
	v56 =	vmul.f32 v15, v15;
	v59 =	vadd.f32 v61, v50;
	v61 =	vmul.f32 v12, v16;
	[tilespmem:s9+$0x300] =	vst v42  }
0x61e: {  	v45 =	vadd.f32 v62, v45;
	v36 =	vadd.f32 v63, v36;
	v62 =	vmul.f32 v4, v7;
	v50 =	vld [tilespmem:s16+$0x380];
	s16 =	smov.u32 s17;
	s17 =	smov.u32 s29;
	[tilespmem:s20+$0x0] =	vst v38  }
0x61f: {  	v60 =	vmul.f32 v54, v9;
	v37 =	vadd.f32 v44, v37;
	v32 =	vadd.f32 v42, v32;
	v63 =	vld [tilespmem:s17+$0x80];
	[tilespmem:s13+$0x180] =	vst v44  }
0x620: {  	v10 =	vmovc v48;
	v57 =	vmul.f32 v42, v42;
	v45 =	vadd.f32 v45, v61;
	v36 =	vadd.f32 v36, v62;
	v48 =	vld [tilespmem:s16+$0x200]  }
0x621: {  	v53 =	vld [tilespmem:s12+$0x380];
	v40 =	vadd.f32 v56, v40;
	v39 =	vadd.f32 v59, v60;
	v44 =	vmul.f32 v44, v44  }
0x622: {  	v42 =	vld [tilespmem:s14+$0x200];
	v26 =	vadd.f32 v57, v26;
	[tilespmem:s14+$0x180] =	vst v45;
	v32 =	vadd.f32 v36, v32;
	v46 =	vmul.f32 v36, v36  }
0x623: {  	v58 =	vmul.f32 v10, v11;
	v37 =	vadd.f32 v45, v37;
	v61 =	vadd.f32 v50, v51;
	v50 =	vld [tilespmem:s28+$0x200];
	[tilespmem:s12+$0x300] =	vst v36  }
0x624: {  	v60 =	vmul.f32 v45, v45;
	v31 =	vadd.f32 v44, v31;
	v26 =	vadd.f32 v46, v26;
	v57 =	vld [tilespmem:s15+$0x380]  }
0x625: {  	v62 =	vmul.f32 v6, v14;
	s15 =	smov.u32 s28;
	s28 =	smov.u32 s31;
	v63 =	vadd.f32 v63, v55;
	[tilespmem:s19+$0x0] =	vst v39;
	v55 =	vld [tilespmem:s19+$0x80];
	v59 =	vadd.f32 v48, v47  }
0x626: {  	v15 =	vmov v34;
	v31 =	vadd.f32 v60, v31;
	v52 =	vadd.f32 v61, v52;
	v61 =	vld [tilespmem:s28+$0x80]  }
0x627: {  	v49 =	vld [tilespmem:s14+$0x280];
	v34 =	vadd.f32 v63, v58;
	v51 =	vadd.f32 v59, v62;
	v62 =	vmul.f32 v4, v5;
	v4 =	vmovc v12  }
0x628: {  	v36 =	vld [tilespmem:s14+$0x300];
	v60 =	vmul.f32 v52, v52;
	[tilespmem:s9+$0x380] =	vst v52;
	s9 =	smov.u32 s13;
	s13 =	smov.u32 s20;
	v42 =	vadd.f32 v50, v42;
	v63 =	vmul.f32 v4, v14  }
0x629: {  	s8 =	sadd.s32 $0x2, s8;
	v44 =	vmul.f32 v38, v38;
	v20 =	vadd.f32 v52, v20;
	[tilespmem:s13+$0x80] =	vst v34;
	v56 =	vld [tilespmem:s13+$0x100];
	v53 =	vadd.f32 v57, v53  }
0x62a: {  	p0 =	slt.u32 s8, $0x2E;
	v12 =	vmovc v54;
	v59 =	vmul.f32 v17, v17;
	v33 =	vadd.f32 v60, v33;
	v57 =	vld [tilespmem:s17+$0x100];
	v48 =	vadd.f32 v42, v63  }
.Ltmp1:
0x62b: {  	v46 =	vld [tilespmem:s9+$0x280];
	[tilespmem:s9+$0x200] =	vst v51;
	v60 =	vadd.f32 v61, v55;
	v61 =	vmul.f32 v12, v11;
	v45 =	vadd.f32 v53, v62;
	(pc) =	sbr.rel @p0 .LBB2_6-.Ltmp1, $4  }
0x62c: {  	v47 =	vadd.f32 v51, v43;
	v40 =	vadd.f32 v59, v40;
	v50 =	vld [tilespmem:s16+$0x280];
	v62 =	vmul.f32 v21, v21  }
0x62d: {  	v17 =	vmovc v35;
	v42 =	vld [tilespmem:s9+$0x300];
	v21 =	vmov v51;
	[tilespmem:s14+$0x200] =	vst v48;
	v35 =	vadd.f32 v60, v61;
	v63 =	vmul.f32 v45, v45  }
0x62e: {  	v53 =	vmul.f32 v10, v13;
	v20 =	vadd.f32 v45, v20;
	v51 =	vld [tilespmem:s15+$0x280];
	v41 =	vadd.f32 v62, v41;
	[tilespmem:s12+$0x380] =	vst v45;
	s12 =	smov.u32 s14;
	s14 =	smov.u32 s19  }
0x62f: {  	s18 =	sadd.s32 $0x100, s18;
	v43 =	vmul.f32 v48, v48;
	v52 =	vadd.f32 v57, v56;
	v45 =	vld [tilespmem:s14+$0x180];
	v33 =	vadd.f32 v63, v33  }
0x630: {  	[tilespmem:s14+$0x80] =	vst v35;
	v9 =	vld [tilespmem:s14+$0x100]  }
0x631: {  	v11 =	vld [tilespmem:s28+$0x100];
	_ =	sdelay $0x4  }
0x632: {  	v9 =	vadd.f32 v11, v9;
	v11 =	vmul.f32 v12, v13;
	v13 =	vadd.f32 v52, v53;
	_ =	sdelay $0x1  }
0x633: {  	v58 =	vld [tilespmem:s13+$0x180];
	[tilespmem:s13+$0x100] =	vst v13  }
0x634: {  	v9 =	vadd.f32 v9, v11;
	v11 =	vld [tilespmem:s17+$0x180];
	_ =	sdelay $0x1  }
0x635: {  	[tilespmem:s14+$0x100] =	vst v9  }
0x636: {  	v59 =	vld [tilespmem:s28+$0x180];
	_ =	sdelay $0x1  }
0x637: {  	v60 =	vmul.f32 v10, v16;
	v11 =	vadd.f32 v11, v58;
	_ =	sdelay $0x1  }
0x638: {  	v46 =	vadd.f32 v50, v46;
	v11 =	vadd.f32 v11, v60  }
0x639: {  	v16 =	vmul.f32 v12, v16;
	v22 =	vadd.f32 v22, v41;
	v45 =	vadd.f32 v59, v45  }
0x63a: {  	v61 =	vld [tilespmem:s13+$0x200];
	v41 =	vadd.f32 v48, v47;
	v18 =	vadd.f32 v46, v18;
	[tilespmem:s13+$0x180] =	vst v11  }
0x63b: {  	v63 =	vmul.f32 v4, v8;
	v62 =	vadd.f32 v51, v49;
	v16 =	vadd.f32 v45, v16;
	v52 =	vld [tilespmem:s17+$0x200]  }
0x63c: {  	v23 =	vadd.f32 v44, v23;
	v24 =	vadd.f32 v38, v24;
	[tilespmem:s9+$0x280] =	vst v18  }
0x63d: {  	v54 =	vld [tilespmem:s14+$0x200];
	v55 =	vmul.f32 v18, v18;
	v18 =	vadd.f32 v18, v25;
	v25 =	vadd.f32 v62, v63;
	[tilespmem:s14+$0x180] =	vst v16  }
0x63e: {  	v27 =	vadd.f32 v15, v27;
	v15 =	vmul.f32 v15, v15;
	v24 =	vadd.f32 v39, v24;
	v56 =	vld [tilespmem:s28+$0x200]  }
0x63f: {  	v18 =	vadd.f32 v25, v18;
	v57 =	vmul.f32 v13, v13;
	v13 =	vadd.f32 v13, v29  }
0x640: {  	[tilespmem:s12+$0x280] =	vst v25;
	v58 =	vld [tilespmem:s16+$0x300];
	v59 =	vmul.f32 v25, v25;
	v25 =	vmul.f32 v10, v14;
	v29 =	vadd.f32 v52, v61  }
0x641: {  	v27 =	vadd.f32 v17, v27;
	v15 =	vadd.f32 v15, v40  }
0x642: {  	v17 =	vmul.f32 v17, v17;
	v62 =	vmul.f32 v9, v9;
	v25 =	vadd.f32 v29, v25  }
0x643: {  	v9 =	vadd.f32 v9, v13;
	v13 =	vld [tilespmem:s13+$0x280];
	v14 =	vmul.f32 v12, v14;
	v29 =	vadd.f32 v56, v54  }
0x644: {  	v15 =	vadd.f32 v17, v15;
	v17 =	vmul.f32 v34, v34;
	v30 =	vadd.f32 v57, v30;
	v61 =	vld [tilespmem:s15+$0x300];
	[tilespmem:s13+$0x200] =	vst v25  }
0x645: {  	v60 =	vmul.f32 v6, v7;
	v42 =	vadd.f32 v58, v42;
	v14 =	vadd.f32 v29, v14;
	v48 =	vld [tilespmem:s17+$0x280]  }
0x646: {  	v27 =	vadd.f32 v34, v27;
	v53 =	vmul.f32 v39, v39;
	v15 =	vadd.f32 v17, v15  }
0x647: {  	v51 =	vld [tilespmem:s14+$0x280];
	v17 =	vmul.f32 v35, v35;
	v29 =	vadd.f32 v62, v30;
	v30 =	vadd.f32 v42, v60;
	[tilespmem:s14+$0x200] =	vst v14  }
0x648: {  	v28 =	vadd.f32 v55, v28;
	v23 =	vadd.f32 v53, v23;
	v52 =	vld [tilespmem:s28+$0x280]  }
0x649: {  	v49 =	vld [tilespmem:s9+$0x380];
	v15 =	vadd.f32 v17, v15;
	v37 =	vadd.f32 v11, v37;
	v11 =	vmul.f32 v11, v11;
	[tilespmem:s9+$0x300] =	vst v30  }
0x64a: {  	v50 =	vmul.f32 v4, v7;
	v36 =	vadd.f32 v61, v36;
	v53 =	vld [tilespmem:s16+$0x380];
	v13 =	vadd.f32 v48, v13  }
0x64b: {  	(xrf2) =	vadd.scan.msk.f32 $0xffff, v24;
	v28 =	vadd.f32 v59, v28;
	v11 =	vadd.f32 v11, v31  }
0x64c: {  	v8 =	vmul.f32 v12, v8;
	v36 =	vadd.f32 v36, v50;
	v13 =	vadd.f32 v13, v19  }
0x64d: {  	(xrf2) =	vadd.scan.msk.f32 $0xffff, v23;
	v23 =	vld [tilespmem:s13+$0x300];
	v6 =	vmul.f32 v6, v5;
	v19 =	vadd.f32 v35, v27;
	v27 =	vadd.f32 v52, v51  }
0x64e: {  	v17 =	vmul.f32 v16, v16;
	v32 =	vadd.f32 v30, v32;
	v24 =	vmul.f32 v30, v30;
	v30 =	vld [tilespmem:s12+$0x380];
	[tilespmem:s12+$0x300] =	vst v36  }
0x64f: {  	v54 =	vld [tilespmem:s15+$0x380];
	v31 =	vadd.f32 v53, v49;
	[tilespmem:s13+$0x280] =	vst v13;
	(xrf2) =	vadd.scan.msk.f32 $0xffff, v19;
	v27 =	vadd.f32 v27, v8  }
0x650: {  	v16 =	vadd.f32 v16, v37;
	v19 =	vadd.f32 v24, v26;
	v24 =	vmul.f32 v36, v36;
	v26 =	vld [tilespmem:s17+$0x300];
	(xrf2) =	vadd.scan.msk.f32 $0xffff, v15  }
0x651: {  	v63 =	vld [tilespmem:s14+$0x300];
	v11 =	vadd.f32 v17, v11;
	v8 =	vadd.f32 v31, v6;
	v6 =	vmul.f32 v21, v21;
	[tilespmem:s14+$0x280] =	vst v27  }
0x652: {  	v31 =	vmul.f32 v10, v7;
	v17 =	vadd.f32 v24, v19;
	v24 =	vadd.f32 v25, v41;
	v21 =	vld [tilespmem:s28+$0x300]  }
0x653: {  	v7 =	vmul.f32 v12, v7;
	v15 =	vadd.f32 v36, v32;
	v6 =	vadd.f32 v6, v22  }
0x654: {  	v22 =	vadd.f32 v54, v30;
	v30 =	vmul.f32 v14, v14;
	v14 =	vadd.f32 v14, v24  }
0x655: {  	v24 =	vmul.f32 v13, v13;
	v13 =	vadd.f32 v13, v18;
	v18, _, _ =	vpop (xrf2);
	v23 =	vadd.f32 v26, v23  }
0x656: {  	v25 =	vmul.f32 v25, v25;
	v6 =	vadd.f32 v43, v6;
	(v2sf) =	vpush v18, $0xF  }
0x657: {  	(xrf2) =	vadd.scan.msk.f32 $0xffff, v9;
	v18, _, _ =	vpop (xrf2);
	v23 =	vadd.f32 v23, v31;
	v21 =	vadd.f32 v21, v63  }
0x658: {  	(xrf2) =	vadd.scan.msk.f32 $0xffff, v29;
	(v2sf) =	vpush v18, $0xF;
	v6 =	vadd.f32 v25, v6  }
0x659: {  	v4 =	vmul.f32 v4, v5;
	v26 =	vld [tilespmem:s13+$0x380];
	v9 =	vadd.f32 v24, v28;
	[tilespmem:s13+$0x300] =	vst v23;
	v18, _, _ =	vpop (xrf2);
	v21 =	vadd.f32 v21, v7  }
0x65a: {  	v6 =	vadd.f32 v30, v6;
	(xrf2) =	vadd.scan.msk.f32 $0xffff, v16;
	v16 =	vmul.f32 v27, v27;
	v24 =	vld [tilespmem:s17+$0x380];
	(v2sf) =	vpush v18, $0xF;
	v7, _, _ =	vpop (xrf2)  }
0x65b: {  	v18 =	vld [tilespmem:s14+$0x380];
	(xrf2) =	vadd.scan.msk.f32 $0xffff, v11;
	v11 =	vadd.f32 v23, v15;
	(v2sf) =	vpush v7, $0xF;
	[tilespmem:s14+$0x300] =	vst v21  }
0x65c: {  	v19 =	vmul.f32 v8, v8;
	v7 =	vadd.f32 v22, v4;
	v4 =	vadd.f32 v27, v13;
	(xrf2) =	vadd.scan.msk.f32 $0xffff, v14;
	v13 =	vld [tilespmem:s28+$0x380]  }
0x65d: {  	v9 =	vadd.f32 v16, v9;
	(xrf2) =	vadd.scan.msk.f32 $0xffff, v6;
	v11 =	vadd.f32 v21, v11  }
0x65e: {  	v15 =	vmul.f32 v23, v23;
	v6 =	vadd.f32 v19, v33;
	(xrf2) =	vadd.scan.msk.f32 $0xffff, v4;
	v4 =	vmul.f32 v7, v7  }
0x65f: {  	v14 =	vadd.f32 v8, v20;
	(xrf2) =	vadd.scan.msk.f32 $0xffff, v9;
	v9 =	vmul.f32 v10, v5;
	v10 =	vadd.f32 v24, v26  }
0x660: {  	v4 =	vadd.f32 v4, v6;
	v6 =	vadd.f32 v15, v17;
	v15 =	vmul.f32 v21, v21  }
0x661: {  	(xrf2) =	vadd.scan.msk.f32 $0xffff, v11;
	v11, _, _ =	vpop (xrf2);
	v9 =	vadd.f32 v10, v9;
	v10 =	vadd.f32 v13, v18  }
0x662: {  	v5 =	vmul.f32 v12, v5;
	v12, _, _ =	vpop (xrf2);
	v6 =	vadd.f32 v15, v6;
	(v2sf) =	vpush v11, $0xF  }
0x663: {  	v14 =	vadd.f32 v7, v14;
	(v2sf) =	vpush v12, $0xF  }
0x664: {  	v11, _, _ =	vpop (xrf2);
	v13 =	vmul.f32 v9, v9;
	v10 =	vadd.f32 v10, v5  }
0x665: {  	v5 =	vadd.f32 v9, v14;
	(xrf2) =	vadd.scan.msk.f32 $0xffff, v6;
	(v2sf) =	vpush v11, $0xF;
	v11, _, _ =	vpop (xrf2)  }
0x666: {  	s1 =	spop (v2sf);
	v6, _, _ =	vpop (xrf2);
	v4 =	vadd.f32 v13, v4;
	(v2sf) =	vpush v11, $0xF  }
0x667: {  	s6 =	spop (v2sf);
	v12 =	vmul.f32 v10, v10;
	v5 =	vadd.f32 v10, v5;
	(v2sf) =	vpush v6, $0xF  }
0x668: {  	s1 =	smul.f32 $1.302083370e-03, s1;
	v11, _, _ =	vpop (xrf2)  }
0x669: {  	s7 =	smul.f32 $1.302083370e-03, s6;
	v4 =	vadd.f32 v12, v4;
	(v2sf) =	vpush v11, $0xF;
	(xrf2) =	vadd.scan.msk.f32 $0xffff, v5  }
0x66a: {  	s8 =	smul.f32 s1, s1;
	v6, _, _ =	vpop (xrf2);
	s15 =	spop (v2sf)  }
0x66b: {  	(v2sf) =	vpush v6, $0xF;
	v6, _, _ =	vpop (xrf2);
	(xrf2) =	vadd.scan.msk.f32 $0xffff, v4;
	s6 =	smul.f32 $1.302083370e-03, s15;
	s16 =	spop (v2sf)  }
0x66c: {  	s7 =	ssub.f32 s7, s8;
	(v2sf) =	vpush v6, $0xF;
	s17 =	smul.f32 $1.302083370e-03, s16  }
0x66d: {  	s18 =	smul.f32 s6, s6  }
0x66e: {  	s7 =	sadd.f32 $9.999999740e-06, s7;
	v4, _, _ =	vpop (xrf2)  }
0x66f: {  	(v2sf) =	vpush v4, $0xF;
	v4, _, _ =	vpop (xrf2);
	s8 =	ssub.f32 s17, s18  }
0x670: {  	v5 =	vmov s7;
	(v2sf) =	vpush v4, $0xF  }
0x671: {  	v6 =	vshrl.u32 v5, $0x1;
	v5 =	vmul.f32 $5.000000000e-01, v5;
	s19 =	sadd.f32 $9.999999740e-06, s8;
	s20 =	spop (v2sf)  }
0x672: {  	v4 =	vsub.s32 $0x5F3759DF, v6;
	s22 =	spop (v2sf);
	s17 =	smul.f32 $1.302083370e-03, s20  }
0x673: {  	v6 =	vmul.f32 v4, v5;
	v12, _, _ =	vpop (xrf2);
	v11 =	vmov s19;
	s7 =	smul.f32 $1.302083370e-03, s22  }
0x674: {  	(v2sf) =	vpush v12, $0xF;
	v13 =	vshrl.u32 v11, $0x1;
	v11 =	vmul.f32 $5.000000000e-01, v11;
	s28 =	spop (v2sf);
	s18 =	smul.f32 s17, s17  }
0x675: {  	v6 =	vmul.f32 v4, v6;
	v12, _, _ =	vpop (xrf2);
	v13 =	vsub.s32 $0x5F3759DF, v13;
	s29 =	spop (v2sf);
	s15 =	smul.f32 $1.302083370e-03, s28  }
0x676: {  	(v2sf) =	vpush v12, $0xF;
	v14 =	vmul.f32 v13, v11;
	s19 =	spop (v2sf);
	s20 =	smul.f32 $1.302083370e-03, s29  }
0x677: {  	v6 =	vsub.f32 $1.500000000e+00, v6;
	s7 =	ssub.f32 s7, s18;
	s31 =	smul.f32 s15, s15  }
0x678: {  	s30 =	spop (v2sf);
	s16 =	smul.f32 $1.302083370e-03, s19;
	v12 =	vmul.f32 v13, v14  }
0x679: {  	v4 =	vmul.f32 v4, v6;
	s8 =	smul.f32 $1.302083370e-03, s30;
	s7 =	sadd.f32 $9.999999740e-06, s7  }
0x67a: {  	s22 =	spop (v2sf);
	s30 =	smul.f32 s16, s16;
	v6 =	vsub.f32 $1.500000000e+00, v12  }
0x67b: {  	s20 =	ssub.f32 s20, s31;
	s29 =	spop (v2sf);
	v12 =	vmul.f32 v4, v5  }
0x67c: {  	s18 =	smul.f32 $1.302083370e-03, s22;
	s8 =	ssub.f32 s8, s30;
	v6 =	vmul.f32 v13, v6  }
0x67d: {  	s22 =	smul.f32 $1.302083370e-03, s29;
	s20 =	sadd.f32 $9.999999740e-06, s20;
	v12 =	vmul.f32 v12, v4  }
0x67e: {  	s19 =	spop (v2sf);
	s30 =	smul.f32 s18, s18;
	v13 =	vmul.f32 v6, v11  }
0x67f: {  	s19 =	smul.f32 $1.302083370e-03, s19;
	v15 =	vmov s20;
	v12 =	vsub.f32 $1.500000000e+00, v12;
	s31 =	spop (v2sf)  }
0x680: {  	v14 =	vmov s7;
	s22 =	ssub.f32 s22, s30;
	v16 =	vshrl.u32 v15, $0x1;
	s29 =	smul.f32 $1.302083370e-03, s31;
	v13 =	vmul.f32 v13, v6  }
0x681: {  	s8 =	sadd.f32 $9.999999740e-06, s8;
	v15 =	vmul.f32 $5.000000000e-01, v15;
	s30 =	smul.f32 s19, s19;
	v16 =	vsub.s32 $0x5F3759DF, v16;
	v4 =	vmul.f32 v12, v4  }
0x682: {  	s22 =	sadd.f32 $9.999999740e-06, s22;
	v12 =	vsub.f32 $1.500000000e+00, v13;
	v13 =	vshrl.u32 v14, $0x1;
	v14 =	vmul.f32 $5.000000000e-01, v14  }
0x683: {  	v17 =	vmul.f32 v16, v15;
	s28 =	ssub.f32 s29, s30;
	v5 =	vmul.f32 v4, v5;
	s31 =	spop (v2sf);
	v13 =	vsub.s32 $0x5F3759DF, v13  }
0x684: {  	v18 =	vmov s8;
	s20 =	smul.f32 $1.302083370e-03, s31;
	v6 =	vmul.f32 v12, v6;
	v12 =	vmul.f32 v13, v14  }
0x685: {  	v19 =	vmov s22;
	v17 =	vmul.f32 v16, v17;
	s30 =	sadd.f32 $9.999999740e-06, s28;
	v5 =	vmul.f32 v5, v4;
	s29 =	spop (v2sf)  }
0x686: {  	v21 =	vshrl.u32 v19, $0x1;
	s7 =	smul.f32 $1.302083370e-03, s29;
	v11 =	vmul.f32 v6, v11;
	v12 =	vmul.f32 v13, v12  }
0x687: {  	v19 =	vmul.f32 $5.000000000e-01, v19;
	v21 =	vsub.s32 $0x5F3759DF, v21;
	s31 =	smul.f32 s20, s20;
	v20 =	vmov s30  }
0x688: {  	v5 =	vsub.f32 $1.500000000e+00, v5;
	v11 =	vmul.f32 v11, v6;
	v12 =	vsub.f32 $1.500000000e+00, v12  }
0x689: {  	v23 =	vmul.f32 v21, v19;
	v25 =	vshrl.u32 v20, $0x1;
	v20 =	vmul.f32 $5.000000000e-01, v20;
	s7 =	ssub.f32 s7, s31  }
0x68a: {  	v4 =	vmul.f32 v5, v4;
	v5 =	vsub.f32 $1.500000000e+00, v11;
	v11 =	vmul.f32 v13, v12  }
0x68b: {  	s7 =	sadd.f32 $9.999999740e-06, s7;
	v12 =	vsub.f32 $1.500000000e+00, v17;
	v13 =	vshrl.u32 v18, $0x1;
	v17 =	vmul.f32 $5.000000000e-01, v18  }
0x68c: {  	v23 =	vmul.f32 v21, v23;
	v13 =	vsub.s32 $0x5F3759DF, v13;
	v5 =	vmul.f32 v5, v6  }
0x68d: {  	v18 =	vmov s7;
	v12 =	vmul.f32 v16, v12;
	v16 =	vmul.f32 v13, v17  }
0x68e: {  	v6 =	vmul.f32 v11, v14;
	v24 =	vshrl.u32 v18, $0x1;
	v18 =	vmul.f32 $5.000000000e-01, v18  }
0x68f: {  	v24 =	vsub.s32 $0x5F3759DF, v24;
	v22 =	vmul.f32 v12, v15;
	v16 =	vmul.f32 v13, v16  }
0x690: {  	v25 =	vsub.s32 $0x5F3759DF, v25;
	v6 =	vmul.f32 v6, v11;
	v26 =	vmul.f32 v24, v18  }
0x691: {  	v27 =	vmul.f32 v25, v20;
	v22 =	vmul.f32 v22, v12;
	v16 =	vsub.f32 $1.500000000e+00, v16  }
0x692: {  	v23 =	vsub.f32 $1.500000000e+00, v23;
	v6 =	vsub.f32 $1.500000000e+00, v6;
	v26 =	vmul.f32 v24, v26  }
0x693: {  	v22 =	vsub.f32 $1.500000000e+00, v22;
	v13 =	vmul.f32 v13, v16;
	v16 =	vmul.f32 v25, v27  }
0x694: {  	v27 =	vmul.f32 v6, v11;
	v11 =	vmul.f32 v21, v23;
	v6 =	vsub.f32 $1.500000000e+00, v26  }
0x695: {  	v12 =	vmul.f32 v22, v12;
	v21 =	vmul.f32 v13, v17;
	v16 =	vsub.f32 $1.500000000e+00, v16  }
0x696: {  	v22 =	vmul.f32 v11, v19;
	v23 =	vmul.f32 v24, v6  }
0x697: {  	v21 =	vmul.f32 v21, v13;
	v16 =	vmul.f32 v25, v16  }
0x698: {  	[tilespmem:s12+$0x380] =	vst v7;
	v7 =	vmov s6;
	s8 =	simm.s32 $0x0;
	v22 =	vmul.f32 v22, v11;
	v24 =	vmul.f32 v23, v18  }
0x699: {  	[tilespmem:s9+$0x380] =	vst v8;
	s22 =	sand.u32 $0x1C00, s8;
	s29 =	sand.u32 $0x60, s8;
	v8 =	vmul.f32 v27, v14;
	v14 =	vsub.f32 $1.500000000e+00, v21;
	v21 =	vmul.f32 v16, v20  }
0x69a: {  	[tilespmem:s13+$0x380] =	vst v9;
	s6 =	sadd.s32 s22, s26;
	s30 =	sor.u32 $0x10, s29;
	v15 =	vmul.f32 v12, v15;
	v22 =	vsub.f32 $1.500000000e+00, v22;
	v24 =	vmul.f32 v24, v23  }
0x69b: {  	[tilespmem:s14+$0x380] =	vst v10;
	v6 =	vmov s1;
	s1 =	sadd.s32 s29, s6;
	s6 =	sadd.s32 s30, s6;
	v13 =	vmul.f32 v14, v13;
	v9 =	vmul.f32 v21, v16  }
0x69c: {  	v29 =	vld [tilespmem:s6+$0x80];
	v10 =	vmul.f32 v8, v27;
	v21 =	vmul.f32 v22, v11;
	v8 =	vsub.f32 $1.500000000e+00, v24  }
0x69d: {  	v26 =	vld [tilespmem:s1+$0x0];
	v14 =	vmul.f32 v15, v12;
	v15 =	vmul.f32 v13, v17;
	v17 =	vsub.f32 $1.500000000e+00, v9  }
0x69e: {  	v55 =	vld [tilespmem:s6+$0x100];
	v10 =	vsub.f32 $1.500000000e+00, v10;
	v19 =	vmul.f32 v21, v19;
	v22 =	vmul.f32 v8, v23  }
0x69f: {  	v11 =	vmov s17;
	v24 =	vld [tilespmem:s1+$0x100];
	v15 =	vmul.f32 v15, v13;
	v17 =	vmul.f32 v17, v16  }
0x6a0: {  	v28 =	vld [tilespmem:s1+$0x180];
	v16 =	vsub.f32 $1.500000000e+00, v14;
	v19 =	vmul.f32 v19, v21;
	v18 =	vmul.f32 v22, v18  }
0x6a1: {  	v30 =	vsub.f32 v29, v7;
	v14 =	vmul.f32 v10, v27;
	v27 =	vld [tilespmem:s1+$0x280];
	v20 =	vmul.f32 v17, v20  }
0x6a2: {  	v57 =	vld [tilespmem:s6+$0x180];
	v10 =	vsub.f32 $1.500000000e+00, v15;
	v15 =	vmul.f32 v16, v12;
	v12 =	vsub.f32 $1.500000000e+00, v19  }
0x6a3: {  	v25 =	vld [tilespmem:s1+$0x380];
	v61 =	vsub.f32 v55, v11;
	v19 =	vmul.f32 v18, v22;
	v20 =	vmul.f32 v20, v17  }
0x6a4: {  	s28 =	simm.s32 $0x18900;
	v23 =	vld [tilespmem:s1+$0x300];
	v24 =	vsub.f32 v24, v11;
	v16 =	vmov s15;
	v18 =	vmul.f32 v12, v21  }
0x6a5: {  	v8 =	vld [tilespmem:s28+$0x0];
	v12 =	vsub.f32 $1.500000000e+00, v19;
	v19 =	vmov s18;
	v21 =	vsub.f32 $1.500000000e+00, v20  }
0x6a6: {  	v31 =	vld [tilespmem:s6+$0x380];
	v24 =	vmul.f32 v24, v14;
	v27 =	vsub.f32 v27, v19;
	v20 =	vmov s20  }
0x6a7: {  	s14 =	simm.s32 $0x18C00;
	v12 =	vmul.f32 v12, v22;
	v21 =	vmul.f32 v21, v17;
	v17 =	vsub.f32 v26, v6;
	v26 =	vld [tilespmem:s6+$0x280]  }
0x6a8: {  	v9 =	vld [tilespmem:s14+$0x0];
	v22 =	vmov s19;
	v25 =	vsub.f32 v25, v20;
	v58 =	vmul.f32 v27, v18  }
0x6a9: {  	s31 =	sand.u32 $0x380, s8;
	v28 =	vsub.f32 v28, v16;
	v10 =	vmul.f32 v10, v13;
	v23 =	vsub.f32 v23, v22  }
0x6aa: {  	s7 =	sor.u32 s31, s30;
	v60 =	vld [tilespmem:s6+$0x300];
	v63 =	vsub.f32 v57, v16;
	v25 =	vmul.f32 v25, v12;
	v35 =	vmul.f32 v58, v8  }
0x6ab: {  	v13 =	vmov s16;
	v56 =	vmul.f32 v17, v4;
	v17 =	vld [tilespmem:s7+$0x18900];
	v23 =	vmul.f32 v23, v21  }
0x6ac: {  	v33 =	vld [tilespmem:s6+$0x200];
	v28 =	vmul.f32 v28, v15;
	v59 =	vmul.f32 v25, v8;
	v26 =	vsub.f32 v26, v19  }
0x6ad: {  	v29 =	vld [tilespmem:s1+$0x80];
	v27 =	vsub.f32 v31, v20;
	v62 =	vadd.f32 v35, v9;
	v23 =	vmul.f32 v23, v8  }
0x6ae: {  	v31 =	vld [tilespmem:s6+$0x0];
	v35 =	vmul.f32 v28, v8;
	v36 =	vadd.f32 v59, v9;
	v26 =	vmul.f32 v26, v18  }
0x6af: {  	s9 =	simm.s32 $0x0;
	v28 =	vmul.f32 v61, v14;
	v25 =	vmul.f32 v56, v8;
	[tilespmem:s1+$0x280] =	vst v62;
	v34 =	vadd.f32 v23, v9;
	v23 =	vld [tilespmem:s7+$0x18C00]  }
0x6b0: {  	s12 =	simm.s32 $0x100;
	s13 =	simm.s32 $0x18920;
	v32 =	vld [tilespmem:s1+$0x200];
	s14 =	simm.s32 $0x18C20;
	v37 =	vsub.f32 v60, v22;
	[tilespmem:s1+$0x380] =	vst v36;
	v36 =	vmul.f32 v63, v15;
	v26 =	vmul.f32 v26, v17  }
.LBB2_8:
0x6b1: {  	s7 =	sand.u32 $0x1C00, s12;
	s9 =	sadd.s32 $0x2, s9;
	v30 =	vmul.f32 v30, v5;
	v33 =	vsub.f32 v33, v13;
	v27 =	vmul.f32 v27, v12;
	s8 =	sadd.s32 $0x20, s8  }
0x6b2: {  	v35 =	vadd.f32 v35, v9;
	s15 =	sand.u32 $0x60, s8;
	v38 =	vld [tilespmem:s14+$0x0];
	s7 =	sadd.s32 s7, s26;
	p0 =	slt.u32 s9, $0x2E;
	v36 =	vmul.f32 v36, v17;
	v37 =	vmul.f32 v37, v21  }
0x6b3: {  	v31 =	vsub.f32 v31, v6;
	v39 =	vld [tilespmem:s13+$0x0];
	s17 =	sadd.s32 s15, s7;
	s16 =	sor.u32 $0x10, s15;
	s15 =	sand.u32 $0x380, s8;
	v30 =	vmul.f32 v30, v17;
	v33 =	vmul.f32 v33, v10  }
0x6b4: {  	v24 =	vmul.f32 v24, v8;
	v29 =	vsub.f32 v29, v7;
	v40 =	vld [tilespmem:s17+$0x300];
	s15 =	sor.u32 s15, s16;
	s16 =	sadd.s32 s16, s7;
	[tilespmem:s1+$0x300] =	vst v34;
	v34 =	vadd.f32 v36, v23  }
0x6b5: {  	v32 =	vsub.f32 v32, v13;
	v36 =	vld [tilespmem:s15+$0x18900];
	[tilespmem:s1+$0x180] =	vst v35;
	v30 =	vadd.f32 v30, v23;
	v35 =	vmul.f32 v37, v17  }
0x6b6: {  	v25 =	vadd.f32 v25, v9;
	v31 =	vmul.f32 v31, v4;
	v33 =	vmul.f32 v33, v17;
	v37 =	vld [tilespmem:s17+$0x100];
	[tilespmem:s6+$0x180] =	vst v34  }
0x6b7: {  	v29 =	vmul.f32 v29, v5;
	v32 =	vmul.f32 v32, v10;
	v34 =	vld [tilespmem:s17+$0x380];
	[tilespmem:s6+$0x80] =	vst v30;
	v30 =	vadd.f32 v35, v23  }
0x6b8: {  	v28 =	vmul.f32 v28, v17;
	v35 =	vld [tilespmem:s17+$0x0];
	[tilespmem:s1+$0x0] =	vst v25;
	v25 =	vmul.f32 v31, v17;
	v31 =	vadd.f32 v33, v23  }
0x6b9: {  	v26 =	vadd.f32 v26, v23;
	v24 =	vadd.f32 v24, v9;
	v41 =	vmul.f32 v27, v17;
	v33 =	vld [tilespmem:s17+$0x280];
	[tilespmem:s6+$0x300] =	vst v30  }
0x6ba: {  	v28 =	vadd.f32 v28, v23;
	v29 =	vmul.f32 v29, v8;
	v30 =	vmul.f32 v32, v8;
	v27 =	vld [tilespmem:s17+$0x180];
	[tilespmem:s6+$0x200] =	vst v31  }
0x6bb: {  	v8 =	vmovc v39;
	v17 =	vmov v36;
	v31 =	vsub.f32 v37, v11;
	v32 =	vld [tilespmem:s16+$0x80];
	[tilespmem:s1+$0x100] =	vst v24;
	v37 =	vadd.f32 v41, v23  }
0x6bc: {  	v29 =	vadd.f32 v29, v9;
	v34 =	vsub.f32 v34, v20;
	v36 =	vld [tilespmem:s16+$0x380];
	[tilespmem:s6+$0x100] =	vst v28  }
0x6bd: {  	v9 =	vadd.f32 v30, v9;
	v28 =	vsub.f32 v35, v6;
	v24 =	vmul.f32 v31, v14;
	v35 =	vld [tilespmem:s16+$0x280];
	[tilespmem:s6+$0x280] =	vst v26  }
0x6be: {  	v23 =	vadd.f32 v25, v23;
	v26 =	vsub.f32 v33, v19;
	v30 =	vmul.f32 v34, v12;
	v34 =	vld [tilespmem:s16+$0x100];
	[tilespmem:s1+$0x80] =	vst v29  }
0x6bf: {  	v25 =	vmul.f32 v28, v4;
	v28 =	vsub.f32 v27, v16;
	v27 =	vsub.f32 v40, v22;
	v39 =	vld [tilespmem:s16+$0x180];
	[tilespmem:s1+$0x200] =	vst v9;
	s1 =	smov.u32 s17  }
0x6c0: {  	v29 =	vmul.f32 v26, v18;
	v26 =	vmul.f32 v30, v8;
	v30 =	vsub.f32 v32, v7;
	v33 =	vld [tilespmem:s16+$0x200];
	[tilespmem:s6+$0x0] =	vst v23  }
0x6c1: {  	v25 =	vmul.f32 v25, v8;
	v23 =	vmul.f32 v27, v21;
	v40 =	vld [tilespmem:s16+$0x300];
	v27 =	vsub.f32 v36, v20;
	[tilespmem:s6+$0x380] =	vst v37;
	s6 =	smov.u32 s16  }
.Ltmp2:
0x6c2: {  	v9 =	vmovc v38;
	v32 =	vmul.f32 v29, v8;
	v26 =	vadd.f32 v26, v38;
	v31 =	vld [tilespmem:s6+$0x0];
	v35 =	vsub.f32 v35, v19;
	(pc) =	sbr.rel @p0 .LBB2_8-.Ltmp2, $4  }
0x6c3: {  	v28 =	vmul.f32 v28, v15;
	v36 =	vmul.f32 v23, v8;
	v23 =	vld [tilespmem:s15+$0x18C00];
	v37 =	vsub.f32 v34, v11  }
0x6c4: {  	v29 =	vld [tilespmem:s1+$0x80];
	v38 =	vadd.f32 v32, v9;
	[tilespmem:s1+$0x380] =	vst v26;
	v26 =	vsub.f32 v39, v16;
	v39 =	vmul.f32 v35, v18  }
0x6c5: {  	v35 =	vmul.f32 v28, v8;
	v32 =	vld [tilespmem:s1+$0x200];
	v34 =	vadd.f32 v36, v9;
	v28 =	vmul.f32 v37, v14  }
0x6c6: {  	s12 =	sadd.s32 $0x100, s12;
	s14 =	sadd.s32 $0x20, s14;
	s13 =	sadd.s32 $0x20, s13;
	[tilespmem:s1+$0x280] =	vst v38;
	v36 =	vmul.f32 v26, v15;
	v26 =	vmul.f32 v39, v17;
	v37 =	vsub.f32 v40, v22  }
0x6c7: {  	v14 =	vsub.f32 v33, v13  }
0x6c8: {  	v11 =	vmul.f32 v30, v5;
	v16 =	vadd.f32 v35, v9;
	v6 =	vsub.f32 v31, v6  }
0x6c9: {  	[tilespmem:s1+$0x300] =	vst v34;
	v51 =	vadd.f32 v25, v9;
	v52 =	vmul.f32 v24, v8;
	v55 =	vmul.f32 v28, v17  }
0x6ca: {  	v15 =	vmul.f32 v36, v17;
	v18 =	vmul.f32 v37, v21;
	v60 =	vadd.f32 v26, v23;
	[tilespmem:s1+$0x180] =	vst v16  }
0x6cb: {  	v11 =	vmul.f32 v11, v17;
	v14 =	vmul.f32 v14, v10;
	[tilespmem:s1+$0x0] =	vst v51;
	v57 =	vadd.f32 v52, v9  }
0x6cc: {  	v7 =	vsub.f32 v29, v7;
	v4 =	vmul.f32 v6, v4;
	v58 =	vadd.f32 v55, v23;
	[tilespmem:s6+$0x280] =	vst v60  }
0x6cd: {  	v15 =	vadd.f32 v15, v23;
	v50 =	vmul.f32 v18, v17;
	v53 =	vsub.f32 v32, v13;
	[tilespmem:s1+$0x100] =	vst v57  }
0x6ce: {  	v11 =	vadd.f32 v11, v23;
	v14 =	vmul.f32 v14, v17;
	v5 =	vmul.f32 v7, v5;
	[tilespmem:s6+$0x100] =	vst v58  }
0x6cf: {  	v4 =	vmul.f32 v4, v17;
	[tilespmem:s6+$0x180] =	vst v15;
	v54 =	vadd.f32 v50, v23;
	v56 =	vmul.f32 v53, v10  }
0x6d0: {  	v59 =	vmul.f32 v27, v12;
	s25 =	sadd.s32 $0x1, s25;
	[tilespmem:s6+$0x80] =	vst v11;
	v14 =	vadd.f32 v14, v23;
	v5 =	vmul.f32 v5, v8  }
0x6d1: {  	p0 =	sne.s32 s25, $0x4;
	v4 =	vadd.f32 v4, v23;
	[tilespmem:s6+$0x300] =	vst v54;
	v61 =	vmul.f32 v56, v8  }
.Ltmp3:
0x6d2: {  	v62 =	vmul.f32 v59, v17;
	[tilespmem:s6+$0x200] =	vst v14;
	v5 =	vadd.f32 v5, v9;
	(pc) =	sbr.rel @p0 .LBB2_5-.Ltmp3, $4  }
0x6d3: {  	[tilespmem:s6+$0x0] =	vst v4;
	v63 =	vadd.f32 v61, v9  }
0x6d4: {  	[tilespmem:s1+$0x80] =	vst v5;
	v5 =	vadd.f32 v62, v23  }
0x6d5: {  	[tilespmem:s1+$0x200] =	vst v63  }
0x6d6: {  	[tilespmem:s6+$0x380] =	vst v5  }
0x6d7: {  	s1 =	rddreg [dreg:$0xa]  }
0x6d8: {  	s1 =	sadd.s32 s1, s21  }
0x6d9: {  	s5 =	smul.u32 $0x180000, s5;
	s2 =	sadd.s32 $0x1, s2;
	s1 =	sshrl.u32 s1, $0x3  }
0x6da: {  	p0 =	sne.s32 s2, $0x8;
	s1 =	smul.u32 $0x1800, s1  }
.Ltmp4:
0x6db: {  	_ = 	snop;
	(pc) =	sbr.rel @p0 .LBB2_4-.Ltmp4, $4  }
0x6dc: {  	s3 =	smul.u32 $0x18000, s3;
	s1 =	sadd.s32 s5, s1  }
0x6dd: {  	s30 =	rddreg [dreg:$0x7];
	s1 =	sshrl.u32 s1, $0x3  }
0x6de: {  	s31 =	simm.s32 $0x0;
	s3 =	sshrl.u32 s3, $0x2;
	s1 =	sadd.s32 s30, s1  }
0x6df: {  	[hbm4b:s1+s31] =	stream.linear.scatter [tilespmem:s3], [sflag:$0x2], $0x6000, $0x38;
	[tilespmem:$0x19280] =	vst v63  }
0x6e0: {  	s5 =	simm.s32 $0x2  }
0x6e1: {  	_ =	swait.ge [sflag:s5], $0x6000  }
0x6e2: {  	s2 =	rddreg [dreg:$0x15]  }
0x6e3: {  	s1 =	rddreg [dreg:$0x14];
	s2 =	sadd.s32 $0x1, s2  }
0x6e4: {  	p0 =	sne.s32 s2, s1  }
.Ltmp5:
0x6e5: {  	_ = 	snop;
	(pc) =	sbr.rel @p0 .LBB2_1-.Ltmp5, $3  }
0x6e6: {  	_ =	sdelay $0x1  }
0x6e7: {  	[sflag:s5] =	ssyncset.done $0x0  }
0x6e8: {  	[sflag:s5] =	ssyncadd.s32 $0xFFFFA000  }
0x6e9: {  	_ =	sfence.sel $0x180000  }
0x6ea: {  	[bflag:$0x0] =	sbarrier.arrive $0xFFFF  }
0x6eb: {  	_ =	strace $0x90000047  }
0x6ec: {  	s0 =	stileid.u32;
	[bflag:$0x2] =	sbarrier.arrive $0xFFFF  }
0x6ed: {  	p0 =	sne.s32 s0, $0x0;
	s0 =	rddreg [dreg:$0x8]  }
0x6ee: {  	s0 =	sadd.s32 @!p0 $0x100000, s0  }
0x6ef: {  	[sflag:s0] =	ssyncadd.tile.s32 @!p0 $0x1;
	_ =	shalt  }
.Lfunc_end2:
_tile_overlayer_lowered:
.L_overlay_start_2:
0x6f0: {  	(tag) =	ssettag $0x2  }
0x6f1: {  	s0 =	rddreg [dreg:$0x0];
	s2 =	stileid.u32  }
0x6f2: {  	s1 =	rddreg [dreg:$0x1];
	p0 =	sne.s32 s2, $0x0  }
0x6f3: {  	s3 =	rddreg [dreg:$0x2];
	[bflag:$0x3] =	sbarrier.arrive $0xFFFF;
	s2 =	simm.s32 @!p0 $0x1C03  }
0x6f4: {  	[timem:s3], [sflag:s2] =	dma.local @!p0 [hbm:s0], s1  }
0x6f5: {  	s0 =	simm.s32 @!p0 $0x3  }
0x6f6: {  	_ =	swait.ge @!p0 [sflag:s0], s1  }
0x6f7: {  	s1 =	ssub.s32 @!p0 $0x0, s1;
	[sflag:s0] =	ssyncset.done @!p0 $0x0  }
0x6f8: {  	[sflag:s0] =	ssyncadd.s32 @!p0 s1  }
0x6f9: {  	[bflag:$0x3] =	sbarrier.arrive $0xFFFF  }
0x6fa: {  	_ =	shalt  }

</sc_bundles>
